<compile_context>
chip_gen: v7x
topology: tpu7x:2x2x1
jax: 0.10.2.dev20260603
libtpu: 0.0.44.dev20260713+nightly
codegen_flags: <defaults>
</compile_context>

<pallas_src>
import functools

import jax
import jax.numpy as jnp
from jax import lax
from jax.experimental import pallas as pl
from jax.experimental.pallas import tpu as pltpu
from jax.experimental.pallas import tpu_sc as plsc

N = 8192
D = 256
M = 8192
G = 3
OUTW = 2 * D + 4
TAILW = D + 4

NW = 32
GP_W = M // NW
CH = 32
NCH = GP_W // CH
IDX = CH * G
NGB = 3


def _tmpl_body(h_ref, o_ref):
    mean = jnp.sum(h_ref[...], axis=0, keepdims=True) * (1.0 / N)
    col4 = lax.broadcasted_iota(jnp.int32, (1, 4), 1)
    tail = jnp.where(col4 == 0, jnp.float32(G / 3.0), jnp.float32(0.0))
    row = jnp.concatenate([mean, tail], axis=1)
    o_ref[...] = jnp.broadcast_to(row, (CH, TAILW))


def _col_mean_tmpl(h):
    return pl.pallas_call(
        _tmpl_body,
        out_shape=jax.ShapeDtypeStruct((CH, TAILW), jnp.float32),
    )(h)


_mesh = plsc.VectorSubcoreMesh(core_axis_name="c", subcore_axis_name="s")


@functools.partial(
    pl.kernel,
    mesh=_mesh,
    out_type=jax.ShapeDtypeStruct((M, OUTW), jnp.float32),
    scratch_types=[
        pltpu.VMEM((GP_W * G,), jnp.int32),
        pltpu.VMEM((IDX, D), jnp.float32),
        pltpu.VMEM((IDX, D), jnp.float32),
        pltpu.VMEM((IDX, D), jnp.float32),
        pltpu.VMEM((CH, OUTW), jnp.float32),
        pltpu.VMEM((CH, OUTW), jnp.float32),
        pltpu.SemaphoreType.DMA,
        pltpu.SemaphoreType.DMA,
        pltpu.SemaphoreType.DMA,
        pltpu.SemaphoreType.DMA,
        pltpu.SemaphoreType.DMA,
    ],
)
def _sc_build(h_hbm, gflat_hbm, tmpl_hbm, out_hbm,
              idx_v, rows0, rows1, rows2, slab0, slab1,
              sg0, sg1, sg2, so0, so1):
    cid = lax.axis_index("c")
    sid = lax.axis_index("s")
    wid = sid * 2 + cid
    base_g = wid * GP_W

    rows = (rows0, rows1, rows2)
    slabs = (slab0, slab1)
    gsems = (sg0, sg1, sg2)
    osems = (so0, so1)

    pltpu.sync_copy(gflat_hbm.at[pl.ds(base_g * G, GP_W * G)], idx_v)

    def start_gather(k):
        b = k % NGB
        return pltpu.async_copy(
            h_hbm.at[idx_v.at[pl.ds(k * IDX, IDX)]], rows[b], gsems[b])

    ghandles = [None] * NGB
    for k in range(NGB - 1):
        ghandles[k] = start_gather(k)

    tail_handles = [
        pltpu.async_copy(tmpl_hbm, slabs[b].at[:, pl.ds(D, TAILW)], osems[b])
        for b in range(2)
    ]

    def pool(k):
        rows_v, slab_v = rows[k % NGB], slabs[k % 2]

        def body(g, carry):
            r = g * G
            for half in range(2):
                cs = [half * 8 + c for c in range(8)]
                a = [rows_v[r, pl.ds(c * 16, 16)] for c in cs]
                b2 = [rows_v[r + 1, pl.ds(c * 16, 16)] for c in cs]
                d2 = [rows_v[r + 2, pl.ds(c * 16, 16)] for c in cs]
                for i, c in enumerate(cs):
                    slab_v[g, pl.ds(c * 16, 16)] = (
                        (a[i] + b2[i] + d2[i]) * jnp.float32(1.0 / G))
            return carry

        lax.fori_loop(0, CH, body, 0)

    def start_out(k):
        g0 = base_g + k * CH
        return pltpu.async_copy(
            slabs[k % 2], out_hbm.at[pl.ds(g0, CH), :], osems[k % 2])

    ohandles = list(tail_handles)
    for k in range(NCH):
        if k + NGB - 1 < NCH:
            ghandles[(k + NGB - 1) % NGB] = start_gather(k + NGB - 1)
        ghandles[k % NGB].wait()
        if ohandles[k % 2] is not None:
            ohandles[k % 2].wait()
        pool(k)
        ohandles[k % 2] = start_out(k)
    for b in range(2):
        if ohandles[b] is not None:
            ohandles[b].wait()


def kernel(h, groups):
    gflat = groups.astype(jnp.int32).reshape(-1)
    tmpl = _col_mean_tmpl(h)
    return _sc_build(h, gflat, tmpl)

# --- scband reference (transcript-rebuilt; emitter-appended) ---
"""Pipeline reference for scband-group-feature-builder-90151363543244 (READ-ONLY COPY).

The authoritative reference and input builder live on the scoring server;
editing this copy changes nothing except your own understanding.
"""

import jax, jax.numpy as jnp
import numpy as np

N = 8192
D = 256
M = 8192
G = 3

def setup_inputs(seed: int = 0) -> dict:
    key = jax.random.key(seed)
    k1, k2 = jax.random.split(key)
    h = jax.random.normal(k1, (N, D), dtype=jnp.float32)
    groups = jax.random.randint(k2, (M, G), 0, N, dtype=jnp.int64)
    return {"h": h, "groups": groups}

def reference(h, groups):
    # h: (N, d) per-robot embeddings. groups: (M, G) int indices (fixed group size G).
    # h_glob defaults to mean of h (no h_glob passed).
    h_glob = h.mean(axis=0)  # (d,)
    # Gather per-group robot embeddings: (M, G, d)
    h_group = jnp.take(h, groups, axis=0)
    # pooling == 'mean'
    h_g = h_group.mean(axis=1)  # (M, d)
    m = groups.shape[0]
    g = groups.shape[1]
    # size_feat = group_size / 3.0 for every group
    size_feat = jnp.full((m, 1), g / 3.0, dtype=h.dtype)
    # attn_rr is None -> attention stats are zeros(3)
    attn_stats = jnp.zeros((m, 3), dtype=h.dtype)
    # no extra features -> extra_stats is zeros(0), omitted from concat
    h_glob_b = jnp.broadcast_to(h_glob[None, :], (m, h.shape[1]))
    X = jnp.concatenate([h_g, h_glob_b, size_feat, attn_stats], axis=1)  # (M, 2d+4)
    return X

if __name__ == "__main__":
    import jax
    _d = setup_inputs()
    print(jax.jit(kernel)(*tuple(_d.values())))

</pallas_src>

<mosaic_0001>
#map = affine_map<(d0, d1) -> (0, 0)>
#map1 = affine_map<(d0, d1) -> (0)>
module attributes {stable_mosaic.version = 14 : i64} {
  func.func @_sc_build(%arg0: i32, %arg1: i32, %arg2: memref<8192x256xf32, #tpu.memory_space<hbm>>, %arg3: memref<24576xi32, #tpu.memory_space<hbm>>, %arg4: memref<32x260xf32, #tpu.memory_space<hbm>>, %arg5: memref<8192x516xf32, #tpu.memory_space<hbm>>, %arg6: memref<768xi32, #tpu.memory_space<vmem>>, %arg7: memref<96x256xf32, #tpu.memory_space<vmem>>, %arg8: memref<96x256xf32, #tpu.memory_space<vmem>>, %arg9: memref<96x256xf32, #tpu.memory_space<vmem>>, %arg10: memref<32x516xf32, #tpu.memory_space<vmem>>, %arg11: memref<32x516xf32, #tpu.memory_space<vmem>>, %arg12: memref<!tpu.dma_semaphore, #tpu.memory_space<semaphore_mem>>, %arg13: memref<!tpu.dma_semaphore, #tpu.memory_space<semaphore_mem>>, %arg14: memref<!tpu.dma_semaphore, #tpu.memory_space<semaphore_mem>>, %arg15: memref<!tpu.dma_semaphore, #tpu.memory_space<semaphore_mem>>, %arg16: memref<!tpu.dma_semaphore, #tpu.memory_space<semaphore_mem>>) attributes {dimension_semantics = [#tpu.dimension_semantics<core_parallel>, #tpu.dimension_semantics<subcore_parallel>], iteration_bounds = array<i64: 2, 16>, scalar_prefetch = 0 : i64, scratch_operands = 11 : i64, tpu.core_type = #tpu.core_type<sc_vector_subcore>, window_params = [{transform_indices = #map}, {transform_indices = #map1}, {transform_indices = #map}, {transform_indices = #map}]} {
    %mul3A = arith.constant 2 : i32
    %mul3A_0 = arith.muli %arg1, %mul3A : i32
    %add3A = arith.addi %mul3A_0, %arg0 : i32
    %mul3A_1 = arith.constant 256 : i32
    %mul3A_2 = arith.muli %add3A, %mul3A_1 : i32
    %mul3A_3 = arith.constant 3 : i32
    %mul3A_4 = arith.muli %mul3A_2, %mul3A_3 : i32
    "tpu.region"() ({
      %run_scoped3A = tpu.sem_alloc : memref<!tpu.dma_semaphore, #tpu.memory_space<semaphore_mem>>
      %dma_start3A_234 = tpu.memref_slice %arg3[%mul3A_4] : memref<24576xi32, #tpu.memory_space<hbm>> -> memref<768xi32, #tpu.memory_space<hbm>>
      %dma_start3A_235 = tpu.memref_slice %arg3[%mul3A_4] : memref<24576xi32, #tpu.memory_space<hbm>> -> memref<768xi32, #tpu.memory_space<hbm>>
      tpu.enqueue_dma source(%dma_start3A_235 : memref<768xi32, #tpu.memory_space<hbm>>) target(%arg6 : memref<768xi32, #tpu.memory_space<vmem>>) target_semaphore(%run_scoped3A : memref<!tpu.dma_semaphore, #tpu.memory_space<semaphore_mem>>)
      %dma_wait3A_236 = tpu.memref_slice %arg3[%mul3A_4] : memref<24576xi32, #tpu.memory_space<hbm>> -> memref<768xi32, #tpu.memory_space<hbm>>
      %dma_wait3A_237 = tpu.memref_slice %arg3[%mul3A_4] : memref<24576xi32, #tpu.memory_space<hbm>> -> memref<768xi32, #tpu.memory_space<hbm>>
      tpu.wait_dma2 semaphore(%run_scoped3A : memref<!tpu.dma_semaphore, #tpu.memory_space<semaphore_mem>>) src(%dma_wait3A_237 : memref<768xi32, #tpu.memory_space<hbm>>) dst(%arg6 : memref<768xi32, #tpu.memory_space<vmem>>)
      tpu.yield
    }) : () -> ()
    %dma_start3A = arith.constant 0 : i32
    %dma_start3A_5 = tpu.memref_slice %arg6[%dma_start3A] : memref<768xi32, #tpu.memory_space<vmem>> -> memref<96xi32, #tpu.memory_space<vmem>>
    %dma_start3A_6 = arith.constant 0 : i32
    %dma_start3A_7 = arith.constant 0 : i32
    %dma_start3A_8 = tpu.memref_slice %arg2[%dma_start3A_6, %dma_start3A_7] : memref<8192x256xf32, #tpu.memory_space<hbm>> -> memref<8192x256xf32, #tpu.memory_space<hbm>>
    tpu.enqueue_indirect_dma source(%dma_start3A_8 : memref<8192x256xf32, #tpu.memory_space<hbm>>) target(%arg7 : memref<96x256xf32, #tpu.memory_space<vmem>>) offsets(%dma_start3A_5 : memref<96xi32, #tpu.memory_space<vmem>>) semaphore(%arg12 : memref<!tpu.dma_semaphore, #tpu.memory_space<semaphore_mem>>)
    %dma_start3A_9 = arith.constant 96 : i32
    %dma_start3A_10 = tpu.memref_slice %arg6[%dma_start3A_9] : memref<768xi32, #tpu.memory_space<vmem>> -> memref<96xi32, #tpu.memory_space<vmem>>
    %dma_start3A_11 = arith.constant 0 : i32
    %dma_start3A_12 = arith.constant 0 : i32
    %dma_start3A_13 = tpu.memref_slice %arg2[%dma_start3A_11, %dma_start3A_12] : memref<8192x256xf32, #tpu.memory_space<hbm>> -> memref<8192x256xf32, #tpu.memory_space<hbm>>
    tpu.enqueue_indirect_dma source(%dma_start3A_13 : memref<8192x256xf32, #tpu.memory_space<hbm>>) target(%arg8 : memref<96x256xf32, #tpu.memory_space<vmem>>) offsets(%dma_start3A_10 : memref<96xi32, #tpu.memory_space<vmem>>) semaphore(%arg13 : memref<!tpu.dma_semaphore, #tpu.memory_space<semaphore_mem>>)
    %dma_start3A_14 = arith.constant 0 : i32
    %dma_start3A_15 = arith.constant 256 : i32
    %dma_start3A_16 = tpu.memref_slice %arg10[%dma_start3A_14, %dma_start3A_15] : memref<32x516xf32, #tpu.memory_space<vmem>> -> memref<32x260xf32, #tpu.memory_space<vmem>>
    %dma_start3A_17 = arith.constant 0 : i32
    %dma_start3A_18 = arith.constant 256 : i32
    %dma_start3A_19 = tpu.memref_slice %arg10[%dma_start3A_17, %dma_start3A_18] : memref<32x516xf32, #tpu.memory_space<vmem>> -> memref<32x260xf32, #tpu.memory_space<vmem>>
    tpu.enqueue_dma source(%arg4 : memref<32x260xf32, #tpu.memory_space<hbm>>) target(%dma_start3A_19 : memref<32x260xf32, #tpu.memory_space<vmem>>) target_semaphore(%arg15 : memref<!tpu.dma_semaphore, #tpu.memory_space<semaphore_mem>>)
    %dma_start3A_20 = arith.constant 0 : i32
    %dma_start3A_21 = arith.constant 256 : i32
    %dma_start3A_22 = tpu.memref_slice %arg11[%dma_start3A_20, %dma_start3A_21] : memref<32x516xf32, #tpu.memory_space<vmem>> -> memref<32x260xf32, #tpu.memory_space<vmem>>
    %dma_start3A_23 = arith.constant 0 : i32
    %dma_start3A_24 = arith.constant 256 : i32
    %dma_start3A_25 = tpu.memref_slice %arg11[%dma_start3A_23, %dma_start3A_24] : memref<32x516xf32, #tpu.memory_space<vmem>> -> memref<32x260xf32, #tpu.memory_space<vmem>>
    tpu.enqueue_dma source(%arg4 : memref<32x260xf32, #tpu.memory_space<hbm>>) target(%dma_start3A_25 : memref<32x260xf32, #tpu.memory_space<vmem>>) target_semaphore(%arg16 : memref<!tpu.dma_semaphore, #tpu.memory_space<semaphore_mem>>)
    %dma_start3A_26 = arith.constant 192 : i32
    %dma_start3A_27 = tpu.memref_slice %arg6[%dma_start3A_26] : memref<768xi32, #tpu.memory_space<vmem>> -> memref<96xi32, #tpu.memory_space<vmem>>
    %dma_start3A_28 = arith.constant 0 : i32
    %dma_start3A_29 = arith.constant 0 : i32
    %dma_start3A_30 = tpu.memref_slice %arg2[%dma_start3A_28, %dma_start3A_29] : memref<8192x256xf32, #tpu.memory_space<hbm>> -> memref<8192x256xf32, #tpu.memory_space<hbm>>
    tpu.enqueue_indirect_dma source(%dma_start3A_30 : memref<8192x256xf32, #tpu.memory_space<hbm>>) target(%arg9 : memref<96x256xf32, #tpu.memory_space<vmem>>) offsets(%dma_start3A_27 : memref<96xi32, #tpu.memory_space<vmem>>) semaphore(%arg14 : memref<!tpu.dma_semaphore, #tpu.memory_space<semaphore_mem>>)
    %dma_wait3A = arith.constant 0 : i32
    %dma_wait3A_31 = tpu.memref_slice %arg6[%dma_wait3A] : memref<768xi32, #tpu.memory_space<vmem>> -> memref<96xi32, #tpu.memory_space<vmem>>
    %dma_wait3A_32 = arith.constant 0 : i32
    %dma_wait3A_33 = arith.constant 0 : i32
    %dma_wait3A_34 = tpu.memref_slice %arg2[%dma_wait3A_32, %dma_wait3A_33] : memref<8192x256xf32, #tpu.memory_space<hbm>> -> memref<8192x256xf32, #tpu.memory_space<hbm>>
    tpu.wait_indirect_dma semaphore(%arg12 : memref<!tpu.dma_semaphore, #tpu.memory_space<semaphore_mem>>) src(%dma_wait3A_34 : memref<8192x256xf32, #tpu.memory_space<hbm>>) dst(%arg7 : memref<96x256xf32, #tpu.memory_space<vmem>>)
    %dma_wait3A_35 = arith.constant 0 : i32
    %dma_wait3A_36 = arith.constant 256 : i32
    %dma_wait3A_37 = tpu.memref_slice %arg10[%dma_wait3A_35, %dma_wait3A_36] : memref<32x516xf32, #tpu.memory_space<vmem>> -> memref<32x260xf32, #tpu.memory_space<vmem>>
    %dma_wait3A_38 = arith.constant 0 : i32
    %dma_wait3A_39 = arith.constant 256 : i32
    %dma_wait3A_40 = tpu.memref_slice %arg10[%dma_wait3A_38, %dma_wait3A_39] : memref<32x516xf32, #tpu.memory_space<vmem>> -> memref<32x260xf32, #tpu.memory_space<vmem>>
    tpu.wait_dma2 semaphore(%arg15 : memref<!tpu.dma_semaphore, #tpu.memory_space<semaphore_mem>>) src(%arg4 : memref<32x260xf32, #tpu.memory_space<hbm>>) dst(%dma_wait3A_40 : memref<32x260xf32, #tpu.memory_space<vmem>>)
    %scan3A = arith.constant 0 : i32
    %scan3A_41 = arith.constant 0 : i32
    %scan3A_42 = arith.constant 32 : i32
    %scan3A_43 = arith.addi %scan3A_41, %scan3A_42 : i32
    %scan3A_44 = arith.constant 1 : i32
    scf.for %scan3A_234 = %scan3A_41 to %scan3A_43 step %scan3A_44  : i32 {
      %mul3A_235 = arith.constant 3 : i32
      %mul3A_236 = arith.muli %scan3A_234, %mul3A_235 : i32
      %get3A = arith.index_cast %mul3A_236 : i32 to index
      %get3A_237 = arith.constant 0 : index
      %get3A_238 = tpu.vector_load %arg7[%get3A, %get3A_237] {strides = array<i32>} : memref<96x256xf32, #tpu.memory_space<vmem>>, vector<1x16xf32>,
      %get3A_239 = vector.shape_cast %get3A_238 : vector<1x16xf32> to vector<16xf32>
      %get3A_240 = arith.index_cast %mul3A_236 : i32 to index
      %get3A_241 = arith.constant 16 : index
      %get3A_242 = tpu.vector_load %arg7[%get3A_240, %get3A_241] {strides = array<i32>} : memref<96x256xf32, #tpu.memory_space<vmem>>, vector<1x16xf32>,
      %get3A_243 = vector.shape_cast %get3A_242 : vector<1x16xf32> to vector<16xf32>
      %get3A_244 = arith.index_cast %mul3A_236 : i32 to index
      %get3A_245 = arith.constant 32 : index
      %get3A_246 = tpu.vector_load %arg7[%get3A_244, %get3A_245] {strides = array<i32>} : memref<96x256xf32, #tpu.memory_space<vmem>>, vector<1x16xf32>,
      %get3A_247 = vector.shape_cast %get3A_246 : vector<1x16xf32> to vector<16xf32>
      %get3A_248 = arith.index_cast %mul3A_236 : i32 to index
      %get3A_249 = arith.constant 48 : index
      %get3A_250 = tpu.vector_load %arg7[%get3A_248, %get3A_249] {strides = array<i32>} : memref<96x256xf32, #tpu.memory_space<vmem>>, vector<1x16xf32>,
      %get3A_251 = vector.shape_cast %get3A_250 : vector<1x16xf32> to vector<16xf32>
      %get3A_252 = arith.index_cast %mul3A_236 : i32 to index
      %get3A_253 = arith.constant 64 : index
      %get3A_254 = tpu.vector_load %arg7[%get3A_252, %get3A_253] {strides = array<i32>} : memref<96x256xf32, #tpu.memory_space<vmem>>, vector<1x16xf32>,
      %get3A_255 = vector.shape_cast %get3A_254 : vector<1x16xf32> to vector<16xf32>
      %get3A_256 = arith.index_cast %mul3A_236 : i32 to index
      %get3A_257 = arith.constant 80 : index
      %get3A_258 = tpu.vector_load %arg7[%get3A_256, %get3A_257] {strides = array<i32>} : memref<96x256xf32, #tpu.memory_space<vmem>>, vector<1x16xf32>,
      %get3A_259 = vector.shape_cast %get3A_258 : vector<1x16xf32> to vector<16xf32>
      %get3A_260 = arith.index_cast %mul3A_236 : i32 to index
      %get3A_261 = arith.constant 96 : index
      %get3A_262 = tpu.vector_load %arg7[%get3A_260, %get3A_261] {strides = array<i32>} : memref<96x256xf32, #tpu.memory_space<vmem>>, vector<1x16xf32>,
      %get3A_263 = vector.shape_cast %get3A_262 : vector<1x16xf32> to vector<16xf32>
      %get3A_264 = arith.index_cast %mul3A_236 : i32 to index
      %get3A_265 = arith.constant 112 : index
      %get3A_266 = tpu.vector_load %arg7[%get3A_264, %get3A_265] {strides = array<i32>} : memref<96x256xf32, #tpu.memory_space<vmem>>, vector<1x16xf32>,
      %get3A_267 = vector.shape_cast %get3A_266 : vector<1x16xf32> to vector<16xf32>
      %add3A_268 = arith.constant 1 : i32
      %add3A_269 = arith.addi %mul3A_236, %add3A_268 : i32
      %get3A_270 = arith.index_cast %add3A_269 : i32 to index
      %get3A_271 = arith.constant 0 : index
      %get3A_272 = tpu.vector_load %arg7[%get3A_270, %get3A_271] {strides = array<i32>} : memref<96x256xf32, #tpu.memory_space<vmem>>, vector<1x16xf32>,
      %get3A_273 = vector.shape_cast %get3A_272 : vector<1x16xf32> to vector<16xf32>
      %add3A_274 = arith.constant 1 : i32
      %add3A_275 = arith.addi %mul3A_236, %add3A_274 : i32
      %get3A_276 = arith.index_cast %add3A_275 : i32 to index
      %get3A_277 = arith.constant 16 : index
      %get3A_278 = tpu.vector_load %arg7[%get3A_276, %get3A_277] {strides = array<i32>} : memref<96x256xf32, #tpu.memory_space<vmem>>, vector<1x16xf32>,
      %get3A_279 = vector.shape_cast %get3A_278 : vector<1x16xf32> to vector<16xf32>
      %add3A_280 = arith.constant 1 : i32
      %add3A_281 = arith.addi %mul3A_236, %add3A_280 : i32
      %get3A_282 = arith.index_cast %add3A_281 : i32 to index
      %get3A_283 = arith.constant 32 : index
      %get3A_284 = tpu.vector_load %arg7[%get3A_282, %get3A_283] {strides = array<i32>} : memref<96x256xf32, #tpu.memory_space<vmem>>, vector<1x16xf32>,
      %get3A_285 = vector.shape_cast %get3A_284 : vector<1x16xf32> to vector<16xf32>
      %add3A_286 = arith.constant 1 : i32
      %add3A_287 = arith.addi %mul3A_236, %add3A_286 : i32
      %get3A_288 = arith.index_cast %add3A_287 : i32 to index
      %get3A_289 = arith.constant 48 : index
      %get3A_290 = tpu.vector_load %arg7[%get3A_288, %get3A_289] {strides = array<i32>} : memref<96x256xf32, #tpu.memory_space<vmem>>, vector<1x16xf32>,
      %get3A_291 = vector.shape_cast %get3A_290 : vector<1x16xf32> to vector<16xf32>
      %add3A_292 = arith.constant 1 : i32
      %add3A_293 = arith.addi %mul3A_236, %add3A_292 : i32
      %get3A_294 = arith.index_cast %add3A_293 : i32 to index
      %get3A_295 = arith.constant 64 : index
      %get3A_296 = tpu.vector_load %arg7[%get3A_294, %get3A_295] {strides = array<i32>} : memref<96x256xf32, #tpu.memory_space<vmem>>, vector<1x16xf32>,
      %get3A_297 = vector.shape_cast %get3A_296 : vector<1x16xf32> to vector<16xf32>
      %add3A_298 = arith.constant 1 : i32
      %add3A_299 = arith.addi %mul3A_236, %add3A_298 : i32
      %get3A_300 = arith.index_cast %add3A_299 : i32 to index
      %get3A_301 = arith.constant 80 : index
      %get3A_302 = tpu.vector_load %arg7[%get3A_300, %get3A_301] {strides = array<i32>} : memref<96x256xf32, #tpu.memory_space<vmem>>, vector<1x16xf32>,
      %get3A_303 = vector.shape_cast %get3A_302 : vector<1x16xf32> to vector<16xf32>
      %add3A_304 = arith.constant 1 : i32
      %add3A_305 = arith.addi %mul3A_236, %add3A_304 : i32
      %get3A_306 = arith.index_cast %add3A_305 : i32 to index
      %get3A_307 = arith.constant 96 : index
      %get3A_308 = tpu.vector_load %arg7[%get3A_306, %get3A_307] {strides = array<i32>} : memref<96x256xf32, #tpu.memory_space<vmem>>, vector<1x16xf32>,
      %get3A_309 = vector.shape_cast %get3A_308 : vector<1x16xf32> to vector<16xf32>
      %add3A_310 = arith.constant 1 : i32
      %add3A_311 = arith.addi %mul3A_236, %add3A_310 : i32
      %get3A_312 = arith.index_cast %add3A_311 : i32 to index
      %get3A_313 = arith.constant 112 : index
      %get3A_314 = tpu.vector_load %arg7[%get3A_312, %get3A_313] {strides = array<i32>} : memref<96x256xf32, #tpu.memory_space<vmem>>, vector<1x16xf32>,
      %get3A_315 = vector.shape_cast %get3A_314 : vector<1x16xf32> to vector<16xf32>
      %add3A_316 = arith.constant 2 : i32
      %add3A_317 = arith.addi %mul3A_236, %add3A_316 : i32
      %get3A_318 = arith.index_cast %add3A_317 : i32 to index
      %get3A_319 = arith.constant 0 : index
      %get3A_320 = tpu.vector_load %arg7[%get3A_318, %get3A_319] {strides = array<i32>} : memref<96x256xf32, #tpu.memory_space<vmem>>, vector<1x16xf32>,
      %get3A_321 = vector.shape_cast %get3A_320 : vector<1x16xf32> to vector<16xf32>
      %add3A_322 = arith.constant 2 : i32
      %add3A_323 = arith.addi %mul3A_236, %add3A_322 : i32
      %get3A_324 = arith.index_cast %add3A_323 : i32 to index
      %get3A_325 = arith.constant 16 : index
      %get3A_326 = tpu.vector_load %arg7[%get3A_324, %get3A_325] {strides = array<i32>} : memref<96x256xf32, #tpu.memory_space<vmem>>, vector<1x16xf32>,
      %get3A_327 = vector.shape_cast %get3A_326 : vector<1x16xf32> to vector<16xf32>
      %add3A_328 = arith.constant 2 : i32
      %add3A_329 = arith.addi %mul3A_236, %add3A_328 : i32
      %get3A_330 = arith.index_cast %add3A_329 : i32 to index
      %get3A_331 = arith.constant 32 : index
      %get3A_332 = tpu.vector_load %arg7[%get3A_330, %get3A_331] {strides = array<i32>} : memref<96x256xf32, #tpu.memory_space<vmem>>, vector<1x16xf32>,
      %get3A_333 = vector.shape_cast %get3A_332 : vector<1x16xf32> to vector<16xf32>
      %add3A_334 = arith.constant 2 : i32
      %add3A_335 = arith.addi %mul3A_236, %add3A_334 : i32
      %get3A_336 = arith.index_cast %add3A_335 : i32 to index
      %get3A_337 = arith.constant 48 : index
      %get3A_338 = tpu.vector_load %arg7[%get3A_336, %get3A_337] {strides = array<i32>} : memref<96x256xf32, #tpu.memory_space<vmem>>, vector<1x16xf32>,
      %get3A_339 = vector.shape_cast %get3A_338 : vector<1x16xf32> to vector<16xf32>
      %add3A_340 = arith.constant 2 : i32
      %add3A_341 = arith.addi %mul3A_236, %add3A_340 : i32
      %get3A_342 = arith.index_cast %add3A_341 : i32 to index
      %get3A_343 = arith.constant 64 : index
      %get3A_344 = tpu.vector_load %arg7[%get3A_342, %get3A_343] {strides = array<i32>} : memref<96x256xf32, #tpu.memory_space<vmem>>, vector<1x16xf32>,
      %get3A_345 = vector.shape_cast %get3A_344 : vector<1x16xf32> to vector<16xf32>
      %add3A_346 = arith.constant 2 : i32
      %add3A_347 = arith.addi %mul3A_236, %add3A_346 : i32
      %get3A_348 = arith.index_cast %add3A_347 : i32 to index
      %get3A_349 = arith.constant 80 : index
      %get3A_350 = tpu.vector_load %arg7[%get3A_348, %get3A_349] {strides = array<i32>} : memref<96x256xf32, #tpu.memory_space<vmem>>, vector<1x16xf32>,
      %get3A_351 = vector.shape_cast %get3A_350 : vector<1x16xf32> to vector<16xf32>
      %add3A_352 = arith.constant 2 : i32
      %add3A_353 = arith.addi %mul3A_236, %add3A_352 : i32
      %get3A_354 = arith.index_cast %add3A_353 : i32 to index
      %get3A_355 = arith.constant 96 : index
      %get3A_356 = tpu.vector_load %arg7[%get3A_354, %get3A_355] {strides = array<i32>} : memref<96x256xf32, #tpu.memory_space<vmem>>, vector<1x16xf32>,
      %get3A_357 = vector.shape_cast %get3A_356 : vector<1x16xf32> to vector<16xf32>
      %add3A_358 = arith.constant 2 : i32
      %add3A_359 = arith.addi %mul3A_236, %add3A_358 : i32
      %get3A_360 = arith.index_cast %add3A_359 : i32 to index
      %get3A_361 = arith.constant 112 : index
      %get3A_362 = tpu.vector_load %arg7[%get3A_360, %get3A_361] {strides = array<i32>} : memref<96x256xf32, #tpu.memory_space<vmem>>, vector<1x16xf32>,
      %get3A_363 = vector.shape_cast %get3A_362 : vector<1x16xf32> to vector<16xf32>
      %add3A_364 = arith.addf %get3A_239, %get3A_273 : vector<16xf32>
      %add3A_365 = arith.addf %add3A_364, %get3A_321 : vector<16xf32>
      %mul3A_366 = arith.constant 0.333333343 : f32
      %mul3A_367 = vector.broadcast %mul3A_366 : f32 to vector<16xf32>
      %mul3A_368 = arith.mulf %add3A_365, %mul3A_367 : vector<16xf32>
      %swap3A = arith.index_cast %scan3A_234 : i32 to index
      %swap3A_369 = arith.constant 0 : index
      %swap3A_370 = tpu.vector_load %arg10[%swap3A, %swap3A_369] {strides = array<i32>} : memref<32x516xf32, #tpu.memory_space<vmem>>, vector<1x16xf32>,
      %swap3A_371 = vector.shape_cast %swap3A_370 : vector<1x16xf32> to vector<16xf32>
      %swap3A_372 = vector.shape_cast %mul3A_368 : vector<16xf32> to vector<1x16xf32>
      tpu.vector_store %arg10[%swap3A, %swap3A_369], %swap3A_372 {strides = array<i32>} : memref<32x516xf32, #tpu.memory_space<vmem>>, vector<1x16xf32>,
      %add3A_373 = arith.addf %get3A_243, %get3A_279 : vector<16xf32>
      %add3A_374 = arith.addf %add3A_373, %get3A_327 : vector<16xf32>
      %mul3A_375 = arith.constant 0.333333343 : f32
      %mul3A_376 = vector.broadcast %mul3A_375 : f32 to vector<16xf32>
      %mul3A_377 = arith.mulf %add3A_374, %mul3A_376 : vector<16xf32>
      %swap3A_378 = arith.index_cast %scan3A_234 : i32 to index
      %swap3A_379 = arith.constant 16 : index
      %swap3A_380 = tpu.vector_load %arg10[%swap3A_378, %swap3A_379] {strides = array<i32>} : memref<32x516xf32, #tpu.memory_space<vmem>>, vector<1x16xf32>,
      %swap3A_381 = vector.shape_cast %swap3A_380 : vector<1x16xf32> to vector<16xf32>
      %swap3A_382 = vector.shape_cast %mul3A_377 : vector<16xf32> to vector<1x16xf32>
      tpu.vector_store %arg10[%swap3A_378, %swap3A_379], %swap3A_382 {strides = array<i32>} : memref<32x516xf32, #tpu.memory_space<vmem>>, vector<1x16xf32>,
      %add3A_383 = arith.addf %get3A_247, %get3A_285 : vector<16xf32>
      %add3A_384 = arith.addf %add3A_383, %get3A_333 : vector<16xf32>
      %mul3A_385 = arith.constant 0.333333343 : f32
      %mul3A_386 = vector.broadcast %mul3A_385 : f32 to vector<16xf32>
      %mul3A_387 = arith.mulf %add3A_384, %mul3A_386 : vector<16xf32>
      %swap3A_388 = arith.index_cast %scan3A_234 : i32 to index
      %swap3A_389 = arith.constant 32 : index
      %swap3A_390 = tpu.vector_load %arg10[%swap3A_388, %swap3A_389] {strides = array<i32>} : memref<32x516xf32, #tpu.memory_space<vmem>>, vector<1x16xf32>,
      %swap3A_391 = vector.shape_cast %swap3A_390 : vector<1x16xf32> to vector<16xf32>
      %swap3A_392 = vector.shape_cast %mul3A_387 : vector<16xf32> to vector<1x16xf32>
      tpu.vector_store %arg10[%swap3A_388, %swap3A_389], %swap3A_392 {strides = array<i32>} : memref<32x516xf32, #tpu.memory_space<vmem>>, vector<1x16xf32>,
      %add3A_393 = arith.addf %get3A_251, %get3A_291 : vector<16xf32>
      %add3A_394 = arith.addf %add3A_393, %get3A_339 : vector<16xf32>
      %mul3A_395 = arith.constant 0.333333343 : f32
      %mul3A_396 = vector.broadcast %mul3A_395 : f32 to vector<16xf32>
      %mul3A_397 = arith.mulf %add3A_394, %mul3A_396 : vector<16xf32>
      %swap3A_398 = arith.index_cast %scan3A_234 : i32 to index
      %swap3A_399 = arith.constant 48 : index
      %swap3A_400 = tpu.vector_load %arg10[%swap3A_398, %swap3A_399] {strides = array<i32>} : memref<32x516xf32, #tpu.memory_space<vmem>>, vector<1x16xf32>,
      %swap3A_401 = vector.shape_cast %swap3A_400 : vector<1x16xf32> to vector<16xf32>
      %swap3A_402 = vector.shape_cast %mul3A_397 : vector<16xf32> to vector<1x16xf32>
      tpu.vector_store %arg10[%swap3A_398, %swap3A_399], %swap3A_402 {strides = array<i32>} : memref<32x516xf32, #tpu.memory_space<vmem>>, vector<1x16xf32>,
      %add3A_403 = arith.addf %get3A_255, %get3A_297 : vector<16xf32>
      %add3A_404 = arith.addf %add3A_403, %get3A_345 : vector<16xf32>
      %mul3A_405 = arith.constant 0.333333343 : f32
      %mul3A_406 = vector.broadcast %mul3A_405 : f32 to vector<16xf32>
      %mul3A_407 = arith.mulf %add3A_404, %mul3A_406 : vector<16xf32>
      %swap3A_408 = arith.index_cast %scan3A_234 : i32 to index
      %swap3A_409 = arith.constant 64 : index
      %swap3A_410 = tpu.vector_load %arg10[%swap3A_408, %swap3A_409] {strides = array<i32>} : memref<32x516xf32, #tpu.memory_space<vmem>>, vector<1x16xf32>,
      %swap3A_411 = vector.shape_cast %swap3A_410 : vector<1x16xf32> to vector<16xf32>
      %swap3A_412 = vector.shape_cast %mul3A_407 : vector<16xf32> to vector<1x16xf32>
      tpu.vector_store %arg10[%swap3A_408, %swap3A_409], %swap3A_412 {strides = array<i32>} : memref<32x516xf32, #tpu.memory_space<vmem>>, vector<1x16xf32>,
      %add3A_413 = arith.addf %get3A_259, %get3A_303 : vector<16xf32>
      %add3A_414 = arith.addf %add3A_413, %get3A_351 : vector<16xf32>
      %mul3A_415 = arith.constant 0.333333343 : f32
      %mul3A_416 = vector.broadcast %mul3A_415 : f32 to vector<16xf32>
      %mul3A_417 = arith.mulf %add3A_414, %mul3A_416 : vector<16xf32>
      %swap3A_418 = arith.index_cast %scan3A_234 : i32 to index
      %swap3A_419 = arith.constant 80 : index
      %swap3A_420 = tpu.vector_load %arg10[%swap3A_418, %swap3A_419] {strides = array<i32>} : memref<32x516xf32, #tpu.memory_space<vmem>>, vector<1x16xf32>,
      %swap3A_421 = vector.shape_cast %swap3A_420 : vector<1x16xf32> to vector<16xf32>
      %swap3A_422 = vector.shape_cast %mul3A_417 : vector<16xf32> to vector<1x16xf32>
      tpu.vector_store %arg10[%swap3A_418, %swap3A_419], %swap3A_422 {strides = array<i32>} : memref<32x516xf32, #tpu.memory_space<vmem>>, vector<1x16xf32>,
      %add3A_423 = arith.addf %get3A_263, %get3A_309 : vector<16xf32>
      %add3A_424 = arith.addf %add3A_423, %get3A_357 : vector<16xf32>
      %mul3A_425 = arith.constant 0.333333343 : f32
      %mul3A_426 = vector.broadcast %mul3A_425 : f32 to vector<16xf32>
      %mul3A_427 = arith.mulf %add3A_424, %mul3A_426 : vector<16xf32>
      %swap3A_428 = arith.index_cast %scan3A_234 : i32 to index
      %swap3A_429 = arith.constant 96 : index
      %swap3A_430 = tpu.vector_load %arg10[%swap3A_428, %swap3A_429] {strides = array<i32>} : memref<32x516xf32, #tpu.memory_space<vmem>>, vector<1x16xf32>,
      %swap3A_431 = vector.shape_cast %swap3A_430 : vector<1x16xf32> to vector<16xf32>
      %swap3A_432 = vector.shape_cast %mul3A_427 : vector<16xf32> to vector<1x16xf32>
      tpu.vector_store %arg10[%swap3A_428, %swap3A_429], %swap3A_432 {strides = array<i32>} : memref<32x516xf32, #tpu.memory_space<vmem>>, vector<1x16xf32>,
      %add3A_433 = arith.addf %get3A_267, %get3A_315 : vector<16xf32>
      %add3A_434 = arith.addf %add3A_433, %get3A_363 : vector<16xf32>
      %mul3A_435 = arith.constant 0.333333343 : f32
      %mul3A_436 = vector.broadcast %mul3A_435 : f32 to vector<16xf32>
      %mul3A_437 = arith.mulf %add3A_434, %mul3A_436 : vector<16xf32>
      %swap3A_438 = arith.index_cast %scan3A_234 : i32 to index
      %swap3A_439 = arith.constant 112 : index
      %swap3A_440 = tpu.vector_load %arg10[%swap3A_438, %swap3A_439] {strides = array<i32>} : memref<32x516xf32, #tpu.memory_space<vmem>>, vector<1x16xf32>,
      %swap3A_441 = vector.shape_cast %swap3A_440 : vector<1x16xf32> to vector<16xf32>
      %swap3A_442 = vector.shape_cast %mul3A_437 : vector<16xf32> to vector<1x16xf32>
      tpu.vector_store %arg10[%swap3A_438, %swap3A_439], %swap3A_442 {strides = array<i32>} : memref<32x516xf32, #tpu.memory_space<vmem>>, vector<1x16xf32>,
      %get3A_443 = arith.index_cast %mul3A_236 : i32 to index
      %get3A_444 = arith.constant 128 : index
      %get3A_445 = tpu.vector_load %arg7[%get3A_443, %get3A_444] {strides = array<i32>} : memref<96x256xf32, #tpu.memory_space<vmem>>, vector<1x16xf32>,
      %get3A_446 = vector.shape_cast %get3A_445 : vector<1x16xf32> to vector<16xf32>
      %get3A_447 = arith.index_cast %mul3A_236 : i32 to index
      %get3A_448 = arith.constant 144 : index
      %get3A_449 = tpu.vector_load %arg7[%get3A_447, %get3A_448] {strides = array<i32>} : memref<96x256xf32, #tpu.memory_space<vmem>>, vector<1x16xf32>,
      %get3A_450 = vector.shape_cast %get3A_449 : vector<1x16xf32> to vector<16xf32>
      %get3A_451 = arith.index_cast %mul3A_236 : i32 to index
      %get3A_452 = arith.constant 160 : index
      %get3A_453 = tpu.vector_load %arg7[%get3A_451, %get3A_452] {strides = array<i32>} : memref<96x256xf32, #tpu.memory_space<vmem>>, vector<1x16xf32>,
      %get3A_454 = vector.shape_cast %get3A_453 : vector<1x16xf32> to vector<16xf32>
      %get3A_455 = arith.index_cast %mul3A_236 : i32 to index
      %get3A_456 = arith.constant 176 : index
      %get3A_457 = tpu.vector_load %arg7[%get3A_455, %get3A_456] {strides = array<i32>} : memref<96x256xf32, #tpu.memory_space<vmem>>, vector<1x16xf32>,
      %get3A_458 = vector.shape_cast %get3A_457 : vector<1x16xf32> to vector<16xf32>
      %get3A_459 = arith.index_cast %mul3A_236 : i32 to index
      %get3A_460 = arith.constant 192 : index
      %get3A_461 = tpu.vector_load %arg7[%get3A_459, %get3A_460] {strides = array<i32>} : memref<96x256xf32, #tpu.memory_space<vmem>>, vector<1x16xf32>,
      %get3A_462 = vector.shape_cast %get3A_461 : vector<1x16xf32> to vector<16xf32>
      %get3A_463 = arith.index_cast %mul3A_236 : i32 to index
      %get3A_464 = arith.constant 208 : index
      %get3A_465 = tpu.vector_load %arg7[%get3A_463, %get3A_464] {strides = array<i32>} : memref<96x256xf32, #tpu.memory_space<vmem>>, vector<1x16xf32>,
      %get3A_466 = vector.shape_cast %get3A_465 : vector<1x16xf32> to vector<16xf32>
      %get3A_467 = arith.index_cast %mul3A_236 : i32 to index
      %get3A_468 = arith.constant 224 : index
      %get3A_469 = tpu.vector_load %arg7[%get3A_467, %get3A_468] {strides = array<i32>} : memref<96x256xf32, #tpu.memory_space<vmem>>, vector<1x16xf32>,
      %get3A_470 = vector.shape_cast %get3A_469 : vector<1x16xf32> to vector<16xf32>
      %get3A_471 = arith.index_cast %mul3A_236 : i32 to index
      %get3A_472 = arith.constant 240 : index
      %get3A_473 = tpu.vector_load %arg7[%get3A_471, %get3A_472] {strides = array<i32>} : memref<96x256xf32, #tpu.memory_space<vmem>>, vector<1x16xf32>,
      %get3A_474 = vector.shape_cast %get3A_473 : vector<1x16xf32> to vector<16xf32>
      %add3A_475 = arith.constant 1 : i32
      %add3A_476 = arith.addi %mul3A_236, %add3A_475 : i32
      %get3A_477 = arith.index_cast %add3A_476 : i32 to index
      %get3A_478 = arith.constant 128 : index
      %get3A_479 = tpu.vector_load %arg7[%get3A_477, %get3A_478] {strides = array<i32>} : memref<96x256xf32, #tpu.memory_space<vmem>>, vector<1x16xf32>,
      %get3A_480 = vector.shape_cast %get3A_479 : vector<1x16xf32> to vector<16xf32>
      %add3A_481 = arith.constant 1 : i32
      %add3A_482 = arith.addi %mul3A_236, %add3A_481 : i32
      %get3A_483 = arith.index_cast %add3A_482 : i32 to index
      %get3A_484 = arith.constant 144 : index
      %get3A_485 = tpu.vector_load %arg7[%get3A_483, %get3A_484] {strides = array<i32>} : memref<96x256xf32, #tpu.memory_space<vmem>>, vector<1x16xf32>,
      %get3A_486 = vector.shape_cast %get3A_485 : vector<1x16xf32> to vector<16xf32>
      %add3A_487 = arith.constant 1 : i32
      %add3A_488 = arith.addi %mul3A_236, %add3A_487 : i32
      %get3A_489 = arith.index_cast %add3A_488 : i32 to index
      %get3A_490 = arith.constant 160 : index
      %get3A_491 = tpu.vector_load %arg7[%get3A_489, %get3A_490] {strides = array<i32>} : memref<96x256xf32, #tpu.memory_space<vmem>>, vector<1x16xf32>,
      %get3A_492 = vector.shape_cast %get3A_491 : vector<1x16xf32> to vector<16xf32>
      %add3A_493 = arith.constant 1 : i32
      %add3A_494 = arith.addi %mul3A_236, %add3A_493 : i32
      %get3A_495 = arith.index_cast %add3A_494 : i32 to index
      %get3A_496 = arith.constant 176 : index
      %get3A_497 = tpu.vector_load %arg7[%get3A_495, %get3A_496] {strides = array<i32>} : memref<96x256xf32, #tpu.memory_space<vmem>>, vector<1x16xf32>,
      %get3A_498 = vector.shape_cast %get3A_497 : vector<1x16xf32> to vector<16xf32>
      %add3A_499 = arith.constant 1 : i32
      %add3A_500 = arith.addi %mul3A_236, %add3A_499 : i32
      %get3A_501 = arith.index_cast %add3A_500 : i32 to index
      %get3A_502 = arith.constant 192 : index
      %get3A_503 = tpu.vector_load %arg7[%get3A_501, %get3A_502] {strides = array<i32>} : memref<96x256xf32, #tpu.memory_space<vmem>>, vector<1x16xf32>,
      %get3A_504 = vector.shape_cast %get3A_503 : vector<1x16xf32> to vector<16xf32>
      %add3A_505 = arith.constant 1 : i32
      %add3A_506 = arith.addi %mul3A_236, %add3A_505 : i32
      %get3A_507 = arith.index_cast %add3A_506 : i32 to index
      %get3A_508 = arith.constant 208 : index
      %get3A_509 = tpu.vector_load %arg7[%get3A_507, %get3A_508] {strides = array<i32>} : memref<96x256xf32, #tpu.memory_space<vmem>>, vector<1x16xf32>,
      %get3A_510 = vector.shape_cast %get3A_509 : vector<1x16xf32> to vector<16xf32>
      %add3A_511 = arith.constant 1 : i32
      %add3A_512 = arith.addi %mul3A_236, %add3A_511 : i32
      %get3A_513 = arith.index_cast %add3A_512 : i32 to index
      %get3A_514 = arith.constant 224 : index
      %get3A_515 = tpu.vector_load %arg7[%get3A_513, %get3A_514] {strides = array<i32>} : memref<96x256xf32, #tpu.memory_space<vmem>>, vector<1x16xf32>,
      %get3A_516 = vector.shape_cast %get3A_515 : vector<1x16xf32> to vector<16xf32>
      %add3A_517 = arith.constant 1 : i32
      %add3A_518 = arith.addi %mul3A_236, %add3A_517 : i32
      %get3A_519 = arith.index_cast %add3A_518 : i32 to index
      %get3A_520 = arith.constant 240 : index
      %get3A_521 = tpu.vector_load %arg7[%get3A_519, %get3A_520] {strides = array<i32>} : memref<96x256xf32, #tpu.memory_space<vmem>>, vector<1x16xf32>,
      %get3A_522 = vector.shape_cast %get3A_521 : vector<1x16xf32> to vector<16xf32>
      %add3A_523 = arith.constant 2 : i32
      %add3A_524 = arith.addi %mul3A_236, %add3A_523 : i32
      %get3A_525 = arith.index_cast %add3A_524 : i32 to index
      %get3A_526 = arith.constant 128 : index
      %get3A_527 = tpu.vector_load %arg7[%get3A_525, %get3A_526] {strides = array<i32>} : memref<96x256xf32, #tpu.memory_space<vmem>>, vector<1x16xf32>,
      %get3A_528 = vector.shape_cast %get3A_527 : vector<1x16xf32> to vector<16xf32>
      %add3A_529 = arith.constant 2 : i32
      %add3A_530 = arith.addi %mul3A_236, %add3A_529 : i32
      %get3A_531 = arith.index_cast %add3A_530 : i32 to index
      %get3A_532 = arith.constant 144 : index
      %get3A_533 = tpu.vector_load %arg7[%get3A_531, %get3A_532] {strides = array<i32>} : memref<96x256xf32, #tpu.memory_space<vmem>>, vector<1x16xf32>,
      %get3A_534 = vector.shape_cast %get3A_533 : vector<1x16xf32> to vector<16xf32>
      %add3A_535 = arith.constant 2 : i32
      %add3A_536 = arith.addi %mul3A_236, %add3A_535 : i32
      %get3A_537 = arith.index_cast %add3A_536 : i32 to index
      %get3A_538 = arith.constant 160 : index
      %get3A_539 = tpu.vector_load %arg7[%get3A_537, %get3A_538] {strides = array<i32>} : memref<96x256xf32, #tpu.memory_space<vmem>>, vector<1x16xf32>,
      %get3A_540 = vector.shape_cast %get3A_539 : vector<1x16xf32> to vector<16xf32>
      %add3A_541 = arith.constant 2 : i32
      %add3A_542 = arith.addi %mul3A_236, %add3A_541 : i32
      %get3A_543 = arith.index_cast %add3A_542 : i32 to index
      %get3A_544 = arith.constant 176 : index
      %get3A_545 = tpu.vector_load %arg7[%get3A_543, %get3A_544] {strides = array<i32>} : memref<96x256xf32, #tpu.memory_space<vmem>>, vector<1x16xf32>,
      %get3A_546 = vector.shape_cast %get3A_545 : vector<1x16xf32> to vector<16xf32>
      %add3A_547 = arith.constant 2 : i32
      %add3A_548 = arith.addi %mul3A_236, %add3A_547 : i32
      %get3A_549 = arith.index_cast %add3A_548 : i32 to index
      %get3A_550 = arith.constant 192 : index
      %get3A_551 = tpu.vector_load %arg7[%get3A_549, %get3A_550] {strides = array<i32>} : memref<96x256xf32, #tpu.memory_space<vmem>>, vector<1x16xf32>,
      %get3A_552 = vector.shape_cast %get3A_551 : vector<1x16xf32> to vector<16xf32>
      %add3A_553 = arith.constant 2 : i32
      %add3A_554 = arith.addi %mul3A_236, %add3A_553 : i32
      %get3A_555 = arith.index_cast %add3A_554 : i32 to index
      %get3A_556 = arith.constant 208 : index
      %get3A_557 = tpu.vector_load %arg7[%get3A_555, %get3A_556] {strides = array<i32>} : memref<96x256xf32, #tpu.memory_space<vmem>>, vector<1x16xf32>,
      %get3A_558 = vector.shape_cast %get3A_557 : vector<1x16xf32> to vector<16xf32>
      %add3A_559 = arith.constant 2 : i32
      %add3A_560 = arith.addi %mul3A_236, %add3A_559 : i32
      %get3A_561 = arith.index_cast %add3A_560 : i32 to index
      %get3A_562 = arith.constant 224 : index
      %get3A_563 = tpu.vector_load %arg7[%get3A_561, %get3A_562] {strides = array<i32>} : memref<96x256xf32, #tpu.memory_space<vmem>>, vector<1x16xf32>,
      %get3A_564 = vector.shape_cast %get3A_563 : vector<1x16xf32> to vector<16xf32>
      %add3A_565 = arith.constant 2 : i32
      %add3A_566 = arith.addi %mul3A_236, %add3A_565 : i32
      %get3A_567 = arith.index_cast %add3A_566 : i32 to index
      %get3A_568 = arith.constant 240 : index
      %get3A_569 = tpu.vector_load %arg7[%get3A_567, %get3A_568] {strides = array<i32>} : memref<96x256xf32, #tpu.memory_space<vmem>>, vector<1x16xf32>,
      %get3A_570 = vector.shape_cast %get3A_569 : vector<1x16xf32> to vector<16xf32>
      %add3A_571 = arith.addf %get3A_446, %get3A_480 : vector<16xf32>
      %add3A_572 = arith.addf %add3A_571, %get3A_528 : vector<16xf32>
      %mul3A_573 = arith.constant 0.333333343 : f32
      %mul3A_574 = vector.broadcast %mul3A_573 : f32 to vector<16xf32>
      %mul3A_575 = arith.mulf %add3A_572, %mul3A_574 : vector<16xf32>
      %swap3A_576 = arith.index_cast %scan3A_234 : i32 to index
      %swap3A_577 = arith.constant 128 : index
      %swap3A_578 = tpu.vector_load %arg10[%swap3A_576, %swap3A_577] {strides = array<i32>} : memref<32x516xf32, #tpu.memory_space<vmem>>, vector<1x16xf32>,
      %swap3A_579 = vector.shape_cast %swap3A_578 : vector<1x16xf32> to vector<16xf32>
      %swap3A_580 = vector.shape_cast %mul3A_575 : vector<16xf32> to vector<1x16xf32>
      tpu.vector_store %arg10[%swap3A_576, %swap3A_577], %swap3A_580 {strides = array<i32>} : memref<32x516xf32, #tpu.memory_space<vmem>>, vector<1x16xf32>,
      %add3A_581 = arith.addf %get3A_450, %get3A_486 : vector<16xf32>
      %add3A_582 = arith.addf %add3A_581, %get3A_534 : vector<16xf32>
      %mul3A_583 = arith.constant 0.333333343 : f32
      %mul3A_584 = vector.broadcast %mul3A_583 : f32 to vector<16xf32>
      %mul3A_585 = arith.mulf %add3A_582, %mul3A_584 : vector<16xf32>
      %swap3A_586 = arith.index_cast %scan3A_234 : i32 to index
      %swap3A_587 = arith.constant 144 : index
      %swap3A_588 = tpu.vector_load %arg10[%swap3A_586, %swap3A_587] {strides = array<i32>} : memref<32x516xf32, #tpu.memory_space<vmem>>, vector<1x16xf32>,
      %swap3A_589 = vector.shape_cast %swap3A_588 : vector<1x16xf32> to vector<16xf32>
      %swap3A_590 = vector.shape_cast %mul3A_585 : vector<16xf32> to vector<1x16xf32>
      tpu.vector_store %arg10[%swap3A_586, %swap3A_587], %swap3A_590 {strides = array<i32>} : memref<32x516xf32, #tpu.memory_space<vmem>>, vector<1x16xf32>,
      %add3A_591 = arith.addf %get3A_454, %get3A_492 : vector<16xf32>
      %add3A_592 = arith.addf %add3A_591, %get3A_540 : vector<16xf32>
      %mul3A_593 = arith.constant 0.333333343 : f32
      %mul3A_594 = vector.broadcast %mul3A_593 : f32 to vector<16xf32>
      %mul3A_595 = arith.mulf %add3A_592, %mul3A_594 : vector<16xf32>
      %swap3A_596 = arith.index_cast %scan3A_234 : i32 to index
      %swap3A_597 = arith.constant 160 : index
      %swap3A_598 = tpu.vector_load %arg10[%swap3A_596, %swap3A_597] {strides = array<i32>} : memref<32x516xf32, #tpu.memory_space<vmem>>, vector<1x16xf32>,
      %swap3A_599 = vector.shape_cast %swap3A_598 : vector<1x16xf32> to vector<16xf32>
      %swap3A_600 = vector.shape_cast %mul3A_595 : vector<16xf32> to vector<1x16xf32>
      tpu.vector_store %arg10[%swap3A_596, %swap3A_597], %swap3A_600 {strides = array<i32>} : memref<32x516xf32, #tpu.memory_space<vmem>>, vector<1x16xf32>,
      %add3A_601 = arith.addf %get3A_458, %get3A_498 : vector<16xf32>
      %add3A_602 = arith.addf %add3A_601, %get3A_546 : vector<16xf32>
      %mul3A_603 = arith.constant 0.333333343 : f32
      %mul3A_604 = vector.broadcast %mul3A_603 : f32 to vector<16xf32>
      %mul3A_605 = arith.mulf %add3A_602, %mul3A_604 : vector<16xf32>
      %swap3A_606 = arith.index_cast %scan3A_234 : i32 to index
      %swap3A_607 = arith.constant 176 : index
      %swap3A_608 = tpu.vector_load %arg10[%swap3A_606, %swap3A_607] {strides = array<i32>} : memref<32x516xf32, #tpu.memory_space<vmem>>, vector<1x16xf32>,
      %swap3A_609 = vector.shape_cast %swap3A_608 : vector<1x16xf32> to vector<16xf32>
      %swap3A_610 = vector.shape_cast %mul3A_605 : vector<16xf32> to vector<1x16xf32>
      tpu.vector_store %arg10[%swap3A_606, %swap3A_607], %swap3A_610 {strides = array<i32>} : memref<32x516xf32, #tpu.memory_space<vmem>>, vector<1x16xf32>,
      %add3A_611 = arith.addf %get3A_462, %get3A_504 : vector<16xf32>
      %add3A_612 = arith.addf %add3A_611, %get3A_552 : vector<16xf32>
      %mul3A_613 = arith.constant 0.333333343 : f32
      %mul3A_614 = vector.broadcast %mul3A_613 : f32 to vector<16xf32>
      %mul3A_615 = arith.mulf %add3A_612, %mul3A_614 : vector<16xf32>
      %swap3A_616 = arith.index_cast %scan3A_234 : i32 to index
      %swap3A_617 = arith.constant 192 : index
      %swap3A_618 = tpu.vector_load %arg10[%swap3A_616, %swap3A_617] {strides = array<i32>} : memref<32x516xf32, #tpu.memory_space<vmem>>, vector<1x16xf32>,
      %swap3A_619 = vector.shape_cast %swap3A_618 : vector<1x16xf32> to vector<16xf32>
      %swap3A_620 = vector.shape_cast %mul3A_615 : vector<16xf32> to vector<1x16xf32>
      tpu.vector_store %arg10[%swap3A_616, %swap3A_617], %swap3A_620 {strides = array<i32>} : memref<32x516xf32, #tpu.memory_space<vmem>>, vector<1x16xf32>,
      %add3A_621 = arith.addf %get3A_466, %get3A_510 : vector<16xf32>
      %add3A_622 = arith.addf %add3A_621, %get3A_558 : vector<16xf32>
      %mul3A_623 = arith.constant 0.333333343 : f32
      %mul3A_624 = vector.broadcast %mul3A_623 : f32 to vector<16xf32>
      %mul3A_625 = arith.mulf %add3A_622, %mul3A_624 : vector<16xf32>
      %swap3A_626 = arith.index_cast %scan3A_234 : i32 to index
      %swap3A_627 = arith.constant 208 : index
      %swap3A_628 = tpu.vector_load %arg10[%swap3A_626, %swap3A_627] {strides = array<i32>} : memref<32x516xf32, #tpu.memory_space<vmem>>, vector<1x16xf32>,
      %swap3A_629 = vector.shape_cast %swap3A_628 : vector<1x16xf32> to vector<16xf32>
      %swap3A_630 = vector.shape_cast %mul3A_625 : vector<16xf32> to vector<1x16xf32>
      tpu.vector_store %arg10[%swap3A_626, %swap3A_627], %swap3A_630 {strides = array<i32>} : memref<32x516xf32, #tpu.memory_space<vmem>>, vector<1x16xf32>,
      %add3A_631 = arith.addf %get3A_470, %get3A_516 : vector<16xf32>
      %add3A_632 = arith.addf %add3A_631, %get3A_564 : vector<16xf32>
      %mul3A_633 = arith.constant 0.333333343 : f32
      %mul3A_634 = vector.broadcast %mul3A_633 : f32 to vector<16xf32>
      %mul3A_635 = arith.mulf %add3A_632, %mul3A_634 : vector<16xf32>
      %swap3A_636 = arith.index_cast %scan3A_234 : i32 to index
      %swap3A_637 = arith.constant 224 : index
      %swap3A_638 = tpu.vector_load %arg10[%swap3A_636, %swap3A_637] {strides = array<i32>} : memref<32x516xf32, #tpu.memory_space<vmem>>, vector<1x16xf32>,
      %swap3A_639 = vector.shape_cast %swap3A_638 : vector<1x16xf32> to vector<16xf32>
      %swap3A_640 = vector.shape_cast %mul3A_635 : vector<16xf32> to vector<1x16xf32>
      tpu.vector_store %arg10[%swap3A_636, %swap3A_637], %swap3A_640 {strides = array<i32>} : memref<32x516xf32, #tpu.memory_space<vmem>>, vector<1x16xf32>,
      %add3A_641 = arith.addf %get3A_474, %get3A_522 : vector<16xf32>
      %add3A_642 = arith.addf %add3A_641, %get3A_570 : vector<16xf32>
      %mul3A_643 = arith.constant 0.333333343 : f32
      %mul3A_644 = vector.broadcast %mul3A_643 : f32 to vector<16xf32>
      %mul3A_645 = arith.mulf %add3A_642, %mul3A_644 : vector<16xf32>
      %swap3A_646 = arith.index_cast %scan3A_234 : i32 to index
      %swap3A_647 = arith.constant 240 : index
      %swap3A_648 = tpu.vector_load %arg10[%swap3A_646, %swap3A_647] {strides = array<i32>} : memref<32x516xf32, #tpu.memory_space<vmem>>, vector<1x16xf32>,
      %swap3A_649 = vector.shape_cast %swap3A_648 : vector<1x16xf32> to vector<16xf32>
      %swap3A_650 = vector.shape_cast %mul3A_645 : vector<16xf32> to vector<1x16xf32>
      tpu.vector_store %arg10[%swap3A_646, %swap3A_647], %swap3A_650 {strides = array<i32>} : memref<32x516xf32, #tpu.memory_space<vmem>>, vector<1x16xf32>,
    }
    %scan3A_45 = arith.constant 32 : i32
    %add3A_46 = arith.constant 0 : i32
    %add3A_47 = arith.addi %mul3A_2, %add3A_46 : i32
    %dma_start3A_48 = arith.constant 0 : i32
    %dma_start3A_49 = tpu.memref_slice %arg5[%add3A_47, %dma_start3A_48] : memref<8192x516xf32, #tpu.memory_space<hbm>> -> memref<32x516xf32, #tpu.memory_space<hbm>>
    %dma_start3A_50 = arith.constant 0 : i32
    %dma_start3A_51 = tpu.memref_slice %arg5[%add3A_47, %dma_start3A_50] : memref<8192x516xf32, #tpu.memory_space<hbm>> -> memref<32x516xf32, #tpu.memory_space<hbm>>
    tpu.enqueue_dma source(%arg10 : memref<32x516xf32, #tpu.memory_space<vmem>>) target(%dma_start3A_51 : memref<32x516xf32, #tpu.memory_space<hbm>>) target_semaphore(%arg15 : memref<!tpu.dma_semaphore, #tpu.memory_space<semaphore_mem>>)
    %dma_start3A_52 = arith.constant 288 : i32
    %dma_start3A_53 = tpu.memref_slice %arg6[%dma_start3A_52] : memref<768xi32, #tpu.memory_space<vmem>> -> memref<96xi32, #tpu.memory_space<vmem>>
    %dma_start3A_54 = arith.constant 0 : i32
    %dma_start3A_55 = arith.constant 0 : i32
    %dma_start3A_56 = tpu.memref_slice %arg2[%dma_start3A_54, %dma_start3A_55] : memref<8192x256xf32, #tpu.memory_space<hbm>> -> memref<8192x256xf32, #tpu.memory_space<hbm>>
    tpu.enqueue_indirect_dma source(%dma_start3A_56 : memref<8192x256xf32, #tpu.memory_space<hbm>>) target(%arg7 : memref<96x256xf32, #tpu.memory_space<vmem>>) offsets(%dma_start3A_53 : memref<96xi32, #tpu.memory_space<vmem>>) semaphore(%arg12 : memref<!tpu.dma_semaphore, #tpu.memory_space<semaphore_mem>>)
    %dma_wait3A_57 = arith.constant 96 : i32
    %dma_wait3A_58 = tpu.memref_slice %arg6[%dma_wait3A_57] : memref<768xi32, #tpu.memory_space<vmem>> -> memref<96xi32, #tpu.memory_space<vmem>>
    %dma_wait3A_59 = arith.constant 0 : i32
    %dma_wait3A_60 = arith.constant 0 : i32
    %dma_wait3A_61 = tpu.memref_slice %arg2[%dma_wait3A_59, %dma_wait3A_60] : memref<8192x256xf32, #tpu.memory_space<hbm>> -> memref<8192x256xf32, #tpu.memory_space<hbm>>
    tpu.wait_indirect_dma semaphore(%arg13 : memref<!tpu.dma_semaphore, #tpu.memory_space<semaphore_mem>>) src(%dma_wait3A_61 : memref<8192x256xf32, #tpu.memory_space<hbm>>) dst(%arg8 : memref<96x256xf32, #tpu.memory_space<vmem>>)
    %dma_wait3A_62 = arith.constant 0 : i32
    %dma_wait3A_63 = arith.constant 256 : i32
    %dma_wait3A_64 = tpu.memref_slice %arg11[%dma_wait3A_62, %dma_wait3A_63] : memref<32x516xf32, #tpu.memory_space<vmem>> -> memref<32x260xf32, #tpu.memory_space<vmem>>
    %dma_wait3A_65 = arith.constant 0 : i32
    %dma_wait3A_66 = arith.constant 256 : i32
    %dma_wait3A_67 = tpu.memref_slice %arg11[%dma_wait3A_65, %dma_wait3A_66] : memref<32x516xf32, #tpu.memory_space<vmem>> -> memref<32x260xf32, #tpu.memory_space<vmem>>
    tpu.wait_dma2 semaphore(%arg16 : memref<!tpu.dma_semaphore, #tpu.memory_space<semaphore_mem>>) src(%arg4 : memref<32x260xf32, #tpu.memory_space<hbm>>) dst(%dma_wait3A_67 : memref<32x260xf32, #tpu.memory_space<vmem>>)
    %scan3A_68 = arith.constant 0 : i32
    %scan3A_69 = arith.constant 0 : i32
    %scan3A_70 = arith.constant 32 : i32
    %scan3A_71 = arith.addi %scan3A_69, %scan3A_70 : i32
    %scan3A_72 = arith.constant 1 : i32
    scf.for %scan3A_234 = %scan3A_69 to %scan3A_71 step %scan3A_72  : i32 {
      %mul3A_235 = arith.constant 3 : i32
      %mul3A_236 = arith.muli %scan3A_234, %mul3A_235 : i32
      %get3A = arith.index_cast %mul3A_236 : i32 to index
      %get3A_237 = arith.constant 0 : index
      %get3A_238 = tpu.vector_load %arg8[%get3A, %get3A_237] {strides = array<i32>} : memref<96x256xf32, #tpu.memory_space<vmem>>, vector<1x16xf32>,
      %get3A_239 = vector.shape_cast %get3A_238 : vector<1x16xf32> to vector<16xf32>
      %get3A_240 = arith.index_cast %mul3A_236 : i32 to index
      %get3A_241 = arith.constant 16 : index
      %get3A_242 = tpu.vector_load %arg8[%get3A_240, %get3A_241] {strides = array<i32>} : memref<96x256xf32, #tpu.memory_space<vmem>>, vector<1x16xf32>,
      %get3A_243 = vector.shape_cast %get3A_242 : vector<1x16xf32> to vector<16xf32>
      %get3A_244 = arith.index_cast %mul3A_236 : i32 to index
      %get3A_245 = arith.constant 32 : index
      %get3A_246 = tpu.vector_load %arg8[%get3A_244, %get3A_245] {strides = array<i32>} : memref<96x256xf32, #tpu.memory_space<vmem>>, vector<1x16xf32>,
      %get3A_247 = vector.shape_cast %get3A_246 : vector<1x16xf32> to vector<16xf32>
      %get3A_248 = arith.index_cast %mul3A_236 : i32 to index
      %get3A_249 = arith.constant 48 : index
      %get3A_250 = tpu.vector_load %arg8[%get3A_248, %get3A_249] {strides = array<i32>} : memref<96x256xf32, #tpu.memory_space<vmem>>, vector<1x16xf32>,
      %get3A_251 = vector.shape_cast %get3A_250 : vector<1x16xf32> to vector<16xf32>
      %get3A_252 = arith.index_cast %mul3A_236 : i32 to index
      %get3A_253 = arith.constant 64 : index
      %get3A_254 = tpu.vector_load %arg8[%get3A_252, %get3A_253] {strides = array<i32>} : memref<96x256xf32, #tpu.memory_space<vmem>>, vector<1x16xf32>,
      %get3A_255 = vector.shape_cast %get3A_254 : vector<1x16xf32> to vector<16xf32>
      %get3A_256 = arith.index_cast %mul3A_236 : i32 to index
      %get3A_257 = arith.constant 80 : index
      %get3A_258 = tpu.vector_load %arg8[%get3A_256, %get3A_257] {strides = array<i32>} : memref<96x256xf32, #tpu.memory_space<vmem>>, vector<1x16xf32>,
      %get3A_259 = vector.shape_cast %get3A_258 : vector<1x16xf32> to vector<16xf32>
      %get3A_260 = arith.index_cast %mul3A_236 : i32 to index
      %get3A_261 = arith.constant 96 : index
      %get3A_262 = tpu.vector_load %arg8[%get3A_260, %get3A_261] {strides = array<i32>} : memref<96x256xf32, #tpu.memory_space<vmem>>, vector<1x16xf32>,
      %get3A_263 = vector.shape_cast %get3A_262 : vector<1x16xf32> to vector<16xf32>
      %get3A_264 = arith.index_cast %mul3A_236 : i32 to index
      %get3A_265 = arith.constant 112 : index
      %get3A_266 = tpu.vector_load %arg8[%get3A_264, %get3A_265] {strides = array<i32>} : memref<96x256xf32, #tpu.memory_space<vmem>>, vector<1x16xf32>,
      %get3A_267 = vector.shape_cast %get3A_266 : vector<1x16xf32> to vector<16xf32>
      %add3A_268 = arith.constant 1 : i32
      %add3A_269 = arith.addi %mul3A_236, %add3A_268 : i32
      %get3A_270 = arith.index_cast %add3A_269 : i32 to index
      %get3A_271 = arith.constant 0 : index
      %get3A_272 = tpu.vector_load %arg8[%get3A_270, %get3A_271] {strides = array<i32>} : memref<96x256xf32, #tpu.memory_space<vmem>>, vector<1x16xf32>,
      %get3A_273 = vector.shape_cast %get3A_272 : vector<1x16xf32> to vector<16xf32>
      %add3A_274 = arith.constant 1 : i32
      %add3A_275 = arith.addi %mul3A_236, %add3A_274 : i32
      %get3A_276 = arith.index_cast %add3A_275 : i32 to index
      %get3A_277 = arith.constant 16 : index
      %get3A_278 = tpu.vector_load %arg8[%get3A_276, %get3A_277] {strides = array<i32>} : memref<96x256xf32, #tpu.memory_space<vmem>>, vector<1x16xf32>,
      %get3A_279 = vector.shape_cast %get3A_278 : vector<1x16xf32> to vector<16xf32>
      %add3A_280 = arith.constant 1 : i32
      %add3A_281 = arith.addi %mul3A_236, %add3A_280 : i32
      %get3A_282 = arith.index_cast %add3A_281 : i32 to index
      %get3A_283 = arith.constant 32 : index
      %get3A_284 = tpu.vector_load %arg8[%get3A_282, %get3A_283] {strides = array<i32>} : memref<96x256xf32, #tpu.memory_space<vmem>>, vector<1x16xf32>,
      %get3A_285 = vector.shape_cast %get3A_284 : vector<1x16xf32> to vector<16xf32>
      %add3A_286 = arith.constant 1 : i32
      %add3A_287 = arith.addi %mul3A_236, %add3A_286 : i32
      %get3A_288 = arith.index_cast %add3A_287 : i32 to index
      %get3A_289 = arith.constant 48 : index
      %get3A_290 = tpu.vector_load %arg8[%get3A_288, %get3A_289] {strides = array<i32>} : memref<96x256xf32, #tpu.memory_space<vmem>>, vector<1x16xf32>,
      %get3A_291 = vector.shape_cast %get3A_290 : vector<1x16xf32> to vector<16xf32>
      %add3A_292 = arith.constant 1 : i32
      %add3A_293 = arith.addi %mul3A_236, %add3A_292 : i32
      %get3A_294 = arith.index_cast %add3A_293 : i32 to index
      %get3A_295 = arith.constant 64 : index
      %get3A_296 = tpu.vector_load %arg8[%get3A_294, %get3A_295] {strides = array<i32>} : memref<96x256xf32, #tpu.memory_space<vmem>>, vector<1x16xf32>,
      %get3A_297 = vector.shape_cast %get3A_296 : vector<1x16xf32> to vector<16xf32>
      %add3A_298 = arith.constant 1 : i32
      %add3A_299 = arith.addi %mul3A_236, %add3A_298 : i32
      %get3A_300 = arith.index_cast %add3A_299 : i32 to index
      %get3A_301 = arith.constant 80 : index
      %get3A_302 = tpu.vector_load %arg8[%get3A_300, %get3A_301] {strides = array<i32>} : memref<96x256xf32, #tpu.memory_space<vmem>>, vector<1x16xf32>,
      %get3A_303 = vector.shape_cast %get3A_302 : vector<1x16xf32> to vector<16xf32>
      %add3A_304 = arith.constant 1 : i32
      %add3A_305 = arith.addi %mul3A_236, %add3A_304 : i32
      %get3A_306 = arith.index_cast %add3A_305 : i32 to index
      %get3A_307 = arith.constant 96 : index
      %get3A_308 = tpu.vector_load %arg8[%get3A_306, %get3A_307] {strides = array<i32>} : memref<96x256xf32, #tpu.memory_space<vmem>>, vector<1x16xf32>,
      %get3A_309 = vector.shape_cast %get3A_308 : vector<1x16xf32> to vector<16xf32>
      %add3A_310 = arith.constant 1 : i32
      %add3A_311 = arith.addi %mul3A_236, %add3A_310 : i32
      %get3A_312 = arith.index_cast %add3A_311 : i32 to index
      %get3A_313 = arith.constant 112 : index
      %get3A_314 = tpu.vector_load %arg8[%get3A_312, %get3A_313] {strides = array<i32>} : memref<96x256xf32, #tpu.memory_space<vmem>>, vector<1x16xf32>,
      %get3A_315 = vector.shape_cast %get3A_314 : vector<1x16xf32> to vector<16xf32>
      %add3A_316 = arith.constant 2 : i32
      %add3A_317 = arith.addi %mul3A_236, %add3A_316 : i32
      %get3A_318 = arith.index_cast %add3A_317 : i32 to index
      %get3A_319 = arith.constant 0 : index
      %get3A_320 = tpu.vector_load %arg8[%get3A_318, %get3A_319] {strides = array<i32>} : memref<96x256xf32, #tpu.memory_space<vmem>>, vector<1x16xf32>,
      %get3A_321 = vector.shape_cast %get3A_320 : vector<1x16xf32> to vector<16xf32>
      %add3A_322 = arith.constant 2 : i32
      %add3A_323 = arith.addi %mul3A_236, %add3A_322 : i32
      %get3A_324 = arith.index_cast %add3A_323 : i32 to index
      %get3A_325 = arith.constant 16 : index
      %get3A_326 = tpu.vector_load %arg8[%get3A_324, %get3A_325] {strides = array<i32>} : memref<96x256xf32, #tpu.memory_space<vmem>>, vector<1x16xf32>,
      %get3A_327 = vector.shape_cast %get3A_326 : vector<1x16xf32> to vector<16xf32>
      %add3A_328 = arith.constant 2 : i32
      %add3A_329 = arith.addi %mul3A_236, %add3A_328 : i32
      %get3A_330 = arith.index_cast %add3A_329 : i32 to index
      %get3A_331 = arith.constant 32 : index
      %get3A_332 = tpu.vector_load %arg8[%get3A_330, %get3A_331] {strides = array<i32>} : memref<96x256xf32, #tpu.memory_space<vmem>>, vector<1x16xf32>,
      %get3A_333 = vector.shape_cast %get3A_332 : vector<1x16xf32> to vector<16xf32>
      %add3A_334 = arith.constant 2 : i32
      %add3A_335 = arith.addi %mul3A_236, %add3A_334 : i32
      %get3A_336 = arith.index_cast %add3A_335 : i32 to index
      %get3A_337 = arith.constant 48 : index
      %get3A_338 = tpu.vector_load %arg8[%get3A_336, %get3A_337] {strides = array<i32>} : memref<96x256xf32, #tpu.memory_space<vmem>>, vector<1x16xf32>,
      %get3A_339 = vector.shape_cast %get3A_338 : vector<1x16xf32> to vector<16xf32>
      %add3A_340 = arith.constant 2 : i32
      %add3A_341 = arith.addi %mul3A_236, %add3A_340 : i32
      %get3A_342 = arith.index_cast %add3A_341 : i32 to index
      %get3A_343 = arith.constant 64 : index
      %get3A_344 = tpu.vector_load %arg8[%get3A_342, %get3A_343] {strides = array<i32>} : memref<96x256xf32, #tpu.memory_space<vmem>>, vector<1x16xf32>,
      %get3A_345 = vector.shape_cast %get3A_344 : vector<1x16xf32> to vector<16xf32>
      %add3A_346 = arith.constant 2 : i32
      %add3A_347 = arith.addi %mul3A_236, %add3A_346 : i32
      %get3A_348 = arith.index_cast %add3A_347 : i32 to index
      %get3A_349 = arith.constant 80 : index
      %get3A_350 = tpu.vector_load %arg8[%get3A_348, %get3A_349] {strides = array<i32>} : memref<96x256xf32, #tpu.memory_space<vmem>>, vector<1x16xf32>,
      %get3A_351 = vector.shape_cast %get3A_350 : vector<1x16xf32> to vector<16xf32>
      %add3A_352 = arith.constant 2 : i32
      %add3A_353 = arith.addi %mul3A_236, %add3A_352 : i32
      %get3A_354 = arith.index_cast %add3A_353 : i32 to index
      %get3A_355 = arith.constant 96 : index
      %get3A_356 = tpu.vector_load %arg8[%get3A_354, %get3A_355] {strides = array<i32>} : memref<96x256xf32, #tpu.memory_space<vmem>>, vector<1x16xf32>,
      %get3A_357 = vector.shape_cast %get3A_356 : vector<1x16xf32> to vector<16xf32>
      %add3A_358 = arith.constant 2 : i32
      %add3A_359 = arith.addi %mul3A_236, %add3A_358 : i32
      %get3A_360 = arith.index_cast %add3A_359 : i32 to index
      %get3A_361 = arith.constant 112 : index
      %get3A_362 = tpu.vector_load %arg8[%get3A_360, %get3A_361] {strides = array<i32>} : memref<96x256xf32, #tpu.memory_space<vmem>>, vector<1x16xf32>,
      %get3A_363 = vector.shape_cast %get3A_362 : vector<1x16xf32> to vector<16xf32>
      %add3A_364 = arith.addf %get3A_239, %get3A_273 : vector<16xf32>
      %add3A_365 = arith.addf %add3A_364, %get3A_321 : vector<16xf32>
      %mul3A_366 = arith.constant 0.333333343 : f32
      %mul3A_367 = vector.broadcast %mul3A_366 : f32 to vector<16xf32>
      %mul3A_368 = arith.mulf %add3A_365, %mul3A_367 : vector<16xf32>
      %swap3A = arith.index_cast %scan3A_234 : i32 to index
      %swap3A_369 = arith.constant 0 : index
      %swap3A_370 = tpu.vector_load %arg11[%swap3A, %swap3A_369] {strides = array<i32>} : memref<32x516xf32, #tpu.memory_space<vmem>>, vector<1x16xf32>,
      %swap3A_371 = vector.shape_cast %swap3A_370 : vector<1x16xf32> to vector<16xf32>
      %swap3A_372 = vector.shape_cast %mul3A_368 : vector<16xf32> to vector<1x16xf32>
      tpu.vector_store %arg11[%swap3A, %swap3A_369], %swap3A_372 {strides = array<i32>} : memref<32x516xf32, #tpu.memory_space<vmem>>, vector<1x16xf32>,
      %add3A_373 = arith.addf %get3A_243, %get3A_279 : vector<16xf32>
      %add3A_374 = arith.addf %add3A_373, %get3A_327 : vector<16xf32>
      %mul3A_375 = arith.constant 0.333333343 : f32
      %mul3A_376 = vector.broadcast %mul3A_375 : f32 to vector<16xf32>
      %mul3A_377 = arith.mulf %add3A_374, %mul3A_376 : vector<16xf32>
      %swap3A_378 = arith.index_cast %scan3A_234 : i32 to index
      %swap3A_379 = arith.constant 16 : index
      %swap3A_380 = tpu.vector_load %arg11[%swap3A_378, %swap3A_379] {strides = array<i32>} : memref<32x516xf32, #tpu.memory_space<vmem>>, vector<1x16xf32>,
      %swap3A_381 = vector.shape_cast %swap3A_380 : vector<1x16xf32> to vector<16xf32>
      %swap3A_382 = vector.shape_cast %mul3A_377 : vector<16xf32> to vector<1x16xf32>
      tpu.vector_store %arg11[%swap3A_378, %swap3A_379], %swap3A_382 {strides = array<i32>} : memref<32x516xf32, #tpu.memory_space<vmem>>, vector<1x16xf32>,
      %add3A_383 = arith.addf %get3A_247, %get3A_285 : vector<16xf32>
      %add3A_384 = arith.addf %add3A_383, %get3A_333 : vector<16xf32>
      %mul3A_385 = arith.constant 0.333333343 : f32
      %mul3A_386 = vector.broadcast %mul3A_385 : f32 to vector<16xf32>
      %mul3A_387 = arith.mulf %add3A_384, %mul3A_386 : vector<16xf32>
      %swap3A_388 = arith.index_cast %scan3A_234 : i32 to index
      %swap3A_389 = arith.constant 32 : index
      %swap3A_390 = tpu.vector_load %arg11[%swap3A_388, %swap3A_389] {strides = array<i32>} : memref<32x516xf32, #tpu.memory_space<vmem>>, vector<1x16xf32>,
      %swap3A_391 = vector.shape_cast %swap3A_390 : vector<1x16xf32> to vector<16xf32>
      %swap3A_392 = vector.shape_cast %mul3A_387 : vector<16xf32> to vector<1x16xf32>
      tpu.vector_store %arg11[%swap3A_388, %swap3A_389], %swap3A_392 {strides = array<i32>} : memref<32x516xf32, #tpu.memory_space<vmem>>, vector<1x16xf32>,
      %add3A_393 = arith.addf %get3A_251, %get3A_291 : vector<16xf32>
      %add3A_394 = arith.addf %add3A_393, %get3A_339 : vector<16xf32>
      %mul3A_395 = arith.constant 0.333333343 : f32
      %mul3A_396 = vector.broadcast %mul3A_395 : f32 to vector<16xf32>
      %mul3A_397 = arith.mulf %add3A_394, %mul3A_396 : vector<16xf32>
      %swap3A_398 = arith.index_cast %scan3A_234 : i32 to index
      %swap3A_399 = arith.constant 48 : index
      %swap3A_400 = tpu.vector_load %arg11[%swap3A_398, %swap3A_399] {strides = array<i32>} : memref<32x516xf32, #tpu.memory_space<vmem>>, vector<1x16xf32>,
      %swap3A_401 = vector.shape_cast %swap3A_400 : vector<1x16xf32> to vector<16xf32>
      %swap3A_402 = vector.shape_cast %mul3A_397 : vector<16xf32> to vector<1x16xf32>
      tpu.vector_store %arg11[%swap3A_398, %swap3A_399], %swap3A_402 {strides = array<i32>} : memref<32x516xf32, #tpu.memory_space<vmem>>, vector<1x16xf32>,
      %add3A_403 = arith.addf %get3A_255, %get3A_297 : vector<16xf32>
      %add3A_404 = arith.addf %add3A_403, %get3A_345 : vector<16xf32>
      %mul3A_405 = arith.constant 0.333333343 : f32
      %mul3A_406 = vector.broadcast %mul3A_405 : f32 to vector<16xf32>
      %mul3A_407 = arith.mulf %add3A_404, %mul3A_406 : vector<16xf32>
      %swap3A_408 = arith.index_cast %scan3A_234 : i32 to index
      %swap3A_409 = arith.constant 64 : index
      %swap3A_410 = tpu.vector_load %arg11[%swap3A_408, %swap3A_409] {strides = array<i32>} : memref<32x516xf32, #tpu.memory_space<vmem>>, vector<1x16xf32>,
      %swap3A_411 = vector.shape_cast %swap3A_410 : vector<1x16xf32> to vector<16xf32>
      %swap3A_412 = vector.shape_cast %mul3A_407 : vector<16xf32> to vector<1x16xf32>
      tpu.vector_store %arg11[%swap3A_408, %swap3A_409], %swap3A_412 {strides = array<i32>} : memref<32x516xf32, #tpu.memory_space<vmem>>, vector<1x16xf32>,
      %add3A_413 = arith.addf %get3A_259, %get3A_303 : vector<16xf32>
      %add3A_414 = arith.addf %add3A_413, %get3A_351 : vector<16xf32>
      %mul3A_415 = arith.constant 0.333333343 : f32
      %mul3A_416 = vector.broadcast %mul3A_415 : f32 to vector<16xf32>
      %mul3A_417 = arith.mulf %add3A_414, %mul3A_416 : vector<16xf32>
      %swap3A_418 = arith.index_cast %scan3A_234 : i32 to index
      %swap3A_419 = arith.constant 80 : index
      %swap3A_420 = tpu.vector_load %arg11[%swap3A_418, %swap3A_419] {strides = array<i32>} : memref<32x516xf32, #tpu.memory_space<vmem>>, vector<1x16xf32>,
      %swap3A_421 = vector.shape_cast %swap3A_420 : vector<1x16xf32> to vector<16xf32>
      %swap3A_422 = vector.shape_cast %mul3A_417 : vector<16xf32> to vector<1x16xf32>
      tpu.vector_store %arg11[%swap3A_418, %swap3A_419], %swap3A_422 {strides = array<i32>} : memref<32x516xf32, #tpu.memory_space<vmem>>, vector<1x16xf32>,
      %add3A_423 = arith.addf %get3A_263, %get3A_309 : vector<16xf32>
      %add3A_424 = arith.addf %add3A_423, %get3A_357 : vector<16xf32>
      %mul3A_425 = arith.constant 0.333333343 : f32
      %mul3A_426 = vector.broadcast %mul3A_425 : f32 to vector<16xf32>
      %mul3A_427 = arith.mulf %add3A_424, %mul3A_426 : vector<16xf32>
      %swap3A_428 = arith.index_cast %scan3A_234 : i32 to index
      %swap3A_429 = arith.constant 96 : index
      %swap3A_430 = tpu.vector_load %arg11[%swap3A_428, %swap3A_429] {strides = array<i32>} : memref<32x516xf32, #tpu.memory_space<vmem>>, vector<1x16xf32>,
      %swap3A_431 = vector.shape_cast %swap3A_430 : vector<1x16xf32> to vector<16xf32>
      %swap3A_432 = vector.shape_cast %mul3A_427 : vector<16xf32> to vector<1x16xf32>
      tpu.vector_store %arg11[%swap3A_428, %swap3A_429], %swap3A_432 {strides = array<i32>} : memref<32x516xf32, #tpu.memory_space<vmem>>, vector<1x16xf32>,
      %add3A_433 = arith.addf %get3A_267, %get3A_315 : vector<16xf32>
      %add3A_434 = arith.addf %add3A_433, %get3A_363 : vector<16xf32>
      %mul3A_435 = arith.constant 0.333333343 : f32
      %mul3A_436 = vector.broadcast %mul3A_435 : f32 to vector<16xf32>
      %mul3A_437 = arith.mulf %add3A_434, %mul3A_436 : vector<16xf32>
      %swap3A_438 = arith.index_cast %scan3A_234 : i32 to index
      %swap3A_439 = arith.constant 112 : index
      %swap3A_440 = tpu.vector_load %arg11[%swap3A_438, %swap3A_439] {strides = array<i32>} : memref<32x516xf32, #tpu.memory_space<vmem>>, vector<1x16xf32>,
      %swap3A_441 = vector.shape_cast %swap3A_440 : vector<1x16xf32> to vector<16xf32>
      %swap3A_442 = vector.shape_cast %mul3A_437 : vector<16xf32> to vector<1x16xf32>
      tpu.vector_store %arg11[%swap3A_438, %swap3A_439], %swap3A_442 {strides = array<i32>} : memref<32x516xf32, #tpu.memory_space<vmem>>, vector<1x16xf32>,
      %get3A_443 = arith.index_cast %mul3A_236 : i32 to index
      %get3A_444 = arith.constant 128 : index
      %get3A_445 = tpu.vector_load %arg8[%get3A_443, %get3A_444] {strides = array<i32>} : memref<96x256xf32, #tpu.memory_space<vmem>>, vector<1x16xf32>,
      %get3A_446 = vector.shape_cast %get3A_445 : vector<1x16xf32> to vector<16xf32>
      %get3A_447 = arith.index_cast %mul3A_236 : i32 to index
      %get3A_448 = arith.constant 144 : index
      %get3A_449 = tpu.vector_load %arg8[%get3A_447, %get3A_448] {strides = array<i32>} : memref<96x256xf32, #tpu.memory_space<vmem>>, vector<1x16xf32>,
      %get3A_450 = vector.shape_cast %get3A_449 : vector<1x16xf32> to vector<16xf32>
      %get3A_451 = arith.index_cast %mul3A_236 : i32 to index
      %get3A_452 = arith.constant 160 : index
      %get3A_453 = tpu.vector_load %arg8[%get3A_451, %get3A_452] {strides = array<i32>} : memref<96x256xf32, #tpu.memory_space<vmem>>, vector<1x16xf32>,
      %get3A_454 = vector.shape_cast %get3A_453 : vector<1x16xf32> to vector<16xf32>
      %get3A_455 = arith.index_cast %mul3A_236 : i32 to index
      %get3A_456 = arith.constant 176 : index
      %get3A_457 = tpu.vector_load %arg8[%get3A_455, %get3A_456] {strides = array<i32>} : memref<96x256xf32, #tpu.memory_space<vmem>>, vector<1x16xf32>,
      %get3A_458 = vector.shape_cast %get3A_457 : vector<1x16xf32> to vector<16xf32>
      %get3A_459 = arith.index_cast %mul3A_236 : i32 to index
      %get3A_460 = arith.constant 192 : index
      %get3A_461 = tpu.vector_load %arg8[%get3A_459, %get3A_460] {strides = array<i32>} : memref<96x256xf32, #tpu.memory_space<vmem>>, vector<1x16xf32>,
      %get3A_462 = vector.shape_cast %get3A_461 : vector<1x16xf32> to vector<16xf32>
      %get3A_463 = arith.index_cast %mul3A_236 : i32 to index
      %get3A_464 = arith.constant 208 : index
      %get3A_465 = tpu.vector_load %arg8[%get3A_463, %get3A_464] {strides = array<i32>} : memref<96x256xf32, #tpu.memory_space<vmem>>, vector<1x16xf32>,
      %get3A_466 = vector.shape_cast %get3A_465 : vector<1x16xf32> to vector<16xf32>
      %get3A_467 = arith.index_cast %mul3A_236 : i32 to index
      %get3A_468 = arith.constant 224 : index
      %get3A_469 = tpu.vector_load %arg8[%get3A_467, %get3A_468] {strides = array<i32>} : memref<96x256xf32, #tpu.memory_space<vmem>>, vector<1x16xf32>,
      %get3A_470 = vector.shape_cast %get3A_469 : vector<1x16xf32> to vector<16xf32>
      %get3A_471 = arith.index_cast %mul3A_236 : i32 to index
      %get3A_472 = arith.constant 240 : index
      %get3A_473 = tpu.vector_load %arg8[%get3A_471, %get3A_472] {strides = array<i32>} : memref<96x256xf32, #tpu.memory_space<vmem>>, vector<1x16xf32>,
      %get3A_474 = vector.shape_cast %get3A_473 : vector<1x16xf32> to vector<16xf32>
      %add3A_475 = arith.constant 1 : i32
      %add3A_476 = arith.addi %mul3A_236, %add3A_475 : i32
      %get3A_477 = arith.index_cast %add3A_476 : i32 to index
      %get3A_478 = arith.constant 128 : index
      %get3A_479 = tpu.vector_load %arg8[%get3A_477, %get3A_478] {strides = array<i32>} : memref<96x256xf32, #tpu.memory_space<vmem>>, vector<1x16xf32>,
      %get3A_480 = vector.shape_cast %get3A_479 : vector<1x16xf32> to vector<16xf32>
      %add3A_481 = arith.constant 1 : i32
      %add3A_482 = arith.addi %mul3A_236, %add3A_481 : i32
      %get3A_483 = arith.index_cast %add3A_482 : i32 to index
      %get3A_484 = arith.constant 144 : index
      %get3A_485 = tpu.vector_load %arg8[%get3A_483, %get3A_484] {strides = array<i32>} : memref<96x256xf32, #tpu.memory_space<vmem>>, vector<1x16xf32>,
      %get3A_486 = vector.shape_cast %get3A_485 : vector<1x16xf32> to vector<16xf32>
      %add3A_487 = arith.constant 1 : i32
      %add3A_488 = arith.addi %mul3A_236, %add3A_487 : i32
      %get3A_489 = arith.index_cast %add3A_488 : i32 to index
      %get3A_490 = arith.constant 160 : index
      %get3A_491 = tpu.vector_load %arg8[%get3A_489, %get3A_490] {strides = array<i32>} : memref<96x256xf32, #tpu.memory_space<vmem>>, vector<1x16xf32>,
      %get3A_492 = vector.shape_cast %get3A_491 : vector<1x16xf32> to vector<16xf32>
      %add3A_493 = arith.constant 1 : i32
      %add3A_494 = arith.addi %mul3A_236, %add3A_493 : i32
      %get3A_495 = arith.index_cast %add3A_494 : i32 to index
      %get3A_496 = arith.constant 176 : index
      %get3A_497 = tpu.vector_load %arg8[%get3A_495, %get3A_496] {strides = array<i32>} : memref<96x256xf32, #tpu.memory_space<vmem>>, vector<1x16xf32>,
      %get3A_498 = vector.shape_cast %get3A_497 : vector<1x16xf32> to vector<16xf32>
      %add3A_499 = arith.constant 1 : i32
      %add3A_500 = arith.addi %mul3A_236, %add3A_499 : i32
      %get3A_501 = arith.index_cast %add3A_500 : i32 to index
      %get3A_502 = arith.constant 192 : index
      %get3A_503 = tpu.vector_load %arg8[%get3A_501, %get3A_502] {strides = array<i32>} : memref<96x256xf32, #tpu.memory_space<vmem>>, vector<1x16xf32>,
      %get3A_504 = vector.shape_cast %get3A_503 : vector<1x16xf32> to vector<16xf32>
      %add3A_505 = arith.constant 1 : i32
      %add3A_506 = arith.addi %mul3A_236, %add3A_505 : i32
      %get3A_507 = arith.index_cast %add3A_506 : i32 to index
      %get3A_508 = arith.constant 208 : index
      %get3A_509 = tpu.vector_load %arg8[%get3A_507, %get3A_508] {strides = array<i32>} : memref<96x256xf32, #tpu.memory_space<vmem>>, vector<1x16xf32>,
      %get3A_510 = vector.shape_cast %get3A_509 : vector<1x16xf32> to vector<16xf32>
      %add3A_511 = arith.constant 1 : i32
      %add3A_512 = arith.addi %mul3A_236, %add3A_511 : i32
      %get3A_513 = arith.index_cast %add3A_512 : i32 to index
      %get3A_514 = arith.constant 224 : index
      %get3A_515 = tpu.vector_load %arg8[%get3A_513, %get3A_514] {strides = array<i32>} : memref<96x256xf32, #tpu.memory_space<vmem>>, vector<1x16xf32>,
      %get3A_516 = vector.shape_cast %get3A_515 : vector<1x16xf32> to vector<16xf32>
      %add3A_517 = arith.constant 1 : i32
      %add3A_518 = arith.addi %mul3A_236, %add3A_517 : i32
      %get3A_519 = arith.index_cast %add3A_518 : i32 to index
      %get3A_520 = arith.constant 240 : index
      %get3A_521 = tpu.vector_load %arg8[%get3A_519, %get3A_520] {strides = array<i32>} : memref<96x256xf32, #tpu.memory_space<vmem>>, vector<1x16xf32>,
      %get3A_522 = vector.shape_cast %get3A_521 : vector<1x16xf32> to vector<16xf32>
      %add3A_523 = arith.constant 2 : i32
      %add3A_524 = arith.addi %mul3A_236, %add3A_523 : i32
      %get3A_525 = arith.index_cast %add3A_524 : i32 to index
      %get3A_526 = arith.constant 128 : index
      %get3A_527 = tpu.vector_load %arg8[%get3A_525, %get3A_526] {strides = array<i32>} : memref<96x256xf32, #tpu.memory_space<vmem>>, vector<1x16xf32>,
      %get3A_528 = vector.shape_cast %get3A_527 : vector<1x16xf32> to vector<16xf32>
      %add3A_529 = arith.constant 2 : i32
      %add3A_530 = arith.addi %mul3A_236, %add3A_529 : i32
      %get3A_531 = arith.index_cast %add3A_530 : i32 to index
      %get3A_532 = arith.constant 144 : index
      %get3A_533 = tpu.vector_load %arg8[%get3A_531, %get3A_532] {strides = array<i32>} : memref<96x256xf32, #tpu.memory_space<vmem>>, vector<1x16xf32>,
      %get3A_534 = vector.shape_cast %get3A_533 : vector<1x16xf32> to vector<16xf32>
      %add3A_535 = arith.constant 2 : i32
      %add3A_536 = arith.addi %mul3A_236, %add3A_535 : i32
      %get3A_537 = arith.index_cast %add3A_536 : i32 to index
      %get3A_538 = arith.constant 160 : index
      %get3A_539 = tpu.vector_load %arg8[%get3A_537, %get3A_538] {strides = array<i32>} : memref<96x256xf32, #tpu.memory_space<vmem>>, vector<1x16xf32>,
      %get3A_540 = vector.shape_cast %get3A_539 : vector<1x16xf32> to vector<16xf32>
      %add3A_541 = arith.constant 2 : i32
      %add3A_542 = arith.addi %mul3A_236, %add3A_541 : i32
      %get3A_543 = arith.index_cast %add3A_542 : i32 to index
      %get3A_544 = arith.constant 176 : index
      %get3A_545 = tpu.vector_load %arg8[%get3A_543, %get3A_544] {strides = array<i32>} : memref<96x256xf32, #tpu.memory_space<vmem>>, vector<1x16xf32>,
      %get3A_546 = vector.shape_cast %get3A_545 : vector<1x16xf32> to vector<16xf32>
      %add3A_547 = arith.constant 2 : i32
      %add3A_548 = arith.addi %mul3A_236, %add3A_547 : i32
      %get3A_549 = arith.index_cast %add3A_548 : i32 to index
      %get3A_550 = arith.constant 192 : index
      %get3A_551 = tpu.vector_load %arg8[%get3A_549, %get3A_550] {strides = array<i32>} : memref<96x256xf32, #tpu.memory_space<vmem>>, vector<1x16xf32>,
      %get3A_552 = vector.shape_cast %get3A_551 : vector<1x16xf32> to vector<16xf32>
      %add3A_553 = arith.constant 2 : i32
      %add3A_554 = arith.addi %mul3A_236, %add3A_553 : i32
      %get3A_555 = arith.index_cast %add3A_554 : i32 to index
      %get3A_556 = arith.constant 208 : index
      %get3A_557 = tpu.vector_load %arg8[%get3A_555, %get3A_556] {strides = array<i32>} : memref<96x256xf32, #tpu.memory_space<vmem>>, vector<1x16xf32>,
      %get3A_558 = vector.shape_cast %get3A_557 : vector<1x16xf32> to vector<16xf32>
      %add3A_559 = arith.constant 2 : i32
      %add3A_560 = arith.addi %mul3A_236, %add3A_559 : i32
      %get3A_561 = arith.index_cast %add3A_560 : i32 to index
      %get3A_562 = arith.constant 224 : index
      %get3A_563 = tpu.vector_load %arg8[%get3A_561, %get3A_562] {strides = array<i32>} : memref<96x256xf32, #tpu.memory_space<vmem>>, vector<1x16xf32>,
      %get3A_564 = vector.shape_cast %get3A_563 : vector<1x16xf32> to vector<16xf32>
      %add3A_565 = arith.constant 2 : i32
      %add3A_566 = arith.addi %mul3A_236, %add3A_565 : i32
      %get3A_567 = arith.index_cast %add3A_566 : i32 to index
      %get3A_568 = arith.constant 240 : index
      %get3A_569 = tpu.vector_load %arg8[%get3A_567, %get3A_568] {strides = array<i32>} : memref<96x256xf32, #tpu.memory_space<vmem>>, vector<1x16xf32>,
      %get3A_570 = vector.shape_cast %get3A_569 : vector<1x16xf32> to vector<16xf32>
      %add3A_571 = arith.addf %get3A_446, %get3A_480 : vector<16xf32>
      %add3A_572 = arith.addf %add3A_571, %get3A_528 : vector<16xf32>
      %mul3A_573 = arith.constant 0.333333343 : f32
      %mul3A_574 = vector.broadcast %mul3A_573 : f32 to vector<16xf32>
      %mul3A_575 = arith.mulf %add3A_572, %mul3A_574 : vector<16xf32>
      %swap3A_576 = arith.index_cast %scan3A_234 : i32 to index
      %swap3A_577 = arith.constant 128 : index
      %swap3A_578 = tpu.vector_load %arg11[%swap3A_576, %swap3A_577] {strides = array<i32>} : memref<32x516xf32, #tpu.memory_space<vmem>>, vector<1x16xf32>,
      %swap3A_579 = vector.shape_cast %swap3A_578 : vector<1x16xf32> to vector<16xf32>
      %swap3A_580 = vector.shape_cast %mul3A_575 : vector<16xf32> to vector<1x16xf32>
      tpu.vector_store %arg11[%swap3A_576, %swap3A_577], %swap3A_580 {strides = array<i32>} : memref<32x516xf32, #tpu.memory_space<vmem>>, vector<1x16xf32>,
      %add3A_581 = arith.addf %get3A_450, %get3A_486 : vector<16xf32>
      %add3A_582 = arith.addf %add3A_581, %get3A_534 : vector<16xf32>
      %mul3A_583 = arith.constant 0.333333343 : f32
      %mul3A_584 = vector.broadcast %mul3A_583 : f32 to vector<16xf32>
      %mul3A_585 = arith.mulf %add3A_582, %mul3A_584 : vector<16xf32>
      %swap3A_586 = arith.index_cast %scan3A_234 : i32 to index
      %swap3A_587 = arith.constant 144 : index
      %swap3A_588 = tpu.vector_load %arg11[%swap3A_586, %swap3A_587] {strides = array<i32>} : memref<32x516xf32, #tpu.memory_space<vmem>>, vector<1x16xf32>,
      %swap3A_589 = vector.shape_cast %swap3A_588 : vector<1x16xf32> to vector<16xf32>
      %swap3A_590 = vector.shape_cast %mul3A_585 : vector<16xf32> to vector<1x16xf32>
      tpu.vector_store %arg11[%swap3A_586, %swap3A_587], %swap3A_590 {strides = array<i32>} : memref<32x516xf32, #tpu.memory_space<vmem>>, vector<1x16xf32>,
      %add3A_591 = arith.addf %get3A_454, %get3A_492 : vector<16xf32>
      %add3A_592 = arith.addf %add3A_591, %get3A_540 : vector<16xf32>
      %mul3A_593 = arith.constant 0.333333343 : f32
      %mul3A_594 = vector.broadcast %mul3A_593 : f32 to vector<16xf32>
      %mul3A_595 = arith.mulf %add3A_592, %mul3A_594 : vector<16xf32>
      %swap3A_596 = arith.index_cast %scan3A_234 : i32 to index
      %swap3A_597 = arith.constant 160 : index
      %swap3A_598 = tpu.vector_load %arg11[%swap3A_596, %swap3A_597] {strides = array<i32>} : memref<32x516xf32, #tpu.memory_space<vmem>>, vector<1x16xf32>,
      %swap3A_599 = vector.shape_cast %swap3A_598 : vector<1x16xf32> to vector<16xf32>
      %swap3A_600 = vector.shape_cast %mul3A_595 : vector<16xf32> to vector<1x16xf32>
      tpu.vector_store %arg11[%swap3A_596, %swap3A_597], %swap3A_600 {strides = array<i32>} : memref<32x516xf32, #tpu.memory_space<vmem>>, vector<1x16xf32>,
      %add3A_601 = arith.addf %get3A_458, %get3A_498 : vector<16xf32>
      %add3A_602 = arith.addf %add3A_601, %get3A_546 : vector<16xf32>
      %mul3A_603 = arith.constant 0.333333343 : f32
      %mul3A_604 = vector.broadcast %mul3A_603 : f32 to vector<16xf32>
      %mul3A_605 = arith.mulf %add3A_602, %mul3A_604 : vector<16xf32>
      %swap3A_606 = arith.index_cast %scan3A_234 : i32 to index
      %swap3A_607 = arith.constant 176 : index
      %swap3A_608 = tpu.vector_load %arg11[%swap3A_606, %swap3A_607] {strides = array<i32>} : memref<32x516xf32, #tpu.memory_space<vmem>>, vector<1x16xf32>,
      %swap3A_609 = vector.shape_cast %swap3A_608 : vector<1x16xf32> to vector<16xf32>
      %swap3A_610 = vector.shape_cast %mul3A_605 : vector<16xf32> to vector<1x16xf32>
      tpu.vector_store %arg11[%swap3A_606, %swap3A_607], %swap3A_610 {strides = array<i32>} : memref<32x516xf32, #tpu.memory_space<vmem>>, vector<1x16xf32>,
      %add3A_611 = arith.addf %get3A_462, %get3A_504 : vector<16xf32>
      %add3A_612 = arith.addf %add3A_611, %get3A_552 : vector<16xf32>
      %mul3A_613 = arith.constant 0.333333343 : f32
      %mul3A_614 = vector.broadcast %mul3A_613 : f32 to vector<16xf32>
      %mul3A_615 = arith.mulf %add3A_612, %mul3A_614 : vector<16xf32>
      %swap3A_616 = arith.index_cast %scan3A_234 : i32 to index
      %swap3A_617 = arith.constant 192 : index
      %swap3A_618 = tpu.vector_load %arg11[%swap3A_616, %swap3A_617] {strides = array<i32>} : memref<32x516xf32, #tpu.memory_space<vmem>>, vector<1x16xf32>,
      %swap3A_619 = vector.shape_cast %swap3A_618 : vector<1x16xf32> to vector<16xf32>
      %swap3A_620 = vector.shape_cast %mul3A_615 : vector<16xf32> to vector<1x16xf32>
      tpu.vector_store %arg11[%swap3A_616, %swap3A_617], %swap3A_620 {strides = array<i32>} : memref<32x516xf32, #tpu.memory_space<vmem>>, vector<1x16xf32>,
      %add3A_621 = arith.addf %get3A_466, %get3A_510 : vector<16xf32>
      %add3A_622 = arith.addf %add3A_621, %get3A_558 : vector<16xf32>
      %mul3A_623 = arith.constant 0.333333343 : f32
      %mul3A_624 = vector.broadcast %mul3A_623 : f32 to vector<16xf32>
      %mul3A_625 = arith.mulf %add3A_622, %mul3A_624 : vector<16xf32>
      %swap3A_626 = arith.index_cast %scan3A_234 : i32 to index
      %swap3A_627 = arith.constant 208 : index
      %swap3A_628 = tpu.vector_load %arg11[%swap3A_626, %swap3A_627] {strides = array<i32>} : memref<32x516xf32, #tpu.memory_space<vmem>>, vector<1x16xf32>,
      %swap3A_629 = vector.shape_cast %swap3A_628 : vector<1x16xf32> to vector<16xf32>
      %swap3A_630 = vector.shape_cast %mul3A_625 : vector<16xf32> to vector<1x16xf32>
      tpu.vector_store %arg11[%swap3A_626, %swap3A_627], %swap3A_630 {strides = array<i32>} : memref<32x516xf32, #tpu.memory_space<vmem>>, vector<1x16xf32>,
      %add3A_631 = arith.addf %get3A_470, %get3A_516 : vector<16xf32>
      %add3A_632 = arith.addf %add3A_631, %get3A_564 : vector<16xf32>
      %mul3A_633 = arith.constant 0.333333343 : f32
      %mul3A_634 = vector.broadcast %mul3A_633 : f32 to vector<16xf32>
      %mul3A_635 = arith.mulf %add3A_632, %mul3A_634 : vector<16xf32>
      %swap3A_636 = arith.index_cast %scan3A_234 : i32 to index
      %swap3A_637 = arith.constant 224 : index
      %swap3A_638 = tpu.vector_load %arg11[%swap3A_636, %swap3A_637] {strides = array<i32>} : memref<32x516xf32, #tpu.memory_space<vmem>>, vector<1x16xf32>,
      %swap3A_639 = vector.shape_cast %swap3A_638 : vector<1x16xf32> to vector<16xf32>
      %swap3A_640 = vector.shape_cast %mul3A_635 : vector<16xf32> to vector<1x16xf32>
      tpu.vector_store %arg11[%swap3A_636, %swap3A_637], %swap3A_640 {strides = array<i32>} : memref<32x516xf32, #tpu.memory_space<vmem>>, vector<1x16xf32>,
      %add3A_641 = arith.addf %get3A_474, %get3A_522 : vector<16xf32>
      %add3A_642 = arith.addf %add3A_641, %get3A_570 : vector<16xf32>
      %mul3A_643 = arith.constant 0.333333343 : f32
      %mul3A_644 = vector.broadcast %mul3A_643 : f32 to vector<16xf32>
      %mul3A_645 = arith.mulf %add3A_642, %mul3A_644 : vector<16xf32>
      %swap3A_646 = arith.index_cast %scan3A_234 : i32 to index
      %swap3A_647 = arith.constant 240 : index
      %swap3A_648 = tpu.vector_load %arg11[%swap3A_646, %swap3A_647] {strides = array<i32>} : memref<32x516xf32, #tpu.memory_space<vmem>>, vector<1x16xf32>,
      %swap3A_649 = vector.shape_cast %swap3A_648 : vector<1x16xf32> to vector<16xf32>
      %swap3A_650 = vector.shape_cast %mul3A_645 : vector<16xf32> to vector<1x16xf32>
      tpu.vector_store %arg11[%swap3A_646, %swap3A_647], %swap3A_650 {strides = array<i32>} : memref<32x516xf32, #tpu.memory_space<vmem>>, vector<1x16xf32>,
    }
    %scan3A_73 = arith.constant 32 : i32
    %add3A_74 = arith.constant 32 : i32
    %add3A_75 = arith.addi %mul3A_2, %add3A_74 : i32
    %dma_start3A_76 = arith.constant 0 : i32
    %dma_start3A_77 = tpu.memref_slice %arg5[%add3A_75, %dma_start3A_76] : memref<8192x516xf32, #tpu.memory_space<hbm>> -> memref<32x516xf32, #tpu.memory_space<hbm>>
    %dma_start3A_78 = arith.constant 0 : i32
    %dma_start3A_79 = tpu.memref_slice %arg5[%add3A_75, %dma_start3A_78] : memref<8192x516xf32, #tpu.memory_space<hbm>> -> memref<32x516xf32, #tpu.memory_space<hbm>>
    tpu.enqueue_dma source(%arg11 : memref<32x516xf32, #tpu.memory_space<vmem>>) target(%dma_start3A_79 : memref<32x516xf32, #tpu.memory_space<hbm>>) target_semaphore(%arg16 : memref<!tpu.dma_semaphore, #tpu.memory_space<semaphore_mem>>)
    %dma_start3A_80 = arith.constant 384 : i32
    %dma_start3A_81 = tpu.memref_slice %arg6[%dma_start3A_80] : memref<768xi32, #tpu.memory_space<vmem>> -> memref<96xi32, #tpu.memory_space<vmem>>
    %dma_start3A_82 = arith.constant 0 : i32
    %dma_start3A_83 = arith.constant 0 : i32
    %dma_start3A_84 = tpu.memref_slice %arg2[%dma_start3A_82, %dma_start3A_83] : memref<8192x256xf32, #tpu.memory_space<hbm>> -> memref<8192x256xf32, #tpu.memory_space<hbm>>
    tpu.enqueue_indirect_dma source(%dma_start3A_84 : memref<8192x256xf32, #tpu.memory_space<hbm>>) target(%arg8 : memref<96x256xf32, #tpu.memory_space<vmem>>) offsets(%dma_start3A_81 : memref<96xi32, #tpu.memory_space<vmem>>) semaphore(%arg13 : memref<!tpu.dma_semaphore, #tpu.memory_space<semaphore_mem>>)
    %dma_wait3A_85 = arith.constant 192 : i32
    %dma_wait3A_86 = tpu.memref_slice %arg6[%dma_wait3A_85] : memref<768xi32, #tpu.memory_space<vmem>> -> memref<96xi32, #tpu.memory_space<vmem>>
    %dma_wait3A_87 = arith.constant 0 : i32
    %dma_wait3A_88 = arith.constant 0 : i32
    %dma_wait3A_89 = tpu.memref_slice %arg2[%dma_wait3A_87, %dma_wait3A_88] : memref<8192x256xf32, #tpu.memory_space<hbm>> -> memref<8192x256xf32, #tpu.memory_space<hbm>>
    tpu.wait_indirect_dma semaphore(%arg14 : memref<!tpu.dma_semaphore, #tpu.memory_space<semaphore_mem>>) src(%dma_wait3A_89 : memref<8192x256xf32, #tpu.memory_space<hbm>>) dst(%arg9 : memref<96x256xf32, #tpu.memory_space<vmem>>)
    %dma_wait3A_90 = arith.constant 0 : i32
    %dma_wait3A_91 = tpu.memref_slice %arg5[%add3A_47, %dma_wait3A_90] : memref<8192x516xf32, #tpu.memory_space<hbm>> -> memref<32x516xf32, #tpu.memory_space<hbm>>
    %dma_wait3A_92 = arith.constant 0 : i32
    %dma_wait3A_93 = tpu.memref_slice %arg5[%add3A_47, %dma_wait3A_92] : memref<8192x516xf32, #tpu.memory_space<hbm>> -> memref<32x516xf32, #tpu.memory_space<hbm>>
    tpu.wait_dma2 semaphore(%arg15 : memref<!tpu.dma_semaphore, #tpu.memory_space<semaphore_mem>>) src(%arg10 : memref<32x516xf32, #tpu.memory_space<vmem>>) dst(%dma_wait3A_93 : memref<32x516xf32, #tpu.memory_space<hbm>>)
    %scan3A_94 = arith.constant 0 : i32
    %scan3A_95 = arith.constant 0 : i32
    %scan3A_96 = arith.constant 32 : i32
    %scan3A_97 = arith.addi %scan3A_95, %scan3A_96 : i32
    %scan3A_98 = arith.constant 1 : i32
    scf.for %scan3A_234 = %scan3A_95 to %scan3A_97 step %scan3A_98  : i32 {
      %mul3A_235 = arith.constant 3 : i32
      %mul3A_236 = arith.muli %scan3A_234, %mul3A_235 : i32
      %get3A = arith.index_cast %mul3A_236 : i32 to index
      %get3A_237 = arith.constant 0 : index
      %get3A_238 = tpu.vector_load %arg9[%get3A, %get3A_237] {strides = array<i32>} : memref<96x256xf32, #tpu.memory_space<vmem>>, vector<1x16xf32>,
      %get3A_239 = vector.shape_cast %get3A_238 : vector<1x16xf32> to vector<16xf32>
      %get3A_240 = arith.index_cast %mul3A_236 : i32 to index
      %get3A_241 = arith.constant 16 : index
      %get3A_242 = tpu.vector_load %arg9[%get3A_240, %get3A_241] {strides = array<i32>} : memref<96x256xf32, #tpu.memory_space<vmem>>, vector<1x16xf32>,
      %get3A_243 = vector.shape_cast %get3A_242 : vector<1x16xf32> to vector<16xf32>
      %get3A_244 = arith.index_cast %mul3A_236 : i32 to index
      %get3A_245 = arith.constant 32 : index
      %get3A_246 = tpu.vector_load %arg9[%get3A_244, %get3A_245] {strides = array<i32>} : memref<96x256xf32, #tpu.memory_space<vmem>>, vector<1x16xf32>,
      %get3A_247 = vector.shape_cast %get3A_246 : vector<1x16xf32> to vector<16xf32>
      %get3A_248 = arith.index_cast %mul3A_236 : i32 to index
      %get3A_249 = arith.constant 48 : index
      %get3A_250 = tpu.vector_load %arg9[%get3A_248, %get3A_249] {strides = array<i32>} : memref<96x256xf32, #tpu.memory_space<vmem>>, vector<1x16xf32>,
      %get3A_251 = vector.shape_cast %get3A_250 : vector<1x16xf32> to vector<16xf32>
      %get3A_252 = arith.index_cast %mul3A_236 : i32 to index
      %get3A_253 = arith.constant 64 : index
      %get3A_254 = tpu.vector_load %arg9[%get3A_252, %get3A_253] {strides = array<i32>} : memref<96x256xf32, #tpu.memory_space<vmem>>, vector<1x16xf32>,
      %get3A_255 = vector.shape_cast %get3A_254 : vector<1x16xf32> to vector<16xf32>
      %get3A_256 = arith.index_cast %mul3A_236 : i32 to index
      %get3A_257 = arith.constant 80 : index
      %get3A_258 = tpu.vector_load %arg9[%get3A_256, %get3A_257] {strides = array<i32>} : memref<96x256xf32, #tpu.memory_space<vmem>>, vector<1x16xf32>,
      %get3A_259 = vector.shape_cast %get3A_258 : vector<1x16xf32> to vector<16xf32>
      %get3A_260 = arith.index_cast %mul3A_236 : i32 to index
      %get3A_261 = arith.constant 96 : index
      %get3A_262 = tpu.vector_load %arg9[%get3A_260, %get3A_261] {strides = array<i32>} : memref<96x256xf32, #tpu.memory_space<vmem>>, vector<1x16xf32>,
      %get3A_263 = vector.shape_cast %get3A_262 : vector<1x16xf32> to vector<16xf32>
      %get3A_264 = arith.index_cast %mul3A_236 : i32 to index
      %get3A_265 = arith.constant 112 : index
      %get3A_266 = tpu.vector_load %arg9[%get3A_264, %get3A_265] {strides = array<i32>} : memref<96x256xf32, #tpu.memory_space<vmem>>, vector<1x16xf32>,
      %get3A_267 = vector.shape_cast %get3A_266 : vector<1x16xf32> to vector<16xf32>
      %add3A_268 = arith.constant 1 : i32
      %add3A_269 = arith.addi %mul3A_236, %add3A_268 : i32
      %get3A_270 = arith.index_cast %add3A_269 : i32 to index
      %get3A_271 = arith.constant 0 : index
      %get3A_272 = tpu.vector_load %arg9[%get3A_270, %get3A_271] {strides = array<i32>} : memref<96x256xf32, #tpu.memory_space<vmem>>, vector<1x16xf32>,
      %get3A_273 = vector.shape_cast %get3A_272 : vector<1x16xf32> to vector<16xf32>
      %add3A_274 = arith.constant 1 : i32
      %add3A_275 = arith.addi %mul3A_236, %add3A_274 : i32
      %get3A_276 = arith.index_cast %add3A_275 : i32 to index
      %get3A_277 = arith.constant 16 : index
      %get3A_278 = tpu.vector_load %arg9[%get3A_276, %get3A_277] {strides = array<i32>} : memref<96x256xf32, #tpu.memory_space<vmem>>, vector<1x16xf32>,
      %get3A_279 = vector.shape_cast %get3A_278 : vector<1x16xf32> to vector<16xf32>
      %add3A_280 = arith.constant 1 : i32
      %add3A_281 = arith.addi %mul3A_236, %add3A_280 : i32
      %get3A_282 = arith.index_cast %add3A_281 : i32 to index
      %get3A_283 = arith.constant 32 : index
      %get3A_284 = tpu.vector_load %arg9[%get3A_282, %get3A_283] {strides = array<i32>} : memref<96x256xf32, #tpu.memory_space<vmem>>, vector<1x16xf32>,
      %get3A_285 = vector.shape_cast %get3A_284 : vector<1x16xf32> to vector<16xf32>
      %add3A_286 = arith.constant 1 : i32
      %add3A_287 = arith.addi %mul3A_236, %add3A_286 : i32
      %get3A_288 = arith.index_cast %add3A_287 : i32 to index
      %get3A_289 = arith.constant 48 : index
      %get3A_290 = tpu.vector_load %arg9[%get3A_288, %get3A_289] {strides = array<i32>} : memref<96x256xf32, #tpu.memory_space<vmem>>, vector<1x16xf32>,
      %get3A_291 = vector.shape_cast %get3A_290 : vector<1x16xf32> to vector<16xf32>
      %add3A_292 = arith.constant 1 : i32
      %add3A_293 = arith.addi %mul3A_236, %add3A_292 : i32
      %get3A_294 = arith.index_cast %add3A_293 : i32 to index
      %get3A_295 = arith.constant 64 : index
      %get3A_296 = tpu.vector_load %arg9[%get3A_294, %get3A_295] {strides = array<i32>} : memref<96x256xf32, #tpu.memory_space<vmem>>, vector<1x16xf32>,
      %get3A_297 = vector.shape_cast %get3A_296 : vector<1x16xf32> to vector<16xf32>
      %add3A_298 = arith.constant 1 : i32
      %add3A_299 = arith.addi %mul3A_236, %add3A_298 : i32
      %get3A_300 = arith.index_cast %add3A_299 : i32 to index
      %get3A_301 = arith.constant 80 : index
      %get3A_302 = tpu.vector_load %arg9[%get3A_300, %get3A_301] {strides = array<i32>} : memref<96x256xf32, #tpu.memory_space<vmem>>, vector<1x16xf32>,
      %get3A_303 = vector.shape_cast %get3A_302 : vector<1x16xf32> to vector<16xf32>
      %add3A_304 = arith.constant 1 : i32
      %add3A_305 = arith.addi %mul3A_236, %add3A_304 : i32
      %get3A_306 = arith.index_cast %add3A_305 : i32 to index
      %get3A_307 = arith.constant 96 : index
      %get3A_308 = tpu.vector_load %arg9[%get3A_306, %get3A_307] {strides = array<i32>} : memref<96x256xf32, #tpu.memory_space<vmem>>, vector<1x16xf32>,
      %get3A_309 = vector.shape_cast %get3A_308 : vector<1x16xf32> to vector<16xf32>
      %add3A_310 = arith.constant 1 : i32
      %add3A_311 = arith.addi %mul3A_236, %add3A_310 : i32
      %get3A_312 = arith.index_cast %add3A_311 : i32 to index
      %get3A_313 = arith.constant 112 : index
      %get3A_314 = tpu.vector_load %arg9[%get3A_312, %get3A_313] {strides = array<i32>} : memref<96x256xf32, #tpu.memory_space<vmem>>, vector<1x16xf32>,
      %get3A_315 = vector.shape_cast %get3A_314 : vector<1x16xf32> to vector<16xf32>
      %add3A_316 = arith.constant 2 : i32
      %add3A_317 = arith.addi %mul3A_236, %add3A_316 : i32
      %get3A_318 = arith.index_cast %add3A_317 : i32 to index
      %get3A_319 = arith.constant 0 : index
      %get3A_320 = tpu.vector_load %arg9[%get3A_318, %get3A_319] {strides = array<i32>} : memref<96x256xf32, #tpu.memory_space<vmem>>, vector<1x16xf32>,
      %get3A_321 = vector.shape_cast %get3A_320 : vector<1x16xf32> to vector<16xf32>
      %add3A_322 = arith.constant 2 : i32
      %add3A_323 = arith.addi %mul3A_236, %add3A_322 : i32
      %get3A_324 = arith.index_cast %add3A_323 : i32 to index
      %get3A_325 = arith.constant 16 : index
      %get3A_326 = tpu.vector_load %arg9[%get3A_324, %get3A_325] {strides = array<i32>} : memref<96x256xf32, #tpu.memory_space<vmem>>, vector<1x16xf32>,
      %get3A_327 = vector.shape_cast %get3A_326 : vector<1x16xf32> to vector<16xf32>
      %add3A_328 = arith.constant 2 : i32
      %add3A_329 = arith.addi %mul3A_236, %add3A_328 : i32
      %get3A_330 = arith.index_cast %add3A_329 : i32 to index
      %get3A_331 = arith.constant 32 : index
      %get3A_332 = tpu.vector_load %arg9[%get3A_330, %get3A_331] {strides = array<i32>} : memref<96x256xf32, #tpu.memory_space<vmem>>, vector<1x16xf32>,
      %get3A_333 = vector.shape_cast %get3A_332 : vector<1x16xf32> to vector<16xf32>
      %add3A_334 = arith.constant 2 : i32
      %add3A_335 = arith.addi %mul3A_236, %add3A_334 : i32
      %get3A_336 = arith.index_cast %add3A_335 : i32 to index
      %get3A_337 = arith.constant 48 : index
      %get3A_338 = tpu.vector_load %arg9[%get3A_336, %get3A_337] {strides = array<i32>} : memref<96x256xf32, #tpu.memory_space<vmem>>, vector<1x16xf32>,
      %get3A_339 = vector.shape_cast %get3A_338 : vector<1x16xf32> to vector<16xf32>
      %add3A_340 = arith.constant 2 : i32
      %add3A_341 = arith.addi %mul3A_236, %add3A_340 : i32
      %get3A_342 = arith.index_cast %add3A_341 : i32 to index
      %get3A_343 = arith.constant 64 : index
      %get3A_344 = tpu.vector_load %arg9[%get3A_342, %get3A_343] {strides = array<i32>} : memref<96x256xf32, #tpu.memory_space<vmem>>, vector<1x16xf32>,
      %get3A_345 = vector.shape_cast %get3A_344 : vector<1x16xf32> to vector<16xf32>
      %add3A_346 = arith.constant 2 : i32
      %add3A_347 = arith.addi %mul3A_236, %add3A_346 : i32
      %get3A_348 = arith.index_cast %add3A_347 : i32 to index
      %get3A_349 = arith.constant 80 : index
      %get3A_350 = tpu.vector_load %arg9[%get3A_348, %get3A_349] {strides = array<i32>} : memref<96x256xf32, #tpu.memory_space<vmem>>, vector<1x16xf32>,
      %get3A_351 = vector.shape_cast %get3A_350 : vector<1x16xf32> to vector<16xf32>
      %add3A_352 = arith.constant 2 : i32
      %add3A_353 = arith.addi %mul3A_236, %add3A_352 : i32
      %get3A_354 = arith.index_cast %add3A_353 : i32 to index
      %get3A_355 = arith.constant 96 : index
      %get3A_356 = tpu.vector_load %arg9[%get3A_354, %get3A_355] {strides = array<i32>} : memref<96x256xf32, #tpu.memory_space<vmem>>, vector<1x16xf32>,
      %get3A_357 = vector.shape_cast %get3A_356 : vector<1x16xf32> to vector<16xf32>
      %add3A_358 = arith.constant 2 : i32
      %add3A_359 = arith.addi %mul3A_236, %add3A_358 : i32
      %get3A_360 = arith.index_cast %add3A_359 : i32 to index
      %get3A_361 = arith.constant 112 : index
      %get3A_362 = tpu.vector_load %arg9[%get3A_360, %get3A_361] {strides = array<i32>} : memref<96x256xf32, #tpu.memory_space<vmem>>, vector<1x16xf32>,
      %get3A_363 = vector.shape_cast %get3A_362 : vector<1x16xf32> to vector<16xf32>
      %add3A_364 = arith.addf %get3A_239, %get3A_273 : vector<16xf32>
      %add3A_365 = arith.addf %add3A_364, %get3A_321 : vector<16xf32>
      %mul3A_366 = arith.constant 0.333333343 : f32
      %mul3A_367 = vector.broadcast %mul3A_366 : f32 to vector<16xf32>
      %mul3A_368 = arith.mulf %add3A_365, %mul3A_367 : vector<16xf32>
      %swap3A = arith.index_cast %scan3A_234 : i32 to index
      %swap3A_369 = arith.constant 0 : index
      %swap3A_370 = tpu.vector_load %arg10[%swap3A, %swap3A_369] {strides = array<i32>} : memref<32x516xf32, #tpu.memory_space<vmem>>, vector<1x16xf32>,
      %swap3A_371 = vector.shape_cast %swap3A_370 : vector<1x16xf32> to vector<16xf32>
      %swap3A_372 = vector.shape_cast %mul3A_368 : vector<16xf32> to vector<1x16xf32>
      tpu.vector_store %arg10[%swap3A, %swap3A_369], %swap3A_372 {strides = array<i32>} : memref<32x516xf32, #tpu.memory_space<vmem>>, vector<1x16xf32>,
      %add3A_373 = arith.addf %get3A_243, %get3A_279 : vector<16xf32>
      %add3A_374 = arith.addf %add3A_373, %get3A_327 : vector<16xf32>
      %mul3A_375 = arith.constant 0.333333343 : f32
      %mul3A_376 = vector.broadcast %mul3A_375 : f32 to vector<16xf32>
      %mul3A_377 = arith.mulf %add3A_374, %mul3A_376 : vector<16xf32>
      %swap3A_378 = arith.index_cast %scan3A_234 : i32 to index
      %swap3A_379 = arith.constant 16 : index
      %swap3A_380 = tpu.vector_load %arg10[%swap3A_378, %swap3A_379] {strides = array<i32>} : memref<32x516xf32, #tpu.memory_space<vmem>>, vector<1x16xf32>,
      %swap3A_381 = vector.shape_cast %swap3A_380 : vector<1x16xf32> to vector<16xf32>
      %swap3A_382 = vector.shape_cast %mul3A_377 : vector<16xf32> to vector<1x16xf32>
      tpu.vector_store %arg10[%swap3A_378, %swap3A_379], %swap3A_382 {strides = array<i32>} : memref<32x516xf32, #tpu.memory_space<vmem>>, vector<1x16xf32>,
      %add3A_383 = arith.addf %get3A_247, %get3A_285 : vector<16xf32>
      %add3A_384 = arith.addf %add3A_383, %get3A_333 : vector<16xf32>
      %mul3A_385 = arith.constant 0.333333343 : f32
      %mul3A_386 = vector.broadcast %mul3A_385 : f32 to vector<16xf32>
      %mul3A_387 = arith.mulf %add3A_384, %mul3A_386 : vector<16xf32>
      %swap3A_388 = arith.index_cast %scan3A_234 : i32 to index
      %swap3A_389 = arith.constant 32 : index
      %swap3A_390 = tpu.vector_load %arg10[%swap3A_388, %swap3A_389] {strides = array<i32>} : memref<32x516xf32, #tpu.memory_space<vmem>>, vector<1x16xf32>,
      %swap3A_391 = vector.shape_cast %swap3A_390 : vector<1x16xf32> to vector<16xf32>
      %swap3A_392 = vector.shape_cast %mul3A_387 : vector<16xf32> to vector<1x16xf32>
      tpu.vector_store %arg10[%swap3A_388, %swap3A_389], %swap3A_392 {strides = array<i32>} : memref<32x516xf32, #tpu.memory_space<vmem>>, vector<1x16xf32>,
      %add3A_393 = arith.addf %get3A_251, %get3A_291 : vector<16xf32>
      %add3A_394 = arith.addf %add3A_393, %get3A_339 : vector<16xf32>
      %mul3A_395 = arith.constant 0.333333343 : f32
      %mul3A_396 = vector.broadcast %mul3A_395 : f32 to vector<16xf32>
      %mul3A_397 = arith.mulf %add3A_394, %mul3A_396 : vector<16xf32>
      %swap3A_398 = arith.index_cast %scan3A_234 : i32 to index
      %swap3A_399 = arith.constant 48 : index
      %swap3A_400 = tpu.vector_load %arg10[%swap3A_398, %swap3A_399] {strides = array<i32>} : memref<32x516xf32, #tpu.memory_space<vmem>>, vector<1x16xf32>,
      %swap3A_401 = vector.shape_cast %swap3A_400 : vector<1x16xf32> to vector<16xf32>
      %swap3A_402 = vector.shape_cast %mul3A_397 : vector<16xf32> to vector<1x16xf32>
      tpu.vector_store %arg10[%swap3A_398, %swap3A_399], %swap3A_402 {strides = array<i32>} : memref<32x516xf32, #tpu.memory_space<vmem>>, vector<1x16xf32>,
      %add3A_403 = arith.addf %get3A_255, %get3A_297 : vector<16xf32>
      %add3A_404 = arith.addf %add3A_403, %get3A_345 : vector<16xf32>
      %mul3A_405 = arith.constant 0.333333343 : f32
      %mul3A_406 = vector.broadcast %mul3A_405 : f32 to vector<16xf32>
      %mul3A_407 = arith.mulf %add3A_404, %mul3A_406 : vector<16xf32>
      %swap3A_408 = arith.index_cast %scan3A_234 : i32 to index
      %swap3A_409 = arith.constant 64 : index
      %swap3A_410 = tpu.vector_load %arg10[%swap3A_408, %swap3A_409] {strides = array<i32>} : memref<32x516xf32, #tpu.memory_space<vmem>>, vector<1x16xf32>,
      %swap3A_411 = vector.shape_cast %swap3A_410 : vector<1x16xf32> to vector<16xf32>
      %swap3A_412 = vector.shape_cast %mul3A_407 : vector<16xf32> to vector<1x16xf32>
      tpu.vector_store %arg10[%swap3A_408, %swap3A_409], %swap3A_412 {strides = array<i32>} : memref<32x516xf32, #tpu.memory_space<vmem>>, vector<1x16xf32>,
      %add3A_413 = arith.addf %get3A_259, %get3A_303 : vector<16xf32>
      %add3A_414 = arith.addf %add3A_413, %get3A_351 : vector<16xf32>
      %mul3A_415 = arith.constant 0.333333343 : f32
      %mul3A_416 = vector.broadcast %mul3A_415 : f32 to vector<16xf32>
      %mul3A_417 = arith.mulf %add3A_414, %mul3A_416 : vector<16xf32>
      %swap3A_418 = arith.index_cast %scan3A_234 : i32 to index
      %swap3A_419 = arith.constant 80 : index
      %swap3A_420 = tpu.vector_load %arg10[%swap3A_418, %swap3A_419] {strides = array<i32>} : memref<32x516xf32, #tpu.memory_space<vmem>>, vector<1x16xf32>,
      %swap3A_421 = vector.shape_cast %swap3A_420 : vector<1x16xf32> to vector<16xf32>
      %swap3A_422 = vector.shape_cast %mul3A_417 : vector<16xf32> to vector<1x16xf32>
      tpu.vector_store %arg10[%swap3A_418, %swap3A_419], %swap3A_422 {strides = array<i32>} : memref<32x516xf32, #tpu.memory_space<vmem>>, vector<1x16xf32>,
      %add3A_423 = arith.addf %get3A_263, %get3A_309 : vector<16xf32>
      %add3A_424 = arith.addf %add3A_423, %get3A_357 : vector<16xf32>
      %mul3A_425 = arith.constant 0.333333343 : f32
      %mul3A_426 = vector.broadcast %mul3A_425 : f32 to vector<16xf32>
      %mul3A_427 = arith.mulf %add3A_424, %mul3A_426 : vector<16xf32>
      %swap3A_428 = arith.index_cast %scan3A_234 : i32 to index
      %swap3A_429 = arith.constant 96 : index
      %swap3A_430 = tpu.vector_load %arg10[%swap3A_428, %swap3A_429] {strides = array<i32>} : memref<32x516xf32, #tpu.memory_space<vmem>>, vector<1x16xf32>,
      %swap3A_431 = vector.shape_cast %swap3A_430 : vector<1x16xf32> to vector<16xf32>
      %swap3A_432 = vector.shape_cast %mul3A_427 : vector<16xf32> to vector<1x16xf32>
      tpu.vector_store %arg10[%swap3A_428, %swap3A_429], %swap3A_432 {strides = array<i32>} : memref<32x516xf32, #tpu.memory_space<vmem>>, vector<1x16xf32>,
      %add3A_433 = arith.addf %get3A_267, %get3A_315 : vector<16xf32>
      %add3A_434 = arith.addf %add3A_433, %get3A_363 : vector<16xf32>
      %mul3A_435 = arith.constant 0.333333343 : f32
      %mul3A_436 = vector.broadcast %mul3A_435 : f32 to vector<16xf32>
      %mul3A_437 = arith.mulf %add3A_434, %mul3A_436 : vector<16xf32>
      %swap3A_438 = arith.index_cast %scan3A_234 : i32 to index
      %swap3A_439 = arith.constant 112 : index
      %swap3A_440 = tpu.vector_load %arg10[%swap3A_438, %swap3A_439] {strides = array<i32>} : memref<32x516xf32, #tpu.memory_space<vmem>>, vector<1x16xf32>,
      %swap3A_441 = vector.shape_cast %swap3A_440 : vector<1x16xf32> to vector<16xf32>
      %swap3A_442 = vector.shape_cast %mul3A_437 : vector<16xf32> to vector<1x16xf32>
      tpu.vector_store %arg10[%swap3A_438, %swap3A_439], %swap3A_442 {strides = array<i32>} : memref<32x516xf32, #tpu.memory_space<vmem>>, vector<1x16xf32>,
      %get3A_443 = arith.index_cast %mul3A_236 : i32 to index
      %get3A_444 = arith.constant 128 : index
      %get3A_445 = tpu.vector_load %arg9[%get3A_443, %get3A_444] {strides = array<i32>} : memref<96x256xf32, #tpu.memory_space<vmem>>, vector<1x16xf32>,
      %get3A_446 = vector.shape_cast %get3A_445 : vector<1x16xf32> to vector<16xf32>
      %get3A_447 = arith.index_cast %mul3A_236 : i32 to index
      %get3A_448 = arith.constant 144 : index
      %get3A_449 = tpu.vector_load %arg9[%get3A_447, %get3A_448] {strides = array<i32>} : memref<96x256xf32, #tpu.memory_space<vmem>>, vector<1x16xf32>,
      %get3A_450 = vector.shape_cast %get3A_449 : vector<1x16xf32> to vector<16xf32>
      %get3A_451 = arith.index_cast %mul3A_236 : i32 to index
      %get3A_452 = arith.constant 160 : index
      %get3A_453 = tpu.vector_load %arg9[%get3A_451, %get3A_452] {strides = array<i32>} : memref<96x256xf32, #tpu.memory_space<vmem>>, vector<1x16xf32>,
      %get3A_454 = vector.shape_cast %get3A_453 : vector<1x16xf32> to vector<16xf32>
      %get3A_455 = arith.index_cast %mul3A_236 : i32 to index
      %get3A_456 = arith.constant 176 : index
      %get3A_457 = tpu.vector_load %arg9[%get3A_455, %get3A_456] {strides = array<i32>} : memref<96x256xf32, #tpu.memory_space<vmem>>, vector<1x16xf32>,
      %get3A_458 = vector.shape_cast %get3A_457 : vector<1x16xf32> to vector<16xf32>
      %get3A_459 = arith.index_cast %mul3A_236 : i32 to index
      %get3A_460 = arith.constant 192 : index
      %get3A_461 = tpu.vector_load %arg9[%get3A_459, %get3A_460] {strides = array<i32>} : memref<96x256xf32, #tpu.memory_space<vmem>>, vector<1x16xf32>,
      %get3A_462 = vector.shape_cast %get3A_461 : vector<1x16xf32> to vector<16xf32>
      %get3A_463 = arith.index_cast %mul3A_236 : i32 to index
      %get3A_464 = arith.constant 208 : index
      %get3A_465 = tpu.vector_load %arg9[%get3A_463, %get3A_464] {strides = array<i32>} : memref<96x256xf32, #tpu.memory_space<vmem>>, vector<1x16xf32>,
      %get3A_466 = vector.shape_cast %get3A_465 : vector<1x16xf32> to vector<16xf32>
      %get3A_467 = arith.index_cast %mul3A_236 : i32 to index
      %get3A_468 = arith.constant 224 : index
      %get3A_469 = tpu.vector_load %arg9[%get3A_467, %get3A_468] {strides = array<i32>} : memref<96x256xf32, #tpu.memory_space<vmem>>, vector<1x16xf32>,
      %get3A_470 = vector.shape_cast %get3A_469 : vector<1x16xf32> to vector<16xf32>
      %get3A_471 = arith.index_cast %mul3A_236 : i32 to index
      %get3A_472 = arith.constant 240 : index
      %get3A_473 = tpu.vector_load %arg9[%get3A_471, %get3A_472] {strides = array<i32>} : memref<96x256xf32, #tpu.memory_space<vmem>>, vector<1x16xf32>,
      %get3A_474 = vector.shape_cast %get3A_473 : vector<1x16xf32> to vector<16xf32>
      %add3A_475 = arith.constant 1 : i32
      %add3A_476 = arith.addi %mul3A_236, %add3A_475 : i32
      %get3A_477 = arith.index_cast %add3A_476 : i32 to index
      %get3A_478 = arith.constant 128 : index
      %get3A_479 = tpu.vector_load %arg9[%get3A_477, %get3A_478] {strides = array<i32>} : memref<96x256xf32, #tpu.memory_space<vmem>>, vector<1x16xf32>,
      %get3A_480 = vector.shape_cast %get3A_479 : vector<1x16xf32> to vector<16xf32>
      %add3A_481 = arith.constant 1 : i32
      %add3A_482 = arith.addi %mul3A_236, %add3A_481 : i32
      %get3A_483 = arith.index_cast %add3A_482 : i32 to index
      %get3A_484 = arith.constant 144 : index
      %get3A_485 = tpu.vector_load %arg9[%get3A_483, %get3A_484] {strides = array<i32>} : memref<96x256xf32, #tpu.memory_space<vmem>>, vector<1x16xf32>,
      %get3A_486 = vector.shape_cast %get3A_485 : vector<1x16xf32> to vector<16xf32>
      %add3A_487 = arith.constant 1 : i32
      %add3A_488 = arith.addi %mul3A_236, %add3A_487 : i32
      %get3A_489 = arith.index_cast %add3A_488 : i32 to index
      %get3A_490 = arith.constant 160 : index
      %get3A_491 = tpu.vector_load %arg9[%get3A_489, %get3A_490] {strides = array<i32>} : memref<96x256xf32, #tpu.memory_space<vmem>>, vector<1x16xf32>,
      %get3A_492 = vector.shape_cast %get3A_491 : vector<1x16xf32> to vector<16xf32>
      %add3A_493 = arith.constant 1 : i32
      %add3A_494 = arith.addi %mul3A_236, %add3A_493 : i32
      %get3A_495 = arith.index_cast %add3A_494 : i32 to index
      %get3A_496 = arith.constant 176 : index
      %get3A_497 = tpu.vector_load %arg9[%get3A_495, %get3A_496] {strides = array<i32>} : memref<96x256xf32, #tpu.memory_space<vmem>>, vector<1x16xf32>,
      %get3A_498 = vector.shape_cast %get3A_497 : vector<1x16xf32> to vector<16xf32>
      %add3A_499 = arith.constant 1 : i32
      %add3A_500 = arith.addi %mul3A_236, %add3A_499 : i32
      %get3A_501 = arith.index_cast %add3A_500 : i32 to index
      %get3A_502 = arith.constant 192 : index
      %get3A_503 = tpu.vector_load %arg9[%get3A_501, %get3A_502] {strides = array<i32>} : memref<96x256xf32, #tpu.memory_space<vmem>>, vector<1x16xf32>,
      %get3A_504 = vector.shape_cast %get3A_503 : vector<1x16xf32> to vector<16xf32>
      %add3A_505 = arith.constant 1 : i32
      %add3A_506 = arith.addi %mul3A_236, %add3A_505 : i32
      %get3A_507 = arith.index_cast %add3A_506 : i32 to index
      %get3A_508 = arith.constant 208 : index
      %get3A_509 = tpu.vector_load %arg9[%get3A_507, %get3A_508] {strides = array<i32>} : memref<96x256xf32, #tpu.memory_space<vmem>>, vector<1x16xf32>,
      %get3A_510 = vector.shape_cast %get3A_509 : vector<1x16xf32> to vector<16xf32>
      %add3A_511 = arith.constant 1 : i32
      %add3A_512 = arith.addi %mul3A_236, %add3A_511 : i32
      %get3A_513 = arith.index_cast %add3A_512 : i32 to index
      %get3A_514 = arith.constant 224 : index
      %get3A_515 = tpu.vector_load %arg9[%get3A_513, %get3A_514] {strides = array<i32>} : memref<96x256xf32, #tpu.memory_space<vmem>>, vector<1x16xf32>,
      %get3A_516 = vector.shape_cast %get3A_515 : vector<1x16xf32> to vector<16xf32>
      %add3A_517 = arith.constant 1 : i32
      %add3A_518 = arith.addi %mul3A_236, %add3A_517 : i32
      %get3A_519 = arith.index_cast %add3A_518 : i32 to index
      %get3A_520 = arith.constant 240 : index
      %get3A_521 = tpu.vector_load %arg9[%get3A_519, %get3A_520] {strides = array<i32>} : memref<96x256xf32, #tpu.memory_space<vmem>>, vector<1x16xf32>,
      %get3A_522 = vector.shape_cast %get3A_521 : vector<1x16xf32> to vector<16xf32>
      %add3A_523 = arith.constant 2 : i32
      %add3A_524 = arith.addi %mul3A_236, %add3A_523 : i32
      %get3A_525 = arith.index_cast %add3A_524 : i32 to index
      %get3A_526 = arith.constant 128 : index
      %get3A_527 = tpu.vector_load %arg9[%get3A_525, %get3A_526] {strides = array<i32>} : memref<96x256xf32, #tpu.memory_space<vmem>>, vector<1x16xf32>,
      %get3A_528 = vector.shape_cast %get3A_527 : vector<1x16xf32> to vector<16xf32>
      %add3A_529 = arith.constant 2 : i32
      %add3A_530 = arith.addi %mul3A_236, %add3A_529 : i32
      %get3A_531 = arith.index_cast %add3A_530 : i32 to index
      %get3A_532 = arith.constant 144 : index
      %get3A_533 = tpu.vector_load %arg9[%get3A_531, %get3A_532] {strides = array<i32>} : memref<96x256xf32, #tpu.memory_space<vmem>>, vector<1x16xf32>,
      %get3A_534 = vector.shape_cast %get3A_533 : vector<1x16xf32> to vector<16xf32>
      %add3A_535 = arith.constant 2 : i32
      %add3A_536 = arith.addi %mul3A_236, %add3A_535 : i32
      %get3A_537 = arith.index_cast %add3A_536 : i32 to index
      %get3A_538 = arith.constant 160 : index
      %get3A_539 = tpu.vector_load %arg9[%get3A_537, %get3A_538] {strides = array<i32>} : memref<96x256xf32, #tpu.memory_space<vmem>>, vector<1x16xf32>,
      %get3A_540 = vector.shape_cast %get3A_539 : vector<1x16xf32> to vector<16xf32>
      %add3A_541 = arith.constant 2 : i32
      %add3A_542 = arith.addi %mul3A_236, %add3A_541 : i32
      %get3A_543 = arith.index_cast %add3A_542 : i32 to index
      %get3A_544 = arith.constant 176 : index
      %get3A_545 = tpu.vector_load %arg9[%get3A_543, %get3A_544] {strides = array<i32>} : memref<96x256xf32, #tpu.memory_space<vmem>>, vector<1x16xf32>,
      %get3A_546 = vector.shape_cast %get3A_545 : vector<1x16xf32> to vector<16xf32>
      %add3A_547 = arith.constant 2 : i32
      %add3A_548 = arith.addi %mul3A_236, %add3A_547 : i32
      %get3A_549 = arith.index_cast %add3A_548 : i32 to index
      %get3A_550 = arith.constant 192 : index
      %get3A_551 = tpu.vector_load %arg9[%get3A_549, %get3A_550] {strides = array<i32>} : memref<96x256xf32, #tpu.memory_space<vmem>>, vector<1x16xf32>,
      %get3A_552 = vector.shape_cast %get3A_551 : vector<1x16xf32> to vector<16xf32>
      %add3A_553 = arith.constant 2 : i32
      %add3A_554 = arith.addi %mul3A_236, %add3A_553 : i32
      %get3A_555 = arith.index_cast %add3A_554 : i32 to index
      %get3A_556 = arith.constant 208 : index
      %get3A_557 = tpu.vector_load %arg9[%get3A_555, %get3A_556] {strides = array<i32>} : memref<96x256xf32, #tpu.memory_space<vmem>>, vector<1x16xf32>,
      %get3A_558 = vector.shape_cast %get3A_557 : vector<1x16xf32> to vector<16xf32>
      %add3A_559 = arith.constant 2 : i32
      %add3A_560 = arith.addi %mul3A_236, %add3A_559 : i32
      %get3A_561 = arith.index_cast %add3A_560 : i32 to index
      %get3A_562 = arith.constant 224 : index
      %get3A_563 = tpu.vector_load %arg9[%get3A_561, %get3A_562] {strides = array<i32>} : memref<96x256xf32, #tpu.memory_space<vmem>>, vector<1x16xf32>,
      %get3A_564 = vector.shape_cast %get3A_563 : vector<1x16xf32> to vector<16xf32>
      %add3A_565 = arith.constant 2 : i32
      %add3A_566 = arith.addi %mul3A_236, %add3A_565 : i32
      %get3A_567 = arith.index_cast %add3A_566 : i32 to index
      %get3A_568 = arith.constant 240 : index
      %get3A_569 = tpu.vector_load %arg9[%get3A_567, %get3A_568] {strides = array<i32>} : memref<96x256xf32, #tpu.memory_space<vmem>>, vector<1x16xf32>,
      %get3A_570 = vector.shape_cast %get3A_569 : vector<1x16xf32> to vector<16xf32>
      %add3A_571 = arith.addf %get3A_446, %get3A_480 : vector<16xf32>
      %add3A_572 = arith.addf %add3A_571, %get3A_528 : vector<16xf32>
      %mul3A_573 = arith.constant 0.333333343 : f32
      %mul3A_574 = vector.broadcast %mul3A_573 : f32 to vector<16xf32>
      %mul3A_575 = arith.mulf %add3A_572, %mul3A_574 : vector<16xf32>
      %swap3A_576 = arith.index_cast %scan3A_234 : i32 to index
      %swap3A_577 = arith.constant 128 : index
      %swap3A_578 = tpu.vector_load %arg10[%swap3A_576, %swap3A_577] {strides = array<i32>} : memref<32x516xf32, #tpu.memory_space<vmem>>, vector<1x16xf32>,
      %swap3A_579 = vector.shape_cast %swap3A_578 : vector<1x16xf32> to vector<16xf32>
      %swap3A_580 = vector.shape_cast %mul3A_575 : vector<16xf32> to vector<1x16xf32>
      tpu.vector_store %arg10[%swap3A_576, %swap3A_577], %swap3A_580 {strides = array<i32>} : memref<32x516xf32, #tpu.memory_space<vmem>>, vector<1x16xf32>,
      %add3A_581 = arith.addf %get3A_450, %get3A_486 : vector<16xf32>
      %add3A_582 = arith.addf %add3A_581, %get3A_534 : vector<16xf32>
      %mul3A_583 = arith.constant 0.333333343 : f32
      %mul3A_584 = vector.broadcast %mul3A_583 : f32 to vector<16xf32>
      %mul3A_585 = arith.mulf %add3A_582, %mul3A_584 : vector<16xf32>
      %swap3A_586 = arith.index_cast %scan3A_234 : i32 to index
      %swap3A_587 = arith.constant 144 : index
      %swap3A_588 = tpu.vector_load %arg10[%swap3A_586, %swap3A_587] {strides = array<i32>} : memref<32x516xf32, #tpu.memory_space<vmem>>, vector<1x16xf32>,
      %swap3A_589 = vector.shape_cast %swap3A_588 : vector<1x16xf32> to vector<16xf32>
      %swap3A_590 = vector.shape_cast %mul3A_585 : vector<16xf32> to vector<1x16xf32>
      tpu.vector_store %arg10[%swap3A_586, %swap3A_587], %swap3A_590 {strides = array<i32>} : memref<32x516xf32, #tpu.memory_space<vmem>>, vector<1x16xf32>,
      %add3A_591 = arith.addf %get3A_454, %get3A_492 : vector<16xf32>
      %add3A_592 = arith.addf %add3A_591, %get3A_540 : vector<16xf32>
      %mul3A_593 = arith.constant 0.333333343 : f32
      %mul3A_594 = vector.broadcast %mul3A_593 : f32 to vector<16xf32>
      %mul3A_595 = arith.mulf %add3A_592, %mul3A_594 : vector<16xf32>
      %swap3A_596 = arith.index_cast %scan3A_234 : i32 to index
      %swap3A_597 = arith.constant 160 : index
      %swap3A_598 = tpu.vector_load %arg10[%swap3A_596, %swap3A_597] {strides = array<i32>} : memref<32x516xf32, #tpu.memory_space<vmem>>, vector<1x16xf32>,
      %swap3A_599 = vector.shape_cast %swap3A_598 : vector<1x16xf32> to vector<16xf32>
      %swap3A_600 = vector.shape_cast %mul3A_595 : vector<16xf32> to vector<1x16xf32>
      tpu.vector_store %arg10[%swap3A_596, %swap3A_597], %swap3A_600 {strides = array<i32>} : memref<32x516xf32, #tpu.memory_space<vmem>>, vector<1x16xf32>,
      %add3A_601 = arith.addf %get3A_458, %get3A_498 : vector<16xf32>
      %add3A_602 = arith.addf %add3A_601, %get3A_546 : vector<16xf32>
      %mul3A_603 = arith.constant 0.333333343 : f32
      %mul3A_604 = vector.broadcast %mul3A_603 : f32 to vector<16xf32>
      %mul3A_605 = arith.mulf %add3A_602, %mul3A_604 : vector<16xf32>
      %swap3A_606 = arith.index_cast %scan3A_234 : i32 to index
      %swap3A_607 = arith.constant 176 : index
      %swap3A_608 = tpu.vector_load %arg10[%swap3A_606, %swap3A_607] {strides = array<i32>} : memref<32x516xf32, #tpu.memory_space<vmem>>, vector<1x16xf32>,
      %swap3A_609 = vector.shape_cast %swap3A_608 : vector<1x16xf32> to vector<16xf32>
      %swap3A_610 = vector.shape_cast %mul3A_605 : vector<16xf32> to vector<1x16xf32>
      tpu.vector_store %arg10[%swap3A_606, %swap3A_607], %swap3A_610 {strides = array<i32>} : memref<32x516xf32, #tpu.memory_space<vmem>>, vector<1x16xf32>,
      %add3A_611 = arith.addf %get3A_462, %get3A_504 : vector<16xf32>
      %add3A_612 = arith.addf %add3A_611, %get3A_552 : vector<16xf32>
      %mul3A_613 = arith.constant 0.333333343 : f32
      %mul3A_614 = vector.broadcast %mul3A_613 : f32 to vector<16xf32>
      %mul3A_615 = arith.mulf %add3A_612, %mul3A_614 : vector<16xf32>
      %swap3A_616 = arith.index_cast %scan3A_234 : i32 to index
      %swap3A_617 = arith.constant 192 : index
      %swap3A_618 = tpu.vector_load %arg10[%swap3A_616, %swap3A_617] {strides = array<i32>} : memref<32x516xf32, #tpu.memory_space<vmem>>, vector<1x16xf32>,
      %swap3A_619 = vector.shape_cast %swap3A_618 : vector<1x16xf32> to vector<16xf32>
      %swap3A_620 = vector.shape_cast %mul3A_615 : vector<16xf32> to vector<1x16xf32>
      tpu.vector_store %arg10[%swap3A_616, %swap3A_617], %swap3A_620 {strides = array<i32>} : memref<32x516xf32, #tpu.memory_space<vmem>>, vector<1x16xf32>,
      %add3A_621 = arith.addf %get3A_466, %get3A_510 : vector<16xf32>
      %add3A_622 = arith.addf %add3A_621, %get3A_558 : vector<16xf32>
      %mul3A_623 = arith.constant 0.333333343 : f32
      %mul3A_624 = vector.broadcast %mul3A_623 : f32 to vector<16xf32>
      %mul3A_625 = arith.mulf %add3A_622, %mul3A_624 : vector<16xf32>
      %swap3A_626 = arith.index_cast %scan3A_234 : i32 to index
      %swap3A_627 = arith.constant 208 : index
      %swap3A_628 = tpu.vector_load %arg10[%swap3A_626, %swap3A_627] {strides = array<i32>} : memref<32x516xf32, #tpu.memory_space<vmem>>, vector<1x16xf32>,
      %swap3A_629 = vector.shape_cast %swap3A_628 : vector<1x16xf32> to vector<16xf32>
      %swap3A_630 = vector.shape_cast %mul3A_625 : vector<16xf32> to vector<1x16xf32>
      tpu.vector_store %arg10[%swap3A_626, %swap3A_627], %swap3A_630 {strides = array<i32>} : memref<32x516xf32, #tpu.memory_space<vmem>>, vector<1x16xf32>,
      %add3A_631 = arith.addf %get3A_470, %get3A_516 : vector<16xf32>
      %add3A_632 = arith.addf %add3A_631, %get3A_564 : vector<16xf32>
      %mul3A_633 = arith.constant 0.333333343 : f32
      %mul3A_634 = vector.broadcast %mul3A_633 : f32 to vector<16xf32>
      %mul3A_635 = arith.mulf %add3A_632, %mul3A_634 : vector<16xf32>
      %swap3A_636 = arith.index_cast %scan3A_234 : i32 to index
      %swap3A_637 = arith.constant 224 : index
      %swap3A_638 = tpu.vector_load %arg10[%swap3A_636, %swap3A_637] {strides = array<i32>} : memref<32x516xf32, #tpu.memory_space<vmem>>, vector<1x16xf32>,
      %swap3A_639 = vector.shape_cast %swap3A_638 : vector<1x16xf32> to vector<16xf32>
      %swap3A_640 = vector.shape_cast %mul3A_635 : vector<16xf32> to vector<1x16xf32>
      tpu.vector_store %arg10[%swap3A_636, %swap3A_637], %swap3A_640 {strides = array<i32>} : memref<32x516xf32, #tpu.memory_space<vmem>>, vector<1x16xf32>,
      %add3A_641 = arith.addf %get3A_474, %get3A_522 : vector<16xf32>
      %add3A_642 = arith.addf %add3A_641, %get3A_570 : vector<16xf32>
      %mul3A_643 = arith.constant 0.333333343 : f32
      %mul3A_644 = vector.broadcast %mul3A_643 : f32 to vector<16xf32>
      %mul3A_645 = arith.mulf %add3A_642, %mul3A_644 : vector<16xf32>
      %swap3A_646 = arith.index_cast %scan3A_234 : i32 to index
      %swap3A_647 = arith.constant 240 : index
      %swap3A_648 = tpu.vector_load %arg10[%swap3A_646, %swap3A_647] {strides = array<i32>} : memref<32x516xf32, #tpu.memory_space<vmem>>, vector<1x16xf32>,
      %swap3A_649 = vector.shape_cast %swap3A_648 : vector<1x16xf32> to vector<16xf32>
      %swap3A_650 = vector.shape_cast %mul3A_645 : vector<16xf32> to vector<1x16xf32>
      tpu.vector_store %arg10[%swap3A_646, %swap3A_647], %swap3A_650 {strides = array<i32>} : memref<32x516xf32, #tpu.memory_space<vmem>>, vector<1x16xf32>,
    }
    %scan3A_99 = arith.constant 32 : i32
    %add3A_100 = arith.constant 64 : i32
    %add3A_101 = arith.addi %mul3A_2, %add3A_100 : i32
    %dma_start3A_102 = arith.constant 0 : i32
    %dma_start3A_103 = tpu.memref_slice %arg5[%add3A_101, %dma_start3A_102] : memref<8192x516xf32, #tpu.memory_space<hbm>> -> memref<32x516xf32, #tpu.memory_space<hbm>>
    %dma_start3A_104 = arith.constant 0 : i32
    %dma_start3A_105 = tpu.memref_slice %arg5[%add3A_101, %dma_start3A_104] : memref<8192x516xf32, #tpu.memory_space<hbm>> -> memref<32x516xf32, #tpu.memory_space<hbm>>
    tpu.enqueue_dma source(%arg10 : memref<32x516xf32, #tpu.memory_space<vmem>>) target(%dma_start3A_105 : memref<32x516xf32, #tpu.memory_space<hbm>>) target_semaphore(%arg15 : memref<!tpu.dma_semaphore, #tpu.memory_space<semaphore_mem>>)
    %dma_start3A_106 = arith.constant 480 : i32
    %dma_start3A_107 = tpu.memref_slice %arg6[%dma_start3A_106] : memref<768xi32, #tpu.memory_space<vmem>> -> memref<96xi32, #tpu.memory_space<vmem>>
    %dma_start3A_108 = arith.constant 0 : i32
    %dma_start3A_109 = arith.constant 0 : i32
    %dma_start3A_110 = tpu.memref_slice %arg2[%dma_start3A_108, %dma_start3A_109] : memref<8192x256xf32, #tpu.memory_space<hbm>> -> memref<8192x256xf32, #tpu.memory_space<hbm>>
    tpu.enqueue_indirect_dma source(%dma_start3A_110 : memref<8192x256xf32, #tpu.memory_space<hbm>>) target(%arg9 : memref<96x256xf32, #tpu.memory_space<vmem>>) offsets(%dma_start3A_107 : memref<96xi32, #tpu.memory_space<vmem>>) semaphore(%arg14 : memref<!tpu.dma_semaphore, #tpu.memory_space<semaphore_mem>>)
    %dma_wait3A_111 = arith.constant 288 : i32
    %dma_wait3A_112 = tpu.memref_slice %arg6[%dma_wait3A_111] : memref<768xi32, #tpu.memory_space<vmem>> -> memref<96xi32, #tpu.memory_space<vmem>>
    %dma_wait3A_113 = arith.constant 0 : i32
    %dma_wait3A_114 = arith.constant 0 : i32
    %dma_wait3A_115 = tpu.memref_slice %arg2[%dma_wait3A_113, %dma_wait3A_114] : memref<8192x256xf32, #tpu.memory_space<hbm>> -> memref<8192x256xf32, #tpu.memory_space<hbm>>
    tpu.wait_indirect_dma semaphore(%arg12 : memref<!tpu.dma_semaphore, #tpu.memory_space<semaphore_mem>>) src(%dma_wait3A_115 : memref<8192x256xf32, #tpu.memory_space<hbm>>) dst(%arg7 : memref<96x256xf32, #tpu.memory_space<vmem>>)
    %dma_wait3A_116 = arith.constant 0 : i32
    %dma_wait3A_117 = tpu.memref_slice %arg5[%add3A_75, %dma_wait3A_116] : memref<8192x516xf32, #tpu.memory_space<hbm>> -> memref<32x516xf32, #tpu.memory_space<hbm>>
    %dma_wait3A_118 = arith.constant 0 : i32
    %dma_wait3A_119 = tpu.memref_slice %arg5[%add3A_75, %dma_wait3A_118] : memref<8192x516xf32, #tpu.memory_space<hbm>> -> memref<32x516xf32, #tpu.memory_space<hbm>>
    tpu.wait_dma2 semaphore(%arg16 : memref<!tpu.dma_semaphore, #tpu.memory_space<semaphore_mem>>) src(%arg11 : memref<32x516xf32, #tpu.memory_space<vmem>>) dst(%dma_wait3A_119 : memref<32x516xf32, #tpu.memory_space<hbm>>)
    %scan3A_120 = arith.constant 0 : i32
    %scan3A_121 = arith.constant 0 : i32
    %scan3A_122 = arith.constant 32 : i32
    %scan3A_123 = arith.addi %scan3A_121, %scan3A_122 : i32
    %scan3A_124 = arith.constant 1 : i32
    scf.for %scan3A_234 = %scan3A_121 to %scan3A_123 step %scan3A_124  : i32 {
      %mul3A_235 = arith.constant 3 : i32
      %mul3A_236 = arith.muli %scan3A_234, %mul3A_235 : i32
      %get3A = arith.index_cast %mul3A_236 : i32 to index
      %get3A_237 = arith.constant 0 : index
      %get3A_238 = tpu.vector_load %arg7[%get3A, %get3A_237] {strides = array<i32>} : memref<96x256xf32, #tpu.memory_space<vmem>>, vector<1x16xf32>,
      %get3A_239 = vector.shape_cast %get3A_238 : vector<1x16xf32> to vector<16xf32>
      %get3A_240 = arith.index_cast %mul3A_236 : i32 to index
      %get3A_241 = arith.constant 16 : index
      %get3A_242 = tpu.vector_load %arg7[%get3A_240, %get3A_241] {strides = array<i32>} : memref<96x256xf32, #tpu.memory_space<vmem>>, vector<1x16xf32>,
      %get3A_243 = vector.shape_cast %get3A_242 : vector<1x16xf32> to vector<16xf32>
      %get3A_244 = arith.index_cast %mul3A_236 : i32 to index
      %get3A_245 = arith.constant 32 : index
      %get3A_246 = tpu.vector_load %arg7[%get3A_244, %get3A_245] {strides = array<i32>} : memref<96x256xf32, #tpu.memory_space<vmem>>, vector<1x16xf32>,
      %get3A_247 = vector.shape_cast %get3A_246 : vector<1x16xf32> to vector<16xf32>
      %get3A_248 = arith.index_cast %mul3A_236 : i32 to index
      %get3A_249 = arith.constant 48 : index
      %get3A_250 = tpu.vector_load %arg7[%get3A_248, %get3A_249] {strides = array<i32>} : memref<96x256xf32, #tpu.memory_space<vmem>>, vector<1x16xf32>,
      %get3A_251 = vector.shape_cast %get3A_250 : vector<1x16xf32> to vector<16xf32>
      %get3A_252 = arith.index_cast %mul3A_236 : i32 to index
      %get3A_253 = arith.constant 64 : index
      %get3A_254 = tpu.vector_load %arg7[%get3A_252, %get3A_253] {strides = array<i32>} : memref<96x256xf32, #tpu.memory_space<vmem>>, vector<1x16xf32>,
      %get3A_255 = vector.shape_cast %get3A_254 : vector<1x16xf32> to vector<16xf32>
      %get3A_256 = arith.index_cast %mul3A_236 : i32 to index
      %get3A_257 = arith.constant 80 : index
      %get3A_258 = tpu.vector_load %arg7[%get3A_256, %get3A_257] {strides = array<i32>} : memref<96x256xf32, #tpu.memory_space<vmem>>, vector<1x16xf32>,
      %get3A_259 = vector.shape_cast %get3A_258 : vector<1x16xf32> to vector<16xf32>
      %get3A_260 = arith.index_cast %mul3A_236 : i32 to index
      %get3A_261 = arith.constant 96 : index
      %get3A_262 = tpu.vector_load %arg7[%get3A_260, %get3A_261] {strides = array<i32>} : memref<96x256xf32, #tpu.memory_space<vmem>>, vector<1x16xf32>,
      %get3A_263 = vector.shape_cast %get3A_262 : vector<1x16xf32> to vector<16xf32>
      %get3A_264 = arith.index_cast %mul3A_236 : i32 to index
      %get3A_265 = arith.constant 112 : index
      %get3A_266 = tpu.vector_load %arg7[%get3A_264, %get3A_265] {strides = array<i32>} : memref<96x256xf32, #tpu.memory_space<vmem>>, vector<1x16xf32>,
      %get3A_267 = vector.shape_cast %get3A_266 : vector<1x16xf32> to vector<16xf32>
      %add3A_268 = arith.constant 1 : i32
      %add3A_269 = arith.addi %mul3A_236, %add3A_268 : i32
      %get3A_270 = arith.index_cast %add3A_269 : i32 to index
      %get3A_271 = arith.constant 0 : index
      %get3A_272 = tpu.vector_load %arg7[%get3A_270, %get3A_271] {strides = array<i32>} : memref<96x256xf32, #tpu.memory_space<vmem>>, vector<1x16xf32>,
      %get3A_273 = vector.shape_cast %get3A_272 : vector<1x16xf32> to vector<16xf32>
      %add3A_274 = arith.constant 1 : i32
      %add3A_275 = arith.addi %mul3A_236, %add3A_274 : i32
      %get3A_276 = arith.index_cast %add3A_275 : i32 to index
      %get3A_277 = arith.constant 16 : index
      %get3A_278 = tpu.vector_load %arg7[%get3A_276, %get3A_277] {strides = array<i32>} : memref<96x256xf32, #tpu.memory_space<vmem>>, vector<1x16xf32>,
      %get3A_279 = vector.shape_cast %get3A_278 : vector<1x16xf32> to vector<16xf32>
      %add3A_280 = arith.constant 1 : i32
      %add3A_281 = arith.addi %mul3A_236, %add3A_280 : i32
      %get3A_282 = arith.index_cast %add3A_281 : i32 to index
      %get3A_283 = arith.constant 32 : index
      %get3A_284 = tpu.vector_load %arg7[%get3A_282, %get3A_283] {strides = array<i32>} : memref<96x256xf32, #tpu.memory_space<vmem>>, vector<1x16xf32>,
      %get3A_285 = vector.shape_cast %get3A_284 : vector<1x16xf32> to vector<16xf32>
      %add3A_286 = arith.constant 1 : i32
      %add3A_287 = arith.addi %mul3A_236, %add3A_286 : i32
      %get3A_288 = arith.index_cast %add3A_287 : i32 to index
      %get3A_289 = arith.constant 48 : index
      %get3A_290 = tpu.vector_load %arg7[%get3A_288, %get3A_289] {strides = array<i32>} : memref<96x256xf32, #tpu.memory_space<vmem>>, vector<1x16xf32>,
      %get3A_291 = vector.shape_cast %get3A_290 : vector<1x16xf32> to vector<16xf32>
      %add3A_292 = arith.constant 1 : i32
      %add3A_293 = arith.addi %mul3A_236, %add3A_292 : i32
      %get3A_294 = arith.index_cast %add3A_293 : i32 to index
      %get3A_295 = arith.constant 64 : index
      %get3A_296 = tpu.vector_load %arg7[%get3A_294, %get3A_295] {strides = array<i32>} : memref<96x256xf32, #tpu.memory_space<vmem>>, vector<1x16xf32>,
      %get3A_297 = vector.shape_cast %get3A_296 : vector<1x16xf32> to vector<16xf32>
      %add3A_298 = arith.constant 1 : i32
      %add3A_299 = arith.addi %mul3A_236, %add3A_298 : i32
      %get3A_300 = arith.index_cast %add3A_299 : i32 to index
      %get3A_301 = arith.constant 80 : index
      %get3A_302 = tpu.vector_load %arg7[%get3A_300, %get3A_301] {strides = array<i32>} : memref<96x256xf32, #tpu.memory_space<vmem>>, vector<1x16xf32>,
      %get3A_303 = vector.shape_cast %get3A_302 : vector<1x16xf32> to vector<16xf32>
      %add3A_304 = arith.constant 1 : i32
      %add3A_305 = arith.addi %mul3A_236, %add3A_304 : i32
      %get3A_306 = arith.index_cast %add3A_305 : i32 to index
      %get3A_307 = arith.constant 96 : index
      %get3A_308 = tpu.vector_load %arg7[%get3A_306, %get3A_307] {strides = array<i32>} : memref<96x256xf32, #tpu.memory_space<vmem>>, vector<1x16xf32>,
      %get3A_309 = vector.shape_cast %get3A_308 : vector<1x16xf32> to vector<16xf32>
      %add3A_310 = arith.constant 1 : i32
      %add3A_311 = arith.addi %mul3A_236, %add3A_310 : i32
      %get3A_312 = arith.index_cast %add3A_311 : i32 to index
      %get3A_313 = arith.constant 112 : index
      %get3A_314 = tpu.vector_load %arg7[%get3A_312, %get3A_313] {strides = array<i32>} : memref<96x256xf32, #tpu.memory_space<vmem>>, vector<1x16xf32>,
      %get3A_315 = vector.shape_cast %get3A_314 : vector<1x16xf32> to vector<16xf32>
      %add3A_316 = arith.constant 2 : i32
      %add3A_317 = arith.addi %mul3A_236, %add3A_316 : i32
      %get3A_318 = arith.index_cast %add3A_317 : i32 to index
      %get3A_319 = arith.constant 0 : index
      %get3A_320 = tpu.vector_load %arg7[%get3A_318, %get3A_319] {strides = array<i32>} : memref<96x256xf32, #tpu.memory_space<vmem>>, vector<1x16xf32>,
      %get3A_321 = vector.shape_cast %get3A_320 : vector<1x16xf32> to vector<16xf32>
      %add3A_322 = arith.constant 2 : i32
      %add3A_323 = arith.addi %mul3A_236, %add3A_322 : i32
      %get3A_324 = arith.index_cast %add3A_323 : i32 to index
      %get3A_325 = arith.constant 16 : index
      %get3A_326 = tpu.vector_load %arg7[%get3A_324, %get3A_325] {strides = array<i32>} : memref<96x256xf32, #tpu.memory_space<vmem>>, vector<1x16xf32>,
      %get3A_327 = vector.shape_cast %get3A_326 : vector<1x16xf32> to vector<16xf32>
      %add3A_328 = arith.constant 2 : i32
      %add3A_329 = arith.addi %mul3A_236, %add3A_328 : i32
      %get3A_330 = arith.index_cast %add3A_329 : i32 to index
      %get3A_331 = arith.constant 32 : index
      %get3A_332 = tpu.vector_load %arg7[%get3A_330, %get3A_331] {strides = array<i32>} : memref<96x256xf32, #tpu.memory_space<vmem>>, vector<1x16xf32>,
      %get3A_333 = vector.shape_cast %get3A_332 : vector<1x16xf32> to vector<16xf32>
      %add3A_334 = arith.constant 2 : i32
      %add3A_335 = arith.addi %mul3A_236, %add3A_334 : i32
      %get3A_336 = arith.index_cast %add3A_335 : i32 to index
      %get3A_337 = arith.constant 48 : index
      %get3A_338 = tpu.vector_load %arg7[%get3A_336, %get3A_337] {strides = array<i32>} : memref<96x256xf32, #tpu.memory_space<vmem>>, vector<1x16xf32>,
      %get3A_339 = vector.shape_cast %get3A_338 : vector<1x16xf32> to vector<16xf32>
      %add3A_340 = arith.constant 2 : i32
      %add3A_341 = arith.addi %mul3A_236, %add3A_340 : i32
      %get3A_342 = arith.index_cast %add3A_341 : i32 to index
      %get3A_343 = arith.constant 64 : index
      %get3A_344 = tpu.vector_load %arg7[%get3A_342, %get3A_343] {strides = array<i32>} : memref<96x256xf32, #tpu.memory_space<vmem>>, vector<1x16xf32>,
      %get3A_345 = vector.shape_cast %get3A_344 : vector<1x16xf32> to vector<16xf32>
      %add3A_346 = arith.constant 2 : i32
      %add3A_347 = arith.addi %mul3A_236, %add3A_346 : i32
      %get3A_348 = arith.index_cast %add3A_347 : i32 to index
      %get3A_349 = arith.constant 80 : index
      %get3A_350 = tpu.vector_load %arg7[%get3A_348, %get3A_349] {strides = array<i32>} : memref<96x256xf32, #tpu.memory_space<vmem>>, vector<1x16xf32>,
      %get3A_351 = vector.shape_cast %get3A_350 : vector<1x16xf32> to vector<16xf32>
      %add3A_352 = arith.constant 2 : i32
      %add3A_353 = arith.addi %mul3A_236, %add3A_352 : i32
      %get3A_354 = arith.index_cast %add3A_353 : i32 to index
      %get3A_355 = arith.constant 96 : index
      %get3A_356 = tpu.vector_load %arg7[%get3A_354, %get3A_355] {strides = array<i32>} : memref<96x256xf32, #tpu.memory_space<vmem>>, vector<1x16xf32>,
      %get3A_357 = vector.shape_cast %get3A_356 : vector<1x16xf32> to vector<16xf32>
      %add3A_358 = arith.constant 2 : i32
      %add3A_359 = arith.addi %mul3A_236, %add3A_358 : i32
      %get3A_360 = arith.index_cast %add3A_359 : i32 to index
      %get3A_361 = arith.constant 112 : index
      %get3A_362 = tpu.vector_load %arg7[%get3A_360, %get3A_361] {strides = array<i32>} : memref<96x256xf32, #tpu.memory_space<vmem>>, vector<1x16xf32>,
      %get3A_363 = vector.shape_cast %get3A_362 : vector<1x16xf32> to vector<16xf32>
      %add3A_364 = arith.addf %get3A_239, %get3A_273 : vector<16xf32>
      %add3A_365 = arith.addf %add3A_364, %get3A_321 : vector<16xf32>
      %mul3A_366 = arith.constant 0.333333343 : f32
      %mul3A_367 = vector.broadcast %mul3A_366 : f32 to vector<16xf32>
      %mul3A_368 = arith.mulf %add3A_365, %mul3A_367 : vector<16xf32>
      %swap3A = arith.index_cast %scan3A_234 : i32 to index
      %swap3A_369 = arith.constant 0 : index
      %swap3A_370 = tpu.vector_load %arg11[%swap3A, %swap3A_369] {strides = array<i32>} : memref<32x516xf32, #tpu.memory_space<vmem>>, vector<1x16xf32>,
      %swap3A_371 = vector.shape_cast %swap3A_370 : vector<1x16xf32> to vector<16xf32>
      %swap3A_372 = vector.shape_cast %mul3A_368 : vector<16xf32> to vector<1x16xf32>
      tpu.vector_store %arg11[%swap3A, %swap3A_369], %swap3A_372 {strides = array<i32>} : memref<32x516xf32, #tpu.memory_space<vmem>>, vector<1x16xf32>,
      %add3A_373 = arith.addf %get3A_243, %get3A_279 : vector<16xf32>
      %add3A_374 = arith.addf %add3A_373, %get3A_327 : vector<16xf32>
      %mul3A_375 = arith.constant 0.333333343 : f32
      %mul3A_376 = vector.broadcast %mul3A_375 : f32 to vector<16xf32>
      %mul3A_377 = arith.mulf %add3A_374, %mul3A_376 : vector<16xf32>
      %swap3A_378 = arith.index_cast %scan3A_234 : i32 to index
      %swap3A_379 = arith.constant 16 : index
      %swap3A_380 = tpu.vector_load %arg11[%swap3A_378, %swap3A_379] {strides = array<i32>} : memref<32x516xf32, #tpu.memory_space<vmem>>, vector<1x16xf32>,
      %swap3A_381 = vector.shape_cast %swap3A_380 : vector<1x16xf32> to vector<16xf32>
      %swap3A_382 = vector.shape_cast %mul3A_377 : vector<16xf32> to vector<1x16xf32>
      tpu.vector_store %arg11[%swap3A_378, %swap3A_379], %swap3A_382 {strides = array<i32>} : memref<32x516xf32, #tpu.memory_space<vmem>>, vector<1x16xf32>,
      %add3A_383 = arith.addf %get3A_247, %get3A_285 : vector<16xf32>
      %add3A_384 = arith.addf %add3A_383, %get3A_333 : vector<16xf32>
      %mul3A_385 = arith.constant 0.333333343 : f32
      %mul3A_386 = vector.broadcast %mul3A_385 : f32 to vector<16xf32>
      %mul3A_387 = arith.mulf %add3A_384, %mul3A_386 : vector<16xf32>
      %swap3A_388 = arith.index_cast %scan3A_234 : i32 to index
      %swap3A_389 = arith.constant 32 : index
      %swap3A_390 = tpu.vector_load %arg11[%swap3A_388, %swap3A_389] {strides = array<i32>} : memref<32x516xf32, #tpu.memory_space<vmem>>, vector<1x16xf32>,
      %swap3A_391 = vector.shape_cast %swap3A_390 : vector<1x16xf32> to vector<16xf32>
      %swap3A_392 = vector.shape_cast %mul3A_387 : vector<16xf32> to vector<1x16xf32>
      tpu.vector_store %arg11[%swap3A_388, %swap3A_389], %swap3A_392 {strides = array<i32>} : memref<32x516xf32, #tpu.memory_space<vmem>>, vector<1x16xf32>,
      %add3A_393 = arith.addf %get3A_251, %get3A_291 : vector<16xf32>
      %add3A_394 = arith.addf %add3A_393, %get3A_339 : vector<16xf32>
      %mul3A_395 = arith.constant 0.333333343 : f32
      %mul3A_396 = vector.broadcast %mul3A_395 : f32 to vector<16xf32>
      %mul3A_397 = arith.mulf %add3A_394, %mul3A_396 : vector<16xf32>
      %swap3A_398 = arith.index_cast %scan3A_234 : i32 to index
      %swap3A_399 = arith.constant 48 : index
      %swap3A_400 = tpu.vector_load %arg11[%swap3A_398, %swap3A_399] {strides = array<i32>} : memref<32x516xf32, #tpu.memory_space<vmem>>, vector<1x16xf32>,
      %swap3A_401 = vector.shape_cast %swap3A_400 : vector<1x16xf32> to vector<16xf32>
      %swap3A_402 = vector.shape_cast %mul3A_397 : vector<16xf32> to vector<1x16xf32>
      tpu.vector_store %arg11[%swap3A_398, %swap3A_399], %swap3A_402 {strides = array<i32>} : memref<32x516xf32, #tpu.memory_space<vmem>>, vector<1x16xf32>,
      %add3A_403 = arith.addf %get3A_255, %get3A_297 : vector<16xf32>
      %add3A_404 = arith.addf %add3A_403, %get3A_345 : vector<16xf32>
      %mul3A_405 = arith.constant 0.333333343 : f32
      %mul3A_406 = vector.broadcast %mul3A_405 : f32 to vector<16xf32>
      %mul3A_407 = arith.mulf %add3A_404, %mul3A_406 : vector<16xf32>
      %swap3A_408 = arith.index_cast %scan3A_234 : i32 to index
      %swap3A_409 = arith.constant 64 : index
      %swap3A_410 = tpu.vector_load %arg11[%swap3A_408, %swap3A_409] {strides = array<i32>} : memref<32x516xf32, #tpu.memory_space<vmem>>, vector<1x16xf32>,
      %swap3A_411 = vector.shape_cast %swap3A_410 : vector<1x16xf32> to vector<16xf32>
      %swap3A_412 = vector.shape_cast %mul3A_407 : vector<16xf32> to vector<1x16xf32>
      tpu.vector_store %arg11[%swap3A_408, %swap3A_409], %swap3A_412 {strides = array<i32>} : memref<32x516xf32, #tpu.memory_space<vmem>>, vector<1x16xf32>,
      %add3A_413 = arith.addf %get3A_259, %get3A_303 : vector<16xf32>
      %add3A_414 = arith.addf %add3A_413, %get3A_351 : vector<16xf32>
      %mul3A_415 = arith.constant 0.333333343 : f32
      %mul3A_416 = vector.broadcast %mul3A_415 : f32 to vector<16xf32>
      %mul3A_417 = arith.mulf %add3A_414, %mul3A_416 : vector<16xf32>
      %swap3A_418 = arith.index_cast %scan3A_234 : i32 to index
      %swap3A_419 = arith.constant 80 : index
      %swap3A_420 = tpu.vector_load %arg11[%swap3A_418, %swap3A_419] {strides = array<i32>} : memref<32x516xf32, #tpu.memory_space<vmem>>, vector<1x16xf32>,
      %swap3A_421 = vector.shape_cast %swap3A_420 : vector<1x16xf32> to vector<16xf32>
      %swap3A_422 = vector.shape_cast %mul3A_417 : vector<16xf32> to vector<1x16xf32>
      tpu.vector_store %arg11[%swap3A_418, %swap3A_419], %swap3A_422 {strides = array<i32>} : memref<32x516xf32, #tpu.memory_space<vmem>>, vector<1x16xf32>,
      %add3A_423 = arith.addf %get3A_263, %get3A_309 : vector<16xf32>
      %add3A_424 = arith.addf %add3A_423, %get3A_357 : vector<16xf32>
      %mul3A_425 = arith.constant 0.333333343 : f32
      %mul3A_426 = vector.broadcast %mul3A_425 : f32 to vector<16xf32>
      %mul3A_427 = arith.mulf %add3A_424, %mul3A_426 : vector<16xf32>
      %swap3A_428 = arith.index_cast %scan3A_234 : i32 to index
      %swap3A_429 = arith.constant 96 : index
      %swap3A_430 = tpu.vector_load %arg11[%swap3A_428, %swap3A_429] {strides = array<i32>} : memref<32x516xf32, #tpu.memory_space<vmem>>, vector<1x16xf32>,
      %swap3A_431 = vector.shape_cast %swap3A_430 : vector<1x16xf32> to vector<16xf32>
      %swap3A_432 = vector.shape_cast %mul3A_427 : vector<16xf32> to vector<1x16xf32>
      tpu.vector_store %arg11[%swap3A_428, %swap3A_429], %swap3A_432 {strides = array<i32>} : memref<32x516xf32, #tpu.memory_space<vmem>>, vector<1x16xf32>,
      %add3A_433 = arith.addf %get3A_267, %get3A_315 : vector<16xf32>
      %add3A_434 = arith.addf %add3A_433, %get3A_363 : vector<16xf32>
      %mul3A_435 = arith.constant 0.333333343 : f32
      %mul3A_436 = vector.broadcast %mul3A_435 : f32 to vector<16xf32>
      %mul3A_437 = arith.mulf %add3A_434, %mul3A_436 : vector<16xf32>
      %swap3A_438 = arith.index_cast %scan3A_234 : i32 to index
      %swap3A_439 = arith.constant 112 : index
      %swap3A_440 = tpu.vector_load %arg11[%swap3A_438, %swap3A_439] {strides = array<i32>} : memref<32x516xf32, #tpu.memory_space<vmem>>, vector<1x16xf32>,
      %swap3A_441 = vector.shape_cast %swap3A_440 : vector<1x16xf32> to vector<16xf32>
      %swap3A_442 = vector.shape_cast %mul3A_437 : vector<16xf32> to vector<1x16xf32>
      tpu.vector_store %arg11[%swap3A_438, %swap3A_439], %swap3A_442 {strides = array<i32>} : memref<32x516xf32, #tpu.memory_space<vmem>>, vector<1x16xf32>,
      %get3A_443 = arith.index_cast %mul3A_236 : i32 to index
      %get3A_444 = arith.constant 128 : index
      %get3A_445 = tpu.vector_load %arg7[%get3A_443, %get3A_444] {strides = array<i32>} : memref<96x256xf32, #tpu.memory_space<vmem>>, vector<1x16xf32>,
      %get3A_446 = vector.shape_cast %get3A_445 : vector<1x16xf32> to vector<16xf32>
      %get3A_447 = arith.index_cast %mul3A_236 : i32 to index
      %get3A_448 = arith.constant 144 : index
      %get3A_449 = tpu.vector_load %arg7[%get3A_447, %get3A_448] {strides = array<i32>} : memref<96x256xf32, #tpu.memory_space<vmem>>, vector<1x16xf32>,
      %get3A_450 = vector.shape_cast %get3A_449 : vector<1x16xf32> to vector<16xf32>
      %get3A_451 = arith.index_cast %mul3A_236 : i32 to index
      %get3A_452 = arith.constant 160 : index
      %get3A_453 = tpu.vector_load %arg7[%get3A_451, %get3A_452] {strides = array<i32>} : memref<96x256xf32, #tpu.memory_space<vmem>>, vector<1x16xf32>,
      %get3A_454 = vector.shape_cast %get3A_453 : vector<1x16xf32> to vector<16xf32>
      %get3A_455 = arith.index_cast %mul3A_236 : i32 to index
      %get3A_456 = arith.constant 176 : index
      %get3A_457 = tpu.vector_load %arg7[%get3A_455, %get3A_456] {strides = array<i32>} : memref<96x256xf32, #tpu.memory_space<vmem>>, vector<1x16xf32>,
      %get3A_458 = vector.shape_cast %get3A_457 : vector<1x16xf32> to vector<16xf32>
      %get3A_459 = arith.index_cast %mul3A_236 : i32 to index
      %get3A_460 = arith.constant 192 : index
      %get3A_461 = tpu.vector_load %arg7[%get3A_459, %get3A_460] {strides = array<i32>} : memref<96x256xf32, #tpu.memory_space<vmem>>, vector<1x16xf32>,
      %get3A_462 = vector.shape_cast %get3A_461 : vector<1x16xf32> to vector<16xf32>
      %get3A_463 = arith.index_cast %mul3A_236 : i32 to index
      %get3A_464 = arith.constant 208 : index
      %get3A_465 = tpu.vector_load %arg7[%get3A_463, %get3A_464] {strides = array<i32>} : memref<96x256xf32, #tpu.memory_space<vmem>>, vector<1x16xf32>,
      %get3A_466 = vector.shape_cast %get3A_465 : vector<1x16xf32> to vector<16xf32>
      %get3A_467 = arith.index_cast %mul3A_236 : i32 to index
      %get3A_468 = arith.constant 224 : index
      %get3A_469 = tpu.vector_load %arg7[%get3A_467, %get3A_468] {strides = array<i32>} : memref<96x256xf32, #tpu.memory_space<vmem>>, vector<1x16xf32>,
      %get3A_470 = vector.shape_cast %get3A_469 : vector<1x16xf32> to vector<16xf32>
      %get3A_471 = arith.index_cast %mul3A_236 : i32 to index
      %get3A_472 = arith.constant 240 : index
      %get3A_473 = tpu.vector_load %arg7[%get3A_471, %get3A_472] {strides = array<i32>} : memref<96x256xf32, #tpu.memory_space<vmem>>, vector<1x16xf32>,
      %get3A_474 = vector.shape_cast %get3A_473 : vector<1x16xf32> to vector<16xf32>
      %add3A_475 = arith.constant 1 : i32
      %add3A_476 = arith.addi %mul3A_236, %add3A_475 : i32
      %get3A_477 = arith.index_cast %add3A_476 : i32 to index
      %get3A_478 = arith.constant 128 : index
      %get3A_479 = tpu.vector_load %arg7[%get3A_477, %get3A_478] {strides = array<i32>} : memref<96x256xf32, #tpu.memory_space<vmem>>, vector<1x16xf32>,
      %get3A_480 = vector.shape_cast %get3A_479 : vector<1x16xf32> to vector<16xf32>
      %add3A_481 = arith.constant 1 : i32
      %add3A_482 = arith.addi %mul3A_236, %add3A_481 : i32
      %get3A_483 = arith.index_cast %add3A_482 : i32 to index
      %get3A_484 = arith.constant 144 : index
      %get3A_485 = tpu.vector_load %arg7[%get3A_483, %get3A_484] {strides = array<i32>} : memref<96x256xf32, #tpu.memory_space<vmem>>, vector<1x16xf32>,
      %get3A_486 = vector.shape_cast %get3A_485 : vector<1x16xf32> to vector<16xf32>
      %add3A_487 = arith.constant 1 : i32
      %add3A_488 = arith.addi %mul3A_236, %add3A_487 : i32
      %get3A_489 = arith.index_cast %add3A_488 : i32 to index
      %get3A_490 = arith.constant 160 : index
      %get3A_491 = tpu.vector_load %arg7[%get3A_489, %get3A_490] {strides = array<i32>} : memref<96x256xf32, #tpu.memory_space<vmem>>, vector<1x16xf32>,
      %get3A_492 = vector.shape_cast %get3A_491 : vector<1x16xf32> to vector<16xf32>
      %add3A_493 = arith.constant 1 : i32
      %add3A_494 = arith.addi %mul3A_236, %add3A_493 : i32
      %get3A_495 = arith.index_cast %add3A_494 : i32 to index
      %get3A_496 = arith.constant 176 : index
      %get3A_497 = tpu.vector_load %arg7[%get3A_495, %get3A_496] {strides = array<i32>} : memref<96x256xf32, #tpu.memory_space<vmem>>, vector<1x16xf32>,
      %get3A_498 = vector.shape_cast %get3A_497 : vector<1x16xf32> to vector<16xf32>
      %add3A_499 = arith.constant 1 : i32
      %add3A_500 = arith.addi %mul3A_236, %add3A_499 : i32
      %get3A_501 = arith.index_cast %add3A_500 : i32 to index
      %get3A_502 = arith.constant 192 : index
      %get3A_503 = tpu.vector_load %arg7[%get3A_501, %get3A_502] {strides = array<i32>} : memref<96x256xf32, #tpu.memory_space<vmem>>, vector<1x16xf32>,
      %get3A_504 = vector.shape_cast %get3A_503 : vector<1x16xf32> to vector<16xf32>
      %add3A_505 = arith.constant 1 : i32
      %add3A_506 = arith.addi %mul3A_236, %add3A_505 : i32
      %get3A_507 = arith.index_cast %add3A_506 : i32 to index
      %get3A_508 = arith.constant 208 : index
      %get3A_509 = tpu.vector_load %arg7[%get3A_507, %get3A_508] {strides = array<i32>} : memref<96x256xf32, #tpu.memory_space<vmem>>, vector<1x16xf32>,
      %get3A_510 = vector.shape_cast %get3A_509 : vector<1x16xf32> to vector<16xf32>
      %add3A_511 = arith.constant 1 : i32
      %add3A_512 = arith.addi %mul3A_236, %add3A_511 : i32
      %get3A_513 = arith.index_cast %add3A_512 : i32 to index
      %get3A_514 = arith.constant 224 : index
      %get3A_515 = tpu.vector_load %arg7[%get3A_513, %get3A_514] {strides = array<i32>} : memref<96x256xf32, #tpu.memory_space<vmem>>, vector<1x16xf32>,
      %get3A_516 = vector.shape_cast %get3A_515 : vector<1x16xf32> to vector<16xf32>
      %add3A_517 = arith.constant 1 : i32
      %add3A_518 = arith.addi %mul3A_236, %add3A_517 : i32
      %get3A_519 = arith.index_cast %add3A_518 : i32 to index
      %get3A_520 = arith.constant 240 : index
      %get3A_521 = tpu.vector_load %arg7[%get3A_519, %get3A_520] {strides = array<i32>} : memref<96x256xf32, #tpu.memory_space<vmem>>, vector<1x16xf32>,
      %get3A_522 = vector.shape_cast %get3A_521 : vector<1x16xf32> to vector<16xf32>
      %add3A_523 = arith.constant 2 : i32
      %add3A_524 = arith.addi %mul3A_236, %add3A_523 : i32
      %get3A_525 = arith.index_cast %add3A_524 : i32 to index
      %get3A_526 = arith.constant 128 : index
      %get3A_527 = tpu.vector_load %arg7[%get3A_525, %get3A_526] {strides = array<i32>} : memref<96x256xf32, #tpu.memory_space<vmem>>, vector<1x16xf32>,
      %get3A_528 = vector.shape_cast %get3A_527 : vector<1x16xf32> to vector<16xf32>
      %add3A_529 = arith.constant 2 : i32
      %add3A_530 = arith.addi %mul3A_236, %add3A_529 : i32
      %get3A_531 = arith.index_cast %add3A_530 : i32 to index
      %get3A_532 = arith.constant 144 : index
      %get3A_533 = tpu.vector_load %arg7[%get3A_531, %get3A_532] {strides = array<i32>} : memref<96x256xf32, #tpu.memory_space<vmem>>, vector<1x16xf32>,
      %get3A_534 = vector.shape_cast %get3A_533 : vector<1x16xf32> to vector<16xf32>
      %add3A_535 = arith.constant 2 : i32
      %add3A_536 = arith.addi %mul3A_236, %add3A_535 : i32
      %get3A_537 = arith.index_cast %add3A_536 : i32 to index
      %get3A_538 = arith.constant 160 : index
      %get3A_539 = tpu.vector_load %arg7[%get3A_537, %get3A_538] {strides = array<i32>} : memref<96x256xf32, #tpu.memory_space<vmem>>, vector<1x16xf32>,
      %get3A_540 = vector.shape_cast %get3A_539 : vector<1x16xf32> to vector<16xf32>
      %add3A_541 = arith.constant 2 : i32
      %add3A_542 = arith.addi %mul3A_236, %add3A_541 : i32
      %get3A_543 = arith.index_cast %add3A_542 : i32 to index
      %get3A_544 = arith.constant 176 : index
      %get3A_545 = tpu.vector_load %arg7[%get3A_543, %get3A_544] {strides = array<i32>} : memref<96x256xf32, #tpu.memory_space<vmem>>, vector<1x16xf32>,
      %get3A_546 = vector.shape_cast %get3A_545 : vector<1x16xf32> to vector<16xf32>
      %add3A_547 = arith.constant 2 : i32
      %add3A_548 = arith.addi %mul3A_236, %add3A_547 : i32
      %get3A_549 = arith.index_cast %add3A_548 : i32 to index
      %get3A_550 = arith.constant 192 : index
      %get3A_551 = tpu.vector_load %arg7[%get3A_549, %get3A_550] {strides = array<i32>} : memref<96x256xf32, #tpu.memory_space<vmem>>, vector<1x16xf32>,
      %get3A_552 = vector.shape_cast %get3A_551 : vector<1x16xf32> to vector<16xf32>
      %add3A_553 = arith.constant 2 : i32
      %add3A_554 = arith.addi %mul3A_236, %add3A_553 : i32
      %get3A_555 = arith.index_cast %add3A_554 : i32 to index
      %get3A_556 = arith.constant 208 : index
      %get3A_557 = tpu.vector_load %arg7[%get3A_555, %get3A_556] {strides = array<i32>} : memref<96x256xf32, #tpu.memory_space<vmem>>, vector<1x16xf32>,
      %get3A_558 = vector.shape_cast %get3A_557 : vector<1x16xf32> to vector<16xf32>
      %add3A_559 = arith.constant 2 : i32
      %add3A_560 = arith.addi %mul3A_236, %add3A_559 : i32
      %get3A_561 = arith.index_cast %add3A_560 : i32 to index
      %get3A_562 = arith.constant 224 : index
      %get3A_563 = tpu.vector_load %arg7[%get3A_561, %get3A_562] {strides = array<i32>} : memref<96x256xf32, #tpu.memory_space<vmem>>, vector<1x16xf32>,
      %get3A_564 = vector.shape_cast %get3A_563 : vector<1x16xf32> to vector<16xf32>
      %add3A_565 = arith.constant 2 : i32
      %add3A_566 = arith.addi %mul3A_236, %add3A_565 : i32
      %get3A_567 = arith.index_cast %add3A_566 : i32 to index
      %get3A_568 = arith.constant 240 : index
      %get3A_569 = tpu.vector_load %arg7[%get3A_567, %get3A_568] {strides = array<i32>} : memref<96x256xf32, #tpu.memory_space<vmem>>, vector<1x16xf32>,
      %get3A_570 = vector.shape_cast %get3A_569 : vector<1x16xf32> to vector<16xf32>
      %add3A_571 = arith.addf %get3A_446, %get3A_480 : vector<16xf32>
      %add3A_572 = arith.addf %add3A_571, %get3A_528 : vector<16xf32>
      %mul3A_573 = arith.constant 0.333333343 : f32
      %mul3A_574 = vector.broadcast %mul3A_573 : f32 to vector<16xf32>
      %mul3A_575 = arith.mulf %add3A_572, %mul3A_574 : vector<16xf32>
      %swap3A_576 = arith.index_cast %scan3A_234 : i32 to index
      %swap3A_577 = arith.constant 128 : index
      %swap3A_578 = tpu.vector_load %arg11[%swap3A_576, %swap3A_577] {strides = array<i32>} : memref<32x516xf32, #tpu.memory_space<vmem>>, vector<1x16xf32>,
      %swap3A_579 = vector.shape_cast %swap3A_578 : vector<1x16xf32> to vector<16xf32>
      %swap3A_580 = vector.shape_cast %mul3A_575 : vector<16xf32> to vector<1x16xf32>
      tpu.vector_store %arg11[%swap3A_576, %swap3A_577], %swap3A_580 {strides = array<i32>} : memref<32x516xf32, #tpu.memory_space<vmem>>, vector<1x16xf32>,
      %add3A_581 = arith.addf %get3A_450, %get3A_486 : vector<16xf32>
      %add3A_582 = arith.addf %add3A_581, %get3A_534 : vector<16xf32>
      %mul3A_583 = arith.constant 0.333333343 : f32
      %mul3A_584 = vector.broadcast %mul3A_583 : f32 to vector<16xf32>
      %mul3A_585 = arith.mulf %add3A_582, %mul3A_584 : vector<16xf32>
      %swap3A_586 = arith.index_cast %scan3A_234 : i32 to index
      %swap3A_587 = arith.constant 144 : index
      %swap3A_588 = tpu.vector_load %arg11[%swap3A_586, %swap3A_587] {strides = array<i32>} : memref<32x516xf32, #tpu.memory_space<vmem>>, vector<1x16xf32>,
      %swap3A_589 = vector.shape_cast %swap3A_588 : vector<1x16xf32> to vector<16xf32>
      %swap3A_590 = vector.shape_cast %mul3A_585 : vector<16xf32> to vector<1x16xf32>
      tpu.vector_store %arg11[%swap3A_586, %swap3A_587], %swap3A_590 {strides = array<i32>} : memref<32x516xf32, #tpu.memory_space<vmem>>, vector<1x16xf32>,
      %add3A_591 = arith.addf %get3A_454, %get3A_492 : vector<16xf32>
      %add3A_592 = arith.addf %add3A_591, %get3A_540 : vector<16xf32>
      %mul3A_593 = arith.constant 0.333333343 : f32
      %mul3A_594 = vector.broadcast %mul3A_593 : f32 to vector<16xf32>
      %mul3A_595 = arith.mulf %add3A_592, %mul3A_594 : vector<16xf32>
      %swap3A_596 = arith.index_cast %scan3A_234 : i32 to index
      %swap3A_597 = arith.constant 160 : index
      %swap3A_598 = tpu.vector_load %arg11[%swap3A_596, %swap3A_597] {strides = array<i32>} : memref<32x516xf32, #tpu.memory_space<vmem>>, vector<1x16xf32>,
      %swap3A_599 = vector.shape_cast %swap3A_598 : vector<1x16xf32> to vector<16xf32>
      %swap3A_600 = vector.shape_cast %mul3A_595 : vector<16xf32> to vector<1x16xf32>
      tpu.vector_store %arg11[%swap3A_596, %swap3A_597], %swap3A_600 {strides = array<i32>} : memref<32x516xf32, #tpu.memory_space<vmem>>, vector<1x16xf32>,
      %add3A_601 = arith.addf %get3A_458, %get3A_498 : vector<16xf32>
      %add3A_602 = arith.addf %add3A_601, %get3A_546 : vector<16xf32>
      %mul3A_603 = arith.constant 0.333333343 : f32
      %mul3A_604 = vector.broadcast %mul3A_603 : f32 to vector<16xf32>
      %mul3A_605 = arith.mulf %add3A_602, %mul3A_604 : vector<16xf32>
      %swap3A_606 = arith.index_cast %scan3A_234 : i32 to index
      %swap3A_607 = arith.constant 176 : index
      %swap3A_608 = tpu.vector_load %arg11[%swap3A_606, %swap3A_607] {strides = array<i32>} : memref<32x516xf32, #tpu.memory_space<vmem>>, vector<1x16xf32>,
      %swap3A_609 = vector.shape_cast %swap3A_608 : vector<1x16xf32> to vector<16xf32>
      %swap3A_610 = vector.shape_cast %mul3A_605 : vector<16xf32> to vector<1x16xf32>
      tpu.vector_store %arg11[%swap3A_606, %swap3A_607], %swap3A_610 {strides = array<i32>} : memref<32x516xf32, #tpu.memory_space<vmem>>, vector<1x16xf32>,
      %add3A_611 = arith.addf %get3A_462, %get3A_504 : vector<16xf32>
      %add3A_612 = arith.addf %add3A_611, %get3A_552 : vector<16xf32>
      %mul3A_613 = arith.constant 0.333333343 : f32
      %mul3A_614 = vector.broadcast %mul3A_613 : f32 to vector<16xf32>
      %mul3A_615 = arith.mulf %add3A_612, %mul3A_614 : vector<16xf32>
      %swap3A_616 = arith.index_cast %scan3A_234 : i32 to index
      %swap3A_617 = arith.constant 192 : index
      %swap3A_618 = tpu.vector_load %arg11[%swap3A_616, %swap3A_617] {strides = array<i32>} : memref<32x516xf32, #tpu.memory_space<vmem>>, vector<1x16xf32>,
      %swap3A_619 = vector.shape_cast %swap3A_618 : vector<1x16xf32> to vector<16xf32>
      %swap3A_620 = vector.shape_cast %mul3A_615 : vector<16xf32> to vector<1x16xf32>
      tpu.vector_store %arg11[%swap3A_616, %swap3A_617], %swap3A_620 {strides = array<i32>} : memref<32x516xf32, #tpu.memory_space<vmem>>, vector<1x16xf32>,
      %add3A_621 = arith.addf %get3A_466, %get3A_510 : vector<16xf32>
      %add3A_622 = arith.addf %add3A_621, %get3A_558 : vector<16xf32>
      %mul3A_623 = arith.constant 0.333333343 : f32
      %mul3A_624 = vector.broadcast %mul3A_623 : f32 to vector<16xf32>
      %mul3A_625 = arith.mulf %add3A_622, %mul3A_624 : vector<16xf32>
      %swap3A_626 = arith.index_cast %scan3A_234 : i32 to index
      %swap3A_627 = arith.constant 208 : index
      %swap3A_628 = tpu.vector_load %arg11[%swap3A_626, %swap3A_627] {strides = array<i32>} : memref<32x516xf32, #tpu.memory_space<vmem>>, vector<1x16xf32>,
      %swap3A_629 = vector.shape_cast %swap3A_628 : vector<1x16xf32> to vector<16xf32>
      %swap3A_630 = vector.shape_cast %mul3A_625 : vector<16xf32> to vector<1x16xf32>
      tpu.vector_store %arg11[%swap3A_626, %swap3A_627], %swap3A_630 {strides = array<i32>} : memref<32x516xf32, #tpu.memory_space<vmem>>, vector<1x16xf32>,
      %add3A_631 = arith.addf %get3A_470, %get3A_516 : vector<16xf32>
      %add3A_632 = arith.addf %add3A_631, %get3A_564 : vector<16xf32>
      %mul3A_633 = arith.constant 0.333333343 : f32
      %mul3A_634 = vector.broadcast %mul3A_633 : f32 to vector<16xf32>
      %mul3A_635 = arith.mulf %add3A_632, %mul3A_634 : vector<16xf32>
      %swap3A_636 = arith.index_cast %scan3A_234 : i32 to index
      %swap3A_637 = arith.constant 224 : index
      %swap3A_638 = tpu.vector_load %arg11[%swap3A_636, %swap3A_637] {strides = array<i32>} : memref<32x516xf32, #tpu.memory_space<vmem>>, vector<1x16xf32>,
      %swap3A_639 = vector.shape_cast %swap3A_638 : vector<1x16xf32> to vector<16xf32>
      %swap3A_640 = vector.shape_cast %mul3A_635 : vector<16xf32> to vector<1x16xf32>
      tpu.vector_store %arg11[%swap3A_636, %swap3A_637], %swap3A_640 {strides = array<i32>} : memref<32x516xf32, #tpu.memory_space<vmem>>, vector<1x16xf32>,
      %add3A_641 = arith.addf %get3A_474, %get3A_522 : vector<16xf32>
      %add3A_642 = arith.addf %add3A_641, %get3A_570 : vector<16xf32>
      %mul3A_643 = arith.constant 0.333333343 : f32
      %mul3A_644 = vector.broadcast %mul3A_643 : f32 to vector<16xf32>
      %mul3A_645 = arith.mulf %add3A_642, %mul3A_644 : vector<16xf32>
      %swap3A_646 = arith.index_cast %scan3A_234 : i32 to index
      %swap3A_647 = arith.constant 240 : index
      %swap3A_648 = tpu.vector_load %arg11[%swap3A_646, %swap3A_647] {strides = array<i32>} : memref<32x516xf32, #tpu.memory_space<vmem>>, vector<1x16xf32>,
      %swap3A_649 = vector.shape_cast %swap3A_648 : vector<1x16xf32> to vector<16xf32>
      %swap3A_650 = vector.shape_cast %mul3A_645 : vector<16xf32> to vector<1x16xf32>
      tpu.vector_store %arg11[%swap3A_646, %swap3A_647], %swap3A_650 {strides = array<i32>} : memref<32x516xf32, #tpu.memory_space<vmem>>, vector<1x16xf32>,
    }
    %scan3A_125 = arith.constant 32 : i32
    %add3A_126 = arith.constant 96 : i32
    %add3A_127 = arith.addi %mul3A_2, %add3A_126 : i32
    %dma_start3A_128 = arith.constant 0 : i32
    %dma_start3A_129 = tpu.memref_slice %arg5[%add3A_127, %dma_start3A_128] : memref<8192x516xf32, #tpu.memory_space<hbm>> -> memref<32x516xf32, #tpu.memory_space<hbm>>
    %dma_start3A_130 = arith.constant 0 : i32
    %dma_start3A_131 = tpu.memref_slice %arg5[%add3A_127, %dma_start3A_130] : memref<8192x516xf32, #tpu.memory_space<hbm>> -> memref<32x516xf32, #tpu.memory_space<hbm>>
    tpu.enqueue_dma source(%arg11 : memref<32x516xf32, #tpu.memory_space<vmem>>) target(%dma_start3A_131 : memref<32x516xf32, #tpu.memory_space<hbm>>) target_semaphore(%arg16 : memref<!tpu.dma_semaphore, #tpu.memory_space<semaphore_mem>>)
    %dma_start3A_132 = arith.constant 576 : i32
    %dma_start3A_133 = tpu.memref_slice %arg6[%dma_start3A_132] : memref<768xi32, #tpu.memory_space<vmem>> -> memref<96xi32, #tpu.memory_space<vmem>>
    %dma_start3A_134 = arith.constant 0 : i32
    %dma_start3A_135 = arith.constant 0 : i32
    %dma_start3A_136 = tpu.memref_slice %arg2[%dma_start3A_134, %dma_start3A_135] : memref<8192x256xf32, #tpu.memory_space<hbm>> -> memref<8192x256xf32, #tpu.memory_space<hbm>>
    tpu.enqueue_indirect_dma source(%dma_start3A_136 : memref<8192x256xf32, #tpu.memory_space<hbm>>) target(%arg7 : memref<96x256xf32, #tpu.memory_space<vmem>>) offsets(%dma_start3A_133 : memref<96xi32, #tpu.memory_space<vmem>>) semaphore(%arg12 : memref<!tpu.dma_semaphore, #tpu.memory_space<semaphore_mem>>)
    %dma_wait3A_137 = arith.constant 384 : i32
    %dma_wait3A_138 = tpu.memref_slice %arg6[%dma_wait3A_137] : memref<768xi32, #tpu.memory_space<vmem>> -> memref<96xi32, #tpu.memory_space<vmem>>
    %dma_wait3A_139 = arith.constant 0 : i32
    %dma_wait3A_140 = arith.constant 0 : i32
    %dma_wait3A_141 = tpu.memref_slice %arg2[%dma_wait3A_139, %dma_wait3A_140] : memref<8192x256xf32, #tpu.memory_space<hbm>> -> memref<8192x256xf32, #tpu.memory_space<hbm>>
    tpu.wait_indirect_dma semaphore(%arg13 : memref<!tpu.dma_semaphore, #tpu.memory_space<semaphore_mem>>) src(%dma_wait3A_141 : memref<8192x256xf32, #tpu.memory_space<hbm>>) dst(%arg8 : memref<96x256xf32, #tpu.memory_space<vmem>>)
    %dma_wait3A_142 = arith.constant 0 : i32
    %dma_wait3A_143 = tpu.memref_slice %arg5[%add3A_101, %dma_wait3A_142] : memref<8192x516xf32, #tpu.memory_space<hbm>> -> memref<32x516xf32, #tpu.memory_space<hbm>>
    %dma_wait3A_144 = arith.constant 0 : i32
    %dma_wait3A_145 = tpu.memref_slice %arg5[%add3A_101, %dma_wait3A_144] : memref<8192x516xf32, #tpu.memory_space<hbm>> -> memref<32x516xf32, #tpu.memory_space<hbm>>
    tpu.wait_dma2 semaphore(%arg15 : memref<!tpu.dma_semaphore, #tpu.memory_space<semaphore_mem>>) src(%arg10 : memref<32x516xf32, #tpu.memory_space<vmem>>) dst(%dma_wait3A_145 : memref<32x516xf32, #tpu.memory_space<hbm>>)
    %scan3A_146 = arith.constant 0 : i32
    %scan3A_147 = arith.constant 0 : i32
    %scan3A_148 = arith.constant 32 : i32
    %scan3A_149 = arith.addi %scan3A_147, %scan3A_148 : i32
    %scan3A_150 = arith.constant 1 : i32
    scf.for %scan3A_234 = %scan3A_147 to %scan3A_149 step %scan3A_150  : i32 {
      %mul3A_235 = arith.constant 3 : i32
      %mul3A_236 = arith.muli %scan3A_234, %mul3A_235 : i32
      %get3A = arith.index_cast %mul3A_236 : i32 to index
      %get3A_237 = arith.constant 0 : index
      %get3A_238 = tpu.vector_load %arg8[%get3A, %get3A_237] {strides = array<i32>} : memref<96x256xf32, #tpu.memory_space<vmem>>, vector<1x16xf32>,
      %get3A_239 = vector.shape_cast %get3A_238 : vector<1x16xf32> to vector<16xf32>
      %get3A_240 = arith.index_cast %mul3A_236 : i32 to index
      %get3A_241 = arith.constant 16 : index
      %get3A_242 = tpu.vector_load %arg8[%get3A_240, %get3A_241] {strides = array<i32>} : memref<96x256xf32, #tpu.memory_space<vmem>>, vector<1x16xf32>,
      %get3A_243 = vector.shape_cast %get3A_242 : vector<1x16xf32> to vector<16xf32>
      %get3A_244 = arith.index_cast %mul3A_236 : i32 to index
      %get3A_245 = arith.constant 32 : index
      %get3A_246 = tpu.vector_load %arg8[%get3A_244, %get3A_245] {strides = array<i32>} : memref<96x256xf32, #tpu.memory_space<vmem>>, vector<1x16xf32>,
      %get3A_247 = vector.shape_cast %get3A_246 : vector<1x16xf32> to vector<16xf32>
      %get3A_248 = arith.index_cast %mul3A_236 : i32 to index
      %get3A_249 = arith.constant 48 : index
      %get3A_250 = tpu.vector_load %arg8[%get3A_248, %get3A_249] {strides = array<i32>} : memref<96x256xf32, #tpu.memory_space<vmem>>, vector<1x16xf32>,
      %get3A_251 = vector.shape_cast %get3A_250 : vector<1x16xf32> to vector<16xf32>
      %get3A_252 = arith.index_cast %mul3A_236 : i32 to index
      %get3A_253 = arith.constant 64 : index
      %get3A_254 = tpu.vector_load %arg8[%get3A_252, %get3A_253] {strides = array<i32>} : memref<96x256xf32, #tpu.memory_space<vmem>>, vector<1x16xf32>,
      %get3A_255 = vector.shape_cast %get3A_254 : vector<1x16xf32> to vector<16xf32>
      %get3A_256 = arith.index_cast %mul3A_236 : i32 to index
      %get3A_257 = arith.constant 80 : index
      %get3A_258 = tpu.vector_load %arg8[%get3A_256, %get3A_257] {strides = array<i32>} : memref<96x256xf32, #tpu.memory_space<vmem>>, vector<1x16xf32>,
      %get3A_259 = vector.shape_cast %get3A_258 : vector<1x16xf32> to vector<16xf32>
      %get3A_260 = arith.index_cast %mul3A_236 : i32 to index
      %get3A_261 = arith.constant 96 : index
      %get3A_262 = tpu.vector_load %arg8[%get3A_260, %get3A_261] {strides = array<i32>} : memref<96x256xf32, #tpu.memory_space<vmem>>, vector<1x16xf32>,
      %get3A_263 = vector.shape_cast %get3A_262 : vector<1x16xf32> to vector<16xf32>
      %get3A_264 = arith.index_cast %mul3A_236 : i32 to index
      %get3A_265 = arith.constant 112 : index
      %get3A_266 = tpu.vector_load %arg8[%get3A_264, %get3A_265] {strides = array<i32>} : memref<96x256xf32, #tpu.memory_space<vmem>>, vector<1x16xf32>,
      %get3A_267 = vector.shape_cast %get3A_266 : vector<1x16xf32> to vector<16xf32>
      %add3A_268 = arith.constant 1 : i32
      %add3A_269 = arith.addi %mul3A_236, %add3A_268 : i32
      %get3A_270 = arith.index_cast %add3A_269 : i32 to index
      %get3A_271 = arith.constant 0 : index
      %get3A_272 = tpu.vector_load %arg8[%get3A_270, %get3A_271] {strides = array<i32>} : memref<96x256xf32, #tpu.memory_space<vmem>>, vector<1x16xf32>,
      %get3A_273 = vector.shape_cast %get3A_272 : vector<1x16xf32> to vector<16xf32>
      %add3A_274 = arith.constant 1 : i32
      %add3A_275 = arith.addi %mul3A_236, %add3A_274 : i32
      %get3A_276 = arith.index_cast %add3A_275 : i32 to index
      %get3A_277 = arith.constant 16 : index
      %get3A_278 = tpu.vector_load %arg8[%get3A_276, %get3A_277] {strides = array<i32>} : memref<96x256xf32, #tpu.memory_space<vmem>>, vector<1x16xf32>,
      %get3A_279 = vector.shape_cast %get3A_278 : vector<1x16xf32> to vector<16xf32>
      %add3A_280 = arith.constant 1 : i32
      %add3A_281 = arith.addi %mul3A_236, %add3A_280 : i32
      %get3A_282 = arith.index_cast %add3A_281 : i32 to index
      %get3A_283 = arith.constant 32 : index
      %get3A_284 = tpu.vector_load %arg8[%get3A_282, %get3A_283] {strides = array<i32>} : memref<96x256xf32, #tpu.memory_space<vmem>>, vector<1x16xf32>,
      %get3A_285 = vector.shape_cast %get3A_284 : vector<1x16xf32> to vector<16xf32>
      %add3A_286 = arith.constant 1 : i32
      %add3A_287 = arith.addi %mul3A_236, %add3A_286 : i32
      %get3A_288 = arith.index_cast %add3A_287 : i32 to index
      %get3A_289 = arith.constant 48 : index
      %get3A_290 = tpu.vector_load %arg8[%get3A_288, %get3A_289] {strides = array<i32>} : memref<96x256xf32, #tpu.memory_space<vmem>>, vector<1x16xf32>,
      %get3A_291 = vector.shape_cast %get3A_290 : vector<1x16xf32> to vector<16xf32>
      %add3A_292 = arith.constant 1 : i32
      %add3A_293 = arith.addi %mul3A_236, %add3A_292 : i32
      %get3A_294 = arith.index_cast %add3A_293 : i32 to index
      %get3A_295 = arith.constant 64 : index
      %get3A_296 = tpu.vector_load %arg8[%get3A_294, %get3A_295] {strides = array<i32>} : memref<96x256xf32, #tpu.memory_space<vmem>>, vector<1x16xf32>,
      %get3A_297 = vector.shape_cast %get3A_296 : vector<1x16xf32> to vector<16xf32>
      %add3A_298 = arith.constant 1 : i32
      %add3A_299 = arith.addi %mul3A_236, %add3A_298 : i32
      %get3A_300 = arith.index_cast %add3A_299 : i32 to index
      %get3A_301 = arith.constant 80 : index
      %get3A_302 = tpu.vector_load %arg8[%get3A_300, %get3A_301] {strides = array<i32>} : memref<96x256xf32, #tpu.memory_space<vmem>>, vector<1x16xf32>,
      %get3A_303 = vector.shape_cast %get3A_302 : vector<1x16xf32> to vector<16xf32>
      %add3A_304 = arith.constant 1 : i32
      %add3A_305 = arith.addi %mul3A_236, %add3A_304 : i32
      %get3A_306 = arith.index_cast %add3A_305 : i32 to index
      %get3A_307 = arith.constant 96 : index
      %get3A_308 = tpu.vector_load %arg8[%get3A_306, %get3A_307] {strides = array<i32>} : memref<96x256xf32, #tpu.memory_space<vmem>>, vector<1x16xf32>,
      %get3A_309 = vector.shape_cast %get3A_308 : vector<1x16xf32> to vector<16xf32>
      %add3A_310 = arith.constant 1 : i32
      %add3A_311 = arith.addi %mul3A_236, %add3A_310 : i32
      %get3A_312 = arith.index_cast %add3A_311 : i32 to index
      %get3A_313 = arith.constant 112 : index
      %get3A_314 = tpu.vector_load %arg8[%get3A_312, %get3A_313] {strides = array<i32>} : memref<96x256xf32, #tpu.memory_space<vmem>>, vector<1x16xf32>,
      %get3A_315 = vector.shape_cast %get3A_314 : vector<1x16xf32> to vector<16xf32>
      %add3A_316 = arith.constant 2 : i32
      %add3A_317 = arith.addi %mul3A_236, %add3A_316 : i32
      %get3A_318 = arith.index_cast %add3A_317 : i32 to index
      %get3A_319 = arith.constant 0 : index
      %get3A_320 = tpu.vector_load %arg8[%get3A_318, %get3A_319] {strides = array<i32>} : memref<96x256xf32, #tpu.memory_space<vmem>>, vector<1x16xf32>,
      %get3A_321 = vector.shape_cast %get3A_320 : vector<1x16xf32> to vector<16xf32>
      %add3A_322 = arith.constant 2 : i32
      %add3A_323 = arith.addi %mul3A_236, %add3A_322 : i32
      %get3A_324 = arith.index_cast %add3A_323 : i32 to index
      %get3A_325 = arith.constant 16 : index
      %get3A_326 = tpu.vector_load %arg8[%get3A_324, %get3A_325] {strides = array<i32>} : memref<96x256xf32, #tpu.memory_space<vmem>>, vector<1x16xf32>,
      %get3A_327 = vector.shape_cast %get3A_326 : vector<1x16xf32> to vector<16xf32>
      %add3A_328 = arith.constant 2 : i32
      %add3A_329 = arith.addi %mul3A_236, %add3A_328 : i32
      %get3A_330 = arith.index_cast %add3A_329 : i32 to index
      %get3A_331 = arith.constant 32 : index
      %get3A_332 = tpu.vector_load %arg8[%get3A_330, %get3A_331] {strides = array<i32>} : memref<96x256xf32, #tpu.memory_space<vmem>>, vector<1x16xf32>,
      %get3A_333 = vector.shape_cast %get3A_332 : vector<1x16xf32> to vector<16xf32>
      %add3A_334 = arith.constant 2 : i32
      %add3A_335 = arith.addi %mul3A_236, %add3A_334 : i32
      %get3A_336 = arith.index_cast %add3A_335 : i32 to index
      %get3A_337 = arith.constant 48 : index
      %get3A_338 = tpu.vector_load %arg8[%get3A_336, %get3A_337] {strides = array<i32>} : memref<96x256xf32, #tpu.memory_space<vmem>>, vector<1x16xf32>,
      %get3A_339 = vector.shape_cast %get3A_338 : vector<1x16xf32> to vector<16xf32>
      %add3A_340 = arith.constant 2 : i32
      %add3A_341 = arith.addi %mul3A_236, %add3A_340 : i32
      %get3A_342 = arith.index_cast %add3A_341 : i32 to index
      %get3A_343 = arith.constant 64 : index
      %get3A_344 = tpu.vector_load %arg8[%get3A_342, %get3A_343] {strides = array<i32>} : memref<96x256xf32, #tpu.memory_space<vmem>>, vector<1x16xf32>,
      %get3A_345 = vector.shape_cast %get3A_344 : vector<1x16xf32> to vector<16xf32>
      %add3A_346 = arith.constant 2 : i32
      %add3A_347 = arith.addi %mul3A_236, %add3A_346 : i32
      %get3A_348 = arith.index_cast %add3A_347 : i32 to index
      %get3A_349 = arith.constant 80 : index
      %get3A_350 = tpu.vector_load %arg8[%get3A_348, %get3A_349] {strides = array<i32>} : memref<96x256xf32, #tpu.memory_space<vmem>>, vector<1x16xf32>,
      %get3A_351 = vector.shape_cast %get3A_350 : vector<1x16xf32> to vector<16xf32>
      %add3A_352 = arith.constant 2 : i32
      %add3A_353 = arith.addi %mul3A_236, %add3A_352 : i32
      %get3A_354 = arith.index_cast %add3A_353 : i32 to index
      %get3A_355 = arith.constant 96 : index
      %get3A_356 = tpu.vector_load %arg8[%get3A_354, %get3A_355] {strides = array<i32>} : memref<96x256xf32, #tpu.memory_space<vmem>>, vector<1x16xf32>,
      %get3A_357 = vector.shape_cast %get3A_356 : vector<1x16xf32> to vector<16xf32>
      %add3A_358 = arith.constant 2 : i32
      %add3A_359 = arith.addi %mul3A_236, %add3A_358 : i32
      %get3A_360 = arith.index_cast %add3A_359 : i32 to index
      %get3A_361 = arith.constant 112 : index
      %get3A_362 = tpu.vector_load %arg8[%get3A_360, %get3A_361] {strides = array<i32>} : memref<96x256xf32, #tpu.memory_space<vmem>>, vector<1x16xf32>,
      %get3A_363 = vector.shape_cast %get3A_362 : vector<1x16xf32> to vector<16xf32>
      %add3A_364 = arith.addf %get3A_239, %get3A_273 : vector<16xf32>
      %add3A_365 = arith.addf %add3A_364, %get3A_321 : vector<16xf32>
      %mul3A_366 = arith.constant 0.333333343 : f32
      %mul3A_367 = vector.broadcast %mul3A_366 : f32 to vector<16xf32>
      %mul3A_368 = arith.mulf %add3A_365, %mul3A_367 : vector<16xf32>
      %swap3A = arith.index_cast %scan3A_234 : i32 to index
      %swap3A_369 = arith.constant 0 : index
      %swap3A_370 = tpu.vector_load %arg10[%swap3A, %swap3A_369] {strides = array<i32>} : memref<32x516xf32, #tpu.memory_space<vmem>>, vector<1x16xf32>,
      %swap3A_371 = vector.shape_cast %swap3A_370 : vector<1x16xf32> to vector<16xf32>
      %swap3A_372 = vector.shape_cast %mul3A_368 : vector<16xf32> to vector<1x16xf32>
      tpu.vector_store %arg10[%swap3A, %swap3A_369], %swap3A_372 {strides = array<i32>} : memref<32x516xf32, #tpu.memory_space<vmem>>, vector<1x16xf32>,
      %add3A_373 = arith.addf %get3A_243, %get3A_279 : vector<16xf32>
      %add3A_374 = arith.addf %add3A_373, %get3A_327 : vector<16xf32>
      %mul3A_375 = arith.constant 0.333333343 : f32
      %mul3A_376 = vector.broadcast %mul3A_375 : f32 to vector<16xf32>
      %mul3A_377 = arith.mulf %add3A_374, %mul3A_376 : vector<16xf32>
      %swap3A_378 = arith.index_cast %scan3A_234 : i32 to index
      %swap3A_379 = arith.constant 16 : index
      %swap3A_380 = tpu.vector_load %arg10[%swap3A_378, %swap3A_379] {strides = array<i32>} : memref<32x516xf32, #tpu.memory_space<vmem>>, vector<1x16xf32>,
      %swap3A_381 = vector.shape_cast %swap3A_380 : vector<1x16xf32> to vector<16xf32>
      %swap3A_382 = vector.shape_cast %mul3A_377 : vector<16xf32> to vector<1x16xf32>
      tpu.vector_store %arg10[%swap3A_378, %swap3A_379], %swap3A_382 {strides = array<i32>} : memref<32x516xf32, #tpu.memory_space<vmem>>, vector<1x16xf32>,
      %add3A_383 = arith.addf %get3A_247, %get3A_285 : vector<16xf32>
      %add3A_384 = arith.addf %add3A_383, %get3A_333 : vector<16xf32>
      %mul3A_385 = arith.constant 0.333333343 : f32
      %mul3A_386 = vector.broadcast %mul3A_385 : f32 to vector<16xf32>
      %mul3A_387 = arith.mulf %add3A_384, %mul3A_386 : vector<16xf32>
      %swap3A_388 = arith.index_cast %scan3A_234 : i32 to index
      %swap3A_389 = arith.constant 32 : index
      %swap3A_390 = tpu.vector_load %arg10[%swap3A_388, %swap3A_389] {strides = array<i32>} : memref<32x516xf32, #tpu.memory_space<vmem>>, vector<1x16xf32>,
      %swap3A_391 = vector.shape_cast %swap3A_390 : vector<1x16xf32> to vector<16xf32>
      %swap3A_392 = vector.shape_cast %mul3A_387 : vector<16xf32> to vector<1x16xf32>
      tpu.vector_store %arg10[%swap3A_388, %swap3A_389], %swap3A_392 {strides = array<i32>} : memref<32x516xf32, #tpu.memory_space<vmem>>, vector<1x16xf32>,
      %add3A_393 = arith.addf %get3A_251, %get3A_291 : vector<16xf32>
      %add3A_394 = arith.addf %add3A_393, %get3A_339 : vector<16xf32>
      %mul3A_395 = arith.constant 0.333333343 : f32
      %mul3A_396 = vector.broadcast %mul3A_395 : f32 to vector<16xf32>
      %mul3A_397 = arith.mulf %add3A_394, %mul3A_396 : vector<16xf32>
      %swap3A_398 = arith.index_cast %scan3A_234 : i32 to index
      %swap3A_399 = arith.constant 48 : index
      %swap3A_400 = tpu.vector_load %arg10[%swap3A_398, %swap3A_399] {strides = array<i32>} : memref<32x516xf32, #tpu.memory_space<vmem>>, vector<1x16xf32>,
      %swap3A_401 = vector.shape_cast %swap3A_400 : vector<1x16xf32> to vector<16xf32>
      %swap3A_402 = vector.shape_cast %mul3A_397 : vector<16xf32> to vector<1x16xf32>
      tpu.vector_store %arg10[%swap3A_398, %swap3A_399], %swap3A_402 {strides = array<i32>} : memref<32x516xf32, #tpu.memory_space<vmem>>, vector<1x16xf32>,
      %add3A_403 = arith.addf %get3A_255, %get3A_297 : vector<16xf32>
      %add3A_404 = arith.addf %add3A_403, %get3A_345 : vector<16xf32>
      %mul3A_405 = arith.constant 0.333333343 : f32
      %mul3A_406 = vector.broadcast %mul3A_405 : f32 to vector<16xf32>
      %mul3A_407 = arith.mulf %add3A_404, %mul3A_406 : vector<16xf32>
      %swap3A_408 = arith.index_cast %scan3A_234 : i32 to index
      %swap3A_409 = arith.constant 64 : index
      %swap3A_410 = tpu.vector_load %arg10[%swap3A_408, %swap3A_409] {strides = array<i32>} : memref<32x516xf32, #tpu.memory_space<vmem>>, vector<1x16xf32>,
      %swap3A_411 = vector.shape_cast %swap3A_410 : vector<1x16xf32> to vector<16xf32>
      %swap3A_412 = vector.shape_cast %mul3A_407 : vector<16xf32> to vector<1x16xf32>
      tpu.vector_store %arg10[%swap3A_408, %swap3A_409], %swap3A_412 {strides = array<i32>} : memref<32x516xf32, #tpu.memory_space<vmem>>, vector<1x16xf32>,
      %add3A_413 = arith.addf %get3A_259, %get3A_303 : vector<16xf32>
      %add3A_414 = arith.addf %add3A_413, %get3A_351 : vector<16xf32>
      %mul3A_415 = arith.constant 0.333333343 : f32
      %mul3A_416 = vector.broadcast %mul3A_415 : f32 to vector<16xf32>
      %mul3A_417 = arith.mulf %add3A_414, %mul3A_416 : vector<16xf32>
      %swap3A_418 = arith.index_cast %scan3A_234 : i32 to index
      %swap3A_419 = arith.constant 80 : index
      %swap3A_420 = tpu.vector_load %arg10[%swap3A_418, %swap3A_419] {strides = array<i32>} : memref<32x516xf32, #tpu.memory_space<vmem>>, vector<1x16xf32>,
      %swap3A_421 = vector.shape_cast %swap3A_420 : vector<1x16xf32> to vector<16xf32>
      %swap3A_422 = vector.shape_cast %mul3A_417 : vector<16xf32> to vector<1x16xf32>
      tpu.vector_store %arg10[%swap3A_418, %swap3A_419], %swap3A_422 {strides = array<i32>} : memref<32x516xf32, #tpu.memory_space<vmem>>, vector<1x16xf32>,
      %add3A_423 = arith.addf %get3A_263, %get3A_309 : vector<16xf32>
      %add3A_424 = arith.addf %add3A_423, %get3A_357 : vector<16xf32>
      %mul3A_425 = arith.constant 0.333333343 : f32
      %mul3A_426 = vector.broadcast %mul3A_425 : f32 to vector<16xf32>
      %mul3A_427 = arith.mulf %add3A_424, %mul3A_426 : vector<16xf32>
      %swap3A_428 = arith.index_cast %scan3A_234 : i32 to index
      %swap3A_429 = arith.constant 96 : index
      %swap3A_430 = tpu.vector_load %arg10[%swap3A_428, %swap3A_429] {strides = array<i32>} : memref<32x516xf32, #tpu.memory_space<vmem>>, vector<1x16xf32>,
      %swap3A_431 = vector.shape_cast %swap3A_430 : vector<1x16xf32> to vector<16xf32>
      %swap3A_432 = vector.shape_cast %mul3A_427 : vector<16xf32> to vector<1x16xf32>
      tpu.vector_store %arg10[%swap3A_428, %swap3A_429], %swap3A_432 {strides = array<i32>} : memref<32x516xf32, #tpu.memory_space<vmem>>, vector<1x16xf32>,
      %add3A_433 = arith.addf %get3A_267, %get3A_315 : vector<16xf32>
      %add3A_434 = arith.addf %add3A_433, %get3A_363 : vector<16xf32>
      %mul3A_435 = arith.constant 0.333333343 : f32
      %mul3A_436 = vector.broadcast %mul3A_435 : f32 to vector<16xf32>
      %mul3A_437 = arith.mulf %add3A_434, %mul3A_436 : vector<16xf32>
      %swap3A_438 = arith.index_cast %scan3A_234 : i32 to index
      %swap3A_439 = arith.constant 112 : index
      %swap3A_440 = tpu.vector_load %arg10[%swap3A_438, %swap3A_439] {strides = array<i32>} : memref<32x516xf32, #tpu.memory_space<vmem>>, vector<1x16xf32>,
      %swap3A_441 = vector.shape_cast %swap3A_440 : vector<1x16xf32> to vector<16xf32>
      %swap3A_442 = vector.shape_cast %mul3A_437 : vector<16xf32> to vector<1x16xf32>
      tpu.vector_store %arg10[%swap3A_438, %swap3A_439], %swap3A_442 {strides = array<i32>} : memref<32x516xf32, #tpu.memory_space<vmem>>, vector<1x16xf32>,
      %get3A_443 = arith.index_cast %mul3A_236 : i32 to index
      %get3A_444 = arith.constant 128 : index
      %get3A_445 = tpu.vector_load %arg8[%get3A_443, %get3A_444] {strides = array<i32>} : memref<96x256xf32, #tpu.memory_space<vmem>>, vector<1x16xf32>,
      %get3A_446 = vector.shape_cast %get3A_445 : vector<1x16xf32> to vector<16xf32>
      %get3A_447 = arith.index_cast %mul3A_236 : i32 to index
      %get3A_448 = arith.constant 144 : index
      %get3A_449 = tpu.vector_load %arg8[%get3A_447, %get3A_448] {strides = array<i32>} : memref<96x256xf32, #tpu.memory_space<vmem>>, vector<1x16xf32>,
      %get3A_450 = vector.shape_cast %get3A_449 : vector<1x16xf32> to vector<16xf32>
      %get3A_451 = arith.index_cast %mul3A_236 : i32 to index
      %get3A_452 = arith.constant 160 : index
      %get3A_453 = tpu.vector_load %arg8[%get3A_451, %get3A_452] {strides = array<i32>} : memref<96x256xf32, #tpu.memory_space<vmem>>, vector<1x16xf32>,
      %get3A_454 = vector.shape_cast %get3A_453 : vector<1x16xf32> to vector<16xf32>
      %get3A_455 = arith.index_cast %mul3A_236 : i32 to index
      %get3A_456 = arith.constant 176 : index
      %get3A_457 = tpu.vector_load %arg8[%get3A_455, %get3A_456] {strides = array<i32>} : memref<96x256xf32, #tpu.memory_space<vmem>>, vector<1x16xf32>,
      %get3A_458 = vector.shape_cast %get3A_457 : vector<1x16xf32> to vector<16xf32>
      %get3A_459 = arith.index_cast %mul3A_236 : i32 to index
      %get3A_460 = arith.constant 192 : index
      %get3A_461 = tpu.vector_load %arg8[%get3A_459, %get3A_460] {strides = array<i32>} : memref<96x256xf32, #tpu.memory_space<vmem>>, vector<1x16xf32>,
      %get3A_462 = vector.shape_cast %get3A_461 : vector<1x16xf32> to vector<16xf32>
      %get3A_463 = arith.index_cast %mul3A_236 : i32 to index
      %get3A_464 = arith.constant 208 : index
      %get3A_465 = tpu.vector_load %arg8[%get3A_463, %get3A_464] {strides = array<i32>} : memref<96x256xf32, #tpu.memory_space<vmem>>, vector<1x16xf32>,
      %get3A_466 = vector.shape_cast %get3A_465 : vector<1x16xf32> to vector<16xf32>
      %get3A_467 = arith.index_cast %mul3A_236 : i32 to index
      %get3A_468 = arith.constant 224 : index
      %get3A_469 = tpu.vector_load %arg8[%get3A_467, %get3A_468] {strides = array<i32>} : memref<96x256xf32, #tpu.memory_space<vmem>>, vector<1x16xf32>,
      %get3A_470 = vector.shape_cast %get3A_469 : vector<1x16xf32> to vector<16xf32>
      %get3A_471 = arith.index_cast %mul3A_236 : i32 to index
      %get3A_472 = arith.constant 240 : index
      %get3A_473 = tpu.vector_load %arg8[%get3A_471, %get3A_472] {strides = array<i32>} : memref<96x256xf32, #tpu.memory_space<vmem>>, vector<1x16xf32>,
      %get3A_474 = vector.shape_cast %get3A_473 : vector<1x16xf32> to vector<16xf32>
      %add3A_475 = arith.constant 1 : i32
      %add3A_476 = arith.addi %mul3A_236, %add3A_475 : i32
      %get3A_477 = arith.index_cast %add3A_476 : i32 to index
      %get3A_478 = arith.constant 128 : index
      %get3A_479 = tpu.vector_load %arg8[%get3A_477, %get3A_478] {strides = array<i32>} : memref<96x256xf32, #tpu.memory_space<vmem>>, vector<1x16xf32>,
      %get3A_480 = vector.shape_cast %get3A_479 : vector<1x16xf32> to vector<16xf32>
      %add3A_481 = arith.constant 1 : i32
      %add3A_482 = arith.addi %mul3A_236, %add3A_481 : i32
      %get3A_483 = arith.index_cast %add3A_482 : i32 to index
      %get3A_484 = arith.constant 144 : index
      %get3A_485 = tpu.vector_load %arg8[%get3A_483, %get3A_484] {strides = array<i32>} : memref<96x256xf32, #tpu.memory_space<vmem>>, vector<1x16xf32>,
      %get3A_486 = vector.shape_cast %get3A_485 : vector<1x16xf32> to vector<16xf32>
      %add3A_487 = arith.constant 1 : i32
      %add3A_488 = arith.addi %mul3A_236, %add3A_487 : i32
      %get3A_489 = arith.index_cast %add3A_488 : i32 to index
      %get3A_490 = arith.constant 160 : index
      %get3A_491 = tpu.vector_load %arg8[%get3A_489, %get3A_490] {strides = array<i32>} : memref<96x256xf32, #tpu.memory_space<vmem>>, vector<1x16xf32>,
      %get3A_492 = vector.shape_cast %get3A_491 : vector<1x16xf32> to vector<16xf32>
      %add3A_493 = arith.constant 1 : i32
      %add3A_494 = arith.addi %mul3A_236, %add3A_493 : i32
      %get3A_495 = arith.index_cast %add3A_494 : i32 to index
      %get3A_496 = arith.constant 176 : index
      %get3A_497 = tpu.vector_load %arg8[%get3A_495, %get3A_496] {strides = array<i32>} : memref<96x256xf32, #tpu.memory_space<vmem>>, vector<1x16xf32>,
      %get3A_498 = vector.shape_cast %get3A_497 : vector<1x16xf32> to vector<16xf32>
      %add3A_499 = arith.constant 1 : i32
      %add3A_500 = arith.addi %mul3A_236, %add3A_499 : i32
      %get3A_501 = arith.index_cast %add3A_500 : i32 to index
      %get3A_502 = arith.constant 192 : index
      %get3A_503 = tpu.vector_load %arg8[%get3A_501, %get3A_502] {strides = array<i32>} : memref<96x256xf32, #tpu.memory_space<vmem>>, vector<1x16xf32>,
      %get3A_504 = vector.shape_cast %get3A_503 : vector<1x16xf32> to vector<16xf32>
      %add3A_505 = arith.constant 1 : i32
      %add3A_506 = arith.addi %mul3A_236, %add3A_505 : i32
      %get3A_507 = arith.index_cast %add3A_506 : i32 to index
      %get3A_508 = arith.constant 208 : index
      %get3A_509 = tpu.vector_load %arg8[%get3A_507, %get3A_508] {strides = array<i32>} : memref<96x256xf32, #tpu.memory_space<vmem>>, vector<1x16xf32>,
      %get3A_510 = vector.shape_cast %get3A_509 : vector<1x16xf32> to vector<16xf32>
      %add3A_511 = arith.constant 1 : i32
      %add3A_512 = arith.addi %mul3A_236, %add3A_511 : i32
      %get3A_513 = arith.index_cast %add3A_512 : i32 to index
      %get3A_514 = arith.constant 224 : index
      %get3A_515 = tpu.vector_load %arg8[%get3A_513, %get3A_514] {strides = array<i32>} : memref<96x256xf32, #tpu.memory_space<vmem>>, vector<1x16xf32>,
      %get3A_516 = vector.shape_cast %get3A_515 : vector<1x16xf32> to vector<16xf32>
      %add3A_517 = arith.constant 1 : i32
      %add3A_518 = arith.addi %mul3A_236, %add3A_517 : i32
      %get3A_519 = arith.index_cast %add3A_518 : i32 to index
      %get3A_520 = arith.constant 240 : index
      %get3A_521 = tpu.vector_load %arg8[%get3A_519, %get3A_520] {strides = array<i32>} : memref<96x256xf32, #tpu.memory_space<vmem>>, vector<1x16xf32>,
      %get3A_522 = vector.shape_cast %get3A_521 : vector<1x16xf32> to vector<16xf32>
      %add3A_523 = arith.constant 2 : i32
      %add3A_524 = arith.addi %mul3A_236, %add3A_523 : i32
      %get3A_525 = arith.index_cast %add3A_524 : i32 to index
      %get3A_526 = arith.constant 128 : index
      %get3A_527 = tpu.vector_load %arg8[%get3A_525, %get3A_526] {strides = array<i32>} : memref<96x256xf32, #tpu.memory_space<vmem>>, vector<1x16xf32>,
      %get3A_528 = vector.shape_cast %get3A_527 : vector<1x16xf32> to vector<16xf32>
      %add3A_529 = arith.constant 2 : i32
      %add3A_530 = arith.addi %mul3A_236, %add3A_529 : i32
      %get3A_531 = arith.index_cast %add3A_530 : i32 to index
      %get3A_532 = arith.constant 144 : index
      %get3A_533 = tpu.vector_load %arg8[%get3A_531, %get3A_532] {strides = array<i32>} : memref<96x256xf32, #tpu.memory_space<vmem>>, vector<1x16xf32>,
      %get3A_534 = vector.shape_cast %get3A_533 : vector<1x16xf32> to vector<16xf32>
      %add3A_535 = arith.constant 2 : i32
      %add3A_536 = arith.addi %mul3A_236, %add3A_535 : i32
      %get3A_537 = arith.index_cast %add3A_536 : i32 to index
      %get3A_538 = arith.constant 160 : index
      %get3A_539 = tpu.vector_load %arg8[%get3A_537, %get3A_538] {strides = array<i32>} : memref<96x256xf32, #tpu.memory_space<vmem>>, vector<1x16xf32>,
      %get3A_540 = vector.shape_cast %get3A_539 : vector<1x16xf32> to vector<16xf32>
      %add3A_541 = arith.constant 2 : i32
      %add3A_542 = arith.addi %mul3A_236, %add3A_541 : i32
      %get3A_543 = arith.index_cast %add3A_542 : i32 to index
      %get3A_544 = arith.constant 176 : index
      %get3A_545 = tpu.vector_load %arg8[%get3A_543, %get3A_544] {strides = array<i32>} : memref<96x256xf32, #tpu.memory_space<vmem>>, vector<1x16xf32>,
      %get3A_546 = vector.shape_cast %get3A_545 : vector<1x16xf32> to vector<16xf32>
      %add3A_547 = arith.constant 2 : i32
      %add3A_548 = arith.addi %mul3A_236, %add3A_547 : i32
      %get3A_549 = arith.index_cast %add3A_548 : i32 to index
      %get3A_550 = arith.constant 192 : index
      %get3A_551 = tpu.vector_load %arg8[%get3A_549, %get3A_550] {strides = array<i32>} : memref<96x256xf32, #tpu.memory_space<vmem>>, vector<1x16xf32>,
      %get3A_552 = vector.shape_cast %get3A_551 : vector<1x16xf32> to vector<16xf32>
      %add3A_553 = arith.constant 2 : i32
      %add3A_554 = arith.addi %mul3A_236, %add3A_553 : i32
      %get3A_555 = arith.index_cast %add3A_554 : i32 to index
      %get3A_556 = arith.constant 208 : index
      %get3A_557 = tpu.vector_load %arg8[%get3A_555, %get3A_556] {strides = array<i32>} : memref<96x256xf32, #tpu.memory_space<vmem>>, vector<1x16xf32>,
      %get3A_558 = vector.shape_cast %get3A_557 : vector<1x16xf32> to vector<16xf32>
      %add3A_559 = arith.constant 2 : i32
      %add3A_560 = arith.addi %mul3A_236, %add3A_559 : i32
      %get3A_561 = arith.index_cast %add3A_560 : i32 to index
      %get3A_562 = arith.constant 224 : index
      %get3A_563 = tpu.vector_load %arg8[%get3A_561, %get3A_562] {strides = array<i32>} : memref<96x256xf32, #tpu.memory_space<vmem>>, vector<1x16xf32>,
      %get3A_564 = vector.shape_cast %get3A_563 : vector<1x16xf32> to vector<16xf32>
      %add3A_565 = arith.constant 2 : i32
      %add3A_566 = arith.addi %mul3A_236, %add3A_565 : i32
      %get3A_567 = arith.index_cast %add3A_566 : i32 to index
      %get3A_568 = arith.constant 240 : index
      %get3A_569 = tpu.vector_load %arg8[%get3A_567, %get3A_568] {strides = array<i32>} : memref<96x256xf32, #tpu.memory_space<vmem>>, vector<1x16xf32>,
      %get3A_570 = vector.shape_cast %get3A_569 : vector<1x16xf32> to vector<16xf32>
      %add3A_571 = arith.addf %get3A_446, %get3A_480 : vector<16xf32>
      %add3A_572 = arith.addf %add3A_571, %get3A_528 : vector<16xf32>
      %mul3A_573 = arith.constant 0.333333343 : f32
      %mul3A_574 = vector.broadcast %mul3A_573 : f32 to vector<16xf32>
      %mul3A_575 = arith.mulf %add3A_572, %mul3A_574 : vector<16xf32>
      %swap3A_576 = arith.index_cast %scan3A_234 : i32 to index
      %swap3A_577 = arith.constant 128 : index
      %swap3A_578 = tpu.vector_load %arg10[%swap3A_576, %swap3A_577] {strides = array<i32>} : memref<32x516xf32, #tpu.memory_space<vmem>>, vector<1x16xf32>,
      %swap3A_579 = vector.shape_cast %swap3A_578 : vector<1x16xf32> to vector<16xf32>
      %swap3A_580 = vector.shape_cast %mul3A_575 : vector<16xf32> to vector<1x16xf32>
      tpu.vector_store %arg10[%swap3A_576, %swap3A_577], %swap3A_580 {strides = array<i32>} : memref<32x516xf32, #tpu.memory_space<vmem>>, vector<1x16xf32>,
      %add3A_581 = arith.addf %get3A_450, %get3A_486 : vector<16xf32>
      %add3A_582 = arith.addf %add3A_581, %get3A_534 : vector<16xf32>
      %mul3A_583 = arith.constant 0.333333343 : f32
      %mul3A_584 = vector.broadcast %mul3A_583 : f32 to vector<16xf32>
      %mul3A_585 = arith.mulf %add3A_582, %mul3A_584 : vector<16xf32>
      %swap3A_586 = arith.index_cast %scan3A_234 : i32 to index
      %swap3A_587 = arith.constant 144 : index
      %swap3A_588 = tpu.vector_load %arg10[%swap3A_586, %swap3A_587] {strides = array<i32>} : memref<32x516xf32, #tpu.memory_space<vmem>>, vector<1x16xf32>,
      %swap3A_589 = vector.shape_cast %swap3A_588 : vector<1x16xf32> to vector<16xf32>
      %swap3A_590 = vector.shape_cast %mul3A_585 : vector<16xf32> to vector<1x16xf32>
      tpu.vector_store %arg10[%swap3A_586, %swap3A_587], %swap3A_590 {strides = array<i32>} : memref<32x516xf32, #tpu.memory_space<vmem>>, vector<1x16xf32>,
      %add3A_591 = arith.addf %get3A_454, %get3A_492 : vector<16xf32>
      %add3A_592 = arith.addf %add3A_591, %get3A_540 : vector<16xf32>
      %mul3A_593 = arith.constant 0.333333343 : f32
      %mul3A_594 = vector.broadcast %mul3A_593 : f32 to vector<16xf32>
      %mul3A_595 = arith.mulf %add3A_592, %mul3A_594 : vector<16xf32>
      %swap3A_596 = arith.index_cast %scan3A_234 : i32 to index
      %swap3A_597 = arith.constant 160 : index
      %swap3A_598 = tpu.vector_load %arg10[%swap3A_596, %swap3A_597] {strides = array<i32>} : memref<32x516xf32, #tpu.memory_space<vmem>>, vector<1x16xf32>,
      %swap3A_599 = vector.shape_cast %swap3A_598 : vector<1x16xf32> to vector<16xf32>
      %swap3A_600 = vector.shape_cast %mul3A_595 : vector<16xf32> to vector<1x16xf32>
      tpu.vector_store %arg10[%swap3A_596, %swap3A_597], %swap3A_600 {strides = array<i32>} : memref<32x516xf32, #tpu.memory_space<vmem>>, vector<1x16xf32>,
      %add3A_601 = arith.addf %get3A_458, %get3A_498 : vector<16xf32>
      %add3A_602 = arith.addf %add3A_601, %get3A_546 : vector<16xf32>
      %mul3A_603 = arith.constant 0.333333343 : f32
      %mul3A_604 = vector.broadcast %mul3A_603 : f32 to vector<16xf32>
      %mul3A_605 = arith.mulf %add3A_602, %mul3A_604 : vector<16xf32>
      %swap3A_606 = arith.index_cast %scan3A_234 : i32 to index
      %swap3A_607 = arith.constant 176 : index
      %swap3A_608 = tpu.vector_load %arg10[%swap3A_606, %swap3A_607] {strides = array<i32>} : memref<32x516xf32, #tpu.memory_space<vmem>>, vector<1x16xf32>,
      %swap3A_609 = vector.shape_cast %swap3A_608 : vector<1x16xf32> to vector<16xf32>
      %swap3A_610 = vector.shape_cast %mul3A_605 : vector<16xf32> to vector<1x16xf32>
      tpu.vector_store %arg10[%swap3A_606, %swap3A_607], %swap3A_610 {strides = array<i32>} : memref<32x516xf32, #tpu.memory_space<vmem>>, vector<1x16xf32>,
      %add3A_611 = arith.addf %get3A_462, %get3A_504 : vector<16xf32>
      %add3A_612 = arith.addf %add3A_611, %get3A_552 : vector<16xf32>
      %mul3A_613 = arith.constant 0.333333343 : f32
      %mul3A_614 = vector.broadcast %mul3A_613 : f32 to vector<16xf32>
      %mul3A_615 = arith.mulf %add3A_612, %mul3A_614 : vector<16xf32>
      %swap3A_616 = arith.index_cast %scan3A_234 : i32 to index
      %swap3A_617 = arith.constant 192 : index
      %swap3A_618 = tpu.vector_load %arg10[%swap3A_616, %swap3A_617] {strides = array<i32>} : memref<32x516xf32, #tpu.memory_space<vmem>>, vector<1x16xf32>,
      %swap3A_619 = vector.shape_cast %swap3A_618 : vector<1x16xf32> to vector<16xf32>
      %swap3A_620 = vector.shape_cast %mul3A_615 : vector<16xf32> to vector<1x16xf32>
      tpu.vector_store %arg10[%swap3A_616, %swap3A_617], %swap3A_620 {strides = array<i32>} : memref<32x516xf32, #tpu.memory_space<vmem>>, vector<1x16xf32>,
      %add3A_621 = arith.addf %get3A_466, %get3A_510 : vector<16xf32>
      %add3A_622 = arith.addf %add3A_621, %get3A_558 : vector<16xf32>
      %mul3A_623 = arith.constant 0.333333343 : f32
      %mul3A_624 = vector.broadcast %mul3A_623 : f32 to vector<16xf32>
      %mul3A_625 = arith.mulf %add3A_622, %mul3A_624 : vector<16xf32>
      %swap3A_626 = arith.index_cast %scan3A_234 : i32 to index
      %swap3A_627 = arith.constant 208 : index
      %swap3A_628 = tpu.vector_load %arg10[%swap3A_626, %swap3A_627] {strides = array<i32>} : memref<32x516xf32, #tpu.memory_space<vmem>>, vector<1x16xf32>,
      %swap3A_629 = vector.shape_cast %swap3A_628 : vector<1x16xf32> to vector<16xf32>
      %swap3A_630 = vector.shape_cast %mul3A_625 : vector<16xf32> to vector<1x16xf32>
      tpu.vector_store %arg10[%swap3A_626, %swap3A_627], %swap3A_630 {strides = array<i32>} : memref<32x516xf32, #tpu.memory_space<vmem>>, vector<1x16xf32>,
      %add3A_631 = arith.addf %get3A_470, %get3A_516 : vector<16xf32>
      %add3A_632 = arith.addf %add3A_631, %get3A_564 : vector<16xf32>
      %mul3A_633 = arith.constant 0.333333343 : f32
      %mul3A_634 = vector.broadcast %mul3A_633 : f32 to vector<16xf32>
      %mul3A_635 = arith.mulf %add3A_632, %mul3A_634 : vector<16xf32>
      %swap3A_636 = arith.index_cast %scan3A_234 : i32 to index
      %swap3A_637 = arith.constant 224 : index
      %swap3A_638 = tpu.vector_load %arg10[%swap3A_636, %swap3A_637] {strides = array<i32>} : memref<32x516xf32, #tpu.memory_space<vmem>>, vector<1x16xf32>,
      %swap3A_639 = vector.shape_cast %swap3A_638 : vector<1x16xf32> to vector<16xf32>
      %swap3A_640 = vector.shape_cast %mul3A_635 : vector<16xf32> to vector<1x16xf32>
      tpu.vector_store %arg10[%swap3A_636, %swap3A_637], %swap3A_640 {strides = array<i32>} : memref<32x516xf32, #tpu.memory_space<vmem>>, vector<1x16xf32>,
      %add3A_641 = arith.addf %get3A_474, %get3A_522 : vector<16xf32>
      %add3A_642 = arith.addf %add3A_641, %get3A_570 : vector<16xf32>
      %mul3A_643 = arith.constant 0.333333343 : f32
      %mul3A_644 = vector.broadcast %mul3A_643 : f32 to vector<16xf32>
      %mul3A_645 = arith.mulf %add3A_642, %mul3A_644 : vector<16xf32>
      %swap3A_646 = arith.index_cast %scan3A_234 : i32 to index
      %swap3A_647 = arith.constant 240 : index
      %swap3A_648 = tpu.vector_load %arg10[%swap3A_646, %swap3A_647] {strides = array<i32>} : memref<32x516xf32, #tpu.memory_space<vmem>>, vector<1x16xf32>,
      %swap3A_649 = vector.shape_cast %swap3A_648 : vector<1x16xf32> to vector<16xf32>
      %swap3A_650 = vector.shape_cast %mul3A_645 : vector<16xf32> to vector<1x16xf32>
      tpu.vector_store %arg10[%swap3A_646, %swap3A_647], %swap3A_650 {strides = array<i32>} : memref<32x516xf32, #tpu.memory_space<vmem>>, vector<1x16xf32>,
    }
    %scan3A_151 = arith.constant 32 : i32
    %add3A_152 = arith.constant 128 : i32
    %add3A_153 = arith.addi %mul3A_2, %add3A_152 : i32
    %dma_start3A_154 = arith.constant 0 : i32
    %dma_start3A_155 = tpu.memref_slice %arg5[%add3A_153, %dma_start3A_154] : memref<8192x516xf32, #tpu.memory_space<hbm>> -> memref<32x516xf32, #tpu.memory_space<hbm>>
    %dma_start3A_156 = arith.constant 0 : i32
    %dma_start3A_157 = tpu.memref_slice %arg5[%add3A_153, %dma_start3A_156] : memref<8192x516xf32, #tpu.memory_space<hbm>> -> memref<32x516xf32, #tpu.memory_space<hbm>>
    tpu.enqueue_dma source(%arg10 : memref<32x516xf32, #tpu.memory_space<vmem>>) target(%dma_start3A_157 : memref<32x516xf32, #tpu.memory_space<hbm>>) target_semaphore(%arg15 : memref<!tpu.dma_semaphore, #tpu.memory_space<semaphore_mem>>)
    %dma_start3A_158 = arith.constant 672 : i32
    %dma_start3A_159 = tpu.memref_slice %arg6[%dma_start3A_158] : memref<768xi32, #tpu.memory_space<vmem>> -> memref<96xi32, #tpu.memory_space<vmem>>
    %dma_start3A_160 = arith.constant 0 : i32
    %dma_start3A_161 = arith.constant 0 : i32
    %dma_start3A_162 = tpu.memref_slice %arg2[%dma_start3A_160, %dma_start3A_161] : memref<8192x256xf32, #tpu.memory_space<hbm>> -> memref<8192x256xf32, #tpu.memory_space<hbm>>
    tpu.enqueue_indirect_dma source(%dma_start3A_162 : memref<8192x256xf32, #tpu.memory_space<hbm>>) target(%arg8 : memref<96x256xf32, #tpu.memory_space<vmem>>) offsets(%dma_start3A_159 : memref<96xi32, #tpu.memory_space<vmem>>) semaphore(%arg13 : memref<!tpu.dma_semaphore, #tpu.memory_space<semaphore_mem>>)
    %dma_wait3A_163 = arith.constant 480 : i32
    %dma_wait3A_164 = tpu.memref_slice %arg6[%dma_wait3A_163] : memref<768xi32, #tpu.memory_space<vmem>> -> memref<96xi32, #tpu.memory_space<vmem>>
    %dma_wait3A_165 = arith.constant 0 : i32
    %dma_wait3A_166 = arith.constant 0 : i32
    %dma_wait3A_167 = tpu.memref_slice %arg2[%dma_wait3A_165, %dma_wait3A_166] : memref<8192x256xf32, #tpu.memory_space<hbm>> -> memref<8192x256xf32, #tpu.memory_space<hbm>>
    tpu.wait_indirect_dma semaphore(%arg14 : memref<!tpu.dma_semaphore, #tpu.memory_space<semaphore_mem>>) src(%dma_wait3A_167 : memref<8192x256xf32, #tpu.memory_space<hbm>>) dst(%arg9 : memref<96x256xf32, #tpu.memory_space<vmem>>)
    %dma_wait3A_168 = arith.constant 0 : i32
    %dma_wait3A_169 = tpu.memref_slice %arg5[%add3A_127, %dma_wait3A_168] : memref<8192x516xf32, #tpu.memory_space<hbm>> -> memref<32x516xf32, #tpu.memory_space<hbm>>
    %dma_wait3A_170 = arith.constant 0 : i32
    %dma_wait3A_171 = tpu.memref_slice %arg5[%add3A_127, %dma_wait3A_170] : memref<8192x516xf32, #tpu.memory_space<hbm>> -> memref<32x516xf32, #tpu.memory_space<hbm>>
    tpu.wait_dma2 semaphore(%arg16 : memref<!tpu.dma_semaphore, #tpu.memory_space<semaphore_mem>>) src(%arg11 : memref<32x516xf32, #tpu.memory_space<vmem>>) dst(%dma_wait3A_171 : memref<32x516xf32, #tpu.memory_space<hbm>>)
    %scan3A_172 = arith.constant 0 : i32
    %scan3A_173 = arith.constant 0 : i32
    %scan3A_174 = arith.constant 32 : i32
    %scan3A_175 = arith.addi %scan3A_173, %scan3A_174 : i32
    %scan3A_176 = arith.constant 1 : i32
    scf.for %scan3A_234 = %scan3A_173 to %scan3A_175 step %scan3A_176  : i32 {
      %mul3A_235 = arith.constant 3 : i32
      %mul3A_236 = arith.muli %scan3A_234, %mul3A_235 : i32
      %get3A = arith.index_cast %mul3A_236 : i32 to index
      %get3A_237 = arith.constant 0 : index
      %get3A_238 = tpu.vector_load %arg9[%get3A, %get3A_237] {strides = array<i32>} : memref<96x256xf32, #tpu.memory_space<vmem>>, vector<1x16xf32>,
      %get3A_239 = vector.shape_cast %get3A_238 : vector<1x16xf32> to vector<16xf32>
      %get3A_240 = arith.index_cast %mul3A_236 : i32 to index
      %get3A_241 = arith.constant 16 : index
      %get3A_242 = tpu.vector_load %arg9[%get3A_240, %get3A_241] {strides = array<i32>} : memref<96x256xf32, #tpu.memory_space<vmem>>, vector<1x16xf32>,
      %get3A_243 = vector.shape_cast %get3A_242 : vector<1x16xf32> to vector<16xf32>
      %get3A_244 = arith.index_cast %mul3A_236 : i32 to index
      %get3A_245 = arith.constant 32 : index
      %get3A_246 = tpu.vector_load %arg9[%get3A_244, %get3A_245] {strides = array<i32>} : memref<96x256xf32, #tpu.memory_space<vmem>>, vector<1x16xf32>,
      %get3A_247 = vector.shape_cast %get3A_246 : vector<1x16xf32> to vector<16xf32>
      %get3A_248 = arith.index_cast %mul3A_236 : i32 to index
      %get3A_249 = arith.constant 48 : index
      %get3A_250 = tpu.vector_load %arg9[%get3A_248, %get3A_249] {strides = array<i32>} : memref<96x256xf32, #tpu.memory_space<vmem>>, vector<1x16xf32>,
      %get3A_251 = vector.shape_cast %get3A_250 : vector<1x16xf32> to vector<16xf32>
      %get3A_252 = arith.index_cast %mul3A_236 : i32 to index
      %get3A_253 = arith.constant 64 : index
      %get3A_254 = tpu.vector_load %arg9[%get3A_252, %get3A_253] {strides = array<i32>} : memref<96x256xf32, #tpu.memory_space<vmem>>, vector<1x16xf32>,
      %get3A_255 = vector.shape_cast %get3A_254 : vector<1x16xf32> to vector<16xf32>
      %get3A_256 = arith.index_cast %mul3A_236 : i32 to index
      %get3A_257 = arith.constant 80 : index
      %get3A_258 = tpu.vector_load %arg9[%get3A_256, %get3A_257] {strides = array<i32>} : memref<96x256xf32, #tpu.memory_space<vmem>>, vector<1x16xf32>,
      %get3A_259 = vector.shape_cast %get3A_258 : vector<1x16xf32> to vector<16xf32>
      %get3A_260 = arith.index_cast %mul3A_236 : i32 to index
      %get3A_261 = arith.constant 96 : index
      %get3A_262 = tpu.vector_load %arg9[%get3A_260, %get3A_261] {strides = array<i32>} : memref<96x256xf32, #tpu.memory_space<vmem>>, vector<1x16xf32>,
      %get3A_263 = vector.shape_cast %get3A_262 : vector<1x16xf32> to vector<16xf32>
      %get3A_264 = arith.index_cast %mul3A_236 : i32 to index
      %get3A_265 = arith.constant 112 : index
      %get3A_266 = tpu.vector_load %arg9[%get3A_264, %get3A_265] {strides = array<i32>} : memref<96x256xf32, #tpu.memory_space<vmem>>, vector<1x16xf32>,
      %get3A_267 = vector.shape_cast %get3A_266 : vector<1x16xf32> to vector<16xf32>
      %add3A_268 = arith.constant 1 : i32
      %add3A_269 = arith.addi %mul3A_236, %add3A_268 : i32
      %get3A_270 = arith.index_cast %add3A_269 : i32 to index
      %get3A_271 = arith.constant 0 : index
      %get3A_272 = tpu.vector_load %arg9[%get3A_270, %get3A_271] {strides = array<i32>} : memref<96x256xf32, #tpu.memory_space<vmem>>, vector<1x16xf32>,
      %get3A_273 = vector.shape_cast %get3A_272 : vector<1x16xf32> to vector<16xf32>
      %add3A_274 = arith.constant 1 : i32
      %add3A_275 = arith.addi %mul3A_236, %add3A_274 : i32
      %get3A_276 = arith.index_cast %add3A_275 : i32 to index
      %get3A_277 = arith.constant 16 : index
      %get3A_278 = tpu.vector_load %arg9[%get3A_276, %get3A_277] {strides = array<i32>} : memref<96x256xf32, #tpu.memory_space<vmem>>, vector<1x16xf32>,
      %get3A_279 = vector.shape_cast %get3A_278 : vector<1x16xf32> to vector<16xf32>
      %add3A_280 = arith.constant 1 : i32
      %add3A_281 = arith.addi %mul3A_236, %add3A_280 : i32
      %get3A_282 = arith.index_cast %add3A_281 : i32 to index
      %get3A_283 = arith.constant 32 : index
      %get3A_284 = tpu.vector_load %arg9[%get3A_282, %get3A_283] {strides = array<i32>} : memref<96x256xf32, #tpu.memory_space<vmem>>, vector<1x16xf32>,
      %get3A_285 = vector.shape_cast %get3A_284 : vector<1x16xf32> to vector<16xf32>
      %add3A_286 = arith.constant 1 : i32
      %add3A_287 = arith.addi %mul3A_236, %add3A_286 : i32
      %get3A_288 = arith.index_cast %add3A_287 : i32 to index
      %get3A_289 = arith.constant 48 : index
      %get3A_290 = tpu.vector_load %arg9[%get3A_288, %get3A_289] {strides = array<i32>} : memref<96x256xf32, #tpu.memory_space<vmem>>, vector<1x16xf32>,
      %get3A_291 = vector.shape_cast %get3A_290 : vector<1x16xf32> to vector<16xf32>
      %add3A_292 = arith.constant 1 : i32
      %add3A_293 = arith.addi %mul3A_236, %add3A_292 : i32
      %get3A_294 = arith.index_cast %add3A_293 : i32 to index
      %get3A_295 = arith.constant 64 : index
      %get3A_296 = tpu.vector_load %arg9[%get3A_294, %get3A_295] {strides = array<i32>} : memref<96x256xf32, #tpu.memory_space<vmem>>, vector<1x16xf32>,
      %get3A_297 = vector.shape_cast %get3A_296 : vector<1x16xf32> to vector<16xf32>
      %add3A_298 = arith.constant 1 : i32
      %add3A_299 = arith.addi %mul3A_236, %add3A_298 : i32
      %get3A_300 = arith.index_cast %add3A_299 : i32 to index
      %get3A_301 = arith.constant 80 : index
      %get3A_302 = tpu.vector_load %arg9[%get3A_300, %get3A_301] {strides = array<i32>} : memref<96x256xf32, #tpu.memory_space<vmem>>, vector<1x16xf32>,
      %get3A_303 = vector.shape_cast %get3A_302 : vector<1x16xf32> to vector<16xf32>
      %add3A_304 = arith.constant 1 : i32
      %add3A_305 = arith.addi %mul3A_236, %add3A_304 : i32
      %get3A_306 = arith.index_cast %add3A_305 : i32 to index
      %get3A_307 = arith.constant 96 : index
      %get3A_308 = tpu.vector_load %arg9[%get3A_306, %get3A_307] {strides = array<i32>} : memref<96x256xf32, #tpu.memory_space<vmem>>, vector<1x16xf32>,
      %get3A_309 = vector.shape_cast %get3A_308 : vector<1x16xf32> to vector<16xf32>
      %add3A_310 = arith.constant 1 : i32
      %add3A_311 = arith.addi %mul3A_236, %add3A_310 : i32
      %get3A_312 = arith.index_cast %add3A_311 : i32 to index
      %get3A_313 = arith.constant 112 : index
      %get3A_314 = tpu.vector_load %arg9[%get3A_312, %get3A_313] {strides = array<i32>} : memref<96x256xf32, #tpu.memory_space<vmem>>, vector<1x16xf32>,
      %get3A_315 = vector.shape_cast %get3A_314 : vector<1x16xf32> to vector<16xf32>
      %add3A_316 = arith.constant 2 : i32
      %add3A_317 = arith.addi %mul3A_236, %add3A_316 : i32
      %get3A_318 = arith.index_cast %add3A_317 : i32 to index
      %get3A_319 = arith.constant 0 : index
      %get3A_320 = tpu.vector_load %arg9[%get3A_318, %get3A_319] {strides = array<i32>} : memref<96x256xf32, #tpu.memory_space<vmem>>, vector<1x16xf32>,
      %get3A_321 = vector.shape_cast %get3A_320 : vector<1x16xf32> to vector<16xf32>
      %add3A_322 = arith.constant 2 : i32
      %add3A_323 = arith.addi %mul3A_236, %add3A_322 : i32
      %get3A_324 = arith.index_cast %add3A_323 : i32 to index
      %get3A_325 = arith.constant 16 : index
      %get3A_326 = tpu.vector_load %arg9[%get3A_324, %get3A_325] {strides = array<i32>} : memref<96x256xf32, #tpu.memory_space<vmem>>, vector<1x16xf32>,
      %get3A_327 = vector.shape_cast %get3A_326 : vector<1x16xf32> to vector<16xf32>
      %add3A_328 = arith.constant 2 : i32
      %add3A_329 = arith.addi %mul3A_236, %add3A_328 : i32
      %get3A_330 = arith.index_cast %add3A_329 : i32 to index
      %get3A_331 = arith.constant 32 : index
      %get3A_332 = tpu.vector_load %arg9[%get3A_330, %get3A_331] {strides = array<i32>} : memref<96x256xf32, #tpu.memory_space<vmem>>, vector<1x16xf32>,
      %get3A_333 = vector.shape_cast %get3A_332 : vector<1x16xf32> to vector<16xf32>
      %add3A_334 = arith.constant 2 : i32
      %add3A_335 = arith.addi %mul3A_236, %add3A_334 : i32
      %get3A_336 = arith.index_cast %add3A_335 : i32 to index
      %get3A_337 = arith.constant 48 : index
      %get3A_338 = tpu.vector_load %arg9[%get3A_336, %get3A_337] {strides = array<i32>} : memref<96x256xf32, #tpu.memory_space<vmem>>, vector<1x16xf32>,
      %get3A_339 = vector.shape_cast %get3A_338 : vector<1x16xf32> to vector<16xf32>
      %add3A_340 = arith.constant 2 : i32
      %add3A_341 = arith.addi %mul3A_236, %add3A_340 : i32
      %get3A_342 = arith.index_cast %add3A_341 : i32 to index
      %get3A_343 = arith.constant 64 : index
      %get3A_344 = tpu.vector_load %arg9[%get3A_342, %get3A_343] {strides = array<i32>} : memref<96x256xf32, #tpu.memory_space<vmem>>, vector<1x16xf32>,
      %get3A_345 = vector.shape_cast %get3A_344 : vector<1x16xf32> to vector<16xf32>
      %add3A_346 = arith.constant 2 : i32
      %add3A_347 = arith.addi %mul3A_236, %add3A_346 : i32
      %get3A_348 = arith.index_cast %add3A_347 : i32 to index
      %get3A_349 = arith.constant 80 : index
      %get3A_350 = tpu.vector_load %arg9[%get3A_348, %get3A_349] {strides = array<i32>} : memref<96x256xf32, #tpu.memory_space<vmem>>, vector<1x16xf32>,
      %get3A_351 = vector.shape_cast %get3A_350 : vector<1x16xf32> to vector<16xf32>
      %add3A_352 = arith.constant 2 : i32
      %add3A_353 = arith.addi %mul3A_236, %add3A_352 : i32
      %get3A_354 = arith.index_cast %add3A_353 : i32 to index
      %get3A_355 = arith.constant 96 : index
      %get3A_356 = tpu.vector_load %arg9[%get3A_354, %get3A_355] {strides = array<i32>} : memref<96x256xf32, #tpu.memory_space<vmem>>, vector<1x16xf32>,
      %get3A_357 = vector.shape_cast %get3A_356 : vector<1x16xf32> to vector<16xf32>
      %add3A_358 = arith.constant 2 : i32
      %add3A_359 = arith.addi %mul3A_236, %add3A_358 : i32
      %get3A_360 = arith.index_cast %add3A_359 : i32 to index
      %get3A_361 = arith.constant 112 : index
      %get3A_362 = tpu.vector_load %arg9[%get3A_360, %get3A_361] {strides = array<i32>} : memref<96x256xf32, #tpu.memory_space<vmem>>, vector<1x16xf32>,
      %get3A_363 = vector.shape_cast %get3A_362 : vector<1x16xf32> to vector<16xf32>
      %add3A_364 = arith.addf %get3A_239, %get3A_273 : vector<16xf32>
      %add3A_365 = arith.addf %add3A_364, %get3A_321 : vector<16xf32>
      %mul3A_366 = arith.constant 0.333333343 : f32
      %mul3A_367 = vector.broadcast %mul3A_366 : f32 to vector<16xf32>
      %mul3A_368 = arith.mulf %add3A_365, %mul3A_367 : vector<16xf32>
      %swap3A = arith.index_cast %scan3A_234 : i32 to index
      %swap3A_369 = arith.constant 0 : index
      %swap3A_370 = tpu.vector_load %arg11[%swap3A, %swap3A_369] {strides = array<i32>} : memref<32x516xf32, #tpu.memory_space<vmem>>, vector<1x16xf32>,
      %swap3A_371 = vector.shape_cast %swap3A_370 : vector<1x16xf32> to vector<16xf32>
      %swap3A_372 = vector.shape_cast %mul3A_368 : vector<16xf32> to vector<1x16xf32>
      tpu.vector_store %arg11[%swap3A, %swap3A_369], %swap3A_372 {strides = array<i32>} : memref<32x516xf32, #tpu.memory_space<vmem>>, vector<1x16xf32>,
      %add3A_373 = arith.addf %get3A_243, %get3A_279 : vector<16xf32>
      %add3A_374 = arith.addf %add3A_373, %get3A_327 : vector<16xf32>
      %mul3A_375 = arith.constant 0.333333343 : f32
      %mul3A_376 = vector.broadcast %mul3A_375 : f32 to vector<16xf32>
      %mul3A_377 = arith.mulf %add3A_374, %mul3A_376 : vector<16xf32>
      %swap3A_378 = arith.index_cast %scan3A_234 : i32 to index
      %swap3A_379 = arith.constant 16 : index
      %swap3A_380 = tpu.vector_load %arg11[%swap3A_378, %swap3A_379] {strides = array<i32>} : memref<32x516xf32, #tpu.memory_space<vmem>>, vector<1x16xf32>,
      %swap3A_381 = vector.shape_cast %swap3A_380 : vector<1x16xf32> to vector<16xf32>
      %swap3A_382 = vector.shape_cast %mul3A_377 : vector<16xf32> to vector<1x16xf32>
      tpu.vector_store %arg11[%swap3A_378, %swap3A_379], %swap3A_382 {strides = array<i32>} : memref<32x516xf32, #tpu.memory_space<vmem>>, vector<1x16xf32>,
      %add3A_383 = arith.addf %get3A_247, %get3A_285 : vector<16xf32>
      %add3A_384 = arith.addf %add3A_383, %get3A_333 : vector<16xf32>
      %mul3A_385 = arith.constant 0.333333343 : f32
      %mul3A_386 = vector.broadcast %mul3A_385 : f32 to vector<16xf32>
      %mul3A_387 = arith.mulf %add3A_384, %mul3A_386 : vector<16xf32>
      %swap3A_388 = arith.index_cast %scan3A_234 : i32 to index
      %swap3A_389 = arith.constant 32 : index
      %swap3A_390 = tpu.vector_load %arg11[%swap3A_388, %swap3A_389] {strides = array<i32>} : memref<32x516xf32, #tpu.memory_space<vmem>>, vector<1x16xf32>,
      %swap3A_391 = vector.shape_cast %swap3A_390 : vector<1x16xf32> to vector<16xf32>
      %swap3A_392 = vector.shape_cast %mul3A_387 : vector<16xf32> to vector<1x16xf32>
      tpu.vector_store %arg11[%swap3A_388, %swap3A_389], %swap3A_392 {strides = array<i32>} : memref<32x516xf32, #tpu.memory_space<vmem>>, vector<1x16xf32>,
      %add3A_393 = arith.addf %get3A_251, %get3A_291 : vector<16xf32>
      %add3A_394 = arith.addf %add3A_393, %get3A_339 : vector<16xf32>
      %mul3A_395 = arith.constant 0.333333343 : f32
      %mul3A_396 = vector.broadcast %mul3A_395 : f32 to vector<16xf32>
      %mul3A_397 = arith.mulf %add3A_394, %mul3A_396 : vector<16xf32>
      %swap3A_398 = arith.index_cast %scan3A_234 : i32 to index
      %swap3A_399 = arith.constant 48 : index
      %swap3A_400 = tpu.vector_load %arg11[%swap3A_398, %swap3A_399] {strides = array<i32>} : memref<32x516xf32, #tpu.memory_space<vmem>>, vector<1x16xf32>,
      %swap3A_401 = vector.shape_cast %swap3A_400 : vector<1x16xf32> to vector<16xf32>
      %swap3A_402 = vector.shape_cast %mul3A_397 : vector<16xf32> to vector<1x16xf32>
      tpu.vector_store %arg11[%swap3A_398, %swap3A_399], %swap3A_402 {strides = array<i32>} : memref<32x516xf32, #tpu.memory_space<vmem>>, vector<1x16xf32>,
      %add3A_403 = arith.addf %get3A_255, %get3A_297 : vector<16xf32>
      %add3A_404 = arith.addf %add3A_403, %get3A_345 : vector<16xf32>
      %mul3A_405 = arith.constant 0.333333343 : f32
      %mul3A_406 = vector.broadcast %mul3A_405 : f32 to vector<16xf32>
      %mul3A_407 = arith.mulf %add3A_404, %mul3A_406 : vector<16xf32>
      %swap3A_408 = arith.index_cast %scan3A_234 : i32 to index
      %swap3A_409 = arith.constant 64 : index
      %swap3A_410 = tpu.vector_load %arg11[%swap3A_408, %swap3A_409] {strides = array<i32>} : memref<32x516xf32, #tpu.memory_space<vmem>>, vector<1x16xf32>,
      %swap3A_411 = vector.shape_cast %swap3A_410 : vector<1x16xf32> to vector<16xf32>
      %swap3A_412 = vector.shape_cast %mul3A_407 : vector<16xf32> to vector<1x16xf32>
      tpu.vector_store %arg11[%swap3A_408, %swap3A_409], %swap3A_412 {strides = array<i32>} : memref<32x516xf32, #tpu.memory_space<vmem>>, vector<1x16xf32>,
      %add3A_413 = arith.addf %get3A_259, %get3A_303 : vector<16xf32>
      %add3A_414 = arith.addf %add3A_413, %get3A_351 : vector<16xf32>
      %mul3A_415 = arith.constant 0.333333343 : f32
      %mul3A_416 = vector.broadcast %mul3A_415 : f32 to vector<16xf32>
      %mul3A_417 = arith.mulf %add3A_414, %mul3A_416 : vector<16xf32>
      %swap3A_418 = arith.index_cast %scan3A_234 : i32 to index
      %swap3A_419 = arith.constant 80 : index
      %swap3A_420 = tpu.vector_load %arg11[%swap3A_418, %swap3A_419] {strides = array<i32>} : memref<32x516xf32, #tpu.memory_space<vmem>>, vector<1x16xf32>,
      %swap3A_421 = vector.shape_cast %swap3A_420 : vector<1x16xf32> to vector<16xf32>
      %swap3A_422 = vector.shape_cast %mul3A_417 : vector<16xf32> to vector<1x16xf32>
      tpu.vector_store %arg11[%swap3A_418, %swap3A_419], %swap3A_422 {strides = array<i32>} : memref<32x516xf32, #tpu.memory_space<vmem>>, vector<1x16xf32>,
      %add3A_423 = arith.addf %get3A_263, %get3A_309 : vector<16xf32>
      %add3A_424 = arith.addf %add3A_423, %get3A_357 : vector<16xf32>
      %mul3A_425 = arith.constant 0.333333343 : f32
      %mul3A_426 = vector.broadcast %mul3A_425 : f32 to vector<16xf32>
      %mul3A_427 = arith.mulf %add3A_424, %mul3A_426 : vector<16xf32>
      %swap3A_428 = arith.index_cast %scan3A_234 : i32 to index
      %swap3A_429 = arith.constant 96 : index
      %swap3A_430 = tpu.vector_load %arg11[%swap3A_428, %swap3A_429] {strides = array<i32>} : memref<32x516xf32, #tpu.memory_space<vmem>>, vector<1x16xf32>,
      %swap3A_431 = vector.shape_cast %swap3A_430 : vector<1x16xf32> to vector<16xf32>
      %swap3A_432 = vector.shape_cast %mul3A_427 : vector<16xf32> to vector<1x16xf32>
      tpu.vector_store %arg11[%swap3A_428, %swap3A_429], %swap3A_432 {strides = array<i32>} : memref<32x516xf32, #tpu.memory_space<vmem>>, vector<1x16xf32>,
      %add3A_433 = arith.addf %get3A_267, %get3A_315 : vector<16xf32>
      %add3A_434 = arith.addf %add3A_433, %get3A_363 : vector<16xf32>
      %mul3A_435 = arith.constant 0.333333343 : f32
      %mul3A_436 = vector.broadcast %mul3A_435 : f32 to vector<16xf32>
      %mul3A_437 = arith.mulf %add3A_434, %mul3A_436 : vector<16xf32>
      %swap3A_438 = arith.index_cast %scan3A_234 : i32 to index
      %swap3A_439 = arith.constant 112 : index
      %swap3A_440 = tpu.vector_load %arg11[%swap3A_438, %swap3A_439] {strides = array<i32>} : memref<32x516xf32, #tpu.memory_space<vmem>>, vector<1x16xf32>,
      %swap3A_441 = vector.shape_cast %swap3A_440 : vector<1x16xf32> to vector<16xf32>
      %swap3A_442 = vector.shape_cast %mul3A_437 : vector<16xf32> to vector<1x16xf32>
      tpu.vector_store %arg11[%swap3A_438, %swap3A_439], %swap3A_442 {strides = array<i32>} : memref<32x516xf32, #tpu.memory_space<vmem>>, vector<1x16xf32>,
      %get3A_443 = arith.index_cast %mul3A_236 : i32 to index
      %get3A_444 = arith.constant 128 : index
      %get3A_445 = tpu.vector_load %arg9[%get3A_443, %get3A_444] {strides = array<i32>} : memref<96x256xf32, #tpu.memory_space<vmem>>, vector<1x16xf32>,
      %get3A_446 = vector.shape_cast %get3A_445 : vector<1x16xf32> to vector<16xf32>
      %get3A_447 = arith.index_cast %mul3A_236 : i32 to index
      %get3A_448 = arith.constant 144 : index
      %get3A_449 = tpu.vector_load %arg9[%get3A_447, %get3A_448] {strides = array<i32>} : memref<96x256xf32, #tpu.memory_space<vmem>>, vector<1x16xf32>,
      %get3A_450 = vector.shape_cast %get3A_449 : vector<1x16xf32> to vector<16xf32>
      %get3A_451 = arith.index_cast %mul3A_236 : i32 to index
      %get3A_452 = arith.constant 160 : index
      %get3A_453 = tpu.vector_load %arg9[%get3A_451, %get3A_452] {strides = array<i32>} : memref<96x256xf32, #tpu.memory_space<vmem>>, vector<1x16xf32>,
      %get3A_454 = vector.shape_cast %get3A_453 : vector<1x16xf32> to vector<16xf32>
      %get3A_455 = arith.index_cast %mul3A_236 : i32 to index
      %get3A_456 = arith.constant 176 : index
      %get3A_457 = tpu.vector_load %arg9[%get3A_455, %get3A_456] {strides = array<i32>} : memref<96x256xf32, #tpu.memory_space<vmem>>, vector<1x16xf32>,
      %get3A_458 = vector.shape_cast %get3A_457 : vector<1x16xf32> to vector<16xf32>
      %get3A_459 = arith.index_cast %mul3A_236 : i32 to index
      %get3A_460 = arith.constant 192 : index
      %get3A_461 = tpu.vector_load %arg9[%get3A_459, %get3A_460] {strides = array<i32>} : memref<96x256xf32, #tpu.memory_space<vmem>>, vector<1x16xf32>,
      %get3A_462 = vector.shape_cast %get3A_461 : vector<1x16xf32> to vector<16xf32>
      %get3A_463 = arith.index_cast %mul3A_236 : i32 to index
      %get3A_464 = arith.constant 208 : index
      %get3A_465 = tpu.vector_load %arg9[%get3A_463, %get3A_464] {strides = array<i32>} : memref<96x256xf32, #tpu.memory_space<vmem>>, vector<1x16xf32>,
      %get3A_466 = vector.shape_cast %get3A_465 : vector<1x16xf32> to vector<16xf32>
      %get3A_467 = arith.index_cast %mul3A_236 : i32 to index
      %get3A_468 = arith.constant 224 : index
      %get3A_469 = tpu.vector_load %arg9[%get3A_467, %get3A_468] {strides = array<i32>} : memref<96x256xf32, #tpu.memory_space<vmem>>, vector<1x16xf32>,
      %get3A_470 = vector.shape_cast %get3A_469 : vector<1x16xf32> to vector<16xf32>
      %get3A_471 = arith.index_cast %mul3A_236 : i32 to index
      %get3A_472 = arith.constant 240 : index
      %get3A_473 = tpu.vector_load %arg9[%get3A_471, %get3A_472] {strides = array<i32>} : memref<96x256xf32, #tpu.memory_space<vmem>>, vector<1x16xf32>,
      %get3A_474 = vector.shape_cast %get3A_473 : vector<1x16xf32> to vector<16xf32>
      %add3A_475 = arith.constant 1 : i32
      %add3A_476 = arith.addi %mul3A_236, %add3A_475 : i32
      %get3A_477 = arith.index_cast %add3A_476 : i32 to index
      %get3A_478 = arith.constant 128 : index
      %get3A_479 = tpu.vector_load %arg9[%get3A_477, %get3A_478] {strides = array<i32>} : memref<96x256xf32, #tpu.memory_space<vmem>>, vector<1x16xf32>,
      %get3A_480 = vector.shape_cast %get3A_479 : vector<1x16xf32> to vector<16xf32>
      %add3A_481 = arith.constant 1 : i32
      %add3A_482 = arith.addi %mul3A_236, %add3A_481 : i32
      %get3A_483 = arith.index_cast %add3A_482 : i32 to index
      %get3A_484 = arith.constant 144 : index
      %get3A_485 = tpu.vector_load %arg9[%get3A_483, %get3A_484] {strides = array<i32>} : memref<96x256xf32, #tpu.memory_space<vmem>>, vector<1x16xf32>,
      %get3A_486 = vector.shape_cast %get3A_485 : vector<1x16xf32> to vector<16xf32>
      %add3A_487 = arith.constant 1 : i32
      %add3A_488 = arith.addi %mul3A_236, %add3A_487 : i32
      %get3A_489 = arith.index_cast %add3A_488 : i32 to index
      %get3A_490 = arith.constant 160 : index
      %get3A_491 = tpu.vector_load %arg9[%get3A_489, %get3A_490] {strides = array<i32>} : memref<96x256xf32, #tpu.memory_space<vmem>>, vector<1x16xf32>,
      %get3A_492 = vector.shape_cast %get3A_491 : vector<1x16xf32> to vector<16xf32>
      %add3A_493 = arith.constant 1 : i32
      %add3A_494 = arith.addi %mul3A_236, %add3A_493 : i32
      %get3A_495 = arith.index_cast %add3A_494 : i32 to index
      %get3A_496 = arith.constant 176 : index
      %get3A_497 = tpu.vector_load %arg9[%get3A_495, %get3A_496] {strides = array<i32>} : memref<96x256xf32, #tpu.memory_space<vmem>>, vector<1x16xf32>,
      %get3A_498 = vector.shape_cast %get3A_497 : vector<1x16xf32> to vector<16xf32>
      %add3A_499 = arith.constant 1 : i32
      %add3A_500 = arith.addi %mul3A_236, %add3A_499 : i32
      %get3A_501 = arith.index_cast %add3A_500 : i32 to index
      %get3A_502 = arith.constant 192 : index
      %get3A_503 = tpu.vector_load %arg9[%get3A_501, %get3A_502] {strides = array<i32>} : memref<96x256xf32, #tpu.memory_space<vmem>>, vector<1x16xf32>,
      %get3A_504 = vector.shape_cast %get3A_503 : vector<1x16xf32> to vector<16xf32>
      %add3A_505 = arith.constant 1 : i32
      %add3A_506 = arith.addi %mul3A_236, %add3A_505 : i32
      %get3A_507 = arith.index_cast %add3A_506 : i32 to index
      %get3A_508 = arith.constant 208 : index
      %get3A_509 = tpu.vector_load %arg9[%get3A_507, %get3A_508] {strides = array<i32>} : memref<96x256xf32, #tpu.memory_space<vmem>>, vector<1x16xf32>,
      %get3A_510 = vector.shape_cast %get3A_509 : vector<1x16xf32> to vector<16xf32>
      %add3A_511 = arith.constant 1 : i32
      %add3A_512 = arith.addi %mul3A_236, %add3A_511 : i32
      %get3A_513 = arith.index_cast %add3A_512 : i32 to index
      %get3A_514 = arith.constant 224 : index
      %get3A_515 = tpu.vector_load %arg9[%get3A_513, %get3A_514] {strides = array<i32>} : memref<96x256xf32, #tpu.memory_space<vmem>>, vector<1x16xf32>,
      %get3A_516 = vector.shape_cast %get3A_515 : vector<1x16xf32> to vector<16xf32>
      %add3A_517 = arith.constant 1 : i32
      %add3A_518 = arith.addi %mul3A_236, %add3A_517 : i32
      %get3A_519 = arith.index_cast %add3A_518 : i32 to index
      %get3A_520 = arith.constant 240 : index
      %get3A_521 = tpu.vector_load %arg9[%get3A_519, %get3A_520] {strides = array<i32>} : memref<96x256xf32, #tpu.memory_space<vmem>>, vector<1x16xf32>,
      %get3A_522 = vector.shape_cast %get3A_521 : vector<1x16xf32> to vector<16xf32>
      %add3A_523 = arith.constant 2 : i32
      %add3A_524 = arith.addi %mul3A_236, %add3A_523 : i32
      %get3A_525 = arith.index_cast %add3A_524 : i32 to index
      %get3A_526 = arith.constant 128 : index
      %get3A_527 = tpu.vector_load %arg9[%get3A_525, %get3A_526] {strides = array<i32>} : memref<96x256xf32, #tpu.memory_space<vmem>>, vector<1x16xf32>,
      %get3A_528 = vector.shape_cast %get3A_527 : vector<1x16xf32> to vector<16xf32>
      %add3A_529 = arith.constant 2 : i32
      %add3A_530 = arith.addi %mul3A_236, %add3A_529 : i32
      %get3A_531 = arith.index_cast %add3A_530 : i32 to index
      %get3A_532 = arith.constant 144 : index
      %get3A_533 = tpu.vector_load %arg9[%get3A_531, %get3A_532] {strides = array<i32>} : memref<96x256xf32, #tpu.memory_space<vmem>>, vector<1x16xf32>,
      %get3A_534 = vector.shape_cast %get3A_533 : vector<1x16xf32> to vector<16xf32>
      %add3A_535 = arith.constant 2 : i32
      %add3A_536 = arith.addi %mul3A_236, %add3A_535 : i32
      %get3A_537 = arith.index_cast %add3A_536 : i32 to index
      %get3A_538 = arith.constant 160 : index
      %get3A_539 = tpu.vector_load %arg9[%get3A_537, %get3A_538] {strides = array<i32>} : memref<96x256xf32, #tpu.memory_space<vmem>>, vector<1x16xf32>,
      %get3A_540 = vector.shape_cast %get3A_539 : vector<1x16xf32> to vector<16xf32>
      %add3A_541 = arith.constant 2 : i32
      %add3A_542 = arith.addi %mul3A_236, %add3A_541 : i32
      %get3A_543 = arith.index_cast %add3A_542 : i32 to index
      %get3A_544 = arith.constant 176 : index
      %get3A_545 = tpu.vector_load %arg9[%get3A_543, %get3A_544] {strides = array<i32>} : memref<96x256xf32, #tpu.memory_space<vmem>>, vector<1x16xf32>,
      %get3A_546 = vector.shape_cast %get3A_545 : vector<1x16xf32> to vector<16xf32>
      %add3A_547 = arith.constant 2 : i32
      %add3A_548 = arith.addi %mul3A_236, %add3A_547 : i32
      %get3A_549 = arith.index_cast %add3A_548 : i32 to index
      %get3A_550 = arith.constant 192 : index
      %get3A_551 = tpu.vector_load %arg9[%get3A_549, %get3A_550] {strides = array<i32>} : memref<96x256xf32, #tpu.memory_space<vmem>>, vector<1x16xf32>,
      %get3A_552 = vector.shape_cast %get3A_551 : vector<1x16xf32> to vector<16xf32>
      %add3A_553 = arith.constant 2 : i32
      %add3A_554 = arith.addi %mul3A_236, %add3A_553 : i32
      %get3A_555 = arith.index_cast %add3A_554 : i32 to index
      %get3A_556 = arith.constant 208 : index
      %get3A_557 = tpu.vector_load %arg9[%get3A_555, %get3A_556] {strides = array<i32>} : memref<96x256xf32, #tpu.memory_space<vmem>>, vector<1x16xf32>,
      %get3A_558 = vector.shape_cast %get3A_557 : vector<1x16xf32> to vector<16xf32>
      %add3A_559 = arith.constant 2 : i32
      %add3A_560 = arith.addi %mul3A_236, %add3A_559 : i32
      %get3A_561 = arith.index_cast %add3A_560 : i32 to index
      %get3A_562 = arith.constant 224 : index
      %get3A_563 = tpu.vector_load %arg9[%get3A_561, %get3A_562] {strides = array<i32>} : memref<96x256xf32, #tpu.memory_space<vmem>>, vector<1x16xf32>,
      %get3A_564 = vector.shape_cast %get3A_563 : vector<1x16xf32> to vector<16xf32>
      %add3A_565 = arith.constant 2 : i32
      %add3A_566 = arith.addi %mul3A_236, %add3A_565 : i32
      %get3A_567 = arith.index_cast %add3A_566 : i32 to index
      %get3A_568 = arith.constant 240 : index
      %get3A_569 = tpu.vector_load %arg9[%get3A_567, %get3A_568] {strides = array<i32>} : memref<96x256xf32, #tpu.memory_space<vmem>>, vector<1x16xf32>,
      %get3A_570 = vector.shape_cast %get3A_569 : vector<1x16xf32> to vector<16xf32>
      %add3A_571 = arith.addf %get3A_446, %get3A_480 : vector<16xf32>
      %add3A_572 = arith.addf %add3A_571, %get3A_528 : vector<16xf32>
      %mul3A_573 = arith.constant 0.333333343 : f32
      %mul3A_574 = vector.broadcast %mul3A_573 : f32 to vector<16xf32>
      %mul3A_575 = arith.mulf %add3A_572, %mul3A_574 : vector<16xf32>
      %swap3A_576 = arith.index_cast %scan3A_234 : i32 to index
      %swap3A_577 = arith.constant 128 : index
      %swap3A_578 = tpu.vector_load %arg11[%swap3A_576, %swap3A_577] {strides = array<i32>} : memref<32x516xf32, #tpu.memory_space<vmem>>, vector<1x16xf32>,
      %swap3A_579 = vector.shape_cast %swap3A_578 : vector<1x16xf32> to vector<16xf32>
      %swap3A_580 = vector.shape_cast %mul3A_575 : vector<16xf32> to vector<1x16xf32>
      tpu.vector_store %arg11[%swap3A_576, %swap3A_577], %swap3A_580 {strides = array<i32>} : memref<32x516xf32, #tpu.memory_space<vmem>>, vector<1x16xf32>,
      %add3A_581 = arith.addf %get3A_450, %get3A_486 : vector<16xf32>
      %add3A_582 = arith.addf %add3A_581, %get3A_534 : vector<16xf32>
      %mul3A_583 = arith.constant 0.333333343 : f32
      %mul3A_584 = vector.broadcast %mul3A_583 : f32 to vector<16xf32>
      %mul3A_585 = arith.mulf %add3A_582, %mul3A_584 : vector<16xf32>
      %swap3A_586 = arith.index_cast %scan3A_234 : i32 to index
      %swap3A_587 = arith.constant 144 : index
      %swap3A_588 = tpu.vector_load %arg11[%swap3A_586, %swap3A_587] {strides = array<i32>} : memref<32x516xf32, #tpu.memory_space<vmem>>, vector<1x16xf32>,
      %swap3A_589 = vector.shape_cast %swap3A_588 : vector<1x16xf32> to vector<16xf32>
      %swap3A_590 = vector.shape_cast %mul3A_585 : vector<16xf32> to vector<1x16xf32>
      tpu.vector_store %arg11[%swap3A_586, %swap3A_587], %swap3A_590 {strides = array<i32>} : memref<32x516xf32, #tpu.memory_space<vmem>>, vector<1x16xf32>,
      %add3A_591 = arith.addf %get3A_454, %get3A_492 : vector<16xf32>
      %add3A_592 = arith.addf %add3A_591, %get3A_540 : vector<16xf32>
      %mul3A_593 = arith.constant 0.333333343 : f32
      %mul3A_594 = vector.broadcast %mul3A_593 : f32 to vector<16xf32>
      %mul3A_595 = arith.mulf %add3A_592, %mul3A_594 : vector<16xf32>
      %swap3A_596 = arith.index_cast %scan3A_234 : i32 to index
      %swap3A_597 = arith.constant 160 : index
      %swap3A_598 = tpu.vector_load %arg11[%swap3A_596, %swap3A_597] {strides = array<i32>} : memref<32x516xf32, #tpu.memory_space<vmem>>, vector<1x16xf32>,
      %swap3A_599 = vector.shape_cast %swap3A_598 : vector<1x16xf32> to vector<16xf32>
      %swap3A_600 = vector.shape_cast %mul3A_595 : vector<16xf32> to vector<1x16xf32>
      tpu.vector_store %arg11[%swap3A_596, %swap3A_597], %swap3A_600 {strides = array<i32>} : memref<32x516xf32, #tpu.memory_space<vmem>>, vector<1x16xf32>,
      %add3A_601 = arith.addf %get3A_458, %get3A_498 : vector<16xf32>
      %add3A_602 = arith.addf %add3A_601, %get3A_546 : vector<16xf32>
      %mul3A_603 = arith.constant 0.333333343 : f32
      %mul3A_604 = vector.broadcast %mul3A_603 : f32 to vector<16xf32>
      %mul3A_605 = arith.mulf %add3A_602, %mul3A_604 : vector<16xf32>
      %swap3A_606 = arith.index_cast %scan3A_234 : i32 to index
      %swap3A_607 = arith.constant 176 : index
      %swap3A_608 = tpu.vector_load %arg11[%swap3A_606, %swap3A_607] {strides = array<i32>} : memref<32x516xf32, #tpu.memory_space<vmem>>, vector<1x16xf32>,
      %swap3A_609 = vector.shape_cast %swap3A_608 : vector<1x16xf32> to vector<16xf32>
      %swap3A_610 = vector.shape_cast %mul3A_605 : vector<16xf32> to vector<1x16xf32>
      tpu.vector_store %arg11[%swap3A_606, %swap3A_607], %swap3A_610 {strides = array<i32>} : memref<32x516xf32, #tpu.memory_space<vmem>>, vector<1x16xf32>,
      %add3A_611 = arith.addf %get3A_462, %get3A_504 : vector<16xf32>
      %add3A_612 = arith.addf %add3A_611, %get3A_552 : vector<16xf32>
      %mul3A_613 = arith.constant 0.333333343 : f32
      %mul3A_614 = vector.broadcast %mul3A_613 : f32 to vector<16xf32>
      %mul3A_615 = arith.mulf %add3A_612, %mul3A_614 : vector<16xf32>
      %swap3A_616 = arith.index_cast %scan3A_234 : i32 to index
      %swap3A_617 = arith.constant 192 : index
      %swap3A_618 = tpu.vector_load %arg11[%swap3A_616, %swap3A_617] {strides = array<i32>} : memref<32x516xf32, #tpu.memory_space<vmem>>, vector<1x16xf32>,
      %swap3A_619 = vector.shape_cast %swap3A_618 : vector<1x16xf32> to vector<16xf32>
      %swap3A_620 = vector.shape_cast %mul3A_615 : vector<16xf32> to vector<1x16xf32>
      tpu.vector_store %arg11[%swap3A_616, %swap3A_617], %swap3A_620 {strides = array<i32>} : memref<32x516xf32, #tpu.memory_space<vmem>>, vector<1x16xf32>,
      %add3A_621 = arith.addf %get3A_466, %get3A_510 : vector<16xf32>
      %add3A_622 = arith.addf %add3A_621, %get3A_558 : vector<16xf32>
      %mul3A_623 = arith.constant 0.333333343 : f32
      %mul3A_624 = vector.broadcast %mul3A_623 : f32 to vector<16xf32>
      %mul3A_625 = arith.mulf %add3A_622, %mul3A_624 : vector<16xf32>
      %swap3A_626 = arith.index_cast %scan3A_234 : i32 to index
      %swap3A_627 = arith.constant 208 : index
      %swap3A_628 = tpu.vector_load %arg11[%swap3A_626, %swap3A_627] {strides = array<i32>} : memref<32x516xf32, #tpu.memory_space<vmem>>, vector<1x16xf32>,
      %swap3A_629 = vector.shape_cast %swap3A_628 : vector<1x16xf32> to vector<16xf32>
      %swap3A_630 = vector.shape_cast %mul3A_625 : vector<16xf32> to vector<1x16xf32>
      tpu.vector_store %arg11[%swap3A_626, %swap3A_627], %swap3A_630 {strides = array<i32>} : memref<32x516xf32, #tpu.memory_space<vmem>>, vector<1x16xf32>,
      %add3A_631 = arith.addf %get3A_470, %get3A_516 : vector<16xf32>
      %add3A_632 = arith.addf %add3A_631, %get3A_564 : vector<16xf32>
      %mul3A_633 = arith.constant 0.333333343 : f32
      %mul3A_634 = vector.broadcast %mul3A_633 : f32 to vector<16xf32>
      %mul3A_635 = arith.mulf %add3A_632, %mul3A_634 : vector<16xf32>
      %swap3A_636 = arith.index_cast %scan3A_234 : i32 to index
      %swap3A_637 = arith.constant 224 : index
      %swap3A_638 = tpu.vector_load %arg11[%swap3A_636, %swap3A_637] {strides = array<i32>} : memref<32x516xf32, #tpu.memory_space<vmem>>, vector<1x16xf32>,
      %swap3A_639 = vector.shape_cast %swap3A_638 : vector<1x16xf32> to vector<16xf32>
      %swap3A_640 = vector.shape_cast %mul3A_635 : vector<16xf32> to vector<1x16xf32>
      tpu.vector_store %arg11[%swap3A_636, %swap3A_637], %swap3A_640 {strides = array<i32>} : memref<32x516xf32, #tpu.memory_space<vmem>>, vector<1x16xf32>,
      %add3A_641 = arith.addf %get3A_474, %get3A_522 : vector<16xf32>
      %add3A_642 = arith.addf %add3A_641, %get3A_570 : vector<16xf32>
      %mul3A_643 = arith.constant 0.333333343 : f32
      %mul3A_644 = vector.broadcast %mul3A_643 : f32 to vector<16xf32>
      %mul3A_645 = arith.mulf %add3A_642, %mul3A_644 : vector<16xf32>
      %swap3A_646 = arith.index_cast %scan3A_234 : i32 to index
      %swap3A_647 = arith.constant 240 : index
      %swap3A_648 = tpu.vector_load %arg11[%swap3A_646, %swap3A_647] {strides = array<i32>} : memref<32x516xf32, #tpu.memory_space<vmem>>, vector<1x16xf32>,
      %swap3A_649 = vector.shape_cast %swap3A_648 : vector<1x16xf32> to vector<16xf32>
      %swap3A_650 = vector.shape_cast %mul3A_645 : vector<16xf32> to vector<1x16xf32>
      tpu.vector_store %arg11[%swap3A_646, %swap3A_647], %swap3A_650 {strides = array<i32>} : memref<32x516xf32, #tpu.memory_space<vmem>>, vector<1x16xf32>,
    }
    %scan3A_177 = arith.constant 32 : i32
    %add3A_178 = arith.constant 160 : i32
    %add3A_179 = arith.addi %mul3A_2, %add3A_178 : i32
    %dma_start3A_180 = arith.constant 0 : i32
    %dma_start3A_181 = tpu.memref_slice %arg5[%add3A_179, %dma_start3A_180] : memref<8192x516xf32, #tpu.memory_space<hbm>> -> memref<32x516xf32, #tpu.memory_space<hbm>>
    %dma_start3A_182 = arith.constant 0 : i32
    %dma_start3A_183 = tpu.memref_slice %arg5[%add3A_179, %dma_start3A_182] : memref<8192x516xf32, #tpu.memory_space<hbm>> -> memref<32x516xf32, #tpu.memory_space<hbm>>
    tpu.enqueue_dma source(%arg11 : memref<32x516xf32, #tpu.memory_space<vmem>>) target(%dma_start3A_183 : memref<32x516xf32, #tpu.memory_space<hbm>>) target_semaphore(%arg16 : memref<!tpu.dma_semaphore, #tpu.memory_space<semaphore_mem>>)
    %dma_wait3A_184 = arith.constant 576 : i32
    %dma_wait3A_185 = tpu.memref_slice %arg6[%dma_wait3A_184] : memref<768xi32, #tpu.memory_space<vmem>> -> memref<96xi32, #tpu.memory_space<vmem>>
    %dma_wait3A_186 = arith.constant 0 : i32
    %dma_wait3A_187 = arith.constant 0 : i32
    %dma_wait3A_188 = tpu.memref_slice %arg2[%dma_wait3A_186, %dma_wait3A_187] : memref<8192x256xf32, #tpu.memory_space<hbm>> -> memref<8192x256xf32, #tpu.memory_space<hbm>>
    tpu.wait_indirect_dma semaphore(%arg12 : memref<!tpu.dma_semaphore, #tpu.memory_space<semaphore_mem>>) src(%dma_wait3A_188 : memref<8192x256xf32, #tpu.memory_space<hbm>>) dst(%arg7 : memref<96x256xf32, #tpu.memory_space<vmem>>)
    %dma_wait3A_189 = arith.constant 0 : i32
    %dma_wait3A_190 = tpu.memref_slice %arg5[%add3A_153, %dma_wait3A_189] : memref<8192x516xf32, #tpu.memory_space<hbm>> -> memref<32x516xf32, #tpu.memory_space<hbm>>
    %dma_wait3A_191 = arith.constant 0 : i32
    %dma_wait3A_192 = tpu.memref_slice %arg5[%add3A_153, %dma_wait3A_191] : memref<8192x516xf32, #tpu.memory_space<hbm>> -> memref<32x516xf32, #tpu.memory_space<hbm>>
    tpu.wait_dma2 semaphore(%arg15 : memref<!tpu.dma_semaphore, #tpu.memory_space<semaphore_mem>>) src(%arg10 : memref<32x516xf32, #tpu.memory_space<vmem>>) dst(%dma_wait3A_192 : memref<32x516xf32, #tpu.memory_space<hbm>>)
    %scan3A_193 = arith.constant 0 : i32
    %scan3A_194 = arith.constant 0 : i32
    %scan3A_195 = arith.constant 32 : i32
    %scan3A_196 = arith.addi %scan3A_194, %scan3A_195 : i32
    %scan3A_197 = arith.constant 1 : i32
    scf.for %scan3A_234 = %scan3A_194 to %scan3A_196 step %scan3A_197  : i32 {
      %mul3A_235 = arith.constant 3 : i32
      %mul3A_236 = arith.muli %scan3A_234, %mul3A_235 : i32
      %get3A = arith.index_cast %mul3A_236 : i32 to index
      %get3A_237 = arith.constant 0 : index
      %get3A_238 = tpu.vector_load %arg7[%get3A, %get3A_237] {strides = array<i32>} : memref<96x256xf32, #tpu.memory_space<vmem>>, vector<1x16xf32>,
      %get3A_239 = vector.shape_cast %get3A_238 : vector<1x16xf32> to vector<16xf32>
      %get3A_240 = arith.index_cast %mul3A_236 : i32 to index
      %get3A_241 = arith.constant 16 : index
      %get3A_242 = tpu.vector_load %arg7[%get3A_240, %get3A_241] {strides = array<i32>} : memref<96x256xf32, #tpu.memory_space<vmem>>, vector<1x16xf32>,
      %get3A_243 = vector.shape_cast %get3A_242 : vector<1x16xf32> to vector<16xf32>
      %get3A_244 = arith.index_cast %mul3A_236 : i32 to index
      %get3A_245 = arith.constant 32 : index
      %get3A_246 = tpu.vector_load %arg7[%get3A_244, %get3A_245] {strides = array<i32>} : memref<96x256xf32, #tpu.memory_space<vmem>>, vector<1x16xf32>,
      %get3A_247 = vector.shape_cast %get3A_246 : vector<1x16xf32> to vector<16xf32>
      %get3A_248 = arith.index_cast %mul3A_236 : i32 to index
      %get3A_249 = arith.constant 48 : index
      %get3A_250 = tpu.vector_load %arg7[%get3A_248, %get3A_249] {strides = array<i32>} : memref<96x256xf32, #tpu.memory_space<vmem>>, vector<1x16xf32>,
      %get3A_251 = vector.shape_cast %get3A_250 : vector<1x16xf32> to vector<16xf32>
      %get3A_252 = arith.index_cast %mul3A_236 : i32 to index
      %get3A_253 = arith.constant 64 : index
      %get3A_254 = tpu.vector_load %arg7[%get3A_252, %get3A_253] {strides = array<i32>} : memref<96x256xf32, #tpu.memory_space<vmem>>, vector<1x16xf32>,
      %get3A_255 = vector.shape_cast %get3A_254 : vector<1x16xf32> to vector<16xf32>
      %get3A_256 = arith.index_cast %mul3A_236 : i32 to index
      %get3A_257 = arith.constant 80 : index
      %get3A_258 = tpu.vector_load %arg7[%get3A_256, %get3A_257] {strides = array<i32>} : memref<96x256xf32, #tpu.memory_space<vmem>>, vector<1x16xf32>,
      %get3A_259 = vector.shape_cast %get3A_258 : vector<1x16xf32> to vector<16xf32>
      %get3A_260 = arith.index_cast %mul3A_236 : i32 to index
      %get3A_261 = arith.constant 96 : index
      %get3A_262 = tpu.vector_load %arg7[%get3A_260, %get3A_261] {strides = array<i32>} : memref<96x256xf32, #tpu.memory_space<vmem>>, vector<1x16xf32>,
      %get3A_263 = vector.shape_cast %get3A_262 : vector<1x16xf32> to vector<16xf32>
      %get3A_264 = arith.index_cast %mul3A_236 : i32 to index
      %get3A_265 = arith.constant 112 : index
      %get3A_266 = tpu.vector_load %arg7[%get3A_264, %get3A_265] {strides = array<i32>} : memref<96x256xf32, #tpu.memory_space<vmem>>, vector<1x16xf32>,
      %get3A_267 = vector.shape_cast %get3A_266 : vector<1x16xf32> to vector<16xf32>
      %add3A_268 = arith.constant 1 : i32
      %add3A_269 = arith.addi %mul3A_236, %add3A_268 : i32
      %get3A_270 = arith.index_cast %add3A_269 : i32 to index
      %get3A_271 = arith.constant 0 : index
      %get3A_272 = tpu.vector_load %arg7[%get3A_270, %get3A_271] {strides = array<i32>} : memref<96x256xf32, #tpu.memory_space<vmem>>, vector<1x16xf32>,
      %get3A_273 = vector.shape_cast %get3A_272 : vector<1x16xf32> to vector<16xf32>
      %add3A_274 = arith.constant 1 : i32
      %add3A_275 = arith.addi %mul3A_236, %add3A_274 : i32
      %get3A_276 = arith.index_cast %add3A_275 : i32 to index
      %get3A_277 = arith.constant 16 : index
      %get3A_278 = tpu.vector_load %arg7[%get3A_276, %get3A_277] {strides = array<i32>} : memref<96x256xf32, #tpu.memory_space<vmem>>, vector<1x16xf32>,
      %get3A_279 = vector.shape_cast %get3A_278 : vector<1x16xf32> to vector<16xf32>
      %add3A_280 = arith.constant 1 : i32
      %add3A_281 = arith.addi %mul3A_236, %add3A_280 : i32
      %get3A_282 = arith.index_cast %add3A_281 : i32 to index
      %get3A_283 = arith.constant 32 : index
      %get3A_284 = tpu.vector_load %arg7[%get3A_282, %get3A_283] {strides = array<i32>} : memref<96x256xf32, #tpu.memory_space<vmem>>, vector<1x16xf32>,
      %get3A_285 = vector.shape_cast %get3A_284 : vector<1x16xf32> to vector<16xf32>
      %add3A_286 = arith.constant 1 : i32
      %add3A_287 = arith.addi %mul3A_236, %add3A_286 : i32
      %get3A_288 = arith.index_cast %add3A_287 : i32 to index
      %get3A_289 = arith.constant 48 : index
      %get3A_290 = tpu.vector_load %arg7[%get3A_288, %get3A_289] {strides = array<i32>} : memref<96x256xf32, #tpu.memory_space<vmem>>, vector<1x16xf32>,
      %get3A_291 = vector.shape_cast %get3A_290 : vector<1x16xf32> to vector<16xf32>
      %add3A_292 = arith.constant 1 : i32
      %add3A_293 = arith.addi %mul3A_236, %add3A_292 : i32
      %get3A_294 = arith.index_cast %add3A_293 : i32 to index
      %get3A_295 = arith.constant 64 : index
      %get3A_296 = tpu.vector_load %arg7[%get3A_294, %get3A_295] {strides = array<i32>} : memref<96x256xf32, #tpu.memory_space<vmem>>, vector<1x16xf32>,
      %get3A_297 = vector.shape_cast %get3A_296 : vector<1x16xf32> to vector<16xf32>
      %add3A_298 = arith.constant 1 : i32
      %add3A_299 = arith.addi %mul3A_236, %add3A_298 : i32
      %get3A_300 = arith.index_cast %add3A_299 : i32 to index
      %get3A_301 = arith.constant 80 : index
      %get3A_302 = tpu.vector_load %arg7[%get3A_300, %get3A_301] {strides = array<i32>} : memref<96x256xf32, #tpu.memory_space<vmem>>, vector<1x16xf32>,
      %get3A_303 = vector.shape_cast %get3A_302 : vector<1x16xf32> to vector<16xf32>
      %add3A_304 = arith.constant 1 : i32
      %add3A_305 = arith.addi %mul3A_236, %add3A_304 : i32
      %get3A_306 = arith.index_cast %add3A_305 : i32 to index
      %get3A_307 = arith.constant 96 : index
      %get3A_308 = tpu.vector_load %arg7[%get3A_306, %get3A_307] {strides = array<i32>} : memref<96x256xf32, #tpu.memory_space<vmem>>, vector<1x16xf32>,
      %get3A_309 = vector.shape_cast %get3A_308 : vector<1x16xf32> to vector<16xf32>
      %add3A_310 = arith.constant 1 : i32
      %add3A_311 = arith.addi %mul3A_236, %add3A_310 : i32
      %get3A_312 = arith.index_cast %add3A_311 : i32 to index
      %get3A_313 = arith.constant 112 : index
      %get3A_314 = tpu.vector_load %arg7[%get3A_312, %get3A_313] {strides = array<i32>} : memref<96x256xf32, #tpu.memory_space<vmem>>, vector<1x16xf32>,
      %get3A_315 = vector.shape_cast %get3A_314 : vector<1x16xf32> to vector<16xf32>
      %add3A_316 = arith.constant 2 : i32
      %add3A_317 = arith.addi %mul3A_236, %add3A_316 : i32
      %get3A_318 = arith.index_cast %add3A_317 : i32 to index
      %get3A_319 = arith.constant 0 : index
      %get3A_320 = tpu.vector_load %arg7[%get3A_318, %get3A_319] {strides = array<i32>} : memref<96x256xf32, #tpu.memory_space<vmem>>, vector<1x16xf32>,
      %get3A_321 = vector.shape_cast %get3A_320 : vector<1x16xf32> to vector<16xf32>
      %add3A_322 = arith.constant 2 : i32
      %add3A_323 = arith.addi %mul3A_236, %add3A_322 : i32
      %get3A_324 = arith.index_cast %add3A_323 : i32 to index
      %get3A_325 = arith.constant 16 : index
      %get3A_326 = tpu.vector_load %arg7[%get3A_324, %get3A_325] {strides = array<i32>} : memref<96x256xf32, #tpu.memory_space<vmem>>, vector<1x16xf32>,
      %get3A_327 = vector.shape_cast %get3A_326 : vector<1x16xf32> to vector<16xf32>
      %add3A_328 = arith.constant 2 : i32
      %add3A_329 = arith.addi %mul3A_236, %add3A_328 : i32
      %get3A_330 = arith.index_cast %add3A_329 : i32 to index
      %get3A_331 = arith.constant 32 : index
      %get3A_332 = tpu.vector_load %arg7[%get3A_330, %get3A_331] {strides = array<i32>} : memref<96x256xf32, #tpu.memory_space<vmem>>, vector<1x16xf32>,
      %get3A_333 = vector.shape_cast %get3A_332 : vector<1x16xf32> to vector<16xf32>
      %add3A_334 = arith.constant 2 : i32
      %add3A_335 = arith.addi %mul3A_236, %add3A_334 : i32
      %get3A_336 = arith.index_cast %add3A_335 : i32 to index
      %get3A_337 = arith.constant 48 : index
      %get3A_338 = tpu.vector_load %arg7[%get3A_336, %get3A_337] {strides = array<i32>} : memref<96x256xf32, #tpu.memory_space<vmem>>, vector<1x16xf32>,
      %get3A_339 = vector.shape_cast %get3A_338 : vector<1x16xf32> to vector<16xf32>
      %add3A_340 = arith.constant 2 : i32
      %add3A_341 = arith.addi %mul3A_236, %add3A_340 : i32
      %get3A_342 = arith.index_cast %add3A_341 : i32 to index
      %get3A_343 = arith.constant 64 : index
      %get3A_344 = tpu.vector_load %arg7[%get3A_342, %get3A_343] {strides = array<i32>} : memref<96x256xf32, #tpu.memory_space<vmem>>, vector<1x16xf32>,
      %get3A_345 = vector.shape_cast %get3A_344 : vector<1x16xf32> to vector<16xf32>
      %add3A_346 = arith.constant 2 : i32
      %add3A_347 = arith.addi %mul3A_236, %add3A_346 : i32
      %get3A_348 = arith.index_cast %add3A_347 : i32 to index
      %get3A_349 = arith.constant 80 : index
      %get3A_350 = tpu.vector_load %arg7[%get3A_348, %get3A_349] {strides = array<i32>} : memref<96x256xf32, #tpu.memory_space<vmem>>, vector<1x16xf32>,
      %get3A_351 = vector.shape_cast %get3A_350 : vector<1x16xf32> to vector<16xf32>
      %add3A_352 = arith.constant 2 : i32
      %add3A_353 = arith.addi %mul3A_236, %add3A_352 : i32
      %get3A_354 = arith.index_cast %add3A_353 : i32 to index
      %get3A_355 = arith.constant 96 : index
      %get3A_356 = tpu.vector_load %arg7[%get3A_354, %get3A_355] {strides = array<i32>} : memref<96x256xf32, #tpu.memory_space<vmem>>, vector<1x16xf32>,
      %get3A_357 = vector.shape_cast %get3A_356 : vector<1x16xf32> to vector<16xf32>
      %add3A_358 = arith.constant 2 : i32
      %add3A_359 = arith.addi %mul3A_236, %add3A_358 : i32
      %get3A_360 = arith.index_cast %add3A_359 : i32 to index
      %get3A_361 = arith.constant 112 : index
      %get3A_362 = tpu.vector_load %arg7[%get3A_360, %get3A_361] {strides = array<i32>} : memref<96x256xf32, #tpu.memory_space<vmem>>, vector<1x16xf32>,
      %get3A_363 = vector.shape_cast %get3A_362 : vector<1x16xf32> to vector<16xf32>
      %add3A_364 = arith.addf %get3A_239, %get3A_273 : vector<16xf32>
      %add3A_365 = arith.addf %add3A_364, %get3A_321 : vector<16xf32>
      %mul3A_366 = arith.constant 0.333333343 : f32
      %mul3A_367 = vector.broadcast %mul3A_366 : f32 to vector<16xf32>
      %mul3A_368 = arith.mulf %add3A_365, %mul3A_367 : vector<16xf32>
      %swap3A = arith.index_cast %scan3A_234 : i32 to index
      %swap3A_369 = arith.constant 0 : index
      %swap3A_370 = tpu.vector_load %arg10[%swap3A, %swap3A_369] {strides = array<i32>} : memref<32x516xf32, #tpu.memory_space<vmem>>, vector<1x16xf32>,
      %swap3A_371 = vector.shape_cast %swap3A_370 : vector<1x16xf32> to vector<16xf32>
      %swap3A_372 = vector.shape_cast %mul3A_368 : vector<16xf32> to vector<1x16xf32>
      tpu.vector_store %arg10[%swap3A, %swap3A_369], %swap3A_372 {strides = array<i32>} : memref<32x516xf32, #tpu.memory_space<vmem>>, vector<1x16xf32>,
      %add3A_373 = arith.addf %get3A_243, %get3A_279 : vector<16xf32>
      %add3A_374 = arith.addf %add3A_373, %get3A_327 : vector<16xf32>
      %mul3A_375 = arith.constant 0.333333343 : f32
      %mul3A_376 = vector.broadcast %mul3A_375 : f32 to vector<16xf32>
      %mul3A_377 = arith.mulf %add3A_374, %mul3A_376 : vector<16xf32>
      %swap3A_378 = arith.index_cast %scan3A_234 : i32 to index
      %swap3A_379 = arith.constant 16 : index
      %swap3A_380 = tpu.vector_load %arg10[%swap3A_378, %swap3A_379] {strides = array<i32>} : memref<32x516xf32, #tpu.memory_space<vmem>>, vector<1x16xf32>,
      %swap3A_381 = vector.shape_cast %swap3A_380 : vector<1x16xf32> to vector<16xf32>
      %swap3A_382 = vector.shape_cast %mul3A_377 : vector<16xf32> to vector<1x16xf32>
      tpu.vector_store %arg10[%swap3A_378, %swap3A_379], %swap3A_382 {strides = array<i32>} : memref<32x516xf32, #tpu.memory_space<vmem>>, vector<1x16xf32>,
      %add3A_383 = arith.addf %get3A_247, %get3A_285 : vector<16xf32>
      %add3A_384 = arith.addf %add3A_383, %get3A_333 : vector<16xf32>
      %mul3A_385 = arith.constant 0.333333343 : f32
      %mul3A_386 = vector.broadcast %mul3A_385 : f32 to vector<16xf32>
      %mul3A_387 = arith.mulf %add3A_384, %mul3A_386 : vector<16xf32>
      %swap3A_388 = arith.index_cast %scan3A_234 : i32 to index
      %swap3A_389 = arith.constant 32 : index
      %swap3A_390 = tpu.vector_load %arg10[%swap3A_388, %swap3A_389] {strides = array<i32>} : memref<32x516xf32, #tpu.memory_space<vmem>>, vector<1x16xf32>,
      %swap3A_391 = vector.shape_cast %swap3A_390 : vector<1x16xf32> to vector<16xf32>
      %swap3A_392 = vector.shape_cast %mul3A_387 : vector<16xf32> to vector<1x16xf32>
      tpu.vector_store %arg10[%swap3A_388, %swap3A_389], %swap3A_392 {strides = array<i32>} : memref<32x516xf32, #tpu.memory_space<vmem>>, vector<1x16xf32>,
      %add3A_393 = arith.addf %get3A_251, %get3A_291 : vector<16xf32>
      %add3A_394 = arith.addf %add3A_393, %get3A_339 : vector<16xf32>
      %mul3A_395 = arith.constant 0.333333343 : f32
      %mul3A_396 = vector.broadcast %mul3A_395 : f32 to vector<16xf32>
      %mul3A_397 = arith.mulf %add3A_394, %mul3A_396 : vector<16xf32>
      %swap3A_398 = arith.index_cast %scan3A_234 : i32 to index
      %swap3A_399 = arith.constant 48 : index
      %swap3A_400 = tpu.vector_load %arg10[%swap3A_398, %swap3A_399] {strides = array<i32>} : memref<32x516xf32, #tpu.memory_space<vmem>>, vector<1x16xf32>,
      %swap3A_401 = vector.shape_cast %swap3A_400 : vector<1x16xf32> to vector<16xf32>
      %swap3A_402 = vector.shape_cast %mul3A_397 : vector<16xf32> to vector<1x16xf32>
      tpu.vector_store %arg10[%swap3A_398, %swap3A_399], %swap3A_402 {strides = array<i32>} : memref<32x516xf32, #tpu.memory_space<vmem>>, vector<1x16xf32>,
      %add3A_403 = arith.addf %get3A_255, %get3A_297 : vector<16xf32>
      %add3A_404 = arith.addf %add3A_403, %get3A_345 : vector<16xf32>
      %mul3A_405 = arith.constant 0.333333343 : f32
      %mul3A_406 = vector.broadcast %mul3A_405 : f32 to vector<16xf32>
      %mul3A_407 = arith.mulf %add3A_404, %mul3A_406 : vector<16xf32>
      %swap3A_408 = arith.index_cast %scan3A_234 : i32 to index
      %swap3A_409 = arith.constant 64 : index
      %swap3A_410 = tpu.vector_load %arg10[%swap3A_408, %swap3A_409] {strides = array<i32>} : memref<32x516xf32, #tpu.memory_space<vmem>>, vector<1x16xf32>,
      %swap3A_411 = vector.shape_cast %swap3A_410 : vector<1x16xf32> to vector<16xf32>
      %swap3A_412 = vector.shape_cast %mul3A_407 : vector<16xf32> to vector<1x16xf32>
      tpu.vector_store %arg10[%swap3A_408, %swap3A_409], %swap3A_412 {strides = array<i32>} : memref<32x516xf32, #tpu.memory_space<vmem>>, vector<1x16xf32>,
      %add3A_413 = arith.addf %get3A_259, %get3A_303 : vector<16xf32>
      %add3A_414 = arith.addf %add3A_413, %get3A_351 : vector<16xf32>
      %mul3A_415 = arith.constant 0.333333343 : f32
      %mul3A_416 = vector.broadcast %mul3A_415 : f32 to vector<16xf32>
      %mul3A_417 = arith.mulf %add3A_414, %mul3A_416 : vector<16xf32>
      %swap3A_418 = arith.index_cast %scan3A_234 : i32 to index
      %swap3A_419 = arith.constant 80 : index
      %swap3A_420 = tpu.vector_load %arg10[%swap3A_418, %swap3A_419] {strides = array<i32>} : memref<32x516xf32, #tpu.memory_space<vmem>>, vector<1x16xf32>,
      %swap3A_421 = vector.shape_cast %swap3A_420 : vector<1x16xf32> to vector<16xf32>
      %swap3A_422 = vector.shape_cast %mul3A_417 : vector<16xf32> to vector<1x16xf32>
      tpu.vector_store %arg10[%swap3A_418, %swap3A_419], %swap3A_422 {strides = array<i32>} : memref<32x516xf32, #tpu.memory_space<vmem>>, vector<1x16xf32>,
      %add3A_423 = arith.addf %get3A_263, %get3A_309 : vector<16xf32>
      %add3A_424 = arith.addf %add3A_423, %get3A_357 : vector<16xf32>
      %mul3A_425 = arith.constant 0.333333343 : f32
      %mul3A_426 = vector.broadcast %mul3A_425 : f32 to vector<16xf32>
      %mul3A_427 = arith.mulf %add3A_424, %mul3A_426 : vector<16xf32>
      %swap3A_428 = arith.index_cast %scan3A_234 : i32 to index
      %swap3A_429 = arith.constant 96 : index
      %swap3A_430 = tpu.vector_load %arg10[%swap3A_428, %swap3A_429] {strides = array<i32>} : memref<32x516xf32, #tpu.memory_space<vmem>>, vector<1x16xf32>,
      %swap3A_431 = vector.shape_cast %swap3A_430 : vector<1x16xf32> to vector<16xf32>
      %swap3A_432 = vector.shape_cast %mul3A_427 : vector<16xf32> to vector<1x16xf32>
      tpu.vector_store %arg10[%swap3A_428, %swap3A_429], %swap3A_432 {strides = array<i32>} : memref<32x516xf32, #tpu.memory_space<vmem>>, vector<1x16xf32>,
      %add3A_433 = arith.addf %get3A_267, %get3A_315 : vector<16xf32>
      %add3A_434 = arith.addf %add3A_433, %get3A_363 : vector<16xf32>
      %mul3A_435 = arith.constant 0.333333343 : f32
      %mul3A_436 = vector.broadcast %mul3A_435 : f32 to vector<16xf32>
      %mul3A_437 = arith.mulf %add3A_434, %mul3A_436 : vector<16xf32>
      %swap3A_438 = arith.index_cast %scan3A_234 : i32 to index
      %swap3A_439 = arith.constant 112 : index
      %swap3A_440 = tpu.vector_load %arg10[%swap3A_438, %swap3A_439] {strides = array<i32>} : memref<32x516xf32, #tpu.memory_space<vmem>>, vector<1x16xf32>,
      %swap3A_441 = vector.shape_cast %swap3A_440 : vector<1x16xf32> to vector<16xf32>
      %swap3A_442 = vector.shape_cast %mul3A_437 : vector<16xf32> to vector<1x16xf32>
      tpu.vector_store %arg10[%swap3A_438, %swap3A_439], %swap3A_442 {strides = array<i32>} : memref<32x516xf32, #tpu.memory_space<vmem>>, vector<1x16xf32>,
      %get3A_443 = arith.index_cast %mul3A_236 : i32 to index
      %get3A_444 = arith.constant 128 : index
      %get3A_445 = tpu.vector_load %arg7[%get3A_443, %get3A_444] {strides = array<i32>} : memref<96x256xf32, #tpu.memory_space<vmem>>, vector<1x16xf32>,
      %get3A_446 = vector.shape_cast %get3A_445 : vector<1x16xf32> to vector<16xf32>
      %get3A_447 = arith.index_cast %mul3A_236 : i32 to index
      %get3A_448 = arith.constant 144 : index
      %get3A_449 = tpu.vector_load %arg7[%get3A_447, %get3A_448] {strides = array<i32>} : memref<96x256xf32, #tpu.memory_space<vmem>>, vector<1x16xf32>,
      %get3A_450 = vector.shape_cast %get3A_449 : vector<1x16xf32> to vector<16xf32>
      %get3A_451 = arith.index_cast %mul3A_236 : i32 to index
      %get3A_452 = arith.constant 160 : index
      %get3A_453 = tpu.vector_load %arg7[%get3A_451, %get3A_452] {strides = array<i32>} : memref<96x256xf32, #tpu.memory_space<vmem>>, vector<1x16xf32>,
      %get3A_454 = vector.shape_cast %get3A_453 : vector<1x16xf32> to vector<16xf32>
      %get3A_455 = arith.index_cast %mul3A_236 : i32 to index
      %get3A_456 = arith.constant 176 : index
      %get3A_457 = tpu.vector_load %arg7[%get3A_455, %get3A_456] {strides = array<i32>} : memref<96x256xf32, #tpu.memory_space<vmem>>, vector<1x16xf32>,
      %get3A_458 = vector.shape_cast %get3A_457 : vector<1x16xf32> to vector<16xf32>
      %get3A_459 = arith.index_cast %mul3A_236 : i32 to index
      %get3A_460 = arith.constant 192 : index
      %get3A_461 = tpu.vector_load %arg7[%get3A_459, %get3A_460] {strides = array<i32>} : memref<96x256xf32, #tpu.memory_space<vmem>>, vector<1x16xf32>,
      %get3A_462 = vector.shape_cast %get3A_461 : vector<1x16xf32> to vector<16xf32>
      %get3A_463 = arith.index_cast %mul3A_236 : i32 to index
      %get3A_464 = arith.constant 208 : index
      %get3A_465 = tpu.vector_load %arg7[%get3A_463, %get3A_464] {strides = array<i32>} : memref<96x256xf32, #tpu.memory_space<vmem>>, vector<1x16xf32>,
      %get3A_466 = vector.shape_cast %get3A_465 : vector<1x16xf32> to vector<16xf32>
      %get3A_467 = arith.index_cast %mul3A_236 : i32 to index
      %get3A_468 = arith.constant 224 : index
      %get3A_469 = tpu.vector_load %arg7[%get3A_467, %get3A_468] {strides = array<i32>} : memref<96x256xf32, #tpu.memory_space<vmem>>, vector<1x16xf32>,
      %get3A_470 = vector.shape_cast %get3A_469 : vector<1x16xf32> to vector<16xf32>
      %get3A_471 = arith.index_cast %mul3A_236 : i32 to index
      %get3A_472 = arith.constant 240 : index
      %get3A_473 = tpu.vector_load %arg7[%get3A_471, %get3A_472] {strides = array<i32>} : memref<96x256xf32, #tpu.memory_space<vmem>>, vector<1x16xf32>,
      %get3A_474 = vector.shape_cast %get3A_473 : vector<1x16xf32> to vector<16xf32>
      %add3A_475 = arith.constant 1 : i32
      %add3A_476 = arith.addi %mul3A_236, %add3A_475 : i32
      %get3A_477 = arith.index_cast %add3A_476 : i32 to index
      %get3A_478 = arith.constant 128 : index
      %get3A_479 = tpu.vector_load %arg7[%get3A_477, %get3A_478] {strides = array<i32>} : memref<96x256xf32, #tpu.memory_space<vmem>>, vector<1x16xf32>,
      %get3A_480 = vector.shape_cast %get3A_479 : vector<1x16xf32> to vector<16xf32>
      %add3A_481 = arith.constant 1 : i32
      %add3A_482 = arith.addi %mul3A_236, %add3A_481 : i32
      %get3A_483 = arith.index_cast %add3A_482 : i32 to index
      %get3A_484 = arith.constant 144 : index
      %get3A_485 = tpu.vector_load %arg7[%get3A_483, %get3A_484] {strides = array<i32>} : memref<96x256xf32, #tpu.memory_space<vmem>>, vector<1x16xf32>,
      %get3A_486 = vector.shape_cast %get3A_485 : vector<1x16xf32> to vector<16xf32>
      %add3A_487 = arith.constant 1 : i32
      %add3A_488 = arith.addi %mul3A_236, %add3A_487 : i32
      %get3A_489 = arith.index_cast %add3A_488 : i32 to index
      %get3A_490 = arith.constant 160 : index
      %get3A_491 = tpu.vector_load %arg7[%get3A_489, %get3A_490] {strides = array<i32>} : memref<96x256xf32, #tpu.memory_space<vmem>>, vector<1x16xf32>,
      %get3A_492 = vector.shape_cast %get3A_491 : vector<1x16xf32> to vector<16xf32>
      %add3A_493 = arith.constant 1 : i32
      %add3A_494 = arith.addi %mul3A_236, %add3A_493 : i32
      %get3A_495 = arith.index_cast %add3A_494 : i32 to index
      %get3A_496 = arith.constant 176 : index
      %get3A_497 = tpu.vector_load %arg7[%get3A_495, %get3A_496] {strides = array<i32>} : memref<96x256xf32, #tpu.memory_space<vmem>>, vector<1x16xf32>,
      %get3A_498 = vector.shape_cast %get3A_497 : vector<1x16xf32> to vector<16xf32>
      %add3A_499 = arith.constant 1 : i32
      %add3A_500 = arith.addi %mul3A_236, %add3A_499 : i32
      %get3A_501 = arith.index_cast %add3A_500 : i32 to index
      %get3A_502 = arith.constant 192 : index
      %get3A_503 = tpu.vector_load %arg7[%get3A_501, %get3A_502] {strides = array<i32>} : memref<96x256xf32, #tpu.memory_space<vmem>>, vector<1x16xf32>,
      %get3A_504 = vector.shape_cast %get3A_503 : vector<1x16xf32> to vector<16xf32>
      %add3A_505 = arith.constant 1 : i32
      %add3A_506 = arith.addi %mul3A_236, %add3A_505 : i32
      %get3A_507 = arith.index_cast %add3A_506 : i32 to index
      %get3A_508 = arith.constant 208 : index
      %get3A_509 = tpu.vector_load %arg7[%get3A_507, %get3A_508] {strides = array<i32>} : memref<96x256xf32, #tpu.memory_space<vmem>>, vector<1x16xf32>,
      %get3A_510 = vector.shape_cast %get3A_509 : vector<1x16xf32> to vector<16xf32>
      %add3A_511 = arith.constant 1 : i32
      %add3A_512 = arith.addi %mul3A_236, %add3A_511 : i32
      %get3A_513 = arith.index_cast %add3A_512 : i32 to index
      %get3A_514 = arith.constant 224 : index
      %get3A_515 = tpu.vector_load %arg7[%get3A_513, %get3A_514] {strides = array<i32>} : memref<96x256xf32, #tpu.memory_space<vmem>>, vector<1x16xf32>,
      %get3A_516 = vector.shape_cast %get3A_515 : vector<1x16xf32> to vector<16xf32>
      %add3A_517 = arith.constant 1 : i32
      %add3A_518 = arith.addi %mul3A_236, %add3A_517 : i32
      %get3A_519 = arith.index_cast %add3A_518 : i32 to index
      %get3A_520 = arith.constant 240 : index
      %get3A_521 = tpu.vector_load %arg7[%get3A_519, %get3A_520] {strides = array<i32>} : memref<96x256xf32, #tpu.memory_space<vmem>>, vector<1x16xf32>,
      %get3A_522 = vector.shape_cast %get3A_521 : vector<1x16xf32> to vector<16xf32>
      %add3A_523 = arith.constant 2 : i32
      %add3A_524 = arith.addi %mul3A_236, %add3A_523 : i32
      %get3A_525 = arith.index_cast %add3A_524 : i32 to index
      %get3A_526 = arith.constant 128 : index
      %get3A_527 = tpu.vector_load %arg7[%get3A_525, %get3A_526] {strides = array<i32>} : memref<96x256xf32, #tpu.memory_space<vmem>>, vector<1x16xf32>,
      %get3A_528 = vector.shape_cast %get3A_527 : vector<1x16xf32> to vector<16xf32>
      %add3A_529 = arith.constant 2 : i32
      %add3A_530 = arith.addi %mul3A_236, %add3A_529 : i32
      %get3A_531 = arith.index_cast %add3A_530 : i32 to index
      %get3A_532 = arith.constant 144 : index
      %get3A_533 = tpu.vector_load %arg7[%get3A_531, %get3A_532] {strides = array<i32>} : memref<96x256xf32, #tpu.memory_space<vmem>>, vector<1x16xf32>,
      %get3A_534 = vector.shape_cast %get3A_533 : vector<1x16xf32> to vector<16xf32>
      %add3A_535 = arith.constant 2 : i32
      %add3A_536 = arith.addi %mul3A_236, %add3A_535 : i32
      %get3A_537 = arith.index_cast %add3A_536 : i32 to index
      %get3A_538 = arith.constant 160 : index
      %get3A_539 = tpu.vector_load %arg7[%get3A_537, %get3A_538] {strides = array<i32>} : memref<96x256xf32, #tpu.memory_space<vmem>>, vector<1x16xf32>,
      %get3A_540 = vector.shape_cast %get3A_539 : vector<1x16xf32> to vector<16xf32>
      %add3A_541 = arith.constant 2 : i32
      %add3A_542 = arith.addi %mul3A_236, %add3A_541 : i32
      %get3A_543 = arith.index_cast %add3A_542 : i32 to index
      %get3A_544 = arith.constant 176 : index
      %get3A_545 = tpu.vector_load %arg7[%get3A_543, %get3A_544] {strides = array<i32>} : memref<96x256xf32, #tpu.memory_space<vmem>>, vector<1x16xf32>,
      %get3A_546 = vector.shape_cast %get3A_545 : vector<1x16xf32> to vector<16xf32>
      %add3A_547 = arith.constant 2 : i32
      %add3A_548 = arith.addi %mul3A_236, %add3A_547 : i32
      %get3A_549 = arith.index_cast %add3A_548 : i32 to index
      %get3A_550 = arith.constant 192 : index
      %get3A_551 = tpu.vector_load %arg7[%get3A_549, %get3A_550] {strides = array<i32>} : memref<96x256xf32, #tpu.memory_space<vmem>>, vector<1x16xf32>,
      %get3A_552 = vector.shape_cast %get3A_551 : vector<1x16xf32> to vector<16xf32>
      %add3A_553 = arith.constant 2 : i32
      %add3A_554 = arith.addi %mul3A_236, %add3A_553 : i32
      %get3A_555 = arith.index_cast %add3A_554 : i32 to index
      %get3A_556 = arith.constant 208 : index
      %get3A_557 = tpu.vector_load %arg7[%get3A_555, %get3A_556] {strides = array<i32>} : memref<96x256xf32, #tpu.memory_space<vmem>>, vector<1x16xf32>,
      %get3A_558 = vector.shape_cast %get3A_557 : vector<1x16xf32> to vector<16xf32>
      %add3A_559 = arith.constant 2 : i32
      %add3A_560 = arith.addi %mul3A_236, %add3A_559 : i32
      %get3A_561 = arith.index_cast %add3A_560 : i32 to index
      %get3A_562 = arith.constant 224 : index
      %get3A_563 = tpu.vector_load %arg7[%get3A_561, %get3A_562] {strides = array<i32>} : memref<96x256xf32, #tpu.memory_space<vmem>>, vector<1x16xf32>,
      %get3A_564 = vector.shape_cast %get3A_563 : vector<1x16xf32> to vector<16xf32>
      %add3A_565 = arith.constant 2 : i32
      %add3A_566 = arith.addi %mul3A_236, %add3A_565 : i32
      %get3A_567 = arith.index_cast %add3A_566 : i32 to index
      %get3A_568 = arith.constant 240 : index
      %get3A_569 = tpu.vector_load %arg7[%get3A_567, %get3A_568] {strides = array<i32>} : memref<96x256xf32, #tpu.memory_space<vmem>>, vector<1x16xf32>,
      %get3A_570 = vector.shape_cast %get3A_569 : vector<1x16xf32> to vector<16xf32>
      %add3A_571 = arith.addf %get3A_446, %get3A_480 : vector<16xf32>
      %add3A_572 = arith.addf %add3A_571, %get3A_528 : vector<16xf32>
      %mul3A_573 = arith.constant 0.333333343 : f32
      %mul3A_574 = vector.broadcast %mul3A_573 : f32 to vector<16xf32>
      %mul3A_575 = arith.mulf %add3A_572, %mul3A_574 : vector<16xf32>
      %swap3A_576 = arith.index_cast %scan3A_234 : i32 to index
      %swap3A_577 = arith.constant 128 : index
      %swap3A_578 = tpu.vector_load %arg10[%swap3A_576, %swap3A_577] {strides = array<i32>} : memref<32x516xf32, #tpu.memory_space<vmem>>, vector<1x16xf32>,
      %swap3A_579 = vector.shape_cast %swap3A_578 : vector<1x16xf32> to vector<16xf32>
      %swap3A_580 = vector.shape_cast %mul3A_575 : vector<16xf32> to vector<1x16xf32>
      tpu.vector_store %arg10[%swap3A_576, %swap3A_577], %swap3A_580 {strides = array<i32>} : memref<32x516xf32, #tpu.memory_space<vmem>>, vector<1x16xf32>,
      %add3A_581 = arith.addf %get3A_450, %get3A_486 : vector<16xf32>
      %add3A_582 = arith.addf %add3A_581, %get3A_534 : vector<16xf32>
      %mul3A_583 = arith.constant 0.333333343 : f32
      %mul3A_584 = vector.broadcast %mul3A_583 : f32 to vector<16xf32>
      %mul3A_585 = arith.mulf %add3A_582, %mul3A_584 : vector<16xf32>
      %swap3A_586 = arith.index_cast %scan3A_234 : i32 to index
      %swap3A_587 = arith.constant 144 : index
      %swap3A_588 = tpu.vector_load %arg10[%swap3A_586, %swap3A_587] {strides = array<i32>} : memref<32x516xf32, #tpu.memory_space<vmem>>, vector<1x16xf32>,
      %swap3A_589 = vector.shape_cast %swap3A_588 : vector<1x16xf32> to vector<16xf32>
      %swap3A_590 = vector.shape_cast %mul3A_585 : vector<16xf32> to vector<1x16xf32>
      tpu.vector_store %arg10[%swap3A_586, %swap3A_587], %swap3A_590 {strides = array<i32>} : memref<32x516xf32, #tpu.memory_space<vmem>>, vector<1x16xf32>,
      %add3A_591 = arith.addf %get3A_454, %get3A_492 : vector<16xf32>
      %add3A_592 = arith.addf %add3A_591, %get3A_540 : vector<16xf32>
      %mul3A_593 = arith.constant 0.333333343 : f32
      %mul3A_594 = vector.broadcast %mul3A_593 : f32 to vector<16xf32>
      %mul3A_595 = arith.mulf %add3A_592, %mul3A_594 : vector<16xf32>
      %swap3A_596 = arith.index_cast %scan3A_234 : i32 to index
      %swap3A_597 = arith.constant 160 : index
      %swap3A_598 = tpu.vector_load %arg10[%swap3A_596, %swap3A_597] {strides = array<i32>} : memref<32x516xf32, #tpu.memory_space<vmem>>, vector<1x16xf32>,
      %swap3A_599 = vector.shape_cast %swap3A_598 : vector<1x16xf32> to vector<16xf32>
      %swap3A_600 = vector.shape_cast %mul3A_595 : vector<16xf32> to vector<1x16xf32>
      tpu.vector_store %arg10[%swap3A_596, %swap3A_597], %swap3A_600 {strides = array<i32>} : memref<32x516xf32, #tpu.memory_space<vmem>>, vector<1x16xf32>,
      %add3A_601 = arith.addf %get3A_458, %get3A_498 : vector<16xf32>
      %add3A_602 = arith.addf %add3A_601, %get3A_546 : vector<16xf32>
      %mul3A_603 = arith.constant 0.333333343 : f32
      %mul3A_604 = vector.broadcast %mul3A_603 : f32 to vector<16xf32>
      %mul3A_605 = arith.mulf %add3A_602, %mul3A_604 : vector<16xf32>
      %swap3A_606 = arith.index_cast %scan3A_234 : i32 to index
      %swap3A_607 = arith.constant 176 : index
      %swap3A_608 = tpu.vector_load %arg10[%swap3A_606, %swap3A_607] {strides = array<i32>} : memref<32x516xf32, #tpu.memory_space<vmem>>, vector<1x16xf32>,
      %swap3A_609 = vector.shape_cast %swap3A_608 : vector<1x16xf32> to vector<16xf32>
      %swap3A_610 = vector.shape_cast %mul3A_605 : vector<16xf32> to vector<1x16xf32>
      tpu.vector_store %arg10[%swap3A_606, %swap3A_607], %swap3A_610 {strides = array<i32>} : memref<32x516xf32, #tpu.memory_space<vmem>>, vector<1x16xf32>,
      %add3A_611 = arith.addf %get3A_462, %get3A_504 : vector<16xf32>
      %add3A_612 = arith.addf %add3A_611, %get3A_552 : vector<16xf32>
      %mul3A_613 = arith.constant 0.333333343 : f32
      %mul3A_614 = vector.broadcast %mul3A_613 : f32 to vector<16xf32>
      %mul3A_615 = arith.mulf %add3A_612, %mul3A_614 : vector<16xf32>
      %swap3A_616 = arith.index_cast %scan3A_234 : i32 to index
      %swap3A_617 = arith.constant 192 : index
      %swap3A_618 = tpu.vector_load %arg10[%swap3A_616, %swap3A_617] {strides = array<i32>} : memref<32x516xf32, #tpu.memory_space<vmem>>, vector<1x16xf32>,
      %swap3A_619 = vector.shape_cast %swap3A_618 : vector<1x16xf32> to vector<16xf32>
      %swap3A_620 = vector.shape_cast %mul3A_615 : vector<16xf32> to vector<1x16xf32>
      tpu.vector_store %arg10[%swap3A_616, %swap3A_617], %swap3A_620 {strides = array<i32>} : memref<32x516xf32, #tpu.memory_space<vmem>>, vector<1x16xf32>,
      %add3A_621 = arith.addf %get3A_466, %get3A_510 : vector<16xf32>
      %add3A_622 = arith.addf %add3A_621, %get3A_558 : vector<16xf32>
      %mul3A_623 = arith.constant 0.333333343 : f32
      %mul3A_624 = vector.broadcast %mul3A_623 : f32 to vector<16xf32>
      %mul3A_625 = arith.mulf %add3A_622, %mul3A_624 : vector<16xf32>
      %swap3A_626 = arith.index_cast %scan3A_234 : i32 to index
      %swap3A_627 = arith.constant 208 : index
      %swap3A_628 = tpu.vector_load %arg10[%swap3A_626, %swap3A_627] {strides = array<i32>} : memref<32x516xf32, #tpu.memory_space<vmem>>, vector<1x16xf32>,
      %swap3A_629 = vector.shape_cast %swap3A_628 : vector<1x16xf32> to vector<16xf32>
      %swap3A_630 = vector.shape_cast %mul3A_625 : vector<16xf32> to vector<1x16xf32>
      tpu.vector_store %arg10[%swap3A_626, %swap3A_627], %swap3A_630 {strides = array<i32>} : memref<32x516xf32, #tpu.memory_space<vmem>>, vector<1x16xf32>,
      %add3A_631 = arith.addf %get3A_470, %get3A_516 : vector<16xf32>
      %add3A_632 = arith.addf %add3A_631, %get3A_564 : vector<16xf32>
      %mul3A_633 = arith.constant 0.333333343 : f32
      %mul3A_634 = vector.broadcast %mul3A_633 : f32 to vector<16xf32>
      %mul3A_635 = arith.mulf %add3A_632, %mul3A_634 : vector<16xf32>
      %swap3A_636 = arith.index_cast %scan3A_234 : i32 to index
      %swap3A_637 = arith.constant 224 : index
      %swap3A_638 = tpu.vector_load %arg10[%swap3A_636, %swap3A_637] {strides = array<i32>} : memref<32x516xf32, #tpu.memory_space<vmem>>, vector<1x16xf32>,
      %swap3A_639 = vector.shape_cast %swap3A_638 : vector<1x16xf32> to vector<16xf32>
      %swap3A_640 = vector.shape_cast %mul3A_635 : vector<16xf32> to vector<1x16xf32>
      tpu.vector_store %arg10[%swap3A_636, %swap3A_637], %swap3A_640 {strides = array<i32>} : memref<32x516xf32, #tpu.memory_space<vmem>>, vector<1x16xf32>,
      %add3A_641 = arith.addf %get3A_474, %get3A_522 : vector<16xf32>
      %add3A_642 = arith.addf %add3A_641, %get3A_570 : vector<16xf32>
      %mul3A_643 = arith.constant 0.333333343 : f32
      %mul3A_644 = vector.broadcast %mul3A_643 : f32 to vector<16xf32>
      %mul3A_645 = arith.mulf %add3A_642, %mul3A_644 : vector<16xf32>
      %swap3A_646 = arith.index_cast %scan3A_234 : i32 to index
      %swap3A_647 = arith.constant 240 : index
      %swap3A_648 = tpu.vector_load %arg10[%swap3A_646, %swap3A_647] {strides = array<i32>} : memref<32x516xf32, #tpu.memory_space<vmem>>, vector<1x16xf32>,
      %swap3A_649 = vector.shape_cast %swap3A_648 : vector<1x16xf32> to vector<16xf32>
      %swap3A_650 = vector.shape_cast %mul3A_645 : vector<16xf32> to vector<1x16xf32>
      tpu.vector_store %arg10[%swap3A_646, %swap3A_647], %swap3A_650 {strides = array<i32>} : memref<32x516xf32, #tpu.memory_space<vmem>>, vector<1x16xf32>,
    }
    %scan3A_198 = arith.constant 32 : i32
    %add3A_199 = arith.constant 192 : i32
    %add3A_200 = arith.addi %mul3A_2, %add3A_199 : i32
    %dma_start3A_201 = arith.constant 0 : i32
    %dma_start3A_202 = tpu.memref_slice %arg5[%add3A_200, %dma_start3A_201] : memref<8192x516xf32, #tpu.memory_space<hbm>> -> memref<32x516xf32, #tpu.memory_space<hbm>>
    %dma_start3A_203 = arith.constant 0 : i32
    %dma_start3A_204 = tpu.memref_slice %arg5[%add3A_200, %dma_start3A_203] : memref<8192x516xf32, #tpu.memory_space<hbm>> -> memref<32x516xf32, #tpu.memory_space<hbm>>
    tpu.enqueue_dma source(%arg10 : memref<32x516xf32, #tpu.memory_space<vmem>>) target(%dma_start3A_204 : memref<32x516xf32, #tpu.memory_space<hbm>>) target_semaphore(%arg15 : memref<!tpu.dma_semaphore, #tpu.memory_space<semaphore_mem>>)
    %dma_wait3A_205 = arith.constant 672 : i32
    %dma_wait3A_206 = tpu.memref_slice %arg6[%dma_wait3A_205] : memref<768xi32, #tpu.memory_space<vmem>> -> memref<96xi32, #tpu.memory_space<vmem>>
    %dma_wait3A_207 = arith.constant 0 : i32
    %dma_wait3A_208 = arith.constant 0 : i32
    %dma_wait3A_209 = tpu.memref_slice %arg2[%dma_wait3A_207, %dma_wait3A_208] : memref<8192x256xf32, #tpu.memory_space<hbm>> -> memref<8192x256xf32, #tpu.memory_space<hbm>>
    tpu.wait_indirect_dma semaphore(%arg13 : memref<!tpu.dma_semaphore, #tpu.memory_space<semaphore_mem>>) src(%dma_wait3A_209 : memref<8192x256xf32, #tpu.memory_space<hbm>>) dst(%arg8 : memref<96x256xf32, #tpu.memory_space<vmem>>)
    %dma_wait3A_210 = arith.constant 0 : i32
    %dma_wait3A_211 = tpu.memref_slice %arg5[%add3A_179, %dma_wait3A_210] : memref<8192x516xf32, #tpu.memory_space<hbm>> -> memref<32x516xf32, #tpu.memory_space<hbm>>
    %dma_wait3A_212 = arith.constant 0 : i32
    %dma_wait3A_213 = tpu.memref_slice %arg5[%add3A_179, %dma_wait3A_212] : memref<8192x516xf32, #tpu.memory_space<hbm>> -> memref<32x516xf32, #tpu.memory_space<hbm>>
    tpu.wait_dma2 semaphore(%arg16 : memref<!tpu.dma_semaphore, #tpu.memory_space<semaphore_mem>>) src(%arg11 : memref<32x516xf32, #tpu.memory_space<vmem>>) dst(%dma_wait3A_213 : memref<32x516xf32, #tpu.memory_space<hbm>>)
    %scan3A_214 = arith.constant 0 : i32
    %scan3A_215 = arith.constant 0 : i32
    %scan3A_216 = arith.constant 32 : i32
    %scan3A_217 = arith.addi %scan3A_215, %scan3A_216 : i32
    %scan3A_218 = arith.constant 1 : i32
    scf.for %scan3A_234 = %scan3A_215 to %scan3A_217 step %scan3A_218  : i32 {
      %mul3A_235 = arith.constant 3 : i32
      %mul3A_236 = arith.muli %scan3A_234, %mul3A_235 : i32
      %get3A = arith.index_cast %mul3A_236 : i32 to index
      %get3A_237 = arith.constant 0 : index
      %get3A_238 = tpu.vector_load %arg8[%get3A, %get3A_237] {strides = array<i32>} : memref<96x256xf32, #tpu.memory_space<vmem>>, vector<1x16xf32>,
      %get3A_239 = vector.shape_cast %get3A_238 : vector<1x16xf32> to vector<16xf32>
      %get3A_240 = arith.index_cast %mul3A_236 : i32 to index
      %get3A_241 = arith.constant 16 : index
      %get3A_242 = tpu.vector_load %arg8[%get3A_240, %get3A_241] {strides = array<i32>} : memref<96x256xf32, #tpu.memory_space<vmem>>, vector<1x16xf32>,
      %get3A_243 = vector.shape_cast %get3A_242 : vector<1x16xf32> to vector<16xf32>
      %get3A_244 = arith.index_cast %mul3A_236 : i32 to index
      %get3A_245 = arith.constant 32 : index
      %get3A_246 = tpu.vector_load %arg8[%get3A_244, %get3A_245] {strides = array<i32>} : memref<96x256xf32, #tpu.memory_space<vmem>>, vector<1x16xf32>,
      %get3A_247 = vector.shape_cast %get3A_246 : vector<1x16xf32> to vector<16xf32>
      %get3A_248 = arith.index_cast %mul3A_236 : i32 to index
      %get3A_249 = arith.constant 48 : index
      %get3A_250 = tpu.vector_load %arg8[%get3A_248, %get3A_249] {strides = array<i32>} : memref<96x256xf32, #tpu.memory_space<vmem>>, vector<1x16xf32>,
      %get3A_251 = vector.shape_cast %get3A_250 : vector<1x16xf32> to vector<16xf32>
      %get3A_252 = arith.index_cast %mul3A_236 : i32 to index
      %get3A_253 = arith.constant 64 : index
      %get3A_254 = tpu.vector_load %arg8[%get3A_252, %get3A_253] {strides = array<i32>} : memref<96x256xf32, #tpu.memory_space<vmem>>, vector<1x16xf32>,
      %get3A_255 = vector.shape_cast %get3A_254 : vector<1x16xf32> to vector<16xf32>
      %get3A_256 = arith.index_cast %mul3A_236 : i32 to index
      %get3A_257 = arith.constant 80 : index
      %get3A_258 = tpu.vector_load %arg8[%get3A_256, %get3A_257] {strides = array<i32>} : memref<96x256xf32, #tpu.memory_space<vmem>>, vector<1x16xf32>,
      %get3A_259 = vector.shape_cast %get3A_258 : vector<1x16xf32> to vector<16xf32>
      %get3A_260 = arith.index_cast %mul3A_236 : i32 to index
      %get3A_261 = arith.constant 96 : index
      %get3A_262 = tpu.vector_load %arg8[%get3A_260, %get3A_261] {strides = array<i32>} : memref<96x256xf32, #tpu.memory_space<vmem>>, vector<1x16xf32>,
      %get3A_263 = vector.shape_cast %get3A_262 : vector<1x16xf32> to vector<16xf32>
      %get3A_264 = arith.index_cast %mul3A_236 : i32 to index
      %get3A_265 = arith.constant 112 : index
      %get3A_266 = tpu.vector_load %arg8[%get3A_264, %get3A_265] {strides = array<i32>} : memref<96x256xf32, #tpu.memory_space<vmem>>, vector<1x16xf32>,
      %get3A_267 = vector.shape_cast %get3A_266 : vector<1x16xf32> to vector<16xf32>
      %add3A_268 = arith.constant 1 : i32
      %add3A_269 = arith.addi %mul3A_236, %add3A_268 : i32
      %get3A_270 = arith.index_cast %add3A_269 : i32 to index
      %get3A_271 = arith.constant 0 : index
      %get3A_272 = tpu.vector_load %arg8[%get3A_270, %get3A_271] {strides = array<i32>} : memref<96x256xf32, #tpu.memory_space<vmem>>, vector<1x16xf32>,
      %get3A_273 = vector.shape_cast %get3A_272 : vector<1x16xf32> to vector<16xf32>
      %add3A_274 = arith.constant 1 : i32
      %add3A_275 = arith.addi %mul3A_236, %add3A_274 : i32
      %get3A_276 = arith.index_cast %add3A_275 : i32 to index
      %get3A_277 = arith.constant 16 : index
      %get3A_278 = tpu.vector_load %arg8[%get3A_276, %get3A_277] {strides = array<i32>} : memref<96x256xf32, #tpu.memory_space<vmem>>, vector<1x16xf32>,
      %get3A_279 = vector.shape_cast %get3A_278 : vector<1x16xf32> to vector<16xf32>
      %add3A_280 = arith.constant 1 : i32
      %add3A_281 = arith.addi %mul3A_236, %add3A_280 : i32
      %get3A_282 = arith.index_cast %add3A_281 : i32 to index
      %get3A_283 = arith.constant 32 : index
      %get3A_284 = tpu.vector_load %arg8[%get3A_282, %get3A_283] {strides = array<i32>} : memref<96x256xf32, #tpu.memory_space<vmem>>, vector<1x16xf32>,
      %get3A_285 = vector.shape_cast %get3A_284 : vector<1x16xf32> to vector<16xf32>
      %add3A_286 = arith.constant 1 : i32
      %add3A_287 = arith.addi %mul3A_236, %add3A_286 : i32
      %get3A_288 = arith.index_cast %add3A_287 : i32 to index
      %get3A_289 = arith.constant 48 : index
      %get3A_290 = tpu.vector_load %arg8[%get3A_288, %get3A_289] {strides = array<i32>} : memref<96x256xf32, #tpu.memory_space<vmem>>, vector<1x16xf32>,
      %get3A_291 = vector.shape_cast %get3A_290 : vector<1x16xf32> to vector<16xf32>
      %add3A_292 = arith.constant 1 : i32
      %add3A_293 = arith.addi %mul3A_236, %add3A_292 : i32
      %get3A_294 = arith.index_cast %add3A_293 : i32 to index
      %get3A_295 = arith.constant 64 : index
      %get3A_296 = tpu.vector_load %arg8[%get3A_294, %get3A_295] {strides = array<i32>} : memref<96x256xf32, #tpu.memory_space<vmem>>, vector<1x16xf32>,
      %get3A_297 = vector.shape_cast %get3A_296 : vector<1x16xf32> to vector<16xf32>
      %add3A_298 = arith.constant 1 : i32
      %add3A_299 = arith.addi %mul3A_236, %add3A_298 : i32
      %get3A_300 = arith.index_cast %add3A_299 : i32 to index
      %get3A_301 = arith.constant 80 : index
      %get3A_302 = tpu.vector_load %arg8[%get3A_300, %get3A_301] {strides = array<i32>} : memref<96x256xf32, #tpu.memory_space<vmem>>, vector<1x16xf32>,
      %get3A_303 = vector.shape_cast %get3A_302 : vector<1x16xf32> to vector<16xf32>
      %add3A_304 = arith.constant 1 : i32
      %add3A_305 = arith.addi %mul3A_236, %add3A_304 : i32
      %get3A_306 = arith.index_cast %add3A_305 : i32 to index
      %get3A_307 = arith.constant 96 : index
      %get3A_308 = tpu.vector_load %arg8[%get3A_306, %get3A_307] {strides = array<i32>} : memref<96x256xf32, #tpu.memory_space<vmem>>, vector<1x16xf32>,
      %get3A_309 = vector.shape_cast %get3A_308 : vector<1x16xf32> to vector<16xf32>
      %add3A_310 = arith.constant 1 : i32
      %add3A_311 = arith.addi %mul3A_236, %add3A_310 : i32
      %get3A_312 = arith.index_cast %add3A_311 : i32 to index
      %get3A_313 = arith.constant 112 : index
      %get3A_314 = tpu.vector_load %arg8[%get3A_312, %get3A_313] {strides = array<i32>} : memref<96x256xf32, #tpu.memory_space<vmem>>, vector<1x16xf32>,
      %get3A_315 = vector.shape_cast %get3A_314 : vector<1x16xf32> to vector<16xf32>
      %add3A_316 = arith.constant 2 : i32
      %add3A_317 = arith.addi %mul3A_236, %add3A_316 : i32
      %get3A_318 = arith.index_cast %add3A_317 : i32 to index
      %get3A_319 = arith.constant 0 : index
      %get3A_320 = tpu.vector_load %arg8[%get3A_318, %get3A_319] {strides = array<i32>} : memref<96x256xf32, #tpu.memory_space<vmem>>, vector<1x16xf32>,
      %get3A_321 = vector.shape_cast %get3A_320 : vector<1x16xf32> to vector<16xf32>
      %add3A_322 = arith.constant 2 : i32
      %add3A_323 = arith.addi %mul3A_236, %add3A_322 : i32
      %get3A_324 = arith.index_cast %add3A_323 : i32 to index
      %get3A_325 = arith.constant 16 : index
      %get3A_326 = tpu.vector_load %arg8[%get3A_324, %get3A_325] {strides = array<i32>} : memref<96x256xf32, #tpu.memory_space<vmem>>, vector<1x16xf32>,
      %get3A_327 = vector.shape_cast %get3A_326 : vector<1x16xf32> to vector<16xf32>
      %add3A_328 = arith.constant 2 : i32
      %add3A_329 = arith.addi %mul3A_236, %add3A_328 : i32
      %get3A_330 = arith.index_cast %add3A_329 : i32 to index
      %get3A_331 = arith.constant 32 : index
      %get3A_332 = tpu.vector_load %arg8[%get3A_330, %get3A_331] {strides = array<i32>} : memref<96x256xf32, #tpu.memory_space<vmem>>, vector<1x16xf32>,
      %get3A_333 = vector.shape_cast %get3A_332 : vector<1x16xf32> to vector<16xf32>
      %add3A_334 = arith.constant 2 : i32
      %add3A_335 = arith.addi %mul3A_236, %add3A_334 : i32
      %get3A_336 = arith.index_cast %add3A_335 : i32 to index
      %get3A_337 = arith.constant 48 : index
      %get3A_338 = tpu.vector_load %arg8[%get3A_336, %get3A_337] {strides = array<i32>} : memref<96x256xf32, #tpu.memory_space<vmem>>, vector<1x16xf32>,
      %get3A_339 = vector.shape_cast %get3A_338 : vector<1x16xf32> to vector<16xf32>
      %add3A_340 = arith.constant 2 : i32
      %add3A_341 = arith.addi %mul3A_236, %add3A_340 : i32
      %get3A_342 = arith.index_cast %add3A_341 : i32 to index
      %get3A_343 = arith.constant 64 : index
      %get3A_344 = tpu.vector_load %arg8[%get3A_342, %get3A_343] {strides = array<i32>} : memref<96x256xf32, #tpu.memory_space<vmem>>, vector<1x16xf32>,
      %get3A_345 = vector.shape_cast %get3A_344 : vector<1x16xf32> to vector<16xf32>
      %add3A_346 = arith.constant 2 : i32
      %add3A_347 = arith.addi %mul3A_236, %add3A_346 : i32
      %get3A_348 = arith.index_cast %add3A_347 : i32 to index
      %get3A_349 = arith.constant 80 : index
      %get3A_350 = tpu.vector_load %arg8[%get3A_348, %get3A_349] {strides = array<i32>} : memref<96x256xf32, #tpu.memory_space<vmem>>, vector<1x16xf32>,
      %get3A_351 = vector.shape_cast %get3A_350 : vector<1x16xf32> to vector<16xf32>
      %add3A_352 = arith.constant 2 : i32
      %add3A_353 = arith.addi %mul3A_236, %add3A_352 : i32
      %get3A_354 = arith.index_cast %add3A_353 : i32 to index
      %get3A_355 = arith.constant 96 : index
      %get3A_356 = tpu.vector_load %arg8[%get3A_354, %get3A_355] {strides = array<i32>} : memref<96x256xf32, #tpu.memory_space<vmem>>, vector<1x16xf32>,
      %get3A_357 = vector.shape_cast %get3A_356 : vector<1x16xf32> to vector<16xf32>
      %add3A_358 = arith.constant 2 : i32
      %add3A_359 = arith.addi %mul3A_236, %add3A_358 : i32
      %get3A_360 = arith.index_cast %add3A_359 : i32 to index
      %get3A_361 = arith.constant 112 : index
      %get3A_362 = tpu.vector_load %arg8[%get3A_360, %get3A_361] {strides = array<i32>} : memref<96x256xf32, #tpu.memory_space<vmem>>, vector<1x16xf32>,
      %get3A_363 = vector.shape_cast %get3A_362 : vector<1x16xf32> to vector<16xf32>
      %add3A_364 = arith.addf %get3A_239, %get3A_273 : vector<16xf32>
      %add3A_365 = arith.addf %add3A_364, %get3A_321 : vector<16xf32>
      %mul3A_366 = arith.constant 0.333333343 : f32
      %mul3A_367 = vector.broadcast %mul3A_366 : f32 to vector<16xf32>
      %mul3A_368 = arith.mulf %add3A_365, %mul3A_367 : vector<16xf32>
      %swap3A = arith.index_cast %scan3A_234 : i32 to index
      %swap3A_369 = arith.constant 0 : index
      %swap3A_370 = tpu.vector_load %arg11[%swap3A, %swap3A_369] {strides = array<i32>} : memref<32x516xf32, #tpu.memory_space<vmem>>, vector<1x16xf32>,
      %swap3A_371 = vector.shape_cast %swap3A_370 : vector<1x16xf32> to vector<16xf32>
      %swap3A_372 = vector.shape_cast %mul3A_368 : vector<16xf32> to vector<1x16xf32>
      tpu.vector_store %arg11[%swap3A, %swap3A_369], %swap3A_372 {strides = array<i32>} : memref<32x516xf32, #tpu.memory_space<vmem>>, vector<1x16xf32>,
      %add3A_373 = arith.addf %get3A_243, %get3A_279 : vector<16xf32>
      %add3A_374 = arith.addf %add3A_373, %get3A_327 : vector<16xf32>
      %mul3A_375 = arith.constant 0.333333343 : f32
      %mul3A_376 = vector.broadcast %mul3A_375 : f32 to vector<16xf32>
      %mul3A_377 = arith.mulf %add3A_374, %mul3A_376 : vector<16xf32>
      %swap3A_378 = arith.index_cast %scan3A_234 : i32 to index
      %swap3A_379 = arith.constant 16 : index
      %swap3A_380 = tpu.vector_load %arg11[%swap3A_378, %swap3A_379] {strides = array<i32>} : memref<32x516xf32, #tpu.memory_space<vmem>>, vector<1x16xf32>,
      %swap3A_381 = vector.shape_cast %swap3A_380 : vector<1x16xf32> to vector<16xf32>
      %swap3A_382 = vector.shape_cast %mul3A_377 : vector<16xf32> to vector<1x16xf32>
      tpu.vector_store %arg11[%swap3A_378, %swap3A_379], %swap3A_382 {strides = array<i32>} : memref<32x516xf32, #tpu.memory_space<vmem>>, vector<1x16xf32>,
      %add3A_383 = arith.addf %get3A_247, %get3A_285 : vector<16xf32>
      %add3A_384 = arith.addf %add3A_383, %get3A_333 : vector<16xf32>
      %mul3A_385 = arith.constant 0.333333343 : f32
      %mul3A_386 = vector.broadcast %mul3A_385 : f32 to vector<16xf32>
      %mul3A_387 = arith.mulf %add3A_384, %mul3A_386 : vector<16xf32>
      %swap3A_388 = arith.index_cast %scan3A_234 : i32 to index
      %swap3A_389 = arith.constant 32 : index
      %swap3A_390 = tpu.vector_load %arg11[%swap3A_388, %swap3A_389] {strides = array<i32>} : memref<32x516xf32, #tpu.memory_space<vmem>>, vector<1x16xf32>,
      %swap3A_391 = vector.shape_cast %swap3A_390 : vector<1x16xf32> to vector<16xf32>
      %swap3A_392 = vector.shape_cast %mul3A_387 : vector<16xf32> to vector<1x16xf32>
      tpu.vector_store %arg11[%swap3A_388, %swap3A_389], %swap3A_392 {strides = array<i32>} : memref<32x516xf32, #tpu.memory_space<vmem>>, vector<1x16xf32>,
      %add3A_393 = arith.addf %get3A_251, %get3A_291 : vector<16xf32>
      %add3A_394 = arith.addf %add3A_393, %get3A_339 : vector<16xf32>
      %mul3A_395 = arith.constant 0.333333343 : f32
      %mul3A_396 = vector.broadcast %mul3A_395 : f32 to vector<16xf32>
      %mul3A_397 = arith.mulf %add3A_394, %mul3A_396 : vector<16xf32>
      %swap3A_398 = arith.index_cast %scan3A_234 : i32 to index
      %swap3A_399 = arith.constant 48 : index
      %swap3A_400 = tpu.vector_load %arg11[%swap3A_398, %swap3A_399] {strides = array<i32>} : memref<32x516xf32, #tpu.memory_space<vmem>>, vector<1x16xf32>,
      %swap3A_401 = vector.shape_cast %swap3A_400 : vector<1x16xf32> to vector<16xf32>
      %swap3A_402 = vector.shape_cast %mul3A_397 : vector<16xf32> to vector<1x16xf32>
      tpu.vector_store %arg11[%swap3A_398, %swap3A_399], %swap3A_402 {strides = array<i32>} : memref<32x516xf32, #tpu.memory_space<vmem>>, vector<1x16xf32>,
      %add3A_403 = arith.addf %get3A_255, %get3A_297 : vector<16xf32>
      %add3A_404 = arith.addf %add3A_403, %get3A_345 : vector<16xf32>
      %mul3A_405 = arith.constant 0.333333343 : f32
      %mul3A_406 = vector.broadcast %mul3A_405 : f32 to vector<16xf32>
      %mul3A_407 = arith.mulf %add3A_404, %mul3A_406 : vector<16xf32>
      %swap3A_408 = arith.index_cast %scan3A_234 : i32 to index
      %swap3A_409 = arith.constant 64 : index
      %swap3A_410 = tpu.vector_load %arg11[%swap3A_408, %swap3A_409] {strides = array<i32>} : memref<32x516xf32, #tpu.memory_space<vmem>>, vector<1x16xf32>,
      %swap3A_411 = vector.shape_cast %swap3A_410 : vector<1x16xf32> to vector<16xf32>
      %swap3A_412 = vector.shape_cast %mul3A_407 : vector<16xf32> to vector<1x16xf32>
      tpu.vector_store %arg11[%swap3A_408, %swap3A_409], %swap3A_412 {strides = array<i32>} : memref<32x516xf32, #tpu.memory_space<vmem>>, vector<1x16xf32>,
      %add3A_413 = arith.addf %get3A_259, %get3A_303 : vector<16xf32>
      %add3A_414 = arith.addf %add3A_413, %get3A_351 : vector<16xf32>
      %mul3A_415 = arith.constant 0.333333343 : f32
      %mul3A_416 = vector.broadcast %mul3A_415 : f32 to vector<16xf32>
      %mul3A_417 = arith.mulf %add3A_414, %mul3A_416 : vector<16xf32>
      %swap3A_418 = arith.index_cast %scan3A_234 : i32 to index
      %swap3A_419 = arith.constant 80 : index
      %swap3A_420 = tpu.vector_load %arg11[%swap3A_418, %swap3A_419] {strides = array<i32>} : memref<32x516xf32, #tpu.memory_space<vmem>>, vector<1x16xf32>,
      %swap3A_421 = vector.shape_cast %swap3A_420 : vector<1x16xf32> to vector<16xf32>
      %swap3A_422 = vector.shape_cast %mul3A_417 : vector<16xf32> to vector<1x16xf32>
      tpu.vector_store %arg11[%swap3A_418, %swap3A_419], %swap3A_422 {strides = array<i32>} : memref<32x516xf32, #tpu.memory_space<vmem>>, vector<1x16xf32>,
      %add3A_423 = arith.addf %get3A_263, %get3A_309 : vector<16xf32>
      %add3A_424 = arith.addf %add3A_423, %get3A_357 : vector<16xf32>
      %mul3A_425 = arith.constant 0.333333343 : f32
      %mul3A_426 = vector.broadcast %mul3A_425 : f32 to vector<16xf32>
      %mul3A_427 = arith.mulf %add3A_424, %mul3A_426 : vector<16xf32>
      %swap3A_428 = arith.index_cast %scan3A_234 : i32 to index
      %swap3A_429 = arith.constant 96 : index
      %swap3A_430 = tpu.vector_load %arg11[%swap3A_428, %swap3A_429] {strides = array<i32>} : memref<32x516xf32, #tpu.memory_space<vmem>>, vector<1x16xf32>,
      %swap3A_431 = vector.shape_cast %swap3A_430 : vector<1x16xf32> to vector<16xf32>
      %swap3A_432 = vector.shape_cast %mul3A_427 : vector<16xf32> to vector<1x16xf32>
      tpu.vector_store %arg11[%swap3A_428, %swap3A_429], %swap3A_432 {strides = array<i32>} : memref<32x516xf32, #tpu.memory_space<vmem>>, vector<1x16xf32>,
      %add3A_433 = arith.addf %get3A_267, %get3A_315 : vector<16xf32>
      %add3A_434 = arith.addf %add3A_433, %get3A_363 : vector<16xf32>
      %mul3A_435 = arith.constant 0.333333343 : f32
      %mul3A_436 = vector.broadcast %mul3A_435 : f32 to vector<16xf32>
      %mul3A_437 = arith.mulf %add3A_434, %mul3A_436 : vector<16xf32>
      %swap3A_438 = arith.index_cast %scan3A_234 : i32 to index
      %swap3A_439 = arith.constant 112 : index
      %swap3A_440 = tpu.vector_load %arg11[%swap3A_438, %swap3A_439] {strides = array<i32>} : memref<32x516xf32, #tpu.memory_space<vmem>>, vector<1x16xf32>,
      %swap3A_441 = vector.shape_cast %swap3A_440 : vector<1x16xf32> to vector<16xf32>
      %swap3A_442 = vector.shape_cast %mul3A_437 : vector<16xf32> to vector<1x16xf32>
      tpu.vector_store %arg11[%swap3A_438, %swap3A_439], %swap3A_442 {strides = array<i32>} : memref<32x516xf32, #tpu.memory_space<vmem>>, vector<1x16xf32>,
      %get3A_443 = arith.index_cast %mul3A_236 : i32 to index
      %get3A_444 = arith.constant 128 : index
      %get3A_445 = tpu.vector_load %arg8[%get3A_443, %get3A_444] {strides = array<i32>} : memref<96x256xf32, #tpu.memory_space<vmem>>, vector<1x16xf32>,
      %get3A_446 = vector.shape_cast %get3A_445 : vector<1x16xf32> to vector<16xf32>
      %get3A_447 = arith.index_cast %mul3A_236 : i32 to index
      %get3A_448 = arith.constant 144 : index
      %get3A_449 = tpu.vector_load %arg8[%get3A_447, %get3A_448] {strides = array<i32>} : memref<96x256xf32, #tpu.memory_space<vmem>>, vector<1x16xf32>,
      %get3A_450 = vector.shape_cast %get3A_449 : vector<1x16xf32> to vector<16xf32>
      %get3A_451 = arith.index_cast %mul3A_236 : i32 to index
      %get3A_452 = arith.constant 160 : index
      %get3A_453 = tpu.vector_load %arg8[%get3A_451, %get3A_452] {strides = array<i32>} : memref<96x256xf32, #tpu.memory_space<vmem>>, vector<1x16xf32>,
      %get3A_454 = vector.shape_cast %get3A_453 : vector<1x16xf32> to vector<16xf32>
      %get3A_455 = arith.index_cast %mul3A_236 : i32 to index
      %get3A_456 = arith.constant 176 : index
      %get3A_457 = tpu.vector_load %arg8[%get3A_455, %get3A_456] {strides = array<i32>} : memref<96x256xf32, #tpu.memory_space<vmem>>, vector<1x16xf32>,
      %get3A_458 = vector.shape_cast %get3A_457 : vector<1x16xf32> to vector<16xf32>
      %get3A_459 = arith.index_cast %mul3A_236 : i32 to index
      %get3A_460 = arith.constant 192 : index
      %get3A_461 = tpu.vector_load %arg8[%get3A_459, %get3A_460] {strides = array<i32>} : memref<96x256xf32, #tpu.memory_space<vmem>>, vector<1x16xf32>,
      %get3A_462 = vector.shape_cast %get3A_461 : vector<1x16xf32> to vector<16xf32>
      %get3A_463 = arith.index_cast %mul3A_236 : i32 to index
      %get3A_464 = arith.constant 208 : index
      %get3A_465 = tpu.vector_load %arg8[%get3A_463, %get3A_464] {strides = array<i32>} : memref<96x256xf32, #tpu.memory_space<vmem>>, vector<1x16xf32>,
      %get3A_466 = vector.shape_cast %get3A_465 : vector<1x16xf32> to vector<16xf32>
      %get3A_467 = arith.index_cast %mul3A_236 : i32 to index
      %get3A_468 = arith.constant 224 : index
      %get3A_469 = tpu.vector_load %arg8[%get3A_467, %get3A_468] {strides = array<i32>} : memref<96x256xf32, #tpu.memory_space<vmem>>, vector<1x16xf32>,
      %get3A_470 = vector.shape_cast %get3A_469 : vector<1x16xf32> to vector<16xf32>
      %get3A_471 = arith.index_cast %mul3A_236 : i32 to index
      %get3A_472 = arith.constant 240 : index
      %get3A_473 = tpu.vector_load %arg8[%get3A_471, %get3A_472] {strides = array<i32>} : memref<96x256xf32, #tpu.memory_space<vmem>>, vector<1x16xf32>,
      %get3A_474 = vector.shape_cast %get3A_473 : vector<1x16xf32> to vector<16xf32>
      %add3A_475 = arith.constant 1 : i32
      %add3A_476 = arith.addi %mul3A_236, %add3A_475 : i32
      %get3A_477 = arith.index_cast %add3A_476 : i32 to index
      %get3A_478 = arith.constant 128 : index
      %get3A_479 = tpu.vector_load %arg8[%get3A_477, %get3A_478] {strides = array<i32>} : memref<96x256xf32, #tpu.memory_space<vmem>>, vector<1x16xf32>,
      %get3A_480 = vector.shape_cast %get3A_479 : vector<1x16xf32> to vector<16xf32>
      %add3A_481 = arith.constant 1 : i32
      %add3A_482 = arith.addi %mul3A_236, %add3A_481 : i32
      %get3A_483 = arith.index_cast %add3A_482 : i32 to index
      %get3A_484 = arith.constant 144 : index
      %get3A_485 = tpu.vector_load %arg8[%get3A_483, %get3A_484] {strides = array<i32>} : memref<96x256xf32, #tpu.memory_space<vmem>>, vector<1x16xf32>,
      %get3A_486 = vector.shape_cast %get3A_485 : vector<1x16xf32> to vector<16xf32>
      %add3A_487 = arith.constant 1 : i32
      %add3A_488 = arith.addi %mul3A_236, %add3A_487 : i32
      %get3A_489 = arith.index_cast %add3A_488 : i32 to index
      %get3A_490 = arith.constant 160 : index
      %get3A_491 = tpu.vector_load %arg8[%get3A_489, %get3A_490] {strides = array<i32>} : memref<96x256xf32, #tpu.memory_space<vmem>>, vector<1x16xf32>,
      %get3A_492 = vector.shape_cast %get3A_491 : vector<1x16xf32> to vector<16xf32>
      %add3A_493 = arith.constant 1 : i32
      %add3A_494 = arith.addi %mul3A_236, %add3A_493 : i32
      %get3A_495 = arith.index_cast %add3A_494 : i32 to index
      %get3A_496 = arith.constant 176 : index
      %get3A_497 = tpu.vector_load %arg8[%get3A_495, %get3A_496] {strides = array<i32>} : memref<96x256xf32, #tpu.memory_space<vmem>>, vector<1x16xf32>,
      %get3A_498 = vector.shape_cast %get3A_497 : vector<1x16xf32> to vector<16xf32>
      %add3A_499 = arith.constant 1 : i32
      %add3A_500 = arith.addi %mul3A_236, %add3A_499 : i32
      %get3A_501 = arith.index_cast %add3A_500 : i32 to index
      %get3A_502 = arith.constant 192 : index
      %get3A_503 = tpu.vector_load %arg8[%get3A_501, %get3A_502] {strides = array<i32>} : memref<96x256xf32, #tpu.memory_space<vmem>>, vector<1x16xf32>,
      %get3A_504 = vector.shape_cast %get3A_503 : vector<1x16xf32> to vector<16xf32>
      %add3A_505 = arith.constant 1 : i32
      %add3A_506 = arith.addi %mul3A_236, %add3A_505 : i32
      %get3A_507 = arith.index_cast %add3A_506 : i32 to index
      %get3A_508 = arith.constant 208 : index
      %get3A_509 = tpu.vector_load %arg8[%get3A_507, %get3A_508] {strides = array<i32>} : memref<96x256xf32, #tpu.memory_space<vmem>>, vector<1x16xf32>,
      %get3A_510 = vector.shape_cast %get3A_509 : vector<1x16xf32> to vector<16xf32>
      %add3A_511 = arith.constant 1 : i32
      %add3A_512 = arith.addi %mul3A_236, %add3A_511 : i32
      %get3A_513 = arith.index_cast %add3A_512 : i32 to index
      %get3A_514 = arith.constant 224 : index
      %get3A_515 = tpu.vector_load %arg8[%get3A_513, %get3A_514] {strides = array<i32>} : memref<96x256xf32, #tpu.memory_space<vmem>>, vector<1x16xf32>,
      %get3A_516 = vector.shape_cast %get3A_515 : vector<1x16xf32> to vector<16xf32>
      %add3A_517 = arith.constant 1 : i32
      %add3A_518 = arith.addi %mul3A_236, %add3A_517 : i32
      %get3A_519 = arith.index_cast %add3A_518 : i32 to index
      %get3A_520 = arith.constant 240 : index
      %get3A_521 = tpu.vector_load %arg8[%get3A_519, %get3A_520] {strides = array<i32>} : memref<96x256xf32, #tpu.memory_space<vmem>>, vector<1x16xf32>,
      %get3A_522 = vector.shape_cast %get3A_521 : vector<1x16xf32> to vector<16xf32>
      %add3A_523 = arith.constant 2 : i32
      %add3A_524 = arith.addi %mul3A_236, %add3A_523 : i32
      %get3A_525 = arith.index_cast %add3A_524 : i32 to index
      %get3A_526 = arith.constant 128 : index
      %get3A_527 = tpu.vector_load %arg8[%get3A_525, %get3A_526] {strides = array<i32>} : memref<96x256xf32, #tpu.memory_space<vmem>>, vector<1x16xf32>,
      %get3A_528 = vector.shape_cast %get3A_527 : vector<1x16xf32> to vector<16xf32>
      %add3A_529 = arith.constant 2 : i32
      %add3A_530 = arith.addi %mul3A_236, %add3A_529 : i32
      %get3A_531 = arith.index_cast %add3A_530 : i32 to index
      %get3A_532 = arith.constant 144 : index
      %get3A_533 = tpu.vector_load %arg8[%get3A_531, %get3A_532] {strides = array<i32>} : memref<96x256xf32, #tpu.memory_space<vmem>>, vector<1x16xf32>,
      %get3A_534 = vector.shape_cast %get3A_533 : vector<1x16xf32> to vector<16xf32>
      %add3A_535 = arith.constant 2 : i32
      %add3A_536 = arith.addi %mul3A_236, %add3A_535 : i32
      %get3A_537 = arith.index_cast %add3A_536 : i32 to index
      %get3A_538 = arith.constant 160 : index
      %get3A_539 = tpu.vector_load %arg8[%get3A_537, %get3A_538] {strides = array<i32>} : memref<96x256xf32, #tpu.memory_space<vmem>>, vector<1x16xf32>,
      %get3A_540 = vector.shape_cast %get3A_539 : vector<1x16xf32> to vector<16xf32>
      %add3A_541 = arith.constant 2 : i32
      %add3A_542 = arith.addi %mul3A_236, %add3A_541 : i32
      %get3A_543 = arith.index_cast %add3A_542 : i32 to index
      %get3A_544 = arith.constant 176 : index
      %get3A_545 = tpu.vector_load %arg8[%get3A_543, %get3A_544] {strides = array<i32>} : memref<96x256xf32, #tpu.memory_space<vmem>>, vector<1x16xf32>,
      %get3A_546 = vector.shape_cast %get3A_545 : vector<1x16xf32> to vector<16xf32>
      %add3A_547 = arith.constant 2 : i32
      %add3A_548 = arith.addi %mul3A_236, %add3A_547 : i32
      %get3A_549 = arith.index_cast %add3A_548 : i32 to index
      %get3A_550 = arith.constant 192 : index
      %get3A_551 = tpu.vector_load %arg8[%get3A_549, %get3A_550] {strides = array<i32>} : memref<96x256xf32, #tpu.memory_space<vmem>>, vector<1x16xf32>,
      %get3A_552 = vector.shape_cast %get3A_551 : vector<1x16xf32> to vector<16xf32>
      %add3A_553 = arith.constant 2 : i32
      %add3A_554 = arith.addi %mul3A_236, %add3A_553 : i32
      %get3A_555 = arith.index_cast %add3A_554 : i32 to index
      %get3A_556 = arith.constant 208 : index
      %get3A_557 = tpu.vector_load %arg8[%get3A_555, %get3A_556] {strides = array<i32>} : memref<96x256xf32, #tpu.memory_space<vmem>>, vector<1x16xf32>,
      %get3A_558 = vector.shape_cast %get3A_557 : vector<1x16xf32> to vector<16xf32>
      %add3A_559 = arith.constant 2 : i32
      %add3A_560 = arith.addi %mul3A_236, %add3A_559 : i32
      %get3A_561 = arith.index_cast %add3A_560 : i32 to index
      %get3A_562 = arith.constant 224 : index
      %get3A_563 = tpu.vector_load %arg8[%get3A_561, %get3A_562] {strides = array<i32>} : memref<96x256xf32, #tpu.memory_space<vmem>>, vector<1x16xf32>,
      %get3A_564 = vector.shape_cast %get3A_563 : vector<1x16xf32> to vector<16xf32>
      %add3A_565 = arith.constant 2 : i32
      %add3A_566 = arith.addi %mul3A_236, %add3A_565 : i32
      %get3A_567 = arith.index_cast %add3A_566 : i32 to index
      %get3A_568 = arith.constant 240 : index
      %get3A_569 = tpu.vector_load %arg8[%get3A_567, %get3A_568] {strides = array<i32>} : memref<96x256xf32, #tpu.memory_space<vmem>>, vector<1x16xf32>,
      %get3A_570 = vector.shape_cast %get3A_569 : vector<1x16xf32> to vector<16xf32>
      %add3A_571 = arith.addf %get3A_446, %get3A_480 : vector<16xf32>
      %add3A_572 = arith.addf %add3A_571, %get3A_528 : vector<16xf32>
      %mul3A_573 = arith.constant 0.333333343 : f32
      %mul3A_574 = vector.broadcast %mul3A_573 : f32 to vector<16xf32>
      %mul3A_575 = arith.mulf %add3A_572, %mul3A_574 : vector<16xf32>
      %swap3A_576 = arith.index_cast %scan3A_234 : i32 to index
      %swap3A_577 = arith.constant 128 : index
      %swap3A_578 = tpu.vector_load %arg11[%swap3A_576, %swap3A_577] {strides = array<i32>} : memref<32x516xf32, #tpu.memory_space<vmem>>, vector<1x16xf32>,
      %swap3A_579 = vector.shape_cast %swap3A_578 : vector<1x16xf32> to vector<16xf32>
      %swap3A_580 = vector.shape_cast %mul3A_575 : vector<16xf32> to vector<1x16xf32>
      tpu.vector_store %arg11[%swap3A_576, %swap3A_577], %swap3A_580 {strides = array<i32>} : memref<32x516xf32, #tpu.memory_space<vmem>>, vector<1x16xf32>,
      %add3A_581 = arith.addf %get3A_450, %get3A_486 : vector<16xf32>
      %add3A_582 = arith.addf %add3A_581, %get3A_534 : vector<16xf32>
      %mul3A_583 = arith.constant 0.333333343 : f32
      %mul3A_584 = vector.broadcast %mul3A_583 : f32 to vector<16xf32>
      %mul3A_585 = arith.mulf %add3A_582, %mul3A_584 : vector<16xf32>
      %swap3A_586 = arith.index_cast %scan3A_234 : i32 to index
      %swap3A_587 = arith.constant 144 : index
      %swap3A_588 = tpu.vector_load %arg11[%swap3A_586, %swap3A_587] {strides = array<i32>} : memref<32x516xf32, #tpu.memory_space<vmem>>, vector<1x16xf32>,
      %swap3A_589 = vector.shape_cast %swap3A_588 : vector<1x16xf32> to vector<16xf32>
      %swap3A_590 = vector.shape_cast %mul3A_585 : vector<16xf32> to vector<1x16xf32>
      tpu.vector_store %arg11[%swap3A_586, %swap3A_587], %swap3A_590 {strides = array<i32>} : memref<32x516xf32, #tpu.memory_space<vmem>>, vector<1x16xf32>,
      %add3A_591 = arith.addf %get3A_454, %get3A_492 : vector<16xf32>
      %add3A_592 = arith.addf %add3A_591, %get3A_540 : vector<16xf32>
      %mul3A_593 = arith.constant 0.333333343 : f32
      %mul3A_594 = vector.broadcast %mul3A_593 : f32 to vector<16xf32>
      %mul3A_595 = arith.mulf %add3A_592, %mul3A_594 : vector<16xf32>
      %swap3A_596 = arith.index_cast %scan3A_234 : i32 to index
      %swap3A_597 = arith.constant 160 : index
      %swap3A_598 = tpu.vector_load %arg11[%swap3A_596, %swap3A_597] {strides = array<i32>} : memref<32x516xf32, #tpu.memory_space<vmem>>, vector<1x16xf32>,
      %swap3A_599 = vector.shape_cast %swap3A_598 : vector<1x16xf32> to vector<16xf32>
      %swap3A_600 = vector.shape_cast %mul3A_595 : vector<16xf32> to vector<1x16xf32>
      tpu.vector_store %arg11[%swap3A_596, %swap3A_597], %swap3A_600 {strides = array<i32>} : memref<32x516xf32, #tpu.memory_space<vmem>>, vector<1x16xf32>,
      %add3A_601 = arith.addf %get3A_458, %get3A_498 : vector<16xf32>
      %add3A_602 = arith.addf %add3A_601, %get3A_546 : vector<16xf32>
      %mul3A_603 = arith.constant 0.333333343 : f32
      %mul3A_604 = vector.broadcast %mul3A_603 : f32 to vector<16xf32>
      %mul3A_605 = arith.mulf %add3A_602, %mul3A_604 : vector<16xf32>
      %swap3A_606 = arith.index_cast %scan3A_234 : i32 to index
      %swap3A_607 = arith.constant 176 : index
      %swap3A_608 = tpu.vector_load %arg11[%swap3A_606, %swap3A_607] {strides = array<i32>} : memref<32x516xf32, #tpu.memory_space<vmem>>, vector<1x16xf32>,
      %swap3A_609 = vector.shape_cast %swap3A_608 : vector<1x16xf32> to vector<16xf32>
      %swap3A_610 = vector.shape_cast %mul3A_605 : vector<16xf32> to vector<1x16xf32>
      tpu.vector_store %arg11[%swap3A_606, %swap3A_607], %swap3A_610 {strides = array<i32>} : memref<32x516xf32, #tpu.memory_space<vmem>>, vector<1x16xf32>,
      %add3A_611 = arith.addf %get3A_462, %get3A_504 : vector<16xf32>
      %add3A_612 = arith.addf %add3A_611, %get3A_552 : vector<16xf32>
      %mul3A_613 = arith.constant 0.333333343 : f32
      %mul3A_614 = vector.broadcast %mul3A_613 : f32 to vector<16xf32>
      %mul3A_615 = arith.mulf %add3A_612, %mul3A_614 : vector<16xf32>
      %swap3A_616 = arith.index_cast %scan3A_234 : i32 to index
      %swap3A_617 = arith.constant 192 : index
      %swap3A_618 = tpu.vector_load %arg11[%swap3A_616, %swap3A_617] {strides = array<i32>} : memref<32x516xf32, #tpu.memory_space<vmem>>, vector<1x16xf32>,
      %swap3A_619 = vector.shape_cast %swap3A_618 : vector<1x16xf32> to vector<16xf32>
      %swap3A_620 = vector.shape_cast %mul3A_615 : vector<16xf32> to vector<1x16xf32>
      tpu.vector_store %arg11[%swap3A_616, %swap3A_617], %swap3A_620 {strides = array<i32>} : memref<32x516xf32, #tpu.memory_space<vmem>>, vector<1x16xf32>,
      %add3A_621 = arith.addf %get3A_466, %get3A_510 : vector<16xf32>
      %add3A_622 = arith.addf %add3A_621, %get3A_558 : vector<16xf32>
      %mul3A_623 = arith.constant 0.333333343 : f32
      %mul3A_624 = vector.broadcast %mul3A_623 : f32 to vector<16xf32>
      %mul3A_625 = arith.mulf %add3A_622, %mul3A_624 : vector<16xf32>
      %swap3A_626 = arith.index_cast %scan3A_234 : i32 to index
      %swap3A_627 = arith.constant 208 : index
      %swap3A_628 = tpu.vector_load %arg11[%swap3A_626, %swap3A_627] {strides = array<i32>} : memref<32x516xf32, #tpu.memory_space<vmem>>, vector<1x16xf32>,
      %swap3A_629 = vector.shape_cast %swap3A_628 : vector<1x16xf32> to vector<16xf32>
      %swap3A_630 = vector.shape_cast %mul3A_625 : vector<16xf32> to vector<1x16xf32>
      tpu.vector_store %arg11[%swap3A_626, %swap3A_627], %swap3A_630 {strides = array<i32>} : memref<32x516xf32, #tpu.memory_space<vmem>>, vector<1x16xf32>,
      %add3A_631 = arith.addf %get3A_470, %get3A_516 : vector<16xf32>
      %add3A_632 = arith.addf %add3A_631, %get3A_564 : vector<16xf32>
      %mul3A_633 = arith.constant 0.333333343 : f32
      %mul3A_634 = vector.broadcast %mul3A_633 : f32 to vector<16xf32>
      %mul3A_635 = arith.mulf %add3A_632, %mul3A_634 : vector<16xf32>
      %swap3A_636 = arith.index_cast %scan3A_234 : i32 to index
      %swap3A_637 = arith.constant 224 : index
      %swap3A_638 = tpu.vector_load %arg11[%swap3A_636, %swap3A_637] {strides = array<i32>} : memref<32x516xf32, #tpu.memory_space<vmem>>, vector<1x16xf32>,
      %swap3A_639 = vector.shape_cast %swap3A_638 : vector<1x16xf32> to vector<16xf32>
      %swap3A_640 = vector.shape_cast %mul3A_635 : vector<16xf32> to vector<1x16xf32>
      tpu.vector_store %arg11[%swap3A_636, %swap3A_637], %swap3A_640 {strides = array<i32>} : memref<32x516xf32, #tpu.memory_space<vmem>>, vector<1x16xf32>,
      %add3A_641 = arith.addf %get3A_474, %get3A_522 : vector<16xf32>
      %add3A_642 = arith.addf %add3A_641, %get3A_570 : vector<16xf32>
      %mul3A_643 = arith.constant 0.333333343 : f32
      %mul3A_644 = vector.broadcast %mul3A_643 : f32 to vector<16xf32>
      %mul3A_645 = arith.mulf %add3A_642, %mul3A_644 : vector<16xf32>
      %swap3A_646 = arith.index_cast %scan3A_234 : i32 to index
      %swap3A_647 = arith.constant 240 : index
      %swap3A_648 = tpu.vector_load %arg11[%swap3A_646, %swap3A_647] {strides = array<i32>} : memref<32x516xf32, #tpu.memory_space<vmem>>, vector<1x16xf32>,
      %swap3A_649 = vector.shape_cast %swap3A_648 : vector<1x16xf32> to vector<16xf32>
      %swap3A_650 = vector.shape_cast %mul3A_645 : vector<16xf32> to vector<1x16xf32>
      tpu.vector_store %arg11[%swap3A_646, %swap3A_647], %swap3A_650 {strides = array<i32>} : memref<32x516xf32, #tpu.memory_space<vmem>>, vector<1x16xf32>,
    }
    %scan3A_219 = arith.constant 32 : i32
    %add3A_220 = arith.constant 224 : i32
    %add3A_221 = arith.addi %mul3A_2, %add3A_220 : i32
    %dma_start3A_222 = arith.constant 0 : i32
    %dma_start3A_223 = tpu.memref_slice %arg5[%add3A_221, %dma_start3A_222] : memref<8192x516xf32, #tpu.memory_space<hbm>> -> memref<32x516xf32, #tpu.memory_space<hbm>>
    %dma_start3A_224 = arith.constant 0 : i32
    %dma_start3A_225 = tpu.memref_slice %arg5[%add3A_221, %dma_start3A_224] : memref<8192x516xf32, #tpu.memory_space<hbm>> -> memref<32x516xf32, #tpu.memory_space<hbm>>
    tpu.enqueue_dma source(%arg11 : memref<32x516xf32, #tpu.memory_space<vmem>>) target(%dma_start3A_225 : memref<32x516xf32, #tpu.memory_space<hbm>>) target_semaphore(%arg16 : memref<!tpu.dma_semaphore, #tpu.memory_space<semaphore_mem>>)
    %dma_wait3A_226 = arith.constant 0 : i32
    %dma_wait3A_227 = tpu.memref_slice %arg5[%add3A_200, %dma_wait3A_226] : memref<8192x516xf32, #tpu.memory_space<hbm>> -> memref<32x516xf32, #tpu.memory_space<hbm>>
    %dma_wait3A_228 = arith.constant 0 : i32
    %dma_wait3A_229 = tpu.memref_slice %arg5[%add3A_200, %dma_wait3A_228] : memref<8192x516xf32, #tpu.memory_space<hbm>> -> memref<32x516xf32, #tpu.memory_space<hbm>>
    tpu.wait_dma2 semaphore(%arg15 : memref<!tpu.dma_semaphore, #tpu.memory_space<semaphore_mem>>) src(%arg10 : memref<32x516xf32, #tpu.memory_space<vmem>>) dst(%dma_wait3A_229 : memref<32x516xf32, #tpu.memory_space<hbm>>)
    %dma_wait3A_230 = arith.constant 0 : i32
    %dma_wait3A_231 = tpu.memref_slice %arg5[%add3A_221, %dma_wait3A_230] : memref<8192x516xf32, #tpu.memory_space<hbm>> -> memref<32x516xf32, #tpu.memory_space<hbm>>
    %dma_wait3A_232 = arith.constant 0 : i32
    %dma_wait3A_233 = tpu.memref_slice %arg5[%add3A_221, %dma_wait3A_232] : memref<8192x516xf32, #tpu.memory_space<hbm>> -> memref<32x516xf32, #tpu.memory_space<hbm>>
    tpu.wait_dma2 semaphore(%arg16 : memref<!tpu.dma_semaphore, #tpu.memory_space<semaphore_mem>>) src(%arg11 : memref<32x516xf32, #tpu.memory_space<vmem>>) dst(%dma_wait3A_233 : memref<32x516xf32, #tpu.memory_space<hbm>>)
    return
  }
}

module attributes {stable_mosaic.version = 14 : i64} {
  func.func @_tmpl_body(%arg0: memref<8192x256xf32, #tpu.memory_space<vmem>>, %arg1: memref<32x260xf32, #tpu.memory_space<vmem>>) attributes {dimension_semantics = [], scalar_prefetch = 0 : i64, scratch_operands = 0 : i64, tpu.core_type = #tpu.core_type<tc>} {
    %get3A = arith.constant 0 : index
    %get3A_0 = arith.constant 0 : index
    %get3A_1 = vector.load %arg0[%get3A, %get3A_0] : memref<8192x256xf32, #tpu.memory_space<vmem>>, vector<8192x256xf32>
    %reduce_sum3A = arith.constant dense<0.000000e+00> : vector<256xf32>
    %reduce_sum3A_2 = vector.multi_reduction <add>, %get3A_1, %reduce_sum3A [0] : vector<8192x256xf32> to vector<256xf32>
    %broadcast_in_dim3A = vector.shape_cast %reduce_sum3A_2 : vector<256xf32> to vector<1x256xf32>
    %mul3A = arith.constant 1.22070313E-4 : f32
    %mul3A_3 = vector.broadcast %mul3A : f32 to vector<1x256xf32>
    %mul3A_4 = arith.mulf %broadcast_in_dim3A, %mul3A_3 : vector<1x256xf32>
    %iota3A = tpu.iota {dimensions = array<i32: 1>} : vector<1x4xi32>
    %eq3A = arith.constant 0 : i32
    %eq3A_5 = vector.broadcast %eq3A : i32 to vector<1x4xi32>
    %eq3A_6 = arith.cmpi eq, %iota3A, %eq3A_5 : vector<1x4xi32>
    %jit3A = arith.constant 1.000000e+00 : f32
    %jit3A_7 = arith.constant 0.000000e+00 : f32
    %broadcast_in_dim3A_8 = vector.broadcast %jit3A : f32 to vector<1x4xf32>
    %broadcast_in_dim3A_9 = vector.broadcast %jit3A_7 : f32 to vector<1x4xf32>
    %select_n3A = arith.select %eq3A_6, %broadcast_in_dim3A_8, %broadcast_in_dim3A_9 : vector<1x4xi1>, vector<1x4xf32>
    %concatenate3A = tpu.concatenate %mul3A_4, %select_n3A in 1 : vector<1x256xf32>, vector<1x4xf32> -> vector<1x260xf32>
    %broadcast_in_dim3A_10 = vector.shape_cast %concatenate3A : vector<1x260xf32> to vector<1x260xf32>
    %broadcast_in_dim3A_11 = vector.broadcast %broadcast_in_dim3A_10 : vector<1x260xf32> to vector<32x260xf32>
    %swap3A = arith.constant 0 : index
    %swap3A_12 = arith.constant 0 : index
    %swap3A_13 = vector.load %arg1[%swap3A, %swap3A_12] : memref<32x260xf32, #tpu.memory_space<vmem>>, vector<32x260xf32>
    tpu.vector_store %arg1[%swap3A, %swap3A_12], %broadcast_in_dim3A_11 {strides = array<i32>} : memref<32x260xf32, #tpu.memory_space<vmem>>, vector<32x260xf32>,
    return
  }
}

</mosaic_0001>

<sc_bundles>
// kernel: kernel.4.cloned.1.call-start
scs
__scs_entry_jumppad:
0x0: {  	(pc) =	sbr.rel $0x88, $3  }
0x1: {  	(tag) =	ssettag $0x0;
	lr =	simm.s32 $0x1  }
0x2: {  	[smem:$0x3F9F] =	sst lr;
	_ =	strace $0xD0000000  }
0x3: {  	_ = 	snop  }
0x4: {  	_ = 	snop  }
0x5: {  	_ = 	snop  }
0x6: {  	_ = 	snop  }
0x7: {  	_ = 	snop  }
__scs_overlays_trampoline_lowered:
0x8: {  	[smem:$0x3FAE] =	sst s0  }
0x9: {  	[smem:$0x3FAF] =	sst s1  }
0xa: {  	[smem:$0x3FB0] =	sst s2  }
0xb: {  	[smem:$0x3FB1] =	sst s3  }
0xc: {  	[smem:$0x3FB2] =	sst s4  }
0xd: {  	[smem:$0x3FB3] =	sst s5  }
0xe: {  	[smem:$0x3FB4] =	sst s6  }
0xf: {  	[smem:$0x3FB5] =	sst s7  }
0x10: {  	[smem:$0x3FB6] =	sst s8  }
0x11: {  	[smem:$0x3FB7] =	sst s9;
	s0 =	simm.s32 @!p0 $0x0  }
0x12: {  	s1 =	sld [smem:$0x3F9D];
	s0 =	simm.s32 @p0 $0x1  }
0x13: {  	[smem:$0x3FB8] =	sst s0;
	s0 =	simm.s32 @!p1 $0x0  }
0x14: {  	s2 =	sld [smem:$0x3F9C];
	s0 =	simm.s32 @p1 $0x1  }
0x15: {  	[smem:$0x3FB9] =	sst s0;
	s0 =	simm.s32 @!p2 $0x0  }
0x16: {  	s3 =	sld [smem:$0x3FDB];
	s0 =	simm.s32 @p2 $0x1  }
0x17: {  	s4 =	simm.s32 $0x1BF5;
	[smem:$0x3FBB] =	sst s0  }
0x18: {  	s0 =	sld [smem:$0x3F9E];
	_ =	swait.ge [sflag:s4], $0x0  }
0x19: {  	s7 =	sld [smem:$0x3F9F]  }
0x1a: {  	s8 =	sadd.s32 $0xFFFFE003, lr  }
0x1b: {  	s9 =	sadd.s32 $0xFFFFFEF7, lr;
	s5 =	simm.s32 $0xFFFFFFFF;
	p2 =	slt.u32 s8, $0xFFFFF086  }
0x1c: {  	p1 =	slt.u32 s9, $0xF7A;
	s5 =	simm.s32 @!p2 $0x0  }
0x1d: {  	s5 =	simm.s32 @p1 $0x1;
	p0 =	seq.s32 s7, s2  }
0x1e: {  	s7 =	smul.u32 @!p0 $0xF7A, s2;
	p2 =	seq.s32 @!p0 s5, $0x0  }
0x1f: {  	s9 =	smul.u32 $0xF7A, s1;
	s8 =	simm.s32 @!p0 $0x1BF5;
	p2 =	por !p2, p0  }
0x20: {  	[sflag:s8] =	ssyncset.s32 @!p0 $0xFFFFF086;
	s6 =	sadd.s32 @!p0 s3, s7;
	s7 =	simm.s32 @!p0 $0x108  }
0x21: {  	s3 =	sadd.s32 s3, s9;
	s6 =	sadd.s32 @!p0 $0x88, s6;
	s7 =	simm.s32 @p2 $0x1082  }
0x22: {  	[simem:s7], [sflag:s8] =	dma.local @!p0 [hbm:s6], $0xF7A  }
0x23: {  	s9 =	sor.u32 $0xD0000000, s2;
	s6 =	simm.s32 $0x108;
	_ =	swait.ge @!p0 [sflag:s8], $0x0  }
0x24: {  	s3 =	sadd.s32 $0x88, s3;
	s6 =	simm.s32 @!p1 $0x1082;
	[sflag:s4] =	ssyncset.s32 $0xFFFFF086  }
0x25: {  	[simem:s6], [sflag:s4] =	dma.local [hbm:s3], $0xF7A  }
0x26: {  	[smem:$0x3F9F] =	sst s1;
	(tag) =	ssettag s2;
	_ =	strace s9  }
0x27: {  	s1 =	sld [smem:$0x3FAF]  }
0x28: {  	s2 =	sld [smem:$0x3FB0]  }
0x29: {  	s4 =	sld [smem:$0x3FB2]  }
0x2a: {  	p0 =	seq.s32 s5, $0x0;
	s5 =	sld [smem:$0x3FB3]  }
0x2b: {  	s6 =	sld [smem:$0x3FB4]  }
0x2c: {  	s7 =	sld [smem:$0x3FB5]  }
0x2d: {  	s3 =	simm.s32 $0x108;
	s8 =	sld [smem:$0x3FB6]  }
0x2e: {  	s3 =	simm.s32 @!p0 $0x1082;
	s9 =	sld [smem:$0x3FB7]  }
0x2f: {  	lr =	sadd.s32 s0, s3;
	s0 =	sld [smem:$0x3FAE]  }
0x30: {  	s3 =	sld [smem:$0x3FB1]  }
0x31: {  	[smem:$0x3FBA] =	sst s10  }
0x32: {  	s10 =	sld [smem:$0x3FB8];
	_ =	sdelay $0x3  }
0x33: {  	p0 =	seq.s32 s10, $0x1;
	s10 =	sld [smem:$0x3FBA];
	_ =	sdelay $0x3  }
0x34: {  	[smem:$0x3FBA] =	sst s10  }
0x35: {  	s10 =	sld [smem:$0x3FB9];
	_ =	sdelay $0x3  }
0x36: {  	p1 =	seq.s32 s10, $0x1;
	s10 =	sld [smem:$0x3FBA];
	_ =	sdelay $0x3  }
0x37: {  	[smem:$0x3FBA] =	sst s10  }
0x38: {  	s10 =	sld [smem:$0x3FBB]  }
0x39: {  	_ = 	snop;
	(pc) =	sbr.ind lr, $3  }
0x3a: {  	_ = 	snop  }
0x3b: {  	_ = 	snop  }
0x3c: {  	p2 =	seq.s32 s10, $0x1;
	s10 =	sld [smem:$0x3FBA]  }
0x3d: {  	_ =	shalt  }
0x3e: {  	_ =	shalt  }
0x3f: {  	_ =	shalt  }
0x40: {  	_ =	shalt  }
0x41: {  	_ =	shalt  }
0x42: {  	_ =	shalt  }
0x43: {  	_ =	shalt  }
0x44: {  	_ =	shalt  }
0x45: {  	_ =	shalt  }
0x46: {  	_ =	shalt  }
0x47: {  	_ =	shalt  }
0x48: {  	_ =	shalt  }
0x49: {  	_ =	shalt  }
0x4a: {  	_ =	shalt  }
0x4b: {  	_ =	shalt  }
0x4c: {  	_ =	shalt  }
0x4d: {  	_ =	shalt  }
0x4e: {  	_ =	shalt  }
0x4f: {  	_ =	shalt  }
0x50: {  	_ =	shalt  }
0x51: {  	_ =	shalt  }
0x52: {  	_ =	shalt  }
0x53: {  	_ =	shalt  }
0x54: {  	_ =	shalt  }
0x55: {  	_ =	shalt  }
0x56: {  	_ =	shalt  }
0x57: {  	_ =	shalt  }
0x58: {  	_ =	shalt  }
0x59: {  	_ =	shalt  }
0x5a: {  	_ =	shalt  }
0x5b: {  	_ =	shalt  }
0x5c: {  	_ =	shalt  }
0x5d: {  	_ =	shalt  }
0x5e: {  	_ =	shalt  }
0x5f: {  	_ =	shalt  }
0x60: {  	_ =	shalt  }
0x61: {  	_ =	shalt  }
0x62: {  	_ =	shalt  }
0x63: {  	_ =	shalt  }
0x64: {  	_ =	shalt  }
0x65: {  	_ =	shalt  }
0x66: {  	_ =	shalt  }
0x67: {  	_ =	shalt  }
0x68: {  	_ =	shalt  }
0x69: {  	_ =	shalt  }
0x6a: {  	_ =	shalt  }
0x6b: {  	_ =	shalt  }
0x6c: {  	_ =	shalt  }
0x6d: {  	_ =	shalt  }
0x6e: {  	_ =	shalt  }
0x6f: {  	_ =	shalt  }
0x70: {  	_ =	shalt  }
0x71: {  	_ =	shalt  }
0x72: {  	_ =	shalt  }
0x73: {  	_ =	shalt  }
0x74: {  	_ =	shalt  }
0x75: {  	_ =	shalt  }
0x76: {  	_ =	shalt  }
0x77: {  	_ =	shalt  }
0x78: {  	_ =	shalt  }
0x79: {  	_ =	shalt  }
0x7a: {  	_ =	shalt  }
0x7b: {  	_ =	shalt  }
0x7c: {  	_ =	shalt  }
0x7d: {  	_ =	shalt  }
0x7e: {  	_ =	shalt  }
0x7f: {  	_ =	shalt  }
0x80: {  	_ =	shalt  }
0x81: {  	_ =	shalt  }
0x82: {  	_ =	shalt  }
0x83: {  	_ =	shalt  }
0x84: {  	_ =	shalt  }
0x85: {  	_ =	shalt  }
0x86: {  	_ =	shalt  }
0x87: {  	_ =	shalt  }
.Lfunc_end0:
.L_simem_size_0:
called_computation_lowered:
.L_overlay_start_0:
0x88: {  	s2 =	sld [smem:$0x3FD9]  }
0x89: {  	s3 =	sld [smem:$0x3FFE];
	_ =	sdelay $0x1  }
0x8a: {  	s1 =	srdreg.scid  }
0x8b: {  	s0 =	sand.u32 $0x1, s1  }
0x8c: {  	s17 =	sshll.u32 s0, $0xA;
	s2 =	sadd.s32 s3, s2  }
0x8d: {  	s2 =	sadd.s32 s2, s17  }
0x8e: {  	[smem:$0x3FC6] =	sst s2  }
0x8f: {  	_ = 	snop  }
0x90: {  	s2 =	sld [smem:$0x3FC9]  }
0x91: {  	s18 =	sld [smem:$0x3FD0];
	(tm) =	ssettm $0x1  }
0x92: {  	s4 =	sld [smem:$0x3FFB];
	_ =	sdelay $0x3  }
0x93: {  	_ =	strace s4  }
0x94: {  	s4 =	sld [smem:$0x3FFC];
	_ =	sdelay $0x3  }
0x95: {  	_ =	strace s4  }
0x96: {  	s4 =	sld [smem:$0x3FFD];
	_ =	sdelay $0x3  }
0x97: {  	_ =	strace s4  }
0x98: {  	_ =	strace $0x8FFFFFFF  }
0x99: {  	s19 =	sld [smem:$0x3FDB];
	_ =	sdelay $0x1  }
0x9a: {  	s5 =	simm.s32 $_scs_section_size  }
0x9b: {  	s6 =	simm.s32 $_size__tile_overlayer_lowered;
	s7 =	simm.s32 $_tile_overlayer_lowered  }
0x9c: {  	s22 =	simm.s32 $0x1BFF;
	s21 =	sshll.u32 s7, $0x1;
	s4 =	sadd.s32 s5, s19  }
0x9d: {  	s8 =	simm.s32 $0x0;
	s20 =	sshll.u32 s6, $0x1;
	s6 =	sadd.s32 s21, s4  }
0x9e: {  	[timem:s8], [sflag:s22] =	dma.local [hbm:s6], s20  }
0x9f: {  	_ =	swait.ge [sflag:s22], s20  }
0xa0: {  	s5 =	ssub.s32 $0x0, s20;
	[sflag:s22] =	ssyncset.done $0x0  }
0xa1: {  	[sflag:s22] =	ssyncadd.s32 s5;
	_ =	sdelay $0x1  }
0xa2: {  	s23 =	simm.s32 $0x1B8B  }
0xa3: {  	_ =	swait.ge [sflag:s23], $0x1  }
0xa4: {  	[sflag:s23] =	ssyncset.done $0x0  }
0xa5: {  	s25 =	simm.s32 $0x1B8E;
	s24 =	sld [smem:$0x3FFE];
	[sflag:s23] =	ssyncadd.s32 $0xFFFFFFFF  }
0xa6: {  	s26 =	simm.s32 $execute0_lowered;
	[smem:$0x3FD2] =	sst s25  }
0xa7: {  	s6 =	sshll.u32 s26, $0x1;
	_ =	strace $0x80000046;
	[dreg:$0x1] =	wrdreg $0xFFFFFFFF  }
0xa8: {  	s28 =	simm.s32 $_size_execute0_lowered;
	s4 =	sadd.s32 s4, s6;
	[dreg:$0x0] =	wrdreg $0x0  }
0xa9: {  	s6 =	sshll.u32 s28, $0x1;
	[dreg:$0x2] =	wrdreg s4  }
0xaa: {  	[dreg:$0x3] =	wrdreg s6  }
0xab: {  	[dreg:$0x4] =	wrdreg $0xC0  }
0xac: {  	_ =	task [dreg:s8], $0x5FFFF  }
0xad: {  	[dreg:$0x1] =	wrdreg $0xFFFFFFFF  }
0xae: {  	[dreg:$0x0] =	wrdreg $0x60  }
0xaf: {  	[dreg:$0x2] =	wrdreg s2  }
0xb0: {  	[dreg:$0x3] =	wrdreg s18  }
0xb1: {  	[dreg:$0x4] =	wrdreg s24  }
0xb2: {  	[dreg:$0x5] =	wrdreg $0x9  }
0xb3: {  	_ =	task.clear_ibuf [dreg:s8], $0x6FFFF;
	_ =	strace $0x90000046  }
0xb4: {  	s29 =	simm.s32 $0x9;
	_ =	strace $0x80000048  }
0xb5: {  	_ =	swait.ge [sflag:s29], $0x1  }
0xb6: {  	[sflag:s29] =	ssyncadd.s32 $0xFFFFFFFF  }
0xb7: {  	_ =	strace $0x90000048  }
0xb8: {  	_ =	sfence  }
0xb9: {  	s30 =	sld [smem:$0x0];
	_ =	sdelay $0x2  }
0xba: {  	s31 =	sshll.u32 s1, $0xD;
	s1 =	sshrl.u32 s1, $0x2  }
0xbb: {  	s3 =	sand.u32 $0x4000, s31;
	s1 =	sadd.s32 s1, s30  }
0xbc: {  	s0 =	sor.u32 s3, s0;
	s1 =	sshll.u32 s1, $0x11  }
0xbd: {  	s0 =	sor.u32 s1, s0  }
0xbe: {  	s0 =	sadd.s32 $0x8F2B, s0  }
0xbf: {  	[sflag:s0] =	ssyncadd.remote.s32 $0x1  }
0xc0: {  	_ =	sfence.sel $0xFFFF  }
0xc1: {  	[dreg:$0x0] =	wrdreg $0xFFFFFFFF;
	(pc) =	sbr.abs _section_cstart, $3  }
0xc2: {  	[dreg:$0x1] =	wrdreg $0xFFFFFFFF  }
0xc3: {  	_ =	task.clear_ibuf [dreg:s8], $0x2FFFF;
	_ =	strace $0x9FFFFFFF  }
0xc4: {  	(tm) =	ssettm $0x7FFFFFFF  }
0xc5: {  	_ =	shalt  }
tec
execute0_lowered:
.L_overlay_start_1:
0x0: {  	(tag) =	ssettag $0x1  }
0x1: {  	s1 =	rddreg [dreg:$0x0]  }
0x2: {  	s0 =	rddreg [dreg:$0x1]  }
0x3: {  	s2 =	rddreg [dreg:$0x2]  }
0x4: {  	s4 =	srdreg.scid;
	s6 =	stileid.u32  }
0x5: {  	s3 =	simm.s32 $0x0;
	s11 =	simm.s32 $0x9B00;
	s12 =	simm.s32 $0xA300  }
0x6: {  	s13 =	simm.s32 $0xAB00;
	s5 =	sand.u32 $0x1, s4;
	s20 =	sshll.u32 s6, $0x1  }
0x7: {  	s14 =	simm.s32 $0xB300;
	s18 =	simm.s32 $0x1;
	s6 =	sor.u32 s5, s20  }
0x8: {  	s19 =	simm.s32 $0x4;
	[smem:$0x7FF] =	sst s3;
	s7 =	smul.u32 $0x5000, s6  }
0x9: {  	s4 =	sadd.s32 $0x800, s2;
	s9 =	sadd.s32 $0xE00, s2;
	s8 =	smul.u32 $0x28000, s6  }
0xa: {  	s15 =	sadd.s32 $0x980, s2;
	s16 =	sadd.s32 $0xB00, s2;
	s6 =	smul.u32 $0x60, s6  }
0xb: {  	s17 =	sadd.s32 $0xC80, s2;
	_ =	strace $0x80000047;
	s5 =	ssub.s32 $0x2, s5  }
0xc: {  	s20 =	simm.s32 $0x12300;
	s10 =	sshrl.u32 s5, $0x1;
	s0 =	sadd.s32 s0, s6  }
0xd: {  	s5 =	ssub.s32 s5, s10;
	s21 =	sadd.s32 s9, s7;
	[dreg:$0x5] =	wrdreg s0  }
0xe: {  	s22 =	sshrl.u32 s8, $0x3;
	s31 =	smax.u32 s5, $0x1;
	[dreg:$0x4] =	wrdreg s21  }
0xf: {  	s23 =	sadd.s32 $0xA00, s21;
	s24 =	sadd.s32 s9, s22;
	[dreg:$0xd] =	wrdreg s31  }
0x10: {  	s10 =	simm.s32 $0x9300;
	[dreg:$0x6] =	wrdreg s23;
	s25 =	sadd.s32 $0x1400, s24  }
0x11: {  	s5 =	simm.s32 $0xBB00;
	s26 =	sadd.s32 $0x1E00, s24;
	[dreg:$0x7] =	wrdreg s25  }
0x12: {  	s9 =	simm.s32 $0x8B00;
	s28 =	sadd.s32 $0x2800, s24;
	[dreg:$0x8] =	wrdreg s26  }
0x13: {  	s21 =	simm.s32 $0x2;
	s29 =	sadd.s32 $0x3200, s24;
	[dreg:$0x9] =	wrdreg s28  }
0x14: {  	v2 =	vlaneseq.u32;
	s22 =	simm.s32 $0x5;
	s30 =	sadd.s32 $0x3C00, s24;
	[dreg:$0xa] =	wrdreg s29  }
0x15: {  	vm0 =	vmmov $0xffff;
	v1 =	vshrl.u32 v2, $0x3;
	s0 =	sadd.s32 $0x4600, s24;
	s23 =	simm.s32 $0x17300;
	[dreg:$0xb] =	wrdreg s30  }
0x16: {  	v0 =	vand.u32 $0x7, v2;
	v2 =	vor.u32 $0x8, v2;
	v1 =	vmul.u32 $0x8, v1;
	s24 =	simm.s32 $0x3;
	[dreg:$0xc] =	wrdreg s0;
	s25 =	simm.s32 $0x0  }
.LBB2_1:
0x17: {  	s0 =	rddreg [dreg:$0x5];
	s26 =	simm.s32 $0x6  }
0x18: {  	[tilespmem:s3], [sflag:$0x6] =	stream.linear.gather [hbm4b:s0+s3], $0x300, $0x38;
	[tilespmem:$0x1C300] =	vst v63  }
0x19: {  	_ =	swait.ge [sflag:s26], $0x300  }
0x1a: {  	[sflag:s26] =	ssyncset.done $0x0  }
0x1b: {  	[sflag:s26] =	ssyncadd.s32 $0xFFFFFD00  }
0x1c: {  	v3 =	vld [tilespmem:$0x0];
	_ =	sdelay $0x4  }
0x1d: {  	v4 =	vshll.u32 v3, $0x1  }
0x1e: {  	v3 =	vand.u32 $0x7, v3;
	v4 =	vand.u32 $0xFFFFFFF0, v4  }
0x1f: {  	v3 =	vor.u32 v3, v4  }
0x20: {  	v4 =	vperm.xlane v3, v0;
	_ =	sdelay $0x1  }
0x21: {  	v3 =	vperm.xlane v3, v2;
	v4 =	vadd.s32 v1, v4;
	_ =	sdelay $0x1  }
0x22: {  	v3 =	vadd.s32 v1, v3;
	_ =	sdelay $0x1  }
0x23: {  	s2 =	simm.s32 $0x300  }
0x24: {  	[tilespmem:s2], [sflag:$0x1] =	stream.indirect_vreg.gather [hbm4b:s1+s3], $0x80, v4, vm0, $0xb8;
	[tilespmem:$0x1C300] =	vst v63  }
0x25: {  	s6 =	simm.s32 $0xB00  }
0x26: {  	[tilespmem:s6], [sflag:$0x1] =	stream.indirect_vreg.gather [hbm4b:s1+s3], $0x80, v3, vm0, $0xb8;
	[tilespmem:$0x1C300] =	vst v63  }
0x27: {  	v3 =	vld [tilespmem:$0x10];
	_ =	sdelay $0x4  }
0x28: {  	v4 =	vshll.u32 v3, $0x1  }
0x29: {  	v3 =	vand.u32 $0x7, v3;
	v4 =	vand.u32 $0xFFFFFFF0, v4  }
0x2a: {  	v3 =	vor.u32 v3, v4  }
0x2b: {  	v4 =	vperm.xlane v3, v0;
	_ =	sdelay $0x1  }
0x2c: {  	v3 =	vperm.xlane v3, v2;
	v4 =	vadd.s32 v1, v4;
	_ =	sdelay $0x1  }
0x2d: {  	v3 =	vadd.s32 v1, v3;
	_ =	sdelay $0x1  }
0x2e: {  	s7 =	simm.s32 $0x1300  }
0x2f: {  	[tilespmem:s7], [sflag:$0x1] =	stream.indirect_vreg.gather [hbm4b:s1+s3], $0x80, v4, vm0, $0xb8;
	[tilespmem:$0x1C300] =	vst v63  }
0x30: {  	s8 =	simm.s32 $0x1B00  }
0x31: {  	[tilespmem:s8], [sflag:$0x1] =	stream.indirect_vreg.gather [hbm4b:s1+s3], $0x80, v3, vm0, $0xb8;
	[tilespmem:$0x1C300] =	vst v63  }
0x32: {  	v3 =	vld [tilespmem:$0x20];
	_ =	sdelay $0x4  }
0x33: {  	v4 =	vshll.u32 v3, $0x1  }
0x34: {  	v3 =	vand.u32 $0x7, v3;
	v4 =	vand.u32 $0xFFFFFFF0, v4  }
0x35: {  	v3 =	vor.u32 v3, v4  }
0x36: {  	v4 =	vperm.xlane v3, v0;
	_ =	sdelay $0x1  }
0x37: {  	v3 =	vperm.xlane v3, v2;
	v4 =	vadd.s32 v1, v4;
	_ =	sdelay $0x1  }
0x38: {  	v3 =	vadd.s32 v1, v3;
	_ =	sdelay $0x1  }
0x39: {  	s26 =	simm.s32 $0x2300  }
0x3a: {  	[tilespmem:s26], [sflag:$0x1] =	stream.indirect_vreg.gather [hbm4b:s1+s3], $0x80, v4, vm0, $0xb8;
	[tilespmem:$0x1C300] =	vst v63  }
0x3b: {  	s2 =	simm.s32 $0x2B00  }
0x3c: {  	[tilespmem:s2], [sflag:$0x1] =	stream.indirect_vreg.gather [hbm4b:s1+s3], $0x80, v3, vm0, $0xb8;
	[tilespmem:$0x1C300] =	vst v63  }
0x3d: {  	v3 =	vld [tilespmem:$0x30];
	_ =	sdelay $0x4  }
0x3e: {  	v4 =	vshll.u32 v3, $0x1  }
0x3f: {  	v3 =	vand.u32 $0x7, v3;
	v4 =	vand.u32 $0xFFFFFFF0, v4  }
0x40: {  	v3 =	vor.u32 v3, v4  }
0x41: {  	v4 =	vperm.xlane v3, v0;
	_ =	sdelay $0x1  }
0x42: {  	v3 =	vperm.xlane v3, v2;
	v4 =	vadd.s32 v1, v4;
	_ =	sdelay $0x1  }
0x43: {  	v3 =	vadd.s32 v1, v3;
	_ =	sdelay $0x1  }
0x44: {  	s6 =	simm.s32 $0x3300  }
0x45: {  	[tilespmem:s6], [sflag:$0x1] =	stream.indirect_vreg.gather [hbm4b:s1+s3], $0x80, v4, vm0, $0xb8;
	[tilespmem:$0x1C300] =	vst v63  }
0x46: {  	s7 =	simm.s32 $0x3B00  }
0x47: {  	[tilespmem:s7], [sflag:$0x1] =	stream.indirect_vreg.gather [hbm4b:s1+s3], $0x80, v3, vm0, $0xb8;
	[tilespmem:$0x1C300] =	vst v63  }
0x48: {  	v3 =	vld [tilespmem:$0x40];
	_ =	sdelay $0x4  }
0x49: {  	v4 =	vshll.u32 v3, $0x1  }
0x4a: {  	v3 =	vand.u32 $0x7, v3;
	v4 =	vand.u32 $0xFFFFFFF0, v4  }
0x4b: {  	v3 =	vor.u32 v3, v4  }
0x4c: {  	v4 =	vperm.xlane v3, v0;
	_ =	sdelay $0x1  }
0x4d: {  	v3 =	vperm.xlane v3, v2;
	v4 =	vadd.s32 v1, v4;
	_ =	sdelay $0x1  }
0x4e: {  	v3 =	vadd.s32 v1, v3;
	_ =	sdelay $0x1  }
0x4f: {  	s8 =	simm.s32 $0x4300  }
0x50: {  	[tilespmem:s8], [sflag:$0x1] =	stream.indirect_vreg.gather [hbm4b:s1+s3], $0x80, v4, vm0, $0xb8;
	[tilespmem:$0x1C300] =	vst v63  }
0x51: {  	s26 =	simm.s32 $0x4B00  }
0x52: {  	[tilespmem:s26], [sflag:$0x1] =	stream.indirect_vreg.gather [hbm4b:s1+s3], $0x80, v3, vm0, $0xb8;
	[tilespmem:$0x1C300] =	vst v63  }
0x53: {  	v3 =	vld [tilespmem:$0x50];
	_ =	sdelay $0x4  }
0x54: {  	v4 =	vshll.u32 v3, $0x1  }
0x55: {  	v3 =	vand.u32 $0x7, v3;
	v4 =	vand.u32 $0xFFFFFFF0, v4  }
0x56: {  	v3 =	vor.u32 v3, v4  }
0x57: {  	v4 =	vperm.xlane v3, v0;
	_ =	sdelay $0x1  }
0x58: {  	v3 =	vperm.xlane v3, v2;
	v4 =	vadd.s32 v1, v4;
	_ =	sdelay $0x1  }
0x59: {  	v3 =	vadd.s32 v1, v3;
	_ =	sdelay $0x1  }
0x5a: {  	s2 =	simm.s32 $0x5300  }
0x5b: {  	[tilespmem:s2], [sflag:$0x1] =	stream.indirect_vreg.gather [hbm4b:s1+s3], $0x80, v4, vm0, $0xb8;
	[tilespmem:$0x1C300] =	vst v63  }
0x5c: {  	s6 =	simm.s32 $0x5B00  }
0x5d: {  	[tilespmem:s6], [sflag:$0x1] =	stream.indirect_vreg.gather [hbm4b:s1+s3], $0x80, v3, vm0, $0xb8;
	[tilespmem:$0x1C300] =	vst v63  }
0x5e: {  	v3 =	vld [tilespmem:$0x60];
	_ =	sdelay $0x4  }
0x5f: {  	v4 =	vshll.u32 v3, $0x1  }
0x60: {  	v3 =	vand.u32 $0x7, v3;
	v4 =	vand.u32 $0xFFFFFFF0, v4  }
0x61: {  	v3 =	vor.u32 v3, v4  }
0x62: {  	v4 =	vperm.xlane v3, v0;
	_ =	sdelay $0x1  }
0x63: {  	v3 =	vperm.xlane v3, v2;
	v4 =	vadd.s32 v1, v4;
	_ =	sdelay $0x1  }
0x64: {  	v3 =	vadd.s32 v1, v3;
	_ =	sdelay $0x1  }
0x65: {  	s7 =	simm.s32 $0x6300  }
0x66: {  	[tilespmem:s7], [sflag:$0x2] =	stream.indirect_vreg.gather [hbm4b:s1+s3], $0x80, v4, vm0, $0xb8;
	[tilespmem:$0x1C300] =	vst v63  }
0x67: {  	s8 =	simm.s32 $0x6B00  }
0x68: {  	[tilespmem:s8], [sflag:$0x2] =	stream.indirect_vreg.gather [hbm4b:s1+s3], $0x80, v3, vm0, $0xb8;
	[tilespmem:$0x1C300] =	vst v63  }
0x69: {  	v3 =	vld [tilespmem:$0x70];
	_ =	sdelay $0x4  }
0x6a: {  	v4 =	vshll.u32 v3, $0x1  }
0x6b: {  	v3 =	vand.u32 $0x7, v3;
	v4 =	vand.u32 $0xFFFFFFF0, v4  }
0x6c: {  	v3 =	vor.u32 v3, v4  }
0x6d: {  	v4 =	vperm.xlane v3, v0;
	_ =	sdelay $0x1  }
0x6e: {  	v3 =	vperm.xlane v3, v2;
	v4 =	vadd.s32 v1, v4;
	_ =	sdelay $0x1  }
0x6f: {  	v3 =	vadd.s32 v1, v3;
	_ =	sdelay $0x1  }
0x70: {  	s26 =	simm.s32 $0x7300  }
0x71: {  	[tilespmem:s26], [sflag:$0x2] =	stream.indirect_vreg.gather [hbm4b:s1+s3], $0x80, v4, vm0, $0xb8;
	[tilespmem:$0x1C300] =	vst v63  }
0x72: {  	s2 =	simm.s32 $0x7B00  }
0x73: {  	[tilespmem:s2], [sflag:$0x2] =	stream.indirect_vreg.gather [hbm4b:s1+s3], $0x80, v3, vm0, $0xb8;
	[tilespmem:$0x1C300] =	vst v63  }
0x74: {  	v3 =	vld [tilespmem:$0x80];
	_ =	sdelay $0x4  }
0x75: {  	v4 =	vshll.u32 v3, $0x1  }
0x76: {  	v3 =	vand.u32 $0x7, v3;
	v4 =	vand.u32 $0xFFFFFFF0, v4  }
0x77: {  	v3 =	vor.u32 v3, v4  }
0x78: {  	v4 =	vperm.xlane v3, v0;
	_ =	sdelay $0x1  }
0x79: {  	v3 =	vperm.xlane v3, v2;
	v4 =	vadd.s32 v1, v4;
	_ =	sdelay $0x1  }
0x7a: {  	v3 =	vadd.s32 v1, v3;
	_ =	sdelay $0x1  }
0x7b: {  	s6 =	simm.s32 $0x8300  }
0x7c: {  	[tilespmem:s6], [sflag:$0x2] =	stream.indirect_vreg.gather [hbm4b:s1+s3], $0x80, v4, vm0, $0xb8;
	[tilespmem:$0x1C300] =	vst v63  }
0x7d: {  	_ = 	snop  }
0x7e: {  	[tilespmem:s9], [sflag:$0x2] =	stream.indirect_vreg.gather [hbm4b:s1+s3], $0x80, v3, vm0, $0xb8;
	[tilespmem:$0x1C300] =	vst v63  }
0x7f: {  	v3 =	vld [tilespmem:$0x90];
	_ =	sdelay $0x4  }
0x80: {  	v4 =	vshll.u32 v3, $0x1  }
0x81: {  	v3 =	vand.u32 $0x7, v3;
	v4 =	vand.u32 $0xFFFFFFF0, v4  }
0x82: {  	v3 =	vor.u32 v3, v4  }
0x83: {  	v4 =	vperm.xlane v3, v0;
	_ =	sdelay $0x1  }
0x84: {  	v3 =	vperm.xlane v3, v2;
	v4 =	vadd.s32 v1, v4;
	_ =	sdelay $0x1  }
0x85: {  	v3 =	vadd.s32 v1, v3;
	_ =	sdelay $0x2  }
0x86: {  	[tilespmem:s10], [sflag:$0x2] =	stream.indirect_vreg.gather [hbm4b:s1+s3], $0x80, v4, vm0, $0xb8;
	[tilespmem:$0x1C300] =	vst v63  }
0x87: {  	_ = 	snop  }
0x88: {  	[tilespmem:s11], [sflag:$0x2] =	stream.indirect_vreg.gather [hbm4b:s1+s3], $0x80, v3, vm0, $0xb8;
	[tilespmem:$0x1C300] =	vst v63  }
0x89: {  	v3 =	vld [tilespmem:$0xA0];
	_ =	sdelay $0x4  }
0x8a: {  	v4 =	vshll.u32 v3, $0x1  }
0x8b: {  	v3 =	vand.u32 $0x7, v3;
	v4 =	vand.u32 $0xFFFFFFF0, v4  }
0x8c: {  	v3 =	vor.u32 v3, v4  }
0x8d: {  	v4 =	vperm.xlane v3, v0;
	_ =	sdelay $0x1  }
0x8e: {  	v3 =	vperm.xlane v3, v2;
	v4 =	vadd.s32 v1, v4;
	_ =	sdelay $0x1  }
0x8f: {  	v3 =	vadd.s32 v1, v3;
	_ =	sdelay $0x2  }
0x90: {  	[tilespmem:s12], [sflag:$0x2] =	stream.indirect_vreg.gather [hbm4b:s1+s3], $0x80, v4, vm0, $0xb8;
	[tilespmem:$0x1C300] =	vst v63  }
0x91: {  	_ = 	snop  }
0x92: {  	[tilespmem:s13], [sflag:$0x2] =	stream.indirect_vreg.gather [hbm4b:s1+s3], $0x80, v3, vm0, $0xb8;
	[tilespmem:$0x1C300] =	vst v63  }
0x93: {  	v3 =	vld [tilespmem:$0xB0];
	_ =	sdelay $0x4  }
0x94: {  	v4 =	vshll.u32 v3, $0x1  }
0x95: {  	v3 =	vand.u32 $0x7, v3;
	v4 =	vand.u32 $0xFFFFFFF0, v4  }
0x96: {  	v3 =	vor.u32 v3, v4  }
0x97: {  	v4 =	vperm.xlane v3, v0;
	_ =	sdelay $0x1  }
0x98: {  	v3 =	vperm.xlane v3, v2;
	v4 =	vadd.s32 v1, v4;
	_ =	sdelay $0x1  }
0x99: {  	v3 =	vadd.s32 v1, v3;
	_ =	sdelay $0x2  }
0x9a: {  	[tilespmem:s14], [sflag:$0x2] =	stream.indirect_vreg.gather [hbm4b:s1+s3], $0x80, v4, vm0, $0xb8;
	[tilespmem:$0x1C300] =	vst v63  }
0x9b: {  	_ = 	snop  }
0x9c: {  	[tilespmem:s5], [sflag:$0x2] =	stream.indirect_vreg.gather [hbm4b:s1+s3], $0x80, v3, vm0, $0xb8;
	[tilespmem:$0x1C300] =	vst v63  }
0x9d: {  	s7 =	simm.s32 $0x12B00  }
0x9e: {  	[tilespmem:s7], [sflag:$0x4] =	stream.linear.gather [hbm4b:s4+s3], $0xC00, $0x38;
	[tilespmem:$0x1C300] =	vst v63  }
0x9f: {  	s8 =	simm.s32 $0x13F00  }
0xa0: {  	[tilespmem:s8], [sflag:$0x4] =	stream.linear.gather [hbm4b:s15+s3], $0xC00, $0x38;
	[tilespmem:$0x1C300] =	vst v63  }
0xa1: {  	s26 =	simm.s32 $0x15300  }
0xa2: {  	[tilespmem:s26], [sflag:$0x4] =	stream.linear.gather [hbm4b:s16+s3], $0xC00, $0x38;
	[tilespmem:$0x1C300] =	vst v63  }
0xa3: {  	s2 =	simm.s32 $0x16700  }
0xa4: {  	[tilespmem:s2], [sflag:$0x4] =	stream.linear.gather [hbm4b:s17+s3], $0xC00, $0x38;
	[tilespmem:$0x1C300] =	vst v63  }
0xa5: {  	s6 =	simm.s32 $0x17B00  }
0xa6: {  	[tilespmem:s6], [sflag:$0x5] =	stream.linear.gather [hbm4b:s4+s3], $0xC00, $0x38;
	[tilespmem:$0x1C300] =	vst v63  }
0xa7: {  	s7 =	simm.s32 $0x18F00  }
0xa8: {  	[tilespmem:s7], [sflag:$0x5] =	stream.linear.gather [hbm4b:s15+s3], $0xC00, $0x38;
	[tilespmem:$0x1C300] =	vst v63  }
0xa9: {  	s8 =	simm.s32 $0x1A300  }
0xaa: {  	[tilespmem:s8], [sflag:$0x5] =	stream.linear.gather [hbm4b:s16+s3], $0xC00, $0x38;
	[tilespmem:$0x1C300] =	vst v63  }
0xab: {  	s26 =	simm.s32 $0x1B700  }
0xac: {  	[tilespmem:s26], [sflag:$0x5] =	stream.linear.gather [hbm4b:s17+s3], $0xC00, $0x38;
	[tilespmem:$0x1C300] =	vst v63  }
0xad: {  	v3 =	vld [tilespmem:$0xC0];
	_ =	sdelay $0x4  }
0xae: {  	v4 =	vshll.u32 v3, $0x1  }
0xaf: {  	v3 =	vand.u32 $0x7, v3;
	v4 =	vand.u32 $0xFFFFFFF0, v4  }
0xb0: {  	v3 =	vor.u32 v3, v4  }
0xb1: {  	v4 =	vperm.xlane v3, v0;
	_ =	sdelay $0x1  }
0xb2: {  	v3 =	vperm.xlane v3, v2;
	v4 =	vadd.s32 v1, v4;
	_ =	sdelay $0x1  }
0xb3: {  	v3 =	vadd.s32 v1, v3;
	_ =	sdelay $0x1  }
0xb4: {  	s2 =	simm.s32 $0xC300  }
0xb5: {  	[tilespmem:s2], [sflag:$0x3] =	stream.indirect_vreg.gather [hbm4b:s1+s3], $0x80, v4, vm0, $0xb8;
	[tilespmem:$0x1C300] =	vst v63  }
0xb6: {  	s6 =	simm.s32 $0xCB00  }
0xb7: {  	[tilespmem:s6], [sflag:$0x3] =	stream.indirect_vreg.gather [hbm4b:s1+s3], $0x80, v3, vm0, $0xb8;
	[tilespmem:$0x1C300] =	vst v63  }
0xb8: {  	v3 =	vld [tilespmem:$0xD0];
	_ =	sdelay $0x4  }
0xb9: {  	v4 =	vshll.u32 v3, $0x1  }
0xba: {  	v3 =	vand.u32 $0x7, v3;
	v4 =	vand.u32 $0xFFFFFFF0, v4  }
0xbb: {  	v3 =	vor.u32 v3, v4  }
0xbc: {  	v4 =	vperm.xlane v3, v0;
	_ =	sdelay $0x1  }
0xbd: {  	v3 =	vperm.xlane v3, v2;
	v4 =	vadd.s32 v1, v4;
	_ =	sdelay $0x1  }
0xbe: {  	v3 =	vadd.s32 v1, v3;
	_ =	sdelay $0x1  }
0xbf: {  	s7 =	simm.s32 $0xD300  }
0xc0: {  	[tilespmem:s7], [sflag:$0x3] =	stream.indirect_vreg.gather [hbm4b:s1+s3], $0x80, v4, vm0, $0xb8;
	[tilespmem:$0x1C300] =	vst v63  }
0xc1: {  	s8 =	simm.s32 $0xDB00  }
0xc2: {  	[tilespmem:s8], [sflag:$0x3] =	stream.indirect_vreg.gather [hbm4b:s1+s3], $0x80, v3, vm0, $0xb8;
	[tilespmem:$0x1C300] =	vst v63  }
0xc3: {  	v3 =	vld [tilespmem:$0xE0];
	_ =	sdelay $0x4  }
0xc4: {  	v4 =	vshll.u32 v3, $0x1  }
0xc5: {  	v3 =	vand.u32 $0x7, v3;
	v4 =	vand.u32 $0xFFFFFFF0, v4  }
0xc6: {  	v3 =	vor.u32 v3, v4  }
0xc7: {  	v4 =	vperm.xlane v3, v0;
	_ =	sdelay $0x1  }
0xc8: {  	v3 =	vperm.xlane v3, v2;
	v4 =	vadd.s32 v1, v4;
	_ =	sdelay $0x1  }
0xc9: {  	v3 =	vadd.s32 v1, v3;
	_ =	sdelay $0x1  }
0xca: {  	s26 =	simm.s32 $0xE300  }
0xcb: {  	[tilespmem:s26], [sflag:$0x3] =	stream.indirect_vreg.gather [hbm4b:s1+s3], $0x80, v4, vm0, $0xb8;
	[tilespmem:$0x1C300] =	vst v63  }
0xcc: {  	s2 =	simm.s32 $0xEB00  }
0xcd: {  	[tilespmem:s2], [sflag:$0x3] =	stream.indirect_vreg.gather [hbm4b:s1+s3], $0x80, v3, vm0, $0xb8;
	[tilespmem:$0x1C300] =	vst v63  }
0xce: {  	v3 =	vld [tilespmem:$0xF0];
	_ =	sdelay $0x4  }
0xcf: {  	v4 =	vshll.u32 v3, $0x1  }
0xd0: {  	v3 =	vand.u32 $0x7, v3;
	v4 =	vand.u32 $0xFFFFFFF0, v4  }
0xd1: {  	v3 =	vor.u32 v3, v4  }
0xd2: {  	v4 =	vperm.xlane v3, v0;
	_ =	sdelay $0x1  }
0xd3: {  	v3 =	vperm.xlane v3, v2;
	v4 =	vadd.s32 v1, v4;
	_ =	sdelay $0x1  }
0xd4: {  	v3 =	vadd.s32 v1, v3;
	_ =	sdelay $0x1  }
0xd5: {  	s6 =	simm.s32 $0xF300  }
0xd6: {  	[tilespmem:s6], [sflag:$0x3] =	stream.indirect_vreg.gather [hbm4b:s1+s3], $0x80, v4, vm0, $0xb8;
	[tilespmem:$0x1C300] =	vst v63  }
0xd7: {  	s7 =	simm.s32 $0xFB00  }
0xd8: {  	[tilespmem:s7], [sflag:$0x3] =	stream.indirect_vreg.gather [hbm4b:s1+s3], $0x80, v3, vm0, $0xb8;
	[tilespmem:$0x1C300] =	vst v63  }
0xd9: {  	v3 =	vld [tilespmem:$0x100];
	_ =	sdelay $0x4  }
0xda: {  	v4 =	vshll.u32 v3, $0x1  }
0xdb: {  	v3 =	vand.u32 $0x7, v3;
	v4 =	vand.u32 $0xFFFFFFF0, v4  }
0xdc: {  	v3 =	vor.u32 v3, v4  }
0xdd: {  	v4 =	vperm.xlane v3, v0;
	_ =	sdelay $0x1  }
0xde: {  	v3 =	vperm.xlane v3, v2;
	v4 =	vadd.s32 v1, v4;
	_ =	sdelay $0x1  }
0xdf: {  	v3 =	vadd.s32 v1, v3;
	_ =	sdelay $0x1  }
0xe0: {  	s8 =	simm.s32 $0x10300  }
0xe1: {  	[tilespmem:s8], [sflag:$0x3] =	stream.indirect_vreg.gather [hbm4b:s1+s3], $0x80, v4, vm0, $0xb8;
	[tilespmem:$0x1C300] =	vst v63  }
0xe2: {  	s26 =	simm.s32 $0x10B00  }
0xe3: {  	[tilespmem:s26], [sflag:$0x3] =	stream.indirect_vreg.gather [hbm4b:s1+s3], $0x80, v3, vm0, $0xb8;
	[tilespmem:$0x1C300] =	vst v63  }
0xe4: {  	v3 =	vld [tilespmem:$0x110];
	_ =	sdelay $0x4  }
0xe5: {  	v4 =	vshll.u32 v3, $0x1  }
0xe6: {  	v3 =	vand.u32 $0x7, v3;
	v4 =	vand.u32 $0xFFFFFFF0, v4  }
0xe7: {  	v3 =	vor.u32 v3, v4  }
0xe8: {  	v4 =	vperm.xlane v3, v0;
	_ =	sdelay $0x1  }
0xe9: {  	v3 =	vperm.xlane v3, v2;
	v4 =	vadd.s32 v1, v4;
	_ =	sdelay $0x1  }
0xea: {  	v3 =	vadd.s32 v1, v3;
	_ =	sdelay $0x1  }
0xeb: {  	s2 =	simm.s32 $0x11300  }
0xec: {  	[tilespmem:s2], [sflag:$0x3] =	stream.indirect_vreg.gather [hbm4b:s1+s3], $0x80, v4, vm0, $0xb8;
	[tilespmem:$0x1C300] =	vst v63  }
0xed: {  	s6 =	simm.s32 $0x11B00  }
0xee: {  	[tilespmem:s6], [sflag:$0x3] =	stream.indirect_vreg.gather [hbm4b:s1+s3], $0x80, v3, vm0, $0xb8;
	[tilespmem:$0x1C300] =	vst v63  }
0xef: {  	_ =	swait.ge [sflag:s18], $0x6000  }
0xf0: {  	[sflag:s18] =	ssyncset.done $0x0  }
0xf1: {  	s7 =	simm.s32 $0x200;
	[sflag:s18] =	ssyncadd.s32 $0xFFFFA000  }
0xf2: {  	s0 =	sand.u32 $0xF800, s7;
	s2 =	simm.s32 $0x100;
	_ =	swait.ge [sflag:s19], $0x3000  }
0xf3: {  	s7 =	sand.u32 $0x380, s3;
	s6 =	sand.u32 $0x380, s2;
	[sflag:s19] =	ssyncset.done $0x0  }
0xf4: {  	s8 =	sand.u32 $0x7800, s3;
	s26 =	sor.u32 s6, s0;
	[sflag:s19] =	ssyncadd.s32 $0xFFFFD000  }
0xf5: {  	s28 =	sor.u32 s7, s8;
	v5 =	vld [tilespmem:s26+$0x310]  }
0xf6: {  	v6 =	vld [tilespmem:s28+$0x330]  }
0xf7: {  	v3 =	vld [tilespmem:s28+$0x310]  }
0xf8: {  	s6 =	simm.s32 $0x80;
	v7 =	vld [tilespmem:s28+$0x320]  }
0xf9: {  	s2 =	sand.u32 $0xF800, s2;
	s0 =	sand.u32 $0x380, s6;
	v8 =	vld [tilespmem:s28+$0x300]  }
0xfa: {  	s6 =	sor.u32 s0, s2;
	v9 =	vld [tilespmem:s28+$0x340]  }
0xfb: {  	v10 =	vld [tilespmem:s6+$0x350]  }
0xfc: {  	v11 =	vld [tilespmem:s26+$0x340]  }
0xfd: {  	v12 =	vld [tilespmem:s28+$0x350]  }
0xfe: {  	v13 =	vld [tilespmem:s6+$0x360]  }
0xff: {  	v14 =	vld [tilespmem:s28+$0x360]  }
0x100: {  	v15 =	vld [tilespmem:s6+$0x340]  }
0x101: {  	v16 =	vld [tilespmem:s6+$0x310]  }
0x102: {  	v17 =	vld [tilespmem:s6+$0x320]  }
0x103: {  	v18 =	vld [tilespmem:s6+$0x300]  }
0x104: {  	v19 =	vld [tilespmem:s26+$0x350]  }
0x105: {  	v20 =	vld [tilespmem:s26+$0x300]  }
0x106: {  	s8 =	simm.s32 $0x0;
	v58 =	vld [tilespmem:s6+$0x330];
	v9 =	vadd.f32 v15, v9  }
0x107: {  	s0 =	smul.u32 $0x5000, s8;
	v59 =	vld [tilespmem:s26+$0x320];
	v10 =	vadd.f32 v10, v12  }
0x108: {  	v60 =	vld [tilespmem:s26+$0x330];
	v8 =	vadd.f32 v18, v8;
	v9 =	vadd.f32 v11, v9  }
0x109: {  	s0 =	sshra.s32 s0, $0x2;
	v4 =	vld [tilespmem:s26+$0x360];
	v16 =	vadd.f32 v16, v3;
	v10 =	vadd.f32 v19, v10  }
0x10a: {  	s30 =	sor.u32 s7, s0;
	v61 =	vld [tilespmem:s28+$0x370];
	v7 =	vadd.f32 v17, v7;
	v8 =	vadd.f32 v20, v8;
	v9 =	vmul.f32 $3.333333430e-01, v9  }
0x10b: {  	v62 =	vld [tilespmem:s6+$0x370];
	s8 =	sadd.s32 $0x12300, s30;
	v6 =	vadd.f32 v58, v6;
	v5 =	vadd.f32 v5, v16;
	v10 =	vmul.f32 $3.333333430e-01, v10  }
0x10c: {  	v3 =	vld [tilespmem:s26+$0x370];
	v63 =	vadd.f32 v13, v14;
	v7 =	vadd.f32 v59, v7;
	v8 =	vmul.f32 $3.333333430e-01, v8;
	[tilespmem:s8+$0x40] =	vst v9  }
0x10d: {  	v6 =	vadd.f32 v60, v6;
	v5 =	vmul.f32 $3.333333430e-01, v5;
	[tilespmem:s8+$0x50] =	vst v10  }
0x10e: {  	v4 =	vadd.f32 v4, v63;
	v7 =	vmul.f32 $3.333333430e-01, v7;
	[tilespmem:s30+$0x12300] =	vst v8  }
0x10f: {  	v6 =	vmul.f32 $3.333333430e-01, v6;
	[tilespmem:s8+$0x10] =	vst v5  }
0x110: {  	s29 =	simm.s32 $0x1;
	v4 =	vmul.f32 $3.333333430e-01, v4;
	[tilespmem:s8+$0x20] =	vst v7;
	v5 =	vadd.f32 v62, v61  }
0x111: {  	s31 =	simm.s32 $0x0;
	s2 =	simm.s32 $0x0;
	s0 =	simm.s32 $0x0;
	[tilespmem:s8+$0x30] =	vst v6  }
.LBB2_2:
0x112: {  	[tilespmem:s8+$0x60] =	vst v4;
	v3 =	vadd.f32 v3, v5;
	s31 =	sadd.s32 $0x80, s31;
	s0 =	sadd.s32 $0x180, s0;
	s2 =	sadd.s32 $0x300, s2  }
0x113: {  	p0 =	sne.s32 s29, $0x1F;
	s7 =	smov.u32 s29;
	s29 =	sadd.s32 $0x1, s29  }
0x114: {  	v3 =	vmul.f32 $3.333333430e-01, v3;
	_ =	sdelay $0x1  }
0x115: {  	[tilespmem:s8+$0x70] =	vst v3  }
0x116: {  	v3 =	vld [tilespmem:s26+$0x710]  }
0x117: {  	v4 =	vld [tilespmem:s6+$0x700]  }
0x118: {  	v5 =	vld [tilespmem:s6+$0x720]  }
0x119: {  	v6 =	vld [tilespmem:s26+$0x760]  }
0x11a: {  	v7 =	vld [tilespmem:s6+$0x740]  }
0x11b: {  	v8 =	vld [tilespmem:s6+$0x750]  }
0x11c: {  	v9 =	vld [tilespmem:s26+$0x730]  }
0x11d: {  	v10 =	vld [tilespmem:s6+$0x760]  }
0x11e: {  	v11 =	vld [tilespmem:s6+$0x710]  }
0x11f: {  	v12 =	vld [tilespmem:s6+$0x730]  }
0x120: {  	v13 =	vld [tilespmem:s26+$0x700]  }
0x121: {  	v14 =	vld [tilespmem:s28+$0x710]  }
0x122: {  	v15 =	vld [tilespmem:s26+$0x770]  }
0x123: {  	v16 =	vld [tilespmem:s28+$0x730]  }
0x124: {  	v17 =	vld [tilespmem:s6+$0x770]  }
0x125: {  	v18 =	vld [tilespmem:s28+$0x760]  }
0x126: {  	v19 =	vld [tilespmem:s28+$0x740];
	v11 =	vadd.f32 v11, v14  }
0x127: {  	v14 =	vld [tilespmem:s26+$0x740]  }
0x128: {  	v20 =	vld [tilespmem:s28+$0x770];
	v3 =	vadd.f32 v3, v11  }
0x129: {  	v12 =	vadd.f32 v12, v16;
	v11 =	vld [tilespmem:s28+$0x750]  }
0x12a: {  	v16 =	vld [tilespmem:s28+$0x700];
	v10 =	vadd.f32 v10, v18  }
0x12b: {  	v3 =	vmul.f32 $3.333333430e-01, v3;
	v9 =	vadd.f32 v9, v12;
	v18 =	vld [tilespmem:s28+$0x720];
	v7 =	vadd.f32 v7, v19  }
0x12c: {  	v12 =	vld [tilespmem:s26+$0x750];
	v6 =	vadd.f32 v6, v10  }
0x12d: {  	v10 =	vld [tilespmem:s26+$0x720];
	v17 =	vadd.f32 v17, v20  }
0x12e: {  	v7 =	vadd.f32 v14, v7;
	v6 =	vmul.f32 $3.333333430e-01, v6  }
0x12f: {  	s6 =	sadd.s32 $0x12700, s30;
	v8 =	vadd.f32 v8, v11;
	v11 =	vadd.f32 v15, v17  }
0x130: {  	v4 =	vadd.f32 v4, v16;
	v7 =	vmul.f32 $3.333333430e-01, v7;
	v5 =	vadd.f32 v5, v18;
	[tilespmem:s6+$0x60] =	vst v6  }
0x131: {  	v6 =	vadd.f32 v12, v8;
	v8 =	vmul.f32 $3.333333430e-01, v11  }
0x132: {  	v4 =	vadd.f32 v13, v4;
	v5 =	vadd.f32 v10, v5;
	[tilespmem:s6+$0x40] =	vst v7  }
0x133: {  	v6 =	vmul.f32 $3.333333430e-01, v6;
	[tilespmem:s6+$0x70] =	vst v8  }
0x134: {  	v4 =	vmul.f32 $3.333333430e-01, v4;
	v5 =	vmul.f32 $3.333333430e-01, v5  }
0x135: {  	v7 =	vmul.f32 $3.333333430e-01, v9;
	[tilespmem:s6+$0x50] =	vst v6  }
0x136: {  	[tilespmem:s30+$0x12700] =	vst v4  }
0x137: {  	s8 =	sadd.s32 $0x200, s2;
	s26 =	sadd.s32 $0x100, s0;
	[tilespmem:s6+$0x30] =	vst v7  }
0x138: {  	s8 =	sand.u32 $0xF800, s8;
	s26 =	sand.u32 $0x380, s26;
	[tilespmem:s6+$0x10] =	vst v3  }
0x139: {  	s26 =	sor.u32 s26, s8;
	[tilespmem:s6+$0x20] =	vst v5  }
0x13a: {  	s8 =	sand.u32 $0x380, s0;
	s6 =	sand.u32 $0x7800, s2;
	v4 =	vld [tilespmem:s26+$0x360]  }
0x13b: {  	s28 =	sor.u32 s8, s6;
	v3 =	vld [tilespmem:s26+$0x310]  }
0x13c: {  	s6 =	sadd.s32 $0x100, s2;
	s8 =	sadd.s32 $0x80, s0;
	v5 =	vld [tilespmem:s28+$0x330]  }
0x13d: {  	s6 =	sand.u32 $0xF800, s6;
	s8 =	sand.u32 $0x380, s8;
	v6 =	vld [tilespmem:s28+$0x310]  }
0x13e: {  	s6 =	sor.u32 s8, s6;
	v7 =	vld [tilespmem:s28+$0x320]  }
0x13f: {  	v8 =	vld [tilespmem:s28+$0x300]  }
0x140: {  	v9 =	vld [tilespmem:s28+$0x340]  }
0x141: {  	v10 =	vld [tilespmem:s6+$0x350]  }
0x142: {  	v11 =	vld [tilespmem:s26+$0x340]  }
0x143: {  	v12 =	vld [tilespmem:s28+$0x350]  }
0x144: {  	v13 =	vld [tilespmem:s6+$0x360]  }
0x145: {  	v14 =	vld [tilespmem:s28+$0x360]  }
0x146: {  	v15 =	vld [tilespmem:s6+$0x340]  }
0x147: {  	v16 =	vld [tilespmem:s6+$0x310]  }
0x148: {  	v17 =	vld [tilespmem:s6+$0x320]  }
0x149: {  	v18 =	vld [tilespmem:s6+$0x300]  }
0x14a: {  	v19 =	vld [tilespmem:s26+$0x350];
	v13 =	vadd.f32 v13, v14  }
0x14b: {  	v14 =	vld [tilespmem:s26+$0x300];
	v9 =	vadd.f32 v15, v9  }
0x14c: {  	s7 =	sshrl.u32 s7, $0x3;
	v15 =	vld [tilespmem:s6+$0x330];
	v6 =	vadd.f32 v16, v6  }
0x14d: {  	s7 =	smul.u32 $0x5000, s7;
	v10 =	vadd.f32 v10, v12;
	v16 =	vld [tilespmem:s26+$0x320];
	v9 =	vadd.f32 v11, v9  }
0x14e: {  	v11 =	vld [tilespmem:s26+$0x330];
	v8 =	vadd.f32 v18, v8;
	v6 =	vadd.f32 v3, v6  }
0x14f: {  	s7 =	sshra.s32 s7, $0x2;
	s8 =	sand.u32 $0x380, s31;
	v4 =	vadd.f32 v4, v13;
	v3 =	vld [tilespmem:s26+$0x370];
	v9 =	vmul.f32 $3.333333430e-01, v9;
	v10 =	vadd.f32 v19, v10  }
0x150: {  	s30 =	sor.u32 s8, s7;
	v7 =	vadd.f32 v17, v7;
	v12 =	vld [tilespmem:s28+$0x370];
	v8 =	vadd.f32 v14, v8;
	v6 =	vmul.f32 $3.333333430e-01, v6  }
0x151: {  	s8 =	sadd.s32 $0x12300, s30;
	v4 =	vmul.f32 $3.333333430e-01, v4;
	v13 =	vld [tilespmem:s6+$0x370];
	v5 =	vadd.f32 v15, v5;
	v10 =	vmul.f32 $3.333333430e-01, v10  }
0x152: {  	v8 =	vmul.f32 $3.333333430e-01, v8;
	v7 =	vadd.f32 v16, v7;
	[tilespmem:s8+$0x40] =	vst v9  }
.Ltmp0:
0x153: {  	v5 =	vadd.f32 v11, v5;
	[tilespmem:s8+$0x50] =	vst v10;
	(pc) =	sbr.rel @p0 .LBB2_2-.Ltmp0, $4  }
0x154: {  	[tilespmem:s30+$0x12300] =	vst v8;
	v7 =	vmul.f32 $3.333333430e-01, v7  }
0x155: {  	[tilespmem:s8+$0x10] =	vst v6;
	v6 =	vmul.f32 $3.333333430e-01, v5  }
0x156: {  	[tilespmem:s8+$0x20] =	vst v7;
	v5 =	vadd.f32 v13, v12  }
0x157: {  	[tilespmem:s8+$0x30] =	vst v6  }
0x158: {  	v3 =	vadd.f32 v3, v5;
	_ =	sdelay $0x1  }
0x159: {  	v3 =	vmul.f32 $3.333333430e-01, v3  }
0x15a: {  	[tilespmem:s8+$0x60] =	vst v4  }
0x15b: {  	[tilespmem:s8+$0x70] =	vst v3  }
0x15c: {  	v3 =	vld [tilespmem:s6+$0x700]  }
0x15d: {  	v4 =	vld [tilespmem:s6+$0x720]  }
0x15e: {  	v5 =	vld [tilespmem:s26+$0x760]  }
0x15f: {  	v6 =	vld [tilespmem:s6+$0x740]  }
0x160: {  	v7 =	vld [tilespmem:s6+$0x750]  }
0x161: {  	v9 =	vld [tilespmem:s6+$0x760]  }
0x162: {  	v10 =	vld [tilespmem:s6+$0x710]  }
0x163: {  	v11 =	vld [tilespmem:s6+$0x730]  }
0x164: {  	v12 =	vld [tilespmem:s26+$0x700]  }
0x165: {  	v13 =	vld [tilespmem:s26+$0x770]  }
0x166: {  	v14 =	vld [tilespmem:s28+$0x730]  }
0x167: {  	v15 =	vld [tilespmem:s6+$0x770]  }
0x168: {  	v16 =	vld [tilespmem:s28+$0x760]  }
0x169: {  	v17 =	vld [tilespmem:s28+$0x740]  }
0x16a: {  	v18 =	vld [tilespmem:s26+$0x740]  }
0x16b: {  	v19 =	vld [tilespmem:s28+$0x770]  }
0x16c: {  	v21 =	vld [tilespmem:s28+$0x700]  }
0x16d: {  	v20 =	vld [tilespmem:s28+$0x750]  }
0x16e: {  	v39 =	vld [tilespmem:s26+$0x750]  }
0x16f: {  	v42 =	vld [tilespmem:s28+$0x720];
	v9 =	vadd.f32 v9, v16  }
0x170: {  	v40 =	vld [tilespmem:s28+$0x710];
	v6 =	vadd.f32 v6, v17  }
0x171: {  	v44 =	vld [tilespmem:s26+$0x720];
	v3 =	vadd.f32 v3, v21;
	v5 =	vadd.f32 v5, v9  }
0x172: {  	v8 =	vld [tilespmem:s26+$0x730];
	v41 =	vadd.f32 v15, v19;
	v6 =	vadd.f32 v18, v6  }
0x173: {  	v43 =	vld [tilespmem:s26+$0x710];
	v7 =	vadd.f32 v7, v20;
	v3 =	vadd.f32 v12, v3;
	v5 =	vmul.f32 $3.333333430e-01, v5  }
0x174: {  	s0 =	sadd.s32 $0x12700, s30;
	v4 =	vadd.f32 v4, v42;
	v9 =	vadd.f32 v13, v41;
	v6 =	vmul.f32 $3.333333430e-01, v6  }
0x175: {  	v11 =	vadd.f32 v11, v14;
	v7 =	vadd.f32 v39, v7;
	v3 =	vmul.f32 $3.333333430e-01, v3;
	[tilespmem:s0+$0x60] =	vst v5  }
0x176: {  	v10 =	vadd.f32 v10, v40;
	v4 =	vadd.f32 v44, v4;
	v5 =	vmul.f32 $3.333333430e-01, v9;
	[tilespmem:s0+$0x40] =	vst v6  }
0x177: {  	v8 =	vadd.f32 v8, v11;
	v6 =	vmul.f32 $3.333333430e-01, v7;
	[tilespmem:s30+$0x12700] =	vst v3  }
0x178: {  	v7 =	vadd.f32 v43, v10;
	v3 =	vmul.f32 $3.333333430e-01, v4;
	[tilespmem:s0+$0x70] =	vst v5  }
0x179: {  	v5 =	vmul.f32 $3.333333430e-01, v8;
	[tilespmem:s0+$0x50] =	vst v6  }
0x17a: {  	v6 =	vmul.f32 $3.333333430e-01, v7;
	[tilespmem:s0+$0x20] =	vst v3  }
0x17b: {  	[tilespmem:s0+$0x30] =	vst v5  }
0x17c: {  	s2 =	rddreg [dreg:$0x4];
	s26 =	simm.s32 $0x0;
	[tilespmem:s0+$0x10] =	vst v6  }
0x17d: {  	[hbm4b:s2+s26] =	stream.linear.scatter [tilespmem:s20], [sflag:$0x4], $0x5000, $0x38;
	[tilespmem:$0x1C300] =	vst v63  }
0x17e: {  	v3 =	vld [tilespmem:$0x120];
	_ =	sdelay $0x4  }
0x17f: {  	v4 =	vshll.u32 v3, $0x1  }
0x180: {  	v3 =	vand.u32 $0x7, v3;
	v4 =	vand.u32 $0xFFFFFFF0, v4  }
0x181: {  	v3 =	vor.u32 v3, v4  }
0x182: {  	v4 =	vperm.xlane v3, v0;
	_ =	sdelay $0x1  }
0x183: {  	v3 =	vperm.xlane v3, v2;
	v4 =	vadd.s32 v1, v4;
	_ =	sdelay $0x1  }
0x184: {  	v3 =	vadd.s32 v1, v3;
	_ =	sdelay $0x1  }
0x185: {  	s6 =	simm.s32 $0x300  }
0x186: {  	[tilespmem:s6], [sflag:$0x1] =	stream.indirect_vreg.gather [hbm4b:s1+s26], $0x80, v4, vm0, $0xb8;
	[tilespmem:$0x1C300] =	vst v63  }
0x187: {  	s7 =	simm.s32 $0xB00  }
0x188: {  	[tilespmem:s7], [sflag:$0x1] =	stream.indirect_vreg.gather [hbm4b:s1+s26], $0x80, v3, vm0, $0xb8;
	[tilespmem:$0x1C300] =	vst v63  }
0x189: {  	v3 =	vld [tilespmem:$0x130];
	_ =	sdelay $0x4  }
0x18a: {  	v4 =	vshll.u32 v3, $0x1  }
0x18b: {  	v3 =	vand.u32 $0x7, v3;
	v4 =	vand.u32 $0xFFFFFFF0, v4  }
0x18c: {  	v3 =	vor.u32 v3, v4  }
0x18d: {  	v4 =	vperm.xlane v3, v0;
	_ =	sdelay $0x1  }
0x18e: {  	v3 =	vperm.xlane v3, v2;
	v4 =	vadd.s32 v1, v4;
	_ =	sdelay $0x1  }
0x18f: {  	v3 =	vadd.s32 v1, v3;
	_ =	sdelay $0x1  }
0x190: {  	s8 =	simm.s32 $0x1300  }
0x191: {  	[tilespmem:s8], [sflag:$0x1] =	stream.indirect_vreg.gather [hbm4b:s1+s26], $0x80, v4, vm0, $0xb8;
	[tilespmem:$0x1C300] =	vst v63  }
0x192: {  	s2 =	simm.s32 $0x1B00  }
0x193: {  	[tilespmem:s2], [sflag:$0x1] =	stream.indirect_vreg.gather [hbm4b:s1+s26], $0x80, v3, vm0, $0xb8;
	[tilespmem:$0x1C300] =	vst v63  }
0x194: {  	v3 =	vld [tilespmem:$0x140];
	_ =	sdelay $0x4  }
0x195: {  	v4 =	vshll.u32 v3, $0x1  }
0x196: {  	v3 =	vand.u32 $0x7, v3;
	v4 =	vand.u32 $0xFFFFFFF0, v4  }
0x197: {  	v3 =	vor.u32 v3, v4  }
0x198: {  	v4 =	vperm.xlane v3, v0;
	_ =	sdelay $0x1  }
0x199: {  	v3 =	vperm.xlane v3, v2;
	v4 =	vadd.s32 v1, v4;
	_ =	sdelay $0x1  }
0x19a: {  	v3 =	vadd.s32 v1, v3;
	_ =	sdelay $0x1  }
0x19b: {  	s6 =	simm.s32 $0x2300  }
0x19c: {  	[tilespmem:s6], [sflag:$0x1] =	stream.indirect_vreg.gather [hbm4b:s1+s26], $0x80, v4, vm0, $0xb8;
	[tilespmem:$0x1C300] =	vst v63  }
0x19d: {  	s7 =	simm.s32 $0x2B00  }
0x19e: {  	[tilespmem:s7], [sflag:$0x1] =	stream.indirect_vreg.gather [hbm4b:s1+s26], $0x80, v3, vm0, $0xb8;
	[tilespmem:$0x1C300] =	vst v63  }
0x19f: {  	v3 =	vld [tilespmem:$0x150];
	_ =	sdelay $0x4  }
0x1a0: {  	v4 =	vshll.u32 v3, $0x1  }
0x1a1: {  	v3 =	vand.u32 $0x7, v3;
	v4 =	vand.u32 $0xFFFFFFF0, v4  }
0x1a2: {  	v3 =	vor.u32 v3, v4  }
0x1a3: {  	v4 =	vperm.xlane v3, v0;
	_ =	sdelay $0x1  }
0x1a4: {  	v3 =	vperm.xlane v3, v2;
	v4 =	vadd.s32 v1, v4;
	_ =	sdelay $0x1  }
0x1a5: {  	v3 =	vadd.s32 v1, v3;
	_ =	sdelay $0x1  }
0x1a6: {  	s8 =	simm.s32 $0x3300  }
0x1a7: {  	[tilespmem:s8], [sflag:$0x1] =	stream.indirect_vreg.gather [hbm4b:s1+s26], $0x80, v4, vm0, $0xb8;
	[tilespmem:$0x1C300] =	vst v63  }
0x1a8: {  	s2 =	simm.s32 $0x3B00  }
0x1a9: {  	[tilespmem:s2], [sflag:$0x1] =	stream.indirect_vreg.gather [hbm4b:s1+s26], $0x80, v3, vm0, $0xb8;
	[tilespmem:$0x1C300] =	vst v63  }
0x1aa: {  	v3 =	vld [tilespmem:$0x160];
	_ =	sdelay $0x4  }
0x1ab: {  	v4 =	vshll.u32 v3, $0x1  }
0x1ac: {  	v3 =	vand.u32 $0x7, v3;
	v4 =	vand.u32 $0xFFFFFFF0, v4  }
0x1ad: {  	v3 =	vor.u32 v3, v4  }
0x1ae: {  	v4 =	vperm.xlane v3, v0;
	_ =	sdelay $0x1  }
0x1af: {  	v3 =	vperm.xlane v3, v2;
	v4 =	vadd.s32 v1, v4;
	_ =	sdelay $0x1  }
0x1b0: {  	v3 =	vadd.s32 v1, v3;
	_ =	sdelay $0x1  }
0x1b1: {  	s6 =	simm.s32 $0x4300  }
0x1b2: {  	[tilespmem:s6], [sflag:$0x1] =	stream.indirect_vreg.gather [hbm4b:s1+s26], $0x80, v4, vm0, $0xb8;
	[tilespmem:$0x1C300] =	vst v63  }
0x1b3: {  	s7 =	simm.s32 $0x4B00  }
0x1b4: {  	[tilespmem:s7], [sflag:$0x1] =	stream.indirect_vreg.gather [hbm4b:s1+s26], $0x80, v3, vm0, $0xb8;
	[tilespmem:$0x1C300] =	vst v63  }
0x1b5: {  	v3 =	vld [tilespmem:$0x170];
	_ =	sdelay $0x4  }
0x1b6: {  	v4 =	vshll.u32 v3, $0x1  }
0x1b7: {  	v3 =	vand.u32 $0x7, v3;
	v4 =	vand.u32 $0xFFFFFFF0, v4  }
0x1b8: {  	v3 =	vor.u32 v3, v4  }
0x1b9: {  	v4 =	vperm.xlane v3, v0;
	_ =	sdelay $0x1  }
0x1ba: {  	v3 =	vperm.xlane v3, v2;
	v4 =	vadd.s32 v1, v4;
	_ =	sdelay $0x1  }
0x1bb: {  	v3 =	vadd.s32 v1, v3;
	_ =	sdelay $0x1  }
0x1bc: {  	s8 =	simm.s32 $0x5300  }
0x1bd: {  	[tilespmem:s8], [sflag:$0x1] =	stream.indirect_vreg.gather [hbm4b:s1+s26], $0x80, v4, vm0, $0xb8;
	[tilespmem:$0x1C300] =	vst v63  }
0x1be: {  	s2 =	simm.s32 $0x5B00  }
0x1bf: {  	[tilespmem:s2], [sflag:$0x1] =	stream.indirect_vreg.gather [hbm4b:s1+s26], $0x80, v3, vm0, $0xb8;
	[tilespmem:$0x1C300] =	vst v63  }
0x1c0: {  	_ =	swait.ge [sflag:s21], $0x6000  }
0x1c1: {  	[sflag:s21] =	ssyncset.done $0x0  }
0x1c2: {  	s6 =	simm.s32 $0x200;
	[sflag:s21] =	ssyncadd.s32 $0xFFFFA000  }
0x1c3: {  	s0 =	sand.u32 $0xF800, s6;
	s2 =	simm.s32 $0x100;
	_ =	swait.ge [sflag:s22], $0x3000  }
0x1c4: {  	s8 =	sand.u32 $0x7800, s26;
	s7 =	sand.u32 $0x380, s2;
	[sflag:s22] =	ssyncset.done $0x0  }
0x1c5: {  	s28 =	sor.u32 s7, s0;
	s7 =	sand.u32 $0x380, s26;
	[sflag:s22] =	ssyncadd.s32 $0xFFFFD000  }
0x1c6: {  	s29 =	sor.u32 s7, s8;
	v5 =	vld [tilespmem:s28+$0x6310]  }
0x1c7: {  	v6 =	vld [tilespmem:s29+$0x6330]  }
0x1c8: {  	v3 =	vld [tilespmem:s29+$0x6310]  }
0x1c9: {  	s6 =	simm.s32 $0x80;
	v7 =	vld [tilespmem:s29+$0x6320]  }
0x1ca: {  	s2 =	sand.u32 $0xF800, s2;
	s0 =	sand.u32 $0x380, s6;
	v45 =	vld [tilespmem:s29+$0x6300]  }
0x1cb: {  	s6 =	sor.u32 s0, s2;
	v46 =	vld [tilespmem:s29+$0x6340]  }
0x1cc: {  	v47 =	vld [tilespmem:s6+$0x6350]  }
0x1cd: {  	v48 =	vld [tilespmem:s28+$0x6340]  }
0x1ce: {  	v49 =	vld [tilespmem:s29+$0x6350]  }
0x1cf: {  	v50 =	vld [tilespmem:s6+$0x6360]  }
0x1d0: {  	v51 =	vld [tilespmem:s29+$0x6360]  }
0x1d1: {  	v52 =	vld [tilespmem:s6+$0x6340]  }
0x1d2: {  	v53 =	vld [tilespmem:s6+$0x6310]  }
0x1d3: {  	v54 =	vld [tilespmem:s6+$0x6320]  }
0x1d4: {  	v55 =	vld [tilespmem:s6+$0x6300]  }
0x1d5: {  	v56 =	vld [tilespmem:s28+$0x6350]  }
0x1d6: {  	v57 =	vld [tilespmem:s28+$0x6300]  }
0x1d7: {  	s8 =	simm.s32 $0x0;
	v58 =	vld [tilespmem:s6+$0x6330];
	v9 =	vadd.f32 v52, v46  }
0x1d8: {  	s0 =	smul.u32 $0x5000, s8;
	v59 =	vld [tilespmem:s28+$0x6320];
	v10 =	vadd.f32 v47, v49  }
0x1d9: {  	v60 =	vld [tilespmem:s28+$0x6330];
	v8 =	vadd.f32 v55, v45;
	v9 =	vadd.f32 v48, v9  }
0x1da: {  	s0 =	sshra.s32 s0, $0x2;
	v4 =	vld [tilespmem:s28+$0x6360];
	v16 =	vadd.f32 v53, v3;
	v10 =	vadd.f32 v56, v10  }
0x1db: {  	v61 =	vld [tilespmem:s29+$0x6370];
	s31 =	sor.u32 s7, s0;
	v7 =	vadd.f32 v54, v7;
	v8 =	vadd.f32 v57, v8;
	v9 =	vmul.f32 $3.333333430e-01, v9  }
0x1dc: {  	v62 =	vld [tilespmem:s6+$0x6370];
	s8 =	sadd.s32 $0x17300, s31;
	v6 =	vadd.f32 v58, v6;
	v5 =	vadd.f32 v5, v16;
	v10 =	vmul.f32 $3.333333430e-01, v10  }
0x1dd: {  	v3 =	vld [tilespmem:s28+$0x6370];
	v63 =	vadd.f32 v50, v51;
	v7 =	vadd.f32 v59, v7;
	v8 =	vmul.f32 $3.333333430e-01, v8;
	[tilespmem:s8+$0x40] =	vst v9  }
0x1de: {  	v6 =	vadd.f32 v60, v6;
	v5 =	vmul.f32 $3.333333430e-01, v5;
	[tilespmem:s8+$0x50] =	vst v10  }
0x1df: {  	v4 =	vadd.f32 v4, v63;
	v7 =	vmul.f32 $3.333333430e-01, v7;
	[tilespmem:s31+$0x17300] =	vst v8  }
0x1e0: {  	v6 =	vmul.f32 $3.333333430e-01, v6;
	[tilespmem:s8+$0x10] =	vst v5  }
0x1e1: {  	v4 =	vmul.f32 $3.333333430e-01, v4;
	[tilespmem:s8+$0x20] =	vst v7;
	v5 =	vadd.f32 v62, v61  }
0x1e2: {  	s30 =	simm.s32 $0x1;
	s2 =	simm.s32 $0x0;
	s0 =	simm.s32 $0x0;
	[tilespmem:s8+$0x30] =	vst v6  }
.LBB2_4:
0x1e3: {  	[tilespmem:s8+$0x60] =	vst v4;
	v3 =	vadd.f32 v3, v5;
	s26 =	sadd.s32 $0x80, s26;
	s0 =	sadd.s32 $0x180, s0;
	s2 =	sadd.s32 $0x300, s2  }
0x1e4: {  	p0 =	sne.s32 s30, $0x1F;
	s7 =	smov.u32 s30;
	s30 =	sadd.s32 $0x1, s30  }
0x1e5: {  	v3 =	vmul.f32 $3.333333430e-01, v3;
	_ =	sdelay $0x1  }
0x1e6: {  	[tilespmem:s8+$0x70] =	vst v3  }
0x1e7: {  	v3 =	vld [tilespmem:s28+$0x6710]  }
0x1e8: {  	v4 =	vld [tilespmem:s6+$0x6700]  }
0x1e9: {  	v5 =	vld [tilespmem:s6+$0x6720]  }
0x1ea: {  	v6 =	vld [tilespmem:s28+$0x6760]  }
0x1eb: {  	v7 =	vld [tilespmem:s6+$0x6740]  }
0x1ec: {  	v8 =	vld [tilespmem:s6+$0x6750]  }
0x1ed: {  	v9 =	vld [tilespmem:s28+$0x6730]  }
0x1ee: {  	v10 =	vld [tilespmem:s6+$0x6760]  }
0x1ef: {  	v11 =	vld [tilespmem:s6+$0x6710]  }
0x1f0: {  	v12 =	vld [tilespmem:s6+$0x6730]  }
0x1f1: {  	v13 =	vld [tilespmem:s28+$0x6700]  }
0x1f2: {  	v14 =	vld [tilespmem:s29+$0x6710]  }
0x1f3: {  	v15 =	vld [tilespmem:s28+$0x6770]  }
0x1f4: {  	v16 =	vld [tilespmem:s29+$0x6730]  }
0x1f5: {  	v17 =	vld [tilespmem:s6+$0x6770]  }
0x1f6: {  	v18 =	vld [tilespmem:s29+$0x6760]  }
0x1f7: {  	v19 =	vld [tilespmem:s29+$0x6740];
	v11 =	vadd.f32 v11, v14  }
0x1f8: {  	v14 =	vld [tilespmem:s28+$0x6740]  }
0x1f9: {  	v20 =	vld [tilespmem:s29+$0x6770];
	v3 =	vadd.f32 v3, v11  }
0x1fa: {  	v12 =	vadd.f32 v12, v16;
	v11 =	vld [tilespmem:s29+$0x6750]  }
0x1fb: {  	v16 =	vld [tilespmem:s29+$0x6700];
	v10 =	vadd.f32 v10, v18  }
0x1fc: {  	v3 =	vmul.f32 $3.333333430e-01, v3;
	v9 =	vadd.f32 v9, v12;
	v18 =	vld [tilespmem:s29+$0x6720];
	v7 =	vadd.f32 v7, v19  }
0x1fd: {  	v12 =	vld [tilespmem:s28+$0x6750];
	v6 =	vadd.f32 v6, v10  }
0x1fe: {  	v10 =	vld [tilespmem:s28+$0x6720];
	v17 =	vadd.f32 v17, v20  }
0x1ff: {  	v7 =	vadd.f32 v14, v7;
	v6 =	vmul.f32 $3.333333430e-01, v6  }
0x200: {  	s6 =	sadd.s32 $0x17700, s31;
	v8 =	vadd.f32 v8, v11;
	v11 =	vadd.f32 v15, v17  }
0x201: {  	v4 =	vadd.f32 v4, v16;
	v7 =	vmul.f32 $3.333333430e-01, v7;
	v5 =	vadd.f32 v5, v18;
	[tilespmem:s6+$0x60] =	vst v6  }
0x202: {  	v6 =	vadd.f32 v12, v8;
	v8 =	vmul.f32 $3.333333430e-01, v11  }
0x203: {  	v4 =	vadd.f32 v13, v4;
	v5 =	vadd.f32 v10, v5;
	[tilespmem:s6+$0x40] =	vst v7  }
0x204: {  	v6 =	vmul.f32 $3.333333430e-01, v6;
	[tilespmem:s6+$0x70] =	vst v8  }
0x205: {  	v4 =	vmul.f32 $3.333333430e-01, v4;
	v5 =	vmul.f32 $3.333333430e-01, v5  }
0x206: {  	v7 =	vmul.f32 $3.333333430e-01, v9;
	[tilespmem:s6+$0x50] =	vst v6  }
0x207: {  	[tilespmem:s31+$0x17700] =	vst v4  }
0x208: {  	s8 =	sadd.s32 $0x200, s2;
	s28 =	sadd.s32 $0x100, s0;
	[tilespmem:s6+$0x30] =	vst v7  }
0x209: {  	s8 =	sand.u32 $0xF800, s8;
	s28 =	sand.u32 $0x380, s28;
	[tilespmem:s6+$0x10] =	vst v3  }
0x20a: {  	s28 =	sor.u32 s28, s8;
	[tilespmem:s6+$0x20] =	vst v5  }
0x20b: {  	s8 =	sand.u32 $0x380, s0;
	s6 =	sand.u32 $0x7800, s2;
	v4 =	vld [tilespmem:s28+$0x6360]  }
0x20c: {  	s29 =	sor.u32 s8, s6;
	v3 =	vld [tilespmem:s28+$0x6310]  }
0x20d: {  	s6 =	sadd.s32 $0x100, s2;
	s8 =	sadd.s32 $0x80, s0;
	v5 =	vld [tilespmem:s29+$0x6330]  }
0x20e: {  	s6 =	sand.u32 $0xF800, s6;
	s8 =	sand.u32 $0x380, s8;
	v6 =	vld [tilespmem:s29+$0x6310]  }
0x20f: {  	s6 =	sor.u32 s8, s6;
	v7 =	vld [tilespmem:s29+$0x6320]  }
0x210: {  	v8 =	vld [tilespmem:s29+$0x6300]  }
0x211: {  	v9 =	vld [tilespmem:s29+$0x6340]  }
0x212: {  	v10 =	vld [tilespmem:s6+$0x6350]  }
0x213: {  	v11 =	vld [tilespmem:s28+$0x6340]  }
0x214: {  	v12 =	vld [tilespmem:s29+$0x6350]  }
0x215: {  	v13 =	vld [tilespmem:s6+$0x6360]  }
0x216: {  	v14 =	vld [tilespmem:s29+$0x6360]  }
0x217: {  	v15 =	vld [tilespmem:s6+$0x6340]  }
0x218: {  	v16 =	vld [tilespmem:s6+$0x6310]  }
0x219: {  	v17 =	vld [tilespmem:s6+$0x6320]  }
0x21a: {  	v18 =	vld [tilespmem:s6+$0x6300]  }
0x21b: {  	v19 =	vld [tilespmem:s28+$0x6350];
	v13 =	vadd.f32 v13, v14  }
0x21c: {  	v14 =	vld [tilespmem:s28+$0x6300];
	v9 =	vadd.f32 v15, v9  }
0x21d: {  	s7 =	sshrl.u32 s7, $0x3;
	v15 =	vld [tilespmem:s6+$0x6330];
	v6 =	vadd.f32 v16, v6  }
0x21e: {  	s7 =	smul.u32 $0x5000, s7;
	v10 =	vadd.f32 v10, v12;
	v16 =	vld [tilespmem:s28+$0x6320];
	v9 =	vadd.f32 v11, v9  }
0x21f: {  	v11 =	vld [tilespmem:s28+$0x6330];
	v8 =	vadd.f32 v18, v8;
	v6 =	vadd.f32 v3, v6  }
0x220: {  	s7 =	sshra.s32 s7, $0x2;
	s8 =	sand.u32 $0x380, s26;
	v4 =	vadd.f32 v4, v13;
	v3 =	vld [tilespmem:s28+$0x6370];
	v9 =	vmul.f32 $3.333333430e-01, v9;
	v10 =	vadd.f32 v19, v10  }
0x221: {  	s31 =	sor.u32 s8, s7;
	v7 =	vadd.f32 v17, v7;
	v12 =	vld [tilespmem:s29+$0x6370];
	v8 =	vadd.f32 v14, v8;
	v6 =	vmul.f32 $3.333333430e-01, v6  }
0x222: {  	s8 =	sadd.s32 $0x17300, s31;
	v4 =	vmul.f32 $3.333333430e-01, v4;
	v13 =	vld [tilespmem:s6+$0x6370];
	v5 =	vadd.f32 v15, v5;
	v10 =	vmul.f32 $3.333333430e-01, v10  }
0x223: {  	v8 =	vmul.f32 $3.333333430e-01, v8;
	v7 =	vadd.f32 v16, v7;
	[tilespmem:s8+$0x40] =	vst v9  }
.Ltmp1:
0x224: {  	v5 =	vadd.f32 v11, v5;
	[tilespmem:s8+$0x50] =	vst v10;
	(pc) =	sbr.rel @p0 .LBB2_4-.Ltmp1, $4  }
0x225: {  	[tilespmem:s31+$0x17300] =	vst v8;
	v7 =	vmul.f32 $3.333333430e-01, v7  }
0x226: {  	[tilespmem:s8+$0x10] =	vst v6;
	v6 =	vmul.f32 $3.333333430e-01, v5  }
0x227: {  	[tilespmem:s8+$0x20] =	vst v7;
	v5 =	vadd.f32 v13, v12  }
0x228: {  	[tilespmem:s8+$0x30] =	vst v6  }
0x229: {  	v3 =	vadd.f32 v3, v5;
	_ =	sdelay $0x1  }
0x22a: {  	v3 =	vmul.f32 $3.333333430e-01, v3  }
0x22b: {  	[tilespmem:s8+$0x60] =	vst v4  }
0x22c: {  	[tilespmem:s8+$0x70] =	vst v3  }
0x22d: {  	v3 =	vld [tilespmem:s6+$0x6700]  }
0x22e: {  	v4 =	vld [tilespmem:s6+$0x6720]  }
0x22f: {  	v5 =	vld [tilespmem:s28+$0x6760]  }
0x230: {  	v6 =	vld [tilespmem:s6+$0x6740]  }
0x231: {  	v7 =	vld [tilespmem:s6+$0x6750]  }
0x232: {  	v9 =	vld [tilespmem:s6+$0x6760]  }
0x233: {  	v10 =	vld [tilespmem:s6+$0x6710]  }
0x234: {  	v11 =	vld [tilespmem:s6+$0x6730]  }
0x235: {  	v12 =	vld [tilespmem:s28+$0x6700]  }
0x236: {  	v13 =	vld [tilespmem:s28+$0x6770]  }
0x237: {  	v14 =	vld [tilespmem:s29+$0x6730]  }
0x238: {  	v15 =	vld [tilespmem:s6+$0x6770]  }
0x239: {  	v16 =	vld [tilespmem:s29+$0x6760]  }
0x23a: {  	v17 =	vld [tilespmem:s29+$0x6740]  }
0x23b: {  	v18 =	vld [tilespmem:s28+$0x6740]  }
0x23c: {  	v19 =	vld [tilespmem:s29+$0x6770]  }
0x23d: {  	v21 =	vld [tilespmem:s29+$0x6700]  }
0x23e: {  	v20 =	vld [tilespmem:s29+$0x6750]  }
0x23f: {  	v39 =	vld [tilespmem:s28+$0x6750]  }
0x240: {  	v42 =	vld [tilespmem:s29+$0x6720];
	v9 =	vadd.f32 v9, v16  }
0x241: {  	v40 =	vld [tilespmem:s29+$0x6710];
	v6 =	vadd.f32 v6, v17  }
0x242: {  	v44 =	vld [tilespmem:s28+$0x6720];
	v3 =	vadd.f32 v3, v21;
	v5 =	vadd.f32 v5, v9  }
0x243: {  	v8 =	vld [tilespmem:s28+$0x6730];
	v41 =	vadd.f32 v15, v19;
	v6 =	vadd.f32 v18, v6  }
0x244: {  	v43 =	vld [tilespmem:s28+$0x6710];
	v7 =	vadd.f32 v7, v20;
	v3 =	vadd.f32 v12, v3;
	v5 =	vmul.f32 $3.333333430e-01, v5  }
0x245: {  	s0 =	sadd.s32 $0x17700, s31;
	v4 =	vadd.f32 v4, v42;
	v9 =	vadd.f32 v13, v41;
	v6 =	vmul.f32 $3.333333430e-01, v6  }
0x246: {  	v11 =	vadd.f32 v11, v14;
	v7 =	vadd.f32 v39, v7;
	v3 =	vmul.f32 $3.333333430e-01, v3;
	[tilespmem:s0+$0x60] =	vst v5  }
0x247: {  	v10 =	vadd.f32 v10, v40;
	v4 =	vadd.f32 v44, v4;
	v5 =	vmul.f32 $3.333333430e-01, v9;
	[tilespmem:s0+$0x40] =	vst v6  }
0x248: {  	v8 =	vadd.f32 v8, v11;
	v6 =	vmul.f32 $3.333333430e-01, v7;
	[tilespmem:s31+$0x17700] =	vst v3  }
0x249: {  	v7 =	vadd.f32 v43, v10;
	v3 =	vmul.f32 $3.333333430e-01, v4;
	[tilespmem:s0+$0x70] =	vst v5  }
0x24a: {  	v5 =	vmul.f32 $3.333333430e-01, v8;
	[tilespmem:s0+$0x50] =	vst v6  }
0x24b: {  	v6 =	vmul.f32 $3.333333430e-01, v7;
	[tilespmem:s0+$0x20] =	vst v3  }
0x24c: {  	[tilespmem:s0+$0x30] =	vst v5  }
0x24d: {  	s26 =	simm.s32 $0x0;
	s8 =	rddreg [dreg:$0x6];
	[tilespmem:s0+$0x10] =	vst v6  }
0x24e: {  	[hbm4b:s8+s26] =	stream.linear.scatter [tilespmem:s23], [sflag:$0x5], $0x5000, $0x38;
	[tilespmem:$0x1C300] =	vst v63  }
0x24f: {  	v3 =	vld [tilespmem:$0x180];
	_ =	sdelay $0x4  }
0x250: {  	v4 =	vshll.u32 v3, $0x1  }
0x251: {  	v3 =	vand.u32 $0x7, v3;
	v4 =	vand.u32 $0xFFFFFFF0, v4  }
0x252: {  	v3 =	vor.u32 v3, v4  }
0x253: {  	v4 =	vperm.xlane v3, v0;
	_ =	sdelay $0x1  }
0x254: {  	v3 =	vperm.xlane v3, v2;
	v4 =	vadd.s32 v1, v4;
	_ =	sdelay $0x1  }
0x255: {  	v3 =	vadd.s32 v1, v3;
	_ =	sdelay $0x1  }
0x256: {  	s2 =	simm.s32 $0x6300  }
0x257: {  	[tilespmem:s2], [sflag:$0x2] =	stream.indirect_vreg.gather [hbm4b:s1+s26], $0x80, v4, vm0, $0xb8;
	[tilespmem:$0x1C300] =	vst v63  }
0x258: {  	s6 =	simm.s32 $0x6B00  }
0x259: {  	[tilespmem:s6], [sflag:$0x2] =	stream.indirect_vreg.gather [hbm4b:s1+s26], $0x80, v3, vm0, $0xb8;
	[tilespmem:$0x1C300] =	vst v63  }
0x25a: {  	v3 =	vld [tilespmem:$0x190];
	_ =	sdelay $0x4  }
0x25b: {  	v4 =	vshll.u32 v3, $0x1  }
0x25c: {  	v3 =	vand.u32 $0x7, v3;
	v4 =	vand.u32 $0xFFFFFFF0, v4  }
0x25d: {  	v3 =	vor.u32 v3, v4  }
0x25e: {  	v4 =	vperm.xlane v3, v0;
	_ =	sdelay $0x1  }
0x25f: {  	v3 =	vperm.xlane v3, v2;
	v4 =	vadd.s32 v1, v4;
	_ =	sdelay $0x1  }
0x260: {  	v3 =	vadd.s32 v1, v3;
	_ =	sdelay $0x1  }
0x261: {  	s7 =	simm.s32 $0x7300  }
0x262: {  	[tilespmem:s7], [sflag:$0x2] =	stream.indirect_vreg.gather [hbm4b:s1+s26], $0x80, v4, vm0, $0xb8;
	[tilespmem:$0x1C300] =	vst v63  }
0x263: {  	s8 =	simm.s32 $0x7B00  }
0x264: {  	[tilespmem:s8], [sflag:$0x2] =	stream.indirect_vreg.gather [hbm4b:s1+s26], $0x80, v3, vm0, $0xb8;
	[tilespmem:$0x1C300] =	vst v63  }
0x265: {  	v3 =	vld [tilespmem:$0x1A0];
	_ =	sdelay $0x4  }
0x266: {  	v4 =	vshll.u32 v3, $0x1  }
0x267: {  	v3 =	vand.u32 $0x7, v3;
	v4 =	vand.u32 $0xFFFFFFF0, v4  }
0x268: {  	v3 =	vor.u32 v3, v4  }
0x269: {  	v4 =	vperm.xlane v3, v0;
	_ =	sdelay $0x1  }
0x26a: {  	v3 =	vperm.xlane v3, v2;
	v4 =	vadd.s32 v1, v4;
	_ =	sdelay $0x1  }
0x26b: {  	v3 =	vadd.s32 v1, v3;
	_ =	sdelay $0x1  }
0x26c: {  	s2 =	simm.s32 $0x8300  }
0x26d: {  	[tilespmem:s2], [sflag:$0x2] =	stream.indirect_vreg.gather [hbm4b:s1+s26], $0x80, v4, vm0, $0xb8;
	[tilespmem:$0x1C300] =	vst v63  }
0x26e: {  	_ = 	snop  }
0x26f: {  	[tilespmem:s9], [sflag:$0x2] =	stream.indirect_vreg.gather [hbm4b:s1+s26], $0x80, v3, vm0, $0xb8;
	[tilespmem:$0x1C300] =	vst v63  }
0x270: {  	v3 =	vld [tilespmem:$0x1B0];
	_ =	sdelay $0x4  }
0x271: {  	v4 =	vshll.u32 v3, $0x1  }
0x272: {  	v3 =	vand.u32 $0x7, v3;
	v4 =	vand.u32 $0xFFFFFFF0, v4  }
0x273: {  	v3 =	vor.u32 v3, v4  }
0x274: {  	v4 =	vperm.xlane v3, v0;
	_ =	sdelay $0x1  }
0x275: {  	v3 =	vperm.xlane v3, v2;
	v4 =	vadd.s32 v1, v4;
	_ =	sdelay $0x1  }
0x276: {  	v3 =	vadd.s32 v1, v3;
	_ =	sdelay $0x2  }
0x277: {  	[tilespmem:s10], [sflag:$0x2] =	stream.indirect_vreg.gather [hbm4b:s1+s26], $0x80, v4, vm0, $0xb8;
	[tilespmem:$0x1C300] =	vst v63  }
0x278: {  	_ = 	snop  }
0x279: {  	[tilespmem:s11], [sflag:$0x2] =	stream.indirect_vreg.gather [hbm4b:s1+s26], $0x80, v3, vm0, $0xb8;
	[tilespmem:$0x1C300] =	vst v63  }
0x27a: {  	v3 =	vld [tilespmem:$0x1C0];
	_ =	sdelay $0x4  }
0x27b: {  	v4 =	vshll.u32 v3, $0x1  }
0x27c: {  	v3 =	vand.u32 $0x7, v3;
	v4 =	vand.u32 $0xFFFFFFF0, v4  }
0x27d: {  	v3 =	vor.u32 v3, v4  }
0x27e: {  	v4 =	vperm.xlane v3, v0;
	_ =	sdelay $0x1  }
0x27f: {  	v3 =	vperm.xlane v3, v2;
	v4 =	vadd.s32 v1, v4;
	_ =	sdelay $0x1  }
0x280: {  	v3 =	vadd.s32 v1, v3;
	_ =	sdelay $0x2  }
0x281: {  	[tilespmem:s12], [sflag:$0x2] =	stream.indirect_vreg.gather [hbm4b:s1+s26], $0x80, v4, vm0, $0xb8;
	[tilespmem:$0x1C300] =	vst v63  }
0x282: {  	_ = 	snop  }
0x283: {  	[tilespmem:s13], [sflag:$0x2] =	stream.indirect_vreg.gather [hbm4b:s1+s26], $0x80, v3, vm0, $0xb8;
	[tilespmem:$0x1C300] =	vst v63  }
0x284: {  	v3 =	vld [tilespmem:$0x1D0];
	_ =	sdelay $0x4  }
0x285: {  	v4 =	vshll.u32 v3, $0x1  }
0x286: {  	v3 =	vand.u32 $0x7, v3;
	v4 =	vand.u32 $0xFFFFFFF0, v4  }
0x287: {  	v3 =	vor.u32 v3, v4  }
0x288: {  	v4 =	vperm.xlane v3, v0;
	_ =	sdelay $0x1  }
0x289: {  	v3 =	vperm.xlane v3, v2;
	v4 =	vadd.s32 v1, v4;
	_ =	sdelay $0x1  }
0x28a: {  	v3 =	vadd.s32 v1, v3;
	_ =	sdelay $0x2  }
0x28b: {  	[tilespmem:s14], [sflag:$0x2] =	stream.indirect_vreg.gather [hbm4b:s1+s26], $0x80, v4, vm0, $0xb8;
	[tilespmem:$0x1C300] =	vst v63  }
0x28c: {  	_ = 	snop  }
0x28d: {  	[tilespmem:s5], [sflag:$0x2] =	stream.indirect_vreg.gather [hbm4b:s1+s26], $0x80, v3, vm0, $0xb8;
	[tilespmem:$0x1C300] =	vst v63  }
0x28e: {  	_ =	swait.ge [sflag:s24], $0x6000  }
0x28f: {  	[sflag:s24] =	ssyncset.done $0x0  }
0x290: {  	s6 =	simm.s32 $0x200;
	[sflag:s24] =	ssyncadd.s32 $0xFFFFA000  }
0x291: {  	s0 =	sand.u32 $0xF800, s6;
	s2 =	simm.s32 $0x100;
	_ =	swait.ge [sflag:s19], $0x5000  }
0x292: {  	s8 =	sand.u32 $0x7800, s26;
	s7 =	sand.u32 $0x380, s2;
	[sflag:s19] =	ssyncset.done $0x0  }
0x293: {  	s28 =	sor.u32 s7, s0;
	s7 =	sand.u32 $0x380, s26;
	[sflag:s19] =	ssyncadd.s32 $0xFFFFB000  }
0x294: {  	s29 =	sor.u32 s7, s8;
	v5 =	vld [tilespmem:s28+$0xC310]  }
0x295: {  	v6 =	vld [tilespmem:s29+$0xC330]  }
0x296: {  	v3 =	vld [tilespmem:s29+$0xC310]  }
0x297: {  	s6 =	simm.s32 $0x80;
	v7 =	vld [tilespmem:s29+$0xC320]  }
0x298: {  	s2 =	sand.u32 $0xF800, s2;
	s0 =	sand.u32 $0x380, s6;
	v45 =	vld [tilespmem:s29+$0xC300]  }
0x299: {  	s6 =	sor.u32 s0, s2;
	v46 =	vld [tilespmem:s29+$0xC340]  }
0x29a: {  	v47 =	vld [tilespmem:s6+$0xC350]  }
0x29b: {  	v48 =	vld [tilespmem:s28+$0xC340]  }
0x29c: {  	v49 =	vld [tilespmem:s29+$0xC350]  }
0x29d: {  	v50 =	vld [tilespmem:s6+$0xC360]  }
0x29e: {  	v51 =	vld [tilespmem:s29+$0xC360]  }
0x29f: {  	v52 =	vld [tilespmem:s6+$0xC340]  }
0x2a0: {  	v53 =	vld [tilespmem:s6+$0xC310]  }
0x2a1: {  	v54 =	vld [tilespmem:s6+$0xC320]  }
0x2a2: {  	v55 =	vld [tilespmem:s6+$0xC300]  }
0x2a3: {  	v56 =	vld [tilespmem:s28+$0xC350]  }
0x2a4: {  	v57 =	vld [tilespmem:s28+$0xC300]  }
0x2a5: {  	s8 =	simm.s32 $0x0;
	v58 =	vld [tilespmem:s6+$0xC330];
	v9 =	vadd.f32 v52, v46  }
0x2a6: {  	s0 =	smul.u32 $0x5000, s8;
	v59 =	vld [tilespmem:s28+$0xC320];
	v10 =	vadd.f32 v47, v49  }
0x2a7: {  	v60 =	vld [tilespmem:s28+$0xC330];
	v8 =	vadd.f32 v55, v45;
	v9 =	vadd.f32 v48, v9  }
0x2a8: {  	s0 =	sshra.s32 s0, $0x2;
	v4 =	vld [tilespmem:s28+$0xC360];
	v16 =	vadd.f32 v53, v3;
	v10 =	vadd.f32 v56, v10  }
0x2a9: {  	s31 =	sor.u32 s7, s0;
	v61 =	vld [tilespmem:s29+$0xC370];
	v7 =	vadd.f32 v54, v7;
	v8 =	vadd.f32 v57, v8;
	v9 =	vmul.f32 $3.333333430e-01, v9  }
0x2aa: {  	s8 =	sadd.s32 $0x12300, s31;
	v62 =	vld [tilespmem:s6+$0xC370];
	v6 =	vadd.f32 v58, v6;
	v5 =	vadd.f32 v5, v16;
	v10 =	vmul.f32 $3.333333430e-01, v10  }
0x2ab: {  	v3 =	vld [tilespmem:s28+$0xC370];
	v63 =	vadd.f32 v50, v51;
	v7 =	vadd.f32 v59, v7;
	v8 =	vmul.f32 $3.333333430e-01, v8;
	[tilespmem:s8+$0x40] =	vst v9  }
0x2ac: {  	v6 =	vadd.f32 v60, v6;
	v5 =	vmul.f32 $3.333333430e-01, v5;
	[tilespmem:s8+$0x50] =	vst v10  }
0x2ad: {  	v4 =	vadd.f32 v4, v63;
	v7 =	vmul.f32 $3.333333430e-01, v7;
	[tilespmem:s31+$0x12300] =	vst v8  }
0x2ae: {  	v6 =	vmul.f32 $3.333333430e-01, v6;
	[tilespmem:s8+$0x10] =	vst v5  }
0x2af: {  	v4 =	vmul.f32 $3.333333430e-01, v4;
	[tilespmem:s8+$0x20] =	vst v7;
	v5 =	vadd.f32 v62, v61  }
0x2b0: {  	s30 =	simm.s32 $0x1;
	s2 =	simm.s32 $0x0;
	s0 =	simm.s32 $0x0;
	[tilespmem:s8+$0x30] =	vst v6  }
.LBB2_6:
0x2b1: {  	[tilespmem:s8+$0x60] =	vst v4;
	v3 =	vadd.f32 v3, v5;
	s26 =	sadd.s32 $0x80, s26;
	s0 =	sadd.s32 $0x180, s0;
	s2 =	sadd.s32 $0x300, s2  }
0x2b2: {  	p0 =	sne.s32 s30, $0x1F;
	s7 =	smov.u32 s30;
	s30 =	sadd.s32 $0x1, s30  }
0x2b3: {  	v3 =	vmul.f32 $3.333333430e-01, v3;
	_ =	sdelay $0x1  }
0x2b4: {  	[tilespmem:s8+$0x70] =	vst v3  }
0x2b5: {  	v3 =	vld [tilespmem:s28+$0xC710]  }
0x2b6: {  	v4 =	vld [tilespmem:s6+$0xC700]  }
0x2b7: {  	v5 =	vld [tilespmem:s6+$0xC720]  }
0x2b8: {  	v6 =	vld [tilespmem:s28+$0xC760]  }
0x2b9: {  	v7 =	vld [tilespmem:s6+$0xC740]  }
0x2ba: {  	v8 =	vld [tilespmem:s6+$0xC750]  }
0x2bb: {  	v9 =	vld [tilespmem:s28+$0xC730]  }
0x2bc: {  	v10 =	vld [tilespmem:s6+$0xC760]  }
0x2bd: {  	v11 =	vld [tilespmem:s6+$0xC710]  }
0x2be: {  	v12 =	vld [tilespmem:s6+$0xC730]  }
0x2bf: {  	v13 =	vld [tilespmem:s28+$0xC700]  }
0x2c0: {  	v14 =	vld [tilespmem:s29+$0xC710]  }
0x2c1: {  	v15 =	vld [tilespmem:s28+$0xC770]  }
0x2c2: {  	v16 =	vld [tilespmem:s29+$0xC730]  }
0x2c3: {  	v17 =	vld [tilespmem:s6+$0xC770]  }
0x2c4: {  	v18 =	vld [tilespmem:s29+$0xC760]  }
0x2c5: {  	v19 =	vld [tilespmem:s29+$0xC740];
	v11 =	vadd.f32 v11, v14  }
0x2c6: {  	v14 =	vld [tilespmem:s28+$0xC740]  }
0x2c7: {  	v20 =	vld [tilespmem:s29+$0xC770];
	v3 =	vadd.f32 v3, v11  }
0x2c8: {  	v12 =	vadd.f32 v12, v16;
	v11 =	vld [tilespmem:s29+$0xC750]  }
0x2c9: {  	v16 =	vld [tilespmem:s29+$0xC700];
	v10 =	vadd.f32 v10, v18  }
0x2ca: {  	v3 =	vmul.f32 $3.333333430e-01, v3;
	v9 =	vadd.f32 v9, v12;
	v18 =	vld [tilespmem:s29+$0xC720];
	v7 =	vadd.f32 v7, v19  }
0x2cb: {  	v12 =	vld [tilespmem:s28+$0xC750];
	v6 =	vadd.f32 v6, v10  }
0x2cc: {  	v10 =	vld [tilespmem:s28+$0xC720];
	v17 =	vadd.f32 v17, v20  }
0x2cd: {  	v7 =	vadd.f32 v14, v7;
	v6 =	vmul.f32 $3.333333430e-01, v6  }
0x2ce: {  	s6 =	sadd.s32 $0x12700, s31;
	v8 =	vadd.f32 v8, v11;
	v11 =	vadd.f32 v15, v17  }
0x2cf: {  	v4 =	vadd.f32 v4, v16;
	v7 =	vmul.f32 $3.333333430e-01, v7;
	v5 =	vadd.f32 v5, v18;
	[tilespmem:s6+$0x60] =	vst v6  }
0x2d0: {  	v6 =	vadd.f32 v12, v8;
	v8 =	vmul.f32 $3.333333430e-01, v11  }
0x2d1: {  	v4 =	vadd.f32 v13, v4;
	v5 =	vadd.f32 v10, v5;
	[tilespmem:s6+$0x40] =	vst v7  }
0x2d2: {  	v6 =	vmul.f32 $3.333333430e-01, v6;
	[tilespmem:s6+$0x70] =	vst v8  }
0x2d3: {  	v4 =	vmul.f32 $3.333333430e-01, v4;
	v5 =	vmul.f32 $3.333333430e-01, v5  }
0x2d4: {  	v7 =	vmul.f32 $3.333333430e-01, v9;
	[tilespmem:s6+$0x50] =	vst v6  }
0x2d5: {  	[tilespmem:s31+$0x12700] =	vst v4  }
0x2d6: {  	s8 =	sadd.s32 $0x200, s2;
	s28 =	sadd.s32 $0x100, s0;
	[tilespmem:s6+$0x30] =	vst v7  }
0x2d7: {  	s8 =	sand.u32 $0xF800, s8;
	s28 =	sand.u32 $0x380, s28;
	[tilespmem:s6+$0x10] =	vst v3  }
0x2d8: {  	s28 =	sor.u32 s28, s8;
	[tilespmem:s6+$0x20] =	vst v5  }
0x2d9: {  	s8 =	sand.u32 $0x380, s0;
	s6 =	sand.u32 $0x7800, s2;
	v4 =	vld [tilespmem:s28+$0xC360]  }
0x2da: {  	s29 =	sor.u32 s8, s6;
	v3 =	vld [tilespmem:s28+$0xC310]  }
0x2db: {  	s6 =	sadd.s32 $0x100, s2;
	s8 =	sadd.s32 $0x80, s0;
	v5 =	vld [tilespmem:s29+$0xC330]  }
0x2dc: {  	s6 =	sand.u32 $0xF800, s6;
	s8 =	sand.u32 $0x380, s8;
	v6 =	vld [tilespmem:s29+$0xC310]  }
0x2dd: {  	s6 =	sor.u32 s8, s6;
	v7 =	vld [tilespmem:s29+$0xC320]  }
0x2de: {  	v8 =	vld [tilespmem:s29+$0xC300]  }
0x2df: {  	v9 =	vld [tilespmem:s29+$0xC340]  }
0x2e0: {  	v10 =	vld [tilespmem:s6+$0xC350]  }
0x2e1: {  	v11 =	vld [tilespmem:s28+$0xC340]  }
0x2e2: {  	v12 =	vld [tilespmem:s29+$0xC350]  }
0x2e3: {  	v13 =	vld [tilespmem:s6+$0xC360]  }
0x2e4: {  	v14 =	vld [tilespmem:s29+$0xC360]  }
0x2e5: {  	v15 =	vld [tilespmem:s6+$0xC340]  }
0x2e6: {  	v16 =	vld [tilespmem:s6+$0xC310]  }
0x2e7: {  	v17 =	vld [tilespmem:s6+$0xC320]  }
0x2e8: {  	v18 =	vld [tilespmem:s6+$0xC300]  }
0x2e9: {  	v19 =	vld [tilespmem:s28+$0xC350];
	v13 =	vadd.f32 v13, v14  }
0x2ea: {  	v14 =	vld [tilespmem:s28+$0xC300];
	v9 =	vadd.f32 v15, v9  }
0x2eb: {  	s7 =	sshrl.u32 s7, $0x3;
	v15 =	vld [tilespmem:s6+$0xC330];
	v6 =	vadd.f32 v16, v6  }
0x2ec: {  	s7 =	smul.u32 $0x5000, s7;
	v10 =	vadd.f32 v10, v12;
	v16 =	vld [tilespmem:s28+$0xC320];
	v9 =	vadd.f32 v11, v9  }
0x2ed: {  	v11 =	vld [tilespmem:s28+$0xC330];
	v8 =	vadd.f32 v18, v8;
	v6 =	vadd.f32 v3, v6  }
0x2ee: {  	s7 =	sshra.s32 s7, $0x2;
	s8 =	sand.u32 $0x380, s26;
	v4 =	vadd.f32 v4, v13;
	v3 =	vld [tilespmem:s28+$0xC370];
	v9 =	vmul.f32 $3.333333430e-01, v9;
	v10 =	vadd.f32 v19, v10  }
0x2ef: {  	s31 =	sor.u32 s8, s7;
	v7 =	vadd.f32 v17, v7;
	v12 =	vld [tilespmem:s29+$0xC370];
	v8 =	vadd.f32 v14, v8;
	v6 =	vmul.f32 $3.333333430e-01, v6  }
0x2f0: {  	s8 =	sadd.s32 $0x12300, s31;
	v4 =	vmul.f32 $3.333333430e-01, v4;
	v13 =	vld [tilespmem:s6+$0xC370];
	v5 =	vadd.f32 v15, v5;
	v10 =	vmul.f32 $3.333333430e-01, v10  }
0x2f1: {  	v8 =	vmul.f32 $3.333333430e-01, v8;
	v7 =	vadd.f32 v16, v7;
	[tilespmem:s8+$0x40] =	vst v9  }
.Ltmp2:
0x2f2: {  	v5 =	vadd.f32 v11, v5;
	[tilespmem:s8+$0x50] =	vst v10;
	(pc) =	sbr.rel @p0 .LBB2_6-.Ltmp2, $4  }
0x2f3: {  	[tilespmem:s31+$0x12300] =	vst v8;
	v7 =	vmul.f32 $3.333333430e-01, v7  }
0x2f4: {  	[tilespmem:s8+$0x10] =	vst v6;
	v6 =	vmul.f32 $3.333333430e-01, v5  }
0x2f5: {  	[tilespmem:s8+$0x20] =	vst v7;
	v5 =	vadd.f32 v13, v12  }
0x2f6: {  	[tilespmem:s8+$0x30] =	vst v6  }
0x2f7: {  	v3 =	vadd.f32 v3, v5;
	_ =	sdelay $0x1  }
0x2f8: {  	v3 =	vmul.f32 $3.333333430e-01, v3  }
0x2f9: {  	[tilespmem:s8+$0x60] =	vst v4  }
0x2fa: {  	[tilespmem:s8+$0x70] =	vst v3  }
0x2fb: {  	v3 =	vld [tilespmem:s6+$0xC700]  }
0x2fc: {  	v4 =	vld [tilespmem:s6+$0xC720]  }
0x2fd: {  	v5 =	vld [tilespmem:s28+$0xC760]  }
0x2fe: {  	v6 =	vld [tilespmem:s6+$0xC740]  }
0x2ff: {  	v7 =	vld [tilespmem:s6+$0xC750]  }
0x300: {  	v9 =	vld [tilespmem:s6+$0xC760]  }
0x301: {  	v10 =	vld [tilespmem:s6+$0xC710]  }
0x302: {  	v11 =	vld [tilespmem:s6+$0xC730]  }
0x303: {  	v12 =	vld [tilespmem:s28+$0xC700]  }
0x304: {  	v13 =	vld [tilespmem:s28+$0xC770]  }
0x305: {  	v14 =	vld [tilespmem:s29+$0xC730]  }
0x306: {  	v15 =	vld [tilespmem:s6+$0xC770]  }
0x307: {  	v16 =	vld [tilespmem:s29+$0xC760]  }
0x308: {  	v17 =	vld [tilespmem:s29+$0xC740]  }
0x309: {  	v18 =	vld [tilespmem:s28+$0xC740]  }
0x30a: {  	v19 =	vld [tilespmem:s29+$0xC770]  }
0x30b: {  	v21 =	vld [tilespmem:s29+$0xC700]  }
0x30c: {  	v20 =	vld [tilespmem:s29+$0xC750]  }
0x30d: {  	v39 =	vld [tilespmem:s28+$0xC750]  }
0x30e: {  	v42 =	vld [tilespmem:s29+$0xC720];
	v9 =	vadd.f32 v9, v16  }
0x30f: {  	v40 =	vld [tilespmem:s29+$0xC710];
	v6 =	vadd.f32 v6, v17  }
0x310: {  	v44 =	vld [tilespmem:s28+$0xC720];
	v3 =	vadd.f32 v3, v21;
	v5 =	vadd.f32 v5, v9  }
0x311: {  	v8 =	vld [tilespmem:s28+$0xC730];
	v41 =	vadd.f32 v15, v19;
	v6 =	vadd.f32 v18, v6  }
0x312: {  	v43 =	vld [tilespmem:s28+$0xC710];
	v7 =	vadd.f32 v7, v20;
	v3 =	vadd.f32 v12, v3;
	v5 =	vmul.f32 $3.333333430e-01, v5  }
0x313: {  	s0 =	sadd.s32 $0x12700, s31;
	v4 =	vadd.f32 v4, v42;
	v9 =	vadd.f32 v13, v41;
	v6 =	vmul.f32 $3.333333430e-01, v6  }
0x314: {  	v11 =	vadd.f32 v11, v14;
	v7 =	vadd.f32 v39, v7;
	v3 =	vmul.f32 $3.333333430e-01, v3;
	[tilespmem:s0+$0x60] =	vst v5  }
0x315: {  	v10 =	vadd.f32 v10, v40;
	v4 =	vadd.f32 v44, v4;
	v5 =	vmul.f32 $3.333333430e-01, v9;
	[tilespmem:s0+$0x40] =	vst v6  }
0x316: {  	v8 =	vadd.f32 v8, v11;
	v6 =	vmul.f32 $3.333333430e-01, v7;
	[tilespmem:s31+$0x12700] =	vst v3  }
0x317: {  	v7 =	vadd.f32 v43, v10;
	v3 =	vmul.f32 $3.333333430e-01, v4;
	[tilespmem:s0+$0x70] =	vst v5  }
0x318: {  	v5 =	vmul.f32 $3.333333430e-01, v8;
	[tilespmem:s0+$0x50] =	vst v6  }
0x319: {  	v6 =	vmul.f32 $3.333333430e-01, v7;
	[tilespmem:s0+$0x20] =	vst v3  }
0x31a: {  	[tilespmem:s0+$0x30] =	vst v5  }
0x31b: {  	s26 =	simm.s32 $0x0;
	s2 =	rddreg [dreg:$0x7];
	[tilespmem:s0+$0x10] =	vst v6  }
0x31c: {  	[hbm4b:s2+s26] =	stream.linear.scatter [tilespmem:s20], [sflag:$0x4], $0x5000, $0x38;
	[tilespmem:$0x1C300] =	vst v63  }
0x31d: {  	v3 =	vld [tilespmem:$0x1E0];
	_ =	sdelay $0x4  }
0x31e: {  	v4 =	vshll.u32 v3, $0x1  }
0x31f: {  	v3 =	vand.u32 $0x7, v3;
	v4 =	vand.u32 $0xFFFFFFF0, v4  }
0x320: {  	v3 =	vor.u32 v3, v4  }
0x321: {  	v4 =	vperm.xlane v3, v0;
	_ =	sdelay $0x1  }
0x322: {  	v3 =	vperm.xlane v3, v2;
	v4 =	vadd.s32 v1, v4;
	_ =	sdelay $0x1  }
0x323: {  	v3 =	vadd.s32 v1, v3;
	_ =	sdelay $0x1  }
0x324: {  	s6 =	simm.s32 $0xC300  }
0x325: {  	[tilespmem:s6], [sflag:$0x3] =	stream.indirect_vreg.gather [hbm4b:s1+s26], $0x80, v4, vm0, $0xb8;
	[tilespmem:$0x1C300] =	vst v63  }
0x326: {  	s7 =	simm.s32 $0xCB00  }
0x327: {  	[tilespmem:s7], [sflag:$0x3] =	stream.indirect_vreg.gather [hbm4b:s1+s26], $0x80, v3, vm0, $0xb8;
	[tilespmem:$0x1C300] =	vst v63  }
0x328: {  	v3 =	vld [tilespmem:$0x1F0];
	_ =	sdelay $0x4  }
0x329: {  	v4 =	vshll.u32 v3, $0x1  }
0x32a: {  	v3 =	vand.u32 $0x7, v3;
	v4 =	vand.u32 $0xFFFFFFF0, v4  }
0x32b: {  	v3 =	vor.u32 v3, v4  }
0x32c: {  	v4 =	vperm.xlane v3, v0;
	_ =	sdelay $0x1  }
0x32d: {  	v3 =	vperm.xlane v3, v2;
	v4 =	vadd.s32 v1, v4;
	_ =	sdelay $0x1  }
0x32e: {  	v3 =	vadd.s32 v1, v3;
	_ =	sdelay $0x1  }
0x32f: {  	s8 =	simm.s32 $0xD300  }
0x330: {  	[tilespmem:s8], [sflag:$0x3] =	stream.indirect_vreg.gather [hbm4b:s1+s26], $0x80, v4, vm0, $0xb8;
	[tilespmem:$0x1C300] =	vst v63  }
0x331: {  	s2 =	simm.s32 $0xDB00  }
0x332: {  	[tilespmem:s2], [sflag:$0x3] =	stream.indirect_vreg.gather [hbm4b:s1+s26], $0x80, v3, vm0, $0xb8;
	[tilespmem:$0x1C300] =	vst v63  }
0x333: {  	v3 =	vld [tilespmem:$0x200];
	_ =	sdelay $0x4  }
0x334: {  	v4 =	vshll.u32 v3, $0x1  }
0x335: {  	v3 =	vand.u32 $0x7, v3;
	v4 =	vand.u32 $0xFFFFFFF0, v4  }
0x336: {  	v3 =	vor.u32 v3, v4  }
0x337: {  	v4 =	vperm.xlane v3, v0;
	_ =	sdelay $0x1  }
0x338: {  	v3 =	vperm.xlane v3, v2;
	v4 =	vadd.s32 v1, v4;
	_ =	sdelay $0x1  }
0x339: {  	v3 =	vadd.s32 v1, v3;
	_ =	sdelay $0x1  }
0x33a: {  	s6 =	simm.s32 $0xE300  }
0x33b: {  	[tilespmem:s6], [sflag:$0x3] =	stream.indirect_vreg.gather [hbm4b:s1+s26], $0x80, v4, vm0, $0xb8;
	[tilespmem:$0x1C300] =	vst v63  }
0x33c: {  	s7 =	simm.s32 $0xEB00  }
0x33d: {  	[tilespmem:s7], [sflag:$0x3] =	stream.indirect_vreg.gather [hbm4b:s1+s26], $0x80, v3, vm0, $0xb8;
	[tilespmem:$0x1C300] =	vst v63  }
0x33e: {  	v3 =	vld [tilespmem:$0x210];
	_ =	sdelay $0x4  }
0x33f: {  	v4 =	vshll.u32 v3, $0x1  }
0x340: {  	v3 =	vand.u32 $0x7, v3;
	v4 =	vand.u32 $0xFFFFFFF0, v4  }
0x341: {  	v3 =	vor.u32 v3, v4  }
0x342: {  	v4 =	vperm.xlane v3, v0;
	_ =	sdelay $0x1  }
0x343: {  	v3 =	vperm.xlane v3, v2;
	v4 =	vadd.s32 v1, v4;
	_ =	sdelay $0x1  }
0x344: {  	v3 =	vadd.s32 v1, v3;
	_ =	sdelay $0x1  }
0x345: {  	s8 =	simm.s32 $0xF300  }
0x346: {  	[tilespmem:s8], [sflag:$0x3] =	stream.indirect_vreg.gather [hbm4b:s1+s26], $0x80, v4, vm0, $0xb8;
	[tilespmem:$0x1C300] =	vst v63  }
0x347: {  	s2 =	simm.s32 $0xFB00  }
0x348: {  	[tilespmem:s2], [sflag:$0x3] =	stream.indirect_vreg.gather [hbm4b:s1+s26], $0x80, v3, vm0, $0xb8;
	[tilespmem:$0x1C300] =	vst v63  }
0x349: {  	v3 =	vld [tilespmem:$0x220];
	_ =	sdelay $0x4  }
0x34a: {  	v4 =	vshll.u32 v3, $0x1  }
0x34b: {  	v3 =	vand.u32 $0x7, v3;
	v4 =	vand.u32 $0xFFFFFFF0, v4  }
0x34c: {  	v3 =	vor.u32 v3, v4  }
0x34d: {  	v4 =	vperm.xlane v3, v0;
	_ =	sdelay $0x1  }
0x34e: {  	v3 =	vperm.xlane v3, v2;
	v4 =	vadd.s32 v1, v4;
	_ =	sdelay $0x1  }
0x34f: {  	v3 =	vadd.s32 v1, v3;
	_ =	sdelay $0x1  }
0x350: {  	s6 =	simm.s32 $0x10300  }
0x351: {  	[tilespmem:s6], [sflag:$0x3] =	stream.indirect_vreg.gather [hbm4b:s1+s26], $0x80, v4, vm0, $0xb8;
	[tilespmem:$0x1C300] =	vst v63  }
0x352: {  	s7 =	simm.s32 $0x10B00  }
0x353: {  	[tilespmem:s7], [sflag:$0x3] =	stream.indirect_vreg.gather [hbm4b:s1+s26], $0x80, v3, vm0, $0xb8;
	[tilespmem:$0x1C300] =	vst v63  }
0x354: {  	v3 =	vld [tilespmem:$0x230];
	_ =	sdelay $0x4  }
0x355: {  	v4 =	vshll.u32 v3, $0x1  }
0x356: {  	v3 =	vand.u32 $0x7, v3;
	v4 =	vand.u32 $0xFFFFFFF0, v4  }
0x357: {  	v3 =	vor.u32 v3, v4  }
0x358: {  	v4 =	vperm.xlane v3, v0;
	_ =	sdelay $0x1  }
0x359: {  	v3 =	vperm.xlane v3, v2;
	v4 =	vadd.s32 v1, v4;
	_ =	sdelay $0x1  }
0x35a: {  	v3 =	vadd.s32 v1, v3;
	_ =	sdelay $0x1  }
0x35b: {  	s8 =	simm.s32 $0x11300  }
0x35c: {  	[tilespmem:s8], [sflag:$0x3] =	stream.indirect_vreg.gather [hbm4b:s1+s26], $0x80, v4, vm0, $0xb8;
	[tilespmem:$0x1C300] =	vst v63  }
0x35d: {  	s2 =	simm.s32 $0x11B00  }
0x35e: {  	[tilespmem:s2], [sflag:$0x3] =	stream.indirect_vreg.gather [hbm4b:s1+s26], $0x80, v3, vm0, $0xb8;
	[tilespmem:$0x1C300] =	vst v63  }
0x35f: {  	_ =	swait.ge [sflag:s18], $0x6000  }
0x360: {  	[sflag:s18] =	ssyncset.done $0x0  }
0x361: {  	s6 =	simm.s32 $0x200;
	[sflag:s18] =	ssyncadd.s32 $0xFFFFA000  }
0x362: {  	s0 =	sand.u32 $0xF800, s6;
	s2 =	simm.s32 $0x100;
	_ =	swait.ge [sflag:s22], $0x5000  }
0x363: {  	s8 =	sand.u32 $0x7800, s26;
	s7 =	sand.u32 $0x380, s2;
	[sflag:s22] =	ssyncset.done $0x0  }
0x364: {  	s28 =	sor.u32 s7, s0;
	s7 =	sand.u32 $0x380, s26;
	[sflag:s22] =	ssyncadd.s32 $0xFFFFB000  }
0x365: {  	s29 =	sor.u32 s7, s8;
	v5 =	vld [tilespmem:s28+$0x310]  }
0x366: {  	v6 =	vld [tilespmem:s29+$0x330]  }
0x367: {  	v3 =	vld [tilespmem:s29+$0x310]  }
0x368: {  	s6 =	simm.s32 $0x80;
	v7 =	vld [tilespmem:s29+$0x320]  }
0x369: {  	s2 =	sand.u32 $0xF800, s2;
	s0 =	sand.u32 $0x380, s6;
	v45 =	vld [tilespmem:s29+$0x300]  }
0x36a: {  	s6 =	sor.u32 s0, s2;
	v46 =	vld [tilespmem:s29+$0x340]  }
0x36b: {  	v47 =	vld [tilespmem:s6+$0x350]  }
0x36c: {  	v48 =	vld [tilespmem:s28+$0x340]  }
0x36d: {  	v49 =	vld [tilespmem:s29+$0x350]  }
0x36e: {  	v50 =	vld [tilespmem:s6+$0x360]  }
0x36f: {  	v51 =	vld [tilespmem:s29+$0x360]  }
0x370: {  	v52 =	vld [tilespmem:s6+$0x340]  }
0x371: {  	v53 =	vld [tilespmem:s6+$0x310]  }
0x372: {  	v54 =	vld [tilespmem:s6+$0x320]  }
0x373: {  	v55 =	vld [tilespmem:s6+$0x300]  }
0x374: {  	v56 =	vld [tilespmem:s28+$0x350]  }
0x375: {  	v57 =	vld [tilespmem:s28+$0x300]  }
0x376: {  	s8 =	simm.s32 $0x0;
	v58 =	vld [tilespmem:s6+$0x330];
	v9 =	vadd.f32 v52, v46  }
0x377: {  	s0 =	smul.u32 $0x5000, s8;
	v59 =	vld [tilespmem:s28+$0x320];
	v10 =	vadd.f32 v47, v49  }
0x378: {  	v60 =	vld [tilespmem:s28+$0x330];
	v8 =	vadd.f32 v55, v45;
	v9 =	vadd.f32 v48, v9  }
0x379: {  	s0 =	sshra.s32 s0, $0x2;
	v4 =	vld [tilespmem:s28+$0x360];
	v16 =	vadd.f32 v53, v3;
	v10 =	vadd.f32 v56, v10  }
0x37a: {  	v61 =	vld [tilespmem:s29+$0x370];
	s31 =	sor.u32 s7, s0;
	v7 =	vadd.f32 v54, v7;
	v8 =	vadd.f32 v57, v8;
	v9 =	vmul.f32 $3.333333430e-01, v9  }
0x37b: {  	v62 =	vld [tilespmem:s6+$0x370];
	s8 =	sadd.s32 $0x17300, s31;
	v6 =	vadd.f32 v58, v6;
	v5 =	vadd.f32 v5, v16;
	v10 =	vmul.f32 $3.333333430e-01, v10  }
0x37c: {  	v3 =	vld [tilespmem:s28+$0x370];
	v63 =	vadd.f32 v50, v51;
	v7 =	vadd.f32 v59, v7;
	v8 =	vmul.f32 $3.333333430e-01, v8;
	[tilespmem:s8+$0x40] =	vst v9  }
0x37d: {  	v6 =	vadd.f32 v60, v6;
	v5 =	vmul.f32 $3.333333430e-01, v5;
	[tilespmem:s8+$0x50] =	vst v10  }
0x37e: {  	v4 =	vadd.f32 v4, v63;
	v7 =	vmul.f32 $3.333333430e-01, v7;
	[tilespmem:s31+$0x17300] =	vst v8  }
0x37f: {  	v6 =	vmul.f32 $3.333333430e-01, v6;
	[tilespmem:s8+$0x10] =	vst v5  }
0x380: {  	v4 =	vmul.f32 $3.333333430e-01, v4;
	[tilespmem:s8+$0x20] =	vst v7;
	v5 =	vadd.f32 v62, v61  }
0x381: {  	s30 =	simm.s32 $0x1;
	s2 =	simm.s32 $0x0;
	s0 =	simm.s32 $0x0;
	[tilespmem:s8+$0x30] =	vst v6  }
.LBB2_8:
0x382: {  	[tilespmem:s8+$0x60] =	vst v4;
	v3 =	vadd.f32 v3, v5;
	s26 =	sadd.s32 $0x80, s26;
	s0 =	sadd.s32 $0x180, s0;
	s2 =	sadd.s32 $0x300, s2  }
0x383: {  	p0 =	sne.s32 s30, $0x1F;
	s7 =	smov.u32 s30;
	s30 =	sadd.s32 $0x1, s30  }
0x384: {  	v3 =	vmul.f32 $3.333333430e-01, v3;
	_ =	sdelay $0x1  }
0x385: {  	[tilespmem:s8+$0x70] =	vst v3  }
0x386: {  	v3 =	vld [tilespmem:s28+$0x710]  }
0x387: {  	v4 =	vld [tilespmem:s6+$0x700]  }
0x388: {  	v5 =	vld [tilespmem:s6+$0x720]  }
0x389: {  	v6 =	vld [tilespmem:s28+$0x760]  }
0x38a: {  	v7 =	vld [tilespmem:s6+$0x740]  }
0x38b: {  	v8 =	vld [tilespmem:s6+$0x750]  }
0x38c: {  	v9 =	vld [tilespmem:s28+$0x730]  }
0x38d: {  	v10 =	vld [tilespmem:s6+$0x760]  }
0x38e: {  	v11 =	vld [tilespmem:s6+$0x710]  }
0x38f: {  	v12 =	vld [tilespmem:s6+$0x730]  }
0x390: {  	v13 =	vld [tilespmem:s28+$0x700]  }
0x391: {  	v14 =	vld [tilespmem:s29+$0x710]  }
0x392: {  	v15 =	vld [tilespmem:s28+$0x770]  }
0x393: {  	v16 =	vld [tilespmem:s29+$0x730]  }
0x394: {  	v17 =	vld [tilespmem:s6+$0x770]  }
0x395: {  	v18 =	vld [tilespmem:s29+$0x760]  }
0x396: {  	v19 =	vld [tilespmem:s29+$0x740];
	v11 =	vadd.f32 v11, v14  }
0x397: {  	v14 =	vld [tilespmem:s28+$0x740]  }
0x398: {  	v20 =	vld [tilespmem:s29+$0x770];
	v3 =	vadd.f32 v3, v11  }
0x399: {  	v12 =	vadd.f32 v12, v16;
	v11 =	vld [tilespmem:s29+$0x750]  }
0x39a: {  	v16 =	vld [tilespmem:s29+$0x700];
	v10 =	vadd.f32 v10, v18  }
0x39b: {  	v3 =	vmul.f32 $3.333333430e-01, v3;
	v9 =	vadd.f32 v9, v12;
	v18 =	vld [tilespmem:s29+$0x720];
	v7 =	vadd.f32 v7, v19  }
0x39c: {  	v12 =	vld [tilespmem:s28+$0x750];
	v6 =	vadd.f32 v6, v10  }
0x39d: {  	v10 =	vld [tilespmem:s28+$0x720];
	v17 =	vadd.f32 v17, v20  }
0x39e: {  	v7 =	vadd.f32 v14, v7;
	v6 =	vmul.f32 $3.333333430e-01, v6  }
0x39f: {  	s6 =	sadd.s32 $0x17700, s31;
	v8 =	vadd.f32 v8, v11;
	v11 =	vadd.f32 v15, v17  }
0x3a0: {  	v4 =	vadd.f32 v4, v16;
	v7 =	vmul.f32 $3.333333430e-01, v7;
	v5 =	vadd.f32 v5, v18;
	[tilespmem:s6+$0x60] =	vst v6  }
0x3a1: {  	v6 =	vadd.f32 v12, v8;
	v8 =	vmul.f32 $3.333333430e-01, v11  }
0x3a2: {  	v4 =	vadd.f32 v13, v4;
	v5 =	vadd.f32 v10, v5;
	[tilespmem:s6+$0x40] =	vst v7  }
0x3a3: {  	v6 =	vmul.f32 $3.333333430e-01, v6;
	[tilespmem:s6+$0x70] =	vst v8  }
0x3a4: {  	v4 =	vmul.f32 $3.333333430e-01, v4;
	v5 =	vmul.f32 $3.333333430e-01, v5  }
0x3a5: {  	v7 =	vmul.f32 $3.333333430e-01, v9;
	[tilespmem:s6+$0x50] =	vst v6  }
0x3a6: {  	[tilespmem:s31+$0x17700] =	vst v4  }
0x3a7: {  	s8 =	sadd.s32 $0x200, s2;
	s28 =	sadd.s32 $0x100, s0;
	[tilespmem:s6+$0x30] =	vst v7  }
0x3a8: {  	s8 =	sand.u32 $0xF800, s8;
	s28 =	sand.u32 $0x380, s28;
	[tilespmem:s6+$0x10] =	vst v3  }
0x3a9: {  	s28 =	sor.u32 s28, s8;
	[tilespmem:s6+$0x20] =	vst v5  }
0x3aa: {  	s8 =	sand.u32 $0x380, s0;
	s6 =	sand.u32 $0x7800, s2;
	v4 =	vld [tilespmem:s28+$0x360]  }
0x3ab: {  	s29 =	sor.u32 s8, s6;
	v3 =	vld [tilespmem:s28+$0x310]  }
0x3ac: {  	s6 =	sadd.s32 $0x100, s2;
	s8 =	sadd.s32 $0x80, s0;
	v5 =	vld [tilespmem:s29+$0x330]  }
0x3ad: {  	s6 =	sand.u32 $0xF800, s6;
	s8 =	sand.u32 $0x380, s8;
	v6 =	vld [tilespmem:s29+$0x310]  }
0x3ae: {  	s6 =	sor.u32 s8, s6;
	v7 =	vld [tilespmem:s29+$0x320]  }
0x3af: {  	v8 =	vld [tilespmem:s29+$0x300]  }
0x3b0: {  	v9 =	vld [tilespmem:s29+$0x340]  }
0x3b1: {  	v10 =	vld [tilespmem:s6+$0x350]  }
0x3b2: {  	v11 =	vld [tilespmem:s28+$0x340]  }
0x3b3: {  	v12 =	vld [tilespmem:s29+$0x350]  }
0x3b4: {  	v13 =	vld [tilespmem:s6+$0x360]  }
0x3b5: {  	v14 =	vld [tilespmem:s29+$0x360]  }
0x3b6: {  	v15 =	vld [tilespmem:s6+$0x340]  }
0x3b7: {  	v16 =	vld [tilespmem:s6+$0x310]  }
0x3b8: {  	v17 =	vld [tilespmem:s6+$0x320]  }
0x3b9: {  	v18 =	vld [tilespmem:s6+$0x300]  }
0x3ba: {  	v19 =	vld [tilespmem:s28+$0x350];
	v13 =	vadd.f32 v13, v14  }
0x3bb: {  	v14 =	vld [tilespmem:s28+$0x300];
	v9 =	vadd.f32 v15, v9  }
0x3bc: {  	s7 =	sshrl.u32 s7, $0x3;
	v15 =	vld [tilespmem:s6+$0x330];
	v6 =	vadd.f32 v16, v6  }
0x3bd: {  	s7 =	smul.u32 $0x5000, s7;
	v10 =	vadd.f32 v10, v12;
	v16 =	vld [tilespmem:s28+$0x320];
	v9 =	vadd.f32 v11, v9  }
0x3be: {  	v11 =	vld [tilespmem:s28+$0x330];
	v8 =	vadd.f32 v18, v8;
	v6 =	vadd.f32 v3, v6  }
0x3bf: {  	s7 =	sshra.s32 s7, $0x2;
	s8 =	sand.u32 $0x380, s26;
	v4 =	vadd.f32 v4, v13;
	v3 =	vld [tilespmem:s28+$0x370];
	v9 =	vmul.f32 $3.333333430e-01, v9;
	v10 =	vadd.f32 v19, v10  }
0x3c0: {  	s31 =	sor.u32 s8, s7;
	v7 =	vadd.f32 v17, v7;
	v12 =	vld [tilespmem:s29+$0x370];
	v8 =	vadd.f32 v14, v8;
	v6 =	vmul.f32 $3.333333430e-01, v6  }
0x3c1: {  	s8 =	sadd.s32 $0x17300, s31;
	v4 =	vmul.f32 $3.333333430e-01, v4;
	v13 =	vld [tilespmem:s6+$0x370];
	v5 =	vadd.f32 v15, v5;
	v10 =	vmul.f32 $3.333333430e-01, v10  }
0x3c2: {  	v8 =	vmul.f32 $3.333333430e-01, v8;
	v7 =	vadd.f32 v16, v7;
	[tilespmem:s8+$0x40] =	vst v9  }
.Ltmp3:
0x3c3: {  	v5 =	vadd.f32 v11, v5;
	[tilespmem:s8+$0x50] =	vst v10;
	(pc) =	sbr.rel @p0 .LBB2_8-.Ltmp3, $4  }
0x3c4: {  	[tilespmem:s31+$0x17300] =	vst v8;
	v7 =	vmul.f32 $3.333333430e-01, v7  }
0x3c5: {  	[tilespmem:s8+$0x10] =	vst v6;
	v6 =	vmul.f32 $3.333333430e-01, v5  }
0x3c6: {  	[tilespmem:s8+$0x20] =	vst v7;
	v5 =	vadd.f32 v13, v12  }
0x3c7: {  	[tilespmem:s8+$0x30] =	vst v6  }
0x3c8: {  	v3 =	vadd.f32 v3, v5;
	_ =	sdelay $0x1  }
0x3c9: {  	v3 =	vmul.f32 $3.333333430e-01, v3  }
0x3ca: {  	[tilespmem:s8+$0x60] =	vst v4  }
0x3cb: {  	[tilespmem:s8+$0x70] =	vst v3  }
0x3cc: {  	v3 =	vld [tilespmem:s6+$0x700]  }
0x3cd: {  	v4 =	vld [tilespmem:s6+$0x720]  }
0x3ce: {  	v5 =	vld [tilespmem:s28+$0x760]  }
0x3cf: {  	v6 =	vld [tilespmem:s6+$0x740]  }
0x3d0: {  	v7 =	vld [tilespmem:s6+$0x750]  }
0x3d1: {  	v9 =	vld [tilespmem:s6+$0x760]  }
0x3d2: {  	v10 =	vld [tilespmem:s6+$0x710]  }
0x3d3: {  	v11 =	vld [tilespmem:s6+$0x730]  }
0x3d4: {  	v12 =	vld [tilespmem:s28+$0x700]  }
0x3d5: {  	v13 =	vld [tilespmem:s28+$0x770]  }
0x3d6: {  	v14 =	vld [tilespmem:s29+$0x730]  }
0x3d7: {  	v15 =	vld [tilespmem:s6+$0x770]  }
0x3d8: {  	v16 =	vld [tilespmem:s29+$0x760]  }
0x3d9: {  	v17 =	vld [tilespmem:s29+$0x740]  }
0x3da: {  	v18 =	vld [tilespmem:s28+$0x740]  }
0x3db: {  	v19 =	vld [tilespmem:s29+$0x770]  }
0x3dc: {  	v21 =	vld [tilespmem:s29+$0x700]  }
0x3dd: {  	v20 =	vld [tilespmem:s29+$0x750]  }
0x3de: {  	v39 =	vld [tilespmem:s28+$0x750]  }
0x3df: {  	v42 =	vld [tilespmem:s29+$0x720];
	v9 =	vadd.f32 v9, v16  }
0x3e0: {  	v40 =	vld [tilespmem:s29+$0x710];
	v6 =	vadd.f32 v6, v17  }
0x3e1: {  	v44 =	vld [tilespmem:s28+$0x720];
	v3 =	vadd.f32 v3, v21;
	v5 =	vadd.f32 v5, v9  }
0x3e2: {  	v8 =	vld [tilespmem:s28+$0x730];
	v41 =	vadd.f32 v15, v19;
	v6 =	vadd.f32 v18, v6  }
0x3e3: {  	v43 =	vld [tilespmem:s28+$0x710];
	v7 =	vadd.f32 v7, v20;
	v3 =	vadd.f32 v12, v3;
	v5 =	vmul.f32 $3.333333430e-01, v5  }
0x3e4: {  	s0 =	sadd.s32 $0x17700, s31;
	v4 =	vadd.f32 v4, v42;
	v9 =	vadd.f32 v13, v41;
	v6 =	vmul.f32 $3.333333430e-01, v6  }
0x3e5: {  	v11 =	vadd.f32 v11, v14;
	v7 =	vadd.f32 v39, v7;
	v3 =	vmul.f32 $3.333333430e-01, v3;
	[tilespmem:s0+$0x60] =	vst v5  }
0x3e6: {  	v10 =	vadd.f32 v10, v40;
	v4 =	vadd.f32 v44, v4;
	v5 =	vmul.f32 $3.333333430e-01, v9;
	[tilespmem:s0+$0x40] =	vst v6  }
0x3e7: {  	v8 =	vadd.f32 v8, v11;
	v6 =	vmul.f32 $3.333333430e-01, v7;
	[tilespmem:s31+$0x17700] =	vst v3  }
0x3e8: {  	v7 =	vadd.f32 v43, v10;
	v3 =	vmul.f32 $3.333333430e-01, v4;
	[tilespmem:s0+$0x70] =	vst v5  }
0x3e9: {  	v5 =	vmul.f32 $3.333333430e-01, v8;
	[tilespmem:s0+$0x50] =	vst v6  }
0x3ea: {  	v6 =	vmul.f32 $3.333333430e-01, v7;
	[tilespmem:s0+$0x20] =	vst v3  }
0x3eb: {  	[tilespmem:s0+$0x30] =	vst v5  }
0x3ec: {  	s26 =	simm.s32 $0x0;
	s2 =	rddreg [dreg:$0x8];
	[tilespmem:s0+$0x10] =	vst v6  }
0x3ed: {  	[hbm4b:s2+s26] =	stream.linear.scatter [tilespmem:s23], [sflag:$0x5], $0x5000, $0x38;
	[tilespmem:$0x1C300] =	vst v63  }
0x3ee: {  	v3 =	vld [tilespmem:$0x240];
	_ =	sdelay $0x4  }
0x3ef: {  	v4 =	vshll.u32 v3, $0x1  }
0x3f0: {  	v3 =	vand.u32 $0x7, v3;
	v4 =	vand.u32 $0xFFFFFFF0, v4  }
0x3f1: {  	v3 =	vor.u32 v3, v4  }
0x3f2: {  	v4 =	vperm.xlane v3, v0;
	_ =	sdelay $0x1  }
0x3f3: {  	v3 =	vperm.xlane v3, v2;
	v4 =	vadd.s32 v1, v4;
	_ =	sdelay $0x1  }
0x3f4: {  	v3 =	vadd.s32 v1, v3;
	_ =	sdelay $0x1  }
0x3f5: {  	s6 =	simm.s32 $0x300  }
0x3f6: {  	[tilespmem:s6], [sflag:$0x1] =	stream.indirect_vreg.gather [hbm4b:s1+s26], $0x80, v4, vm0, $0xb8;
	[tilespmem:$0x1C300] =	vst v63  }
0x3f7: {  	s7 =	simm.s32 $0xB00  }
0x3f8: {  	[tilespmem:s7], [sflag:$0x1] =	stream.indirect_vreg.gather [hbm4b:s1+s26], $0x80, v3, vm0, $0xb8;
	[tilespmem:$0x1C300] =	vst v63  }
0x3f9: {  	v3 =	vld [tilespmem:$0x250];
	_ =	sdelay $0x4  }
0x3fa: {  	v4 =	vshll.u32 v3, $0x1  }
0x3fb: {  	v3 =	vand.u32 $0x7, v3;
	v4 =	vand.u32 $0xFFFFFFF0, v4  }
0x3fc: {  	v3 =	vor.u32 v3, v4  }
0x3fd: {  	v4 =	vperm.xlane v3, v0;
	_ =	sdelay $0x1  }
0x3fe: {  	v3 =	vperm.xlane v3, v2;
	v4 =	vadd.s32 v1, v4;
	_ =	sdelay $0x1  }
0x3ff: {  	v3 =	vadd.s32 v1, v3;
	_ =	sdelay $0x1  }
0x400: {  	s8 =	simm.s32 $0x1300  }
0x401: {  	[tilespmem:s8], [sflag:$0x1] =	stream.indirect_vreg.gather [hbm4b:s1+s26], $0x80, v4, vm0, $0xb8;
	[tilespmem:$0x1C300] =	vst v63  }
0x402: {  	s2 =	simm.s32 $0x1B00  }
0x403: {  	[tilespmem:s2], [sflag:$0x1] =	stream.indirect_vreg.gather [hbm4b:s1+s26], $0x80, v3, vm0, $0xb8;
	[tilespmem:$0x1C300] =	vst v63  }
0x404: {  	v3 =	vld [tilespmem:$0x260];
	_ =	sdelay $0x4  }
0x405: {  	v4 =	vshll.u32 v3, $0x1  }
0x406: {  	v3 =	vand.u32 $0x7, v3;
	v4 =	vand.u32 $0xFFFFFFF0, v4  }
0x407: {  	v3 =	vor.u32 v3, v4  }
0x408: {  	v4 =	vperm.xlane v3, v0;
	_ =	sdelay $0x1  }
0x409: {  	v3 =	vperm.xlane v3, v2;
	v4 =	vadd.s32 v1, v4;
	_ =	sdelay $0x1  }
0x40a: {  	v3 =	vadd.s32 v1, v3;
	_ =	sdelay $0x1  }
0x40b: {  	s6 =	simm.s32 $0x2300  }
0x40c: {  	[tilespmem:s6], [sflag:$0x1] =	stream.indirect_vreg.gather [hbm4b:s1+s26], $0x80, v4, vm0, $0xb8;
	[tilespmem:$0x1C300] =	vst v63  }
0x40d: {  	s7 =	simm.s32 $0x2B00  }
0x40e: {  	[tilespmem:s7], [sflag:$0x1] =	stream.indirect_vreg.gather [hbm4b:s1+s26], $0x80, v3, vm0, $0xb8;
	[tilespmem:$0x1C300] =	vst v63  }
0x40f: {  	v3 =	vld [tilespmem:$0x270];
	_ =	sdelay $0x4  }
0x410: {  	v4 =	vshll.u32 v3, $0x1  }
0x411: {  	v3 =	vand.u32 $0x7, v3;
	v4 =	vand.u32 $0xFFFFFFF0, v4  }
0x412: {  	v3 =	vor.u32 v3, v4  }
0x413: {  	v4 =	vperm.xlane v3, v0;
	_ =	sdelay $0x1  }
0x414: {  	v3 =	vperm.xlane v3, v2;
	v4 =	vadd.s32 v1, v4;
	_ =	sdelay $0x1  }
0x415: {  	v3 =	vadd.s32 v1, v3;
	_ =	sdelay $0x1  }
0x416: {  	s8 =	simm.s32 $0x3300  }
0x417: {  	[tilespmem:s8], [sflag:$0x1] =	stream.indirect_vreg.gather [hbm4b:s1+s26], $0x80, v4, vm0, $0xb8;
	[tilespmem:$0x1C300] =	vst v63  }
0x418: {  	s2 =	simm.s32 $0x3B00  }
0x419: {  	[tilespmem:s2], [sflag:$0x1] =	stream.indirect_vreg.gather [hbm4b:s1+s26], $0x80, v3, vm0, $0xb8;
	[tilespmem:$0x1C300] =	vst v63  }
0x41a: {  	v3 =	vld [tilespmem:$0x280];
	_ =	sdelay $0x4  }
0x41b: {  	v4 =	vshll.u32 v3, $0x1  }
0x41c: {  	v3 =	vand.u32 $0x7, v3;
	v4 =	vand.u32 $0xFFFFFFF0, v4  }
0x41d: {  	v3 =	vor.u32 v3, v4  }
0x41e: {  	v4 =	vperm.xlane v3, v0;
	_ =	sdelay $0x1  }
0x41f: {  	v3 =	vperm.xlane v3, v2;
	v4 =	vadd.s32 v1, v4;
	_ =	sdelay $0x1  }
0x420: {  	v3 =	vadd.s32 v1, v3;
	_ =	sdelay $0x1  }
0x421: {  	s6 =	simm.s32 $0x4300  }
0x422: {  	[tilespmem:s6], [sflag:$0x1] =	stream.indirect_vreg.gather [hbm4b:s1+s26], $0x80, v4, vm0, $0xb8;
	[tilespmem:$0x1C300] =	vst v63  }
0x423: {  	s7 =	simm.s32 $0x4B00  }
0x424: {  	[tilespmem:s7], [sflag:$0x1] =	stream.indirect_vreg.gather [hbm4b:s1+s26], $0x80, v3, vm0, $0xb8;
	[tilespmem:$0x1C300] =	vst v63  }
0x425: {  	v3 =	vld [tilespmem:$0x290];
	_ =	sdelay $0x4  }
0x426: {  	v4 =	vshll.u32 v3, $0x1  }
0x427: {  	v3 =	vand.u32 $0x7, v3;
	v4 =	vand.u32 $0xFFFFFFF0, v4  }
0x428: {  	v3 =	vor.u32 v3, v4  }
0x429: {  	v4 =	vperm.xlane v3, v0;
	_ =	sdelay $0x1  }
0x42a: {  	v3 =	vperm.xlane v3, v2;
	v4 =	vadd.s32 v1, v4;
	_ =	sdelay $0x1  }
0x42b: {  	v3 =	vadd.s32 v1, v3;
	_ =	sdelay $0x1  }
0x42c: {  	s8 =	simm.s32 $0x5300  }
0x42d: {  	[tilespmem:s8], [sflag:$0x1] =	stream.indirect_vreg.gather [hbm4b:s1+s26], $0x80, v4, vm0, $0xb8;
	[tilespmem:$0x1C300] =	vst v63  }
0x42e: {  	s2 =	simm.s32 $0x5B00  }
0x42f: {  	[tilespmem:s2], [sflag:$0x1] =	stream.indirect_vreg.gather [hbm4b:s1+s26], $0x80, v3, vm0, $0xb8;
	[tilespmem:$0x1C300] =	vst v63  }
0x430: {  	_ =	swait.ge [sflag:s21], $0x6000  }
0x431: {  	[sflag:s21] =	ssyncset.done $0x0  }
0x432: {  	s6 =	simm.s32 $0x200;
	[sflag:s21] =	ssyncadd.s32 $0xFFFFA000  }
0x433: {  	s0 =	sand.u32 $0xF800, s6;
	s2 =	simm.s32 $0x100;
	_ =	swait.ge [sflag:s19], $0x5000  }
0x434: {  	s8 =	sand.u32 $0x7800, s26;
	s7 =	sand.u32 $0x380, s2;
	[sflag:s19] =	ssyncset.done $0x0  }
0x435: {  	s28 =	sor.u32 s7, s0;
	s7 =	sand.u32 $0x380, s26;
	[sflag:s19] =	ssyncadd.s32 $0xFFFFB000  }
0x436: {  	s29 =	sor.u32 s7, s8;
	v5 =	vld [tilespmem:s28+$0x6310]  }
0x437: {  	v6 =	vld [tilespmem:s29+$0x6330]  }
0x438: {  	v3 =	vld [tilespmem:s29+$0x6310]  }
0x439: {  	s6 =	simm.s32 $0x80;
	v7 =	vld [tilespmem:s29+$0x6320]  }
0x43a: {  	s2 =	sand.u32 $0xF800, s2;
	s0 =	sand.u32 $0x380, s6;
	v45 =	vld [tilespmem:s29+$0x6300]  }
0x43b: {  	s6 =	sor.u32 s0, s2;
	v46 =	vld [tilespmem:s29+$0x6340]  }
0x43c: {  	v47 =	vld [tilespmem:s6+$0x6350]  }
0x43d: {  	v48 =	vld [tilespmem:s28+$0x6340]  }
0x43e: {  	v49 =	vld [tilespmem:s29+$0x6350]  }
0x43f: {  	v50 =	vld [tilespmem:s6+$0x6360]  }
0x440: {  	v51 =	vld [tilespmem:s29+$0x6360]  }
0x441: {  	v52 =	vld [tilespmem:s6+$0x6340]  }
0x442: {  	v53 =	vld [tilespmem:s6+$0x6310]  }
0x443: {  	v54 =	vld [tilespmem:s6+$0x6320]  }
0x444: {  	v55 =	vld [tilespmem:s6+$0x6300]  }
0x445: {  	v56 =	vld [tilespmem:s28+$0x6350]  }
0x446: {  	v57 =	vld [tilespmem:s28+$0x6300]  }
0x447: {  	s8 =	simm.s32 $0x0;
	v58 =	vld [tilespmem:s6+$0x6330];
	v9 =	vadd.f32 v52, v46  }
0x448: {  	s0 =	smul.u32 $0x5000, s8;
	v59 =	vld [tilespmem:s28+$0x6320];
	v10 =	vadd.f32 v47, v49  }
0x449: {  	v60 =	vld [tilespmem:s28+$0x6330];
	v8 =	vadd.f32 v55, v45;
	v9 =	vadd.f32 v48, v9  }
0x44a: {  	s0 =	sshra.s32 s0, $0x2;
	v4 =	vld [tilespmem:s28+$0x6360];
	v16 =	vadd.f32 v53, v3;
	v10 =	vadd.f32 v56, v10  }
0x44b: {  	v61 =	vld [tilespmem:s29+$0x6370];
	s31 =	sor.u32 s7, s0;
	v7 =	vadd.f32 v54, v7;
	v8 =	vadd.f32 v57, v8;
	v9 =	vmul.f32 $3.333333430e-01, v9  }
0x44c: {  	v62 =	vld [tilespmem:s6+$0x6370];
	s8 =	sadd.s32 $0x12300, s31;
	v6 =	vadd.f32 v58, v6;
	v5 =	vadd.f32 v5, v16;
	v10 =	vmul.f32 $3.333333430e-01, v10  }
0x44d: {  	v3 =	vld [tilespmem:s28+$0x6370];
	v63 =	vadd.f32 v50, v51;
	v7 =	vadd.f32 v59, v7;
	v8 =	vmul.f32 $3.333333430e-01, v8;
	[tilespmem:s8+$0x40] =	vst v9  }
0x44e: {  	v6 =	vadd.f32 v60, v6;
	v5 =	vmul.f32 $3.333333430e-01, v5;
	[tilespmem:s8+$0x50] =	vst v10  }
0x44f: {  	v4 =	vadd.f32 v4, v63;
	v7 =	vmul.f32 $3.333333430e-01, v7;
	[tilespmem:s31+$0x12300] =	vst v8  }
0x450: {  	v6 =	vmul.f32 $3.333333430e-01, v6;
	[tilespmem:s8+$0x10] =	vst v5  }
0x451: {  	v4 =	vmul.f32 $3.333333430e-01, v4;
	[tilespmem:s8+$0x20] =	vst v7;
	v5 =	vadd.f32 v62, v61  }
0x452: {  	s30 =	simm.s32 $0x1;
	s2 =	simm.s32 $0x0;
	s0 =	simm.s32 $0x0;
	[tilespmem:s8+$0x30] =	vst v6  }
.LBB2_10:
0x453: {  	[tilespmem:s8+$0x60] =	vst v4;
	v3 =	vadd.f32 v3, v5;
	s26 =	sadd.s32 $0x80, s26;
	s0 =	sadd.s32 $0x180, s0;
	s2 =	sadd.s32 $0x300, s2  }
0x454: {  	p0 =	sne.s32 s30, $0x1F;
	s7 =	smov.u32 s30;
	s30 =	sadd.s32 $0x1, s30  }
0x455: {  	v3 =	vmul.f32 $3.333333430e-01, v3;
	_ =	sdelay $0x1  }
0x456: {  	[tilespmem:s8+$0x70] =	vst v3  }
0x457: {  	v3 =	vld [tilespmem:s28+$0x6710]  }
0x458: {  	v4 =	vld [tilespmem:s6+$0x6700]  }
0x459: {  	v5 =	vld [tilespmem:s6+$0x6720]  }
0x45a: {  	v6 =	vld [tilespmem:s28+$0x6760]  }
0x45b: {  	v7 =	vld [tilespmem:s6+$0x6740]  }
0x45c: {  	v8 =	vld [tilespmem:s6+$0x6750]  }
0x45d: {  	v9 =	vld [tilespmem:s28+$0x6730]  }
0x45e: {  	v10 =	vld [tilespmem:s6+$0x6760]  }
0x45f: {  	v11 =	vld [tilespmem:s6+$0x6710]  }
0x460: {  	v12 =	vld [tilespmem:s6+$0x6730]  }
0x461: {  	v13 =	vld [tilespmem:s28+$0x6700]  }
0x462: {  	v14 =	vld [tilespmem:s29+$0x6710]  }
0x463: {  	v15 =	vld [tilespmem:s28+$0x6770]  }
0x464: {  	v16 =	vld [tilespmem:s29+$0x6730]  }
0x465: {  	v17 =	vld [tilespmem:s6+$0x6770]  }
0x466: {  	v18 =	vld [tilespmem:s29+$0x6760]  }
0x467: {  	v19 =	vld [tilespmem:s29+$0x6740];
	v11 =	vadd.f32 v11, v14  }
0x468: {  	v14 =	vld [tilespmem:s28+$0x6740]  }
0x469: {  	v20 =	vld [tilespmem:s29+$0x6770];
	v3 =	vadd.f32 v3, v11  }
0x46a: {  	v12 =	vadd.f32 v12, v16;
	v11 =	vld [tilespmem:s29+$0x6750]  }
0x46b: {  	v16 =	vld [tilespmem:s29+$0x6700];
	v10 =	vadd.f32 v10, v18  }
0x46c: {  	v3 =	vmul.f32 $3.333333430e-01, v3;
	v9 =	vadd.f32 v9, v12;
	v18 =	vld [tilespmem:s29+$0x6720];
	v7 =	vadd.f32 v7, v19  }
0x46d: {  	v12 =	vld [tilespmem:s28+$0x6750];
	v6 =	vadd.f32 v6, v10  }
0x46e: {  	v10 =	vld [tilespmem:s28+$0x6720];
	v17 =	vadd.f32 v17, v20  }
0x46f: {  	v7 =	vadd.f32 v14, v7;
	v6 =	vmul.f32 $3.333333430e-01, v6  }
0x470: {  	s6 =	sadd.s32 $0x12700, s31;
	v8 =	vadd.f32 v8, v11;
	v11 =	vadd.f32 v15, v17  }
0x471: {  	v4 =	vadd.f32 v4, v16;
	v7 =	vmul.f32 $3.333333430e-01, v7;
	v5 =	vadd.f32 v5, v18;
	[tilespmem:s6+$0x60] =	vst v6  }
0x472: {  	v6 =	vadd.f32 v12, v8;
	v8 =	vmul.f32 $3.333333430e-01, v11  }
0x473: {  	v4 =	vadd.f32 v13, v4;
	v5 =	vadd.f32 v10, v5;
	[tilespmem:s6+$0x40] =	vst v7  }
0x474: {  	v6 =	vmul.f32 $3.333333430e-01, v6;
	[tilespmem:s6+$0x70] =	vst v8  }
0x475: {  	v4 =	vmul.f32 $3.333333430e-01, v4;
	v5 =	vmul.f32 $3.333333430e-01, v5  }
0x476: {  	v7 =	vmul.f32 $3.333333430e-01, v9;
	[tilespmem:s6+$0x50] =	vst v6  }
0x477: {  	[tilespmem:s31+$0x12700] =	vst v4  }
0x478: {  	s8 =	sadd.s32 $0x200, s2;
	s28 =	sadd.s32 $0x100, s0;
	[tilespmem:s6+$0x30] =	vst v7  }
0x479: {  	s8 =	sand.u32 $0xF800, s8;
	s28 =	sand.u32 $0x380, s28;
	[tilespmem:s6+$0x10] =	vst v3  }
0x47a: {  	s28 =	sor.u32 s28, s8;
	[tilespmem:s6+$0x20] =	vst v5  }
0x47b: {  	s8 =	sand.u32 $0x380, s0;
	s6 =	sand.u32 $0x7800, s2;
	v4 =	vld [tilespmem:s28+$0x6360]  }
0x47c: {  	s29 =	sor.u32 s8, s6;
	v3 =	vld [tilespmem:s28+$0x6310]  }
0x47d: {  	s6 =	sadd.s32 $0x100, s2;
	s8 =	sadd.s32 $0x80, s0;
	v5 =	vld [tilespmem:s29+$0x6330]  }
0x47e: {  	s6 =	sand.u32 $0xF800, s6;
	s8 =	sand.u32 $0x380, s8;
	v6 =	vld [tilespmem:s29+$0x6310]  }
0x47f: {  	s6 =	sor.u32 s8, s6;
	v7 =	vld [tilespmem:s29+$0x6320]  }
0x480: {  	v8 =	vld [tilespmem:s29+$0x6300]  }
0x481: {  	v9 =	vld [tilespmem:s29+$0x6340]  }
0x482: {  	v10 =	vld [tilespmem:s6+$0x6350]  }
0x483: {  	v11 =	vld [tilespmem:s28+$0x6340]  }
0x484: {  	v12 =	vld [tilespmem:s29+$0x6350]  }
0x485: {  	v13 =	vld [tilespmem:s6+$0x6360]  }
0x486: {  	v14 =	vld [tilespmem:s29+$0x6360]  }
0x487: {  	v15 =	vld [tilespmem:s6+$0x6340]  }
0x488: {  	v16 =	vld [tilespmem:s6+$0x6310]  }
0x489: {  	v17 =	vld [tilespmem:s6+$0x6320]  }
0x48a: {  	v18 =	vld [tilespmem:s6+$0x6300]  }
0x48b: {  	v19 =	vld [tilespmem:s28+$0x6350];
	v13 =	vadd.f32 v13, v14  }
0x48c: {  	v14 =	vld [tilespmem:s28+$0x6300];
	v9 =	vadd.f32 v15, v9  }
0x48d: {  	s7 =	sshrl.u32 s7, $0x3;
	v15 =	vld [tilespmem:s6+$0x6330];
	v6 =	vadd.f32 v16, v6  }
0x48e: {  	s7 =	smul.u32 $0x5000, s7;
	v10 =	vadd.f32 v10, v12;
	v16 =	vld [tilespmem:s28+$0x6320];
	v9 =	vadd.f32 v11, v9  }
0x48f: {  	v11 =	vld [tilespmem:s28+$0x6330];
	v8 =	vadd.f32 v18, v8;
	v6 =	vadd.f32 v3, v6  }
0x490: {  	s7 =	sshra.s32 s7, $0x2;
	s8 =	sand.u32 $0x380, s26;
	v4 =	vadd.f32 v4, v13;
	v3 =	vld [tilespmem:s28+$0x6370];
	v9 =	vmul.f32 $3.333333430e-01, v9;
	v10 =	vadd.f32 v19, v10  }
0x491: {  	s31 =	sor.u32 s8, s7;
	v7 =	vadd.f32 v17, v7;
	v12 =	vld [tilespmem:s29+$0x6370];
	v8 =	vadd.f32 v14, v8;
	v6 =	vmul.f32 $3.333333430e-01, v6  }
0x492: {  	s8 =	sadd.s32 $0x12300, s31;
	v4 =	vmul.f32 $3.333333430e-01, v4;
	v13 =	vld [tilespmem:s6+$0x6370];
	v5 =	vadd.f32 v15, v5;
	v10 =	vmul.f32 $3.333333430e-01, v10  }
0x493: {  	v8 =	vmul.f32 $3.333333430e-01, v8;
	v7 =	vadd.f32 v16, v7;
	[tilespmem:s8+$0x40] =	vst v9  }
.Ltmp4:
0x494: {  	v5 =	vadd.f32 v11, v5;
	[tilespmem:s8+$0x50] =	vst v10;
	(pc) =	sbr.rel @p0 .LBB2_10-.Ltmp4, $4  }
0x495: {  	[tilespmem:s31+$0x12300] =	vst v8;
	v7 =	vmul.f32 $3.333333430e-01, v7  }
0x496: {  	[tilespmem:s8+$0x10] =	vst v6;
	v6 =	vmul.f32 $3.333333430e-01, v5  }
0x497: {  	[tilespmem:s8+$0x20] =	vst v7;
	v5 =	vadd.f32 v13, v12  }
0x498: {  	[tilespmem:s8+$0x30] =	vst v6  }
0x499: {  	v3 =	vadd.f32 v3, v5;
	_ =	sdelay $0x1  }
0x49a: {  	v3 =	vmul.f32 $3.333333430e-01, v3  }
0x49b: {  	[tilespmem:s8+$0x60] =	vst v4  }
0x49c: {  	[tilespmem:s8+$0x70] =	vst v3  }
0x49d: {  	v3 =	vld [tilespmem:s6+$0x6700]  }
0x49e: {  	v4 =	vld [tilespmem:s6+$0x6720]  }
0x49f: {  	v5 =	vld [tilespmem:s28+$0x6760]  }
0x4a0: {  	v6 =	vld [tilespmem:s6+$0x6740]  }
0x4a1: {  	v7 =	vld [tilespmem:s6+$0x6750]  }
0x4a2: {  	v9 =	vld [tilespmem:s6+$0x6760]  }
0x4a3: {  	v10 =	vld [tilespmem:s6+$0x6710]  }
0x4a4: {  	v11 =	vld [tilespmem:s6+$0x6730]  }
0x4a5: {  	v12 =	vld [tilespmem:s28+$0x6700]  }
0x4a6: {  	v13 =	vld [tilespmem:s28+$0x6770]  }
0x4a7: {  	v14 =	vld [tilespmem:s29+$0x6730]  }
0x4a8: {  	v15 =	vld [tilespmem:s6+$0x6770]  }
0x4a9: {  	v16 =	vld [tilespmem:s29+$0x6760]  }
0x4aa: {  	v17 =	vld [tilespmem:s29+$0x6740]  }
0x4ab: {  	v18 =	vld [tilespmem:s28+$0x6740]  }
0x4ac: {  	v19 =	vld [tilespmem:s29+$0x6770]  }
0x4ad: {  	v21 =	vld [tilespmem:s29+$0x6700]  }
0x4ae: {  	v20 =	vld [tilespmem:s29+$0x6750]  }
0x4af: {  	v39 =	vld [tilespmem:s28+$0x6750]  }
0x4b0: {  	v42 =	vld [tilespmem:s29+$0x6720];
	v9 =	vadd.f32 v9, v16  }
0x4b1: {  	v40 =	vld [tilespmem:s29+$0x6710];
	v6 =	vadd.f32 v6, v17  }
0x4b2: {  	v44 =	vld [tilespmem:s28+$0x6720];
	v3 =	vadd.f32 v3, v21;
	v5 =	vadd.f32 v5, v9  }
0x4b3: {  	v8 =	vld [tilespmem:s28+$0x6730];
	v41 =	vadd.f32 v15, v19;
	v6 =	vadd.f32 v18, v6  }
0x4b4: {  	v43 =	vld [tilespmem:s28+$0x6710];
	v7 =	vadd.f32 v7, v20;
	v3 =	vadd.f32 v12, v3;
	v5 =	vmul.f32 $3.333333430e-01, v5  }
0x4b5: {  	s0 =	sadd.s32 $0x12700, s31;
	v4 =	vadd.f32 v4, v42;
	v9 =	vadd.f32 v13, v41;
	v6 =	vmul.f32 $3.333333430e-01, v6  }
0x4b6: {  	v11 =	vadd.f32 v11, v14;
	v7 =	vadd.f32 v39, v7;
	v3 =	vmul.f32 $3.333333430e-01, v3;
	[tilespmem:s0+$0x60] =	vst v5  }
0x4b7: {  	v10 =	vadd.f32 v10, v40;
	v4 =	vadd.f32 v44, v4;
	v5 =	vmul.f32 $3.333333430e-01, v9;
	[tilespmem:s0+$0x40] =	vst v6  }
0x4b8: {  	v8 =	vadd.f32 v8, v11;
	v6 =	vmul.f32 $3.333333430e-01, v7;
	[tilespmem:s31+$0x12700] =	vst v3  }
0x4b9: {  	v7 =	vadd.f32 v43, v10;
	v3 =	vmul.f32 $3.333333430e-01, v4;
	[tilespmem:s0+$0x70] =	vst v5  }
0x4ba: {  	v5 =	vmul.f32 $3.333333430e-01, v8;
	[tilespmem:s0+$0x50] =	vst v6  }
0x4bb: {  	v6 =	vmul.f32 $3.333333430e-01, v7;
	[tilespmem:s0+$0x20] =	vst v3  }
0x4bc: {  	[tilespmem:s0+$0x30] =	vst v5  }
0x4bd: {  	s26 =	simm.s32 $0x0;
	s8 =	rddreg [dreg:$0x9];
	[tilespmem:s0+$0x10] =	vst v6  }
0x4be: {  	[hbm4b:s8+s26] =	stream.linear.scatter [tilespmem:s20], [sflag:$0x4], $0x5000, $0x38;
	[tilespmem:$0x1C300] =	vst v63  }
0x4bf: {  	v3 =	vld [tilespmem:$0x2A0];
	_ =	sdelay $0x4  }
0x4c0: {  	v4 =	vshll.u32 v3, $0x1  }
0x4c1: {  	v3 =	vand.u32 $0x7, v3;
	v4 =	vand.u32 $0xFFFFFFF0, v4  }
0x4c2: {  	v3 =	vor.u32 v3, v4  }
0x4c3: {  	v4 =	vperm.xlane v3, v0;
	_ =	sdelay $0x1  }
0x4c4: {  	v3 =	vperm.xlane v3, v2;
	v4 =	vadd.s32 v1, v4;
	_ =	sdelay $0x1  }
0x4c5: {  	v3 =	vadd.s32 v1, v3;
	_ =	sdelay $0x1  }
0x4c6: {  	s2 =	simm.s32 $0x6300  }
0x4c7: {  	[tilespmem:s2], [sflag:$0x2] =	stream.indirect_vreg.gather [hbm4b:s1+s26], $0x80, v4, vm0, $0xb8;
	[tilespmem:$0x1C300] =	vst v63  }
0x4c8: {  	s6 =	simm.s32 $0x6B00  }
0x4c9: {  	[tilespmem:s6], [sflag:$0x2] =	stream.indirect_vreg.gather [hbm4b:s1+s26], $0x80, v3, vm0, $0xb8;
	[tilespmem:$0x1C300] =	vst v63  }
0x4ca: {  	v3 =	vld [tilespmem:$0x2B0];
	_ =	sdelay $0x4  }
0x4cb: {  	v4 =	vshll.u32 v3, $0x1  }
0x4cc: {  	v3 =	vand.u32 $0x7, v3;
	v4 =	vand.u32 $0xFFFFFFF0, v4  }
0x4cd: {  	v3 =	vor.u32 v3, v4  }
0x4ce: {  	v4 =	vperm.xlane v3, v0;
	_ =	sdelay $0x1  }
0x4cf: {  	v3 =	vperm.xlane v3, v2;
	v4 =	vadd.s32 v1, v4;
	_ =	sdelay $0x1  }
0x4d0: {  	v3 =	vadd.s32 v1, v3;
	_ =	sdelay $0x1  }
0x4d1: {  	s7 =	simm.s32 $0x7300  }
0x4d2: {  	[tilespmem:s7], [sflag:$0x2] =	stream.indirect_vreg.gather [hbm4b:s1+s26], $0x80, v4, vm0, $0xb8;
	[tilespmem:$0x1C300] =	vst v63  }
0x4d3: {  	s8 =	simm.s32 $0x7B00  }
0x4d4: {  	[tilespmem:s8], [sflag:$0x2] =	stream.indirect_vreg.gather [hbm4b:s1+s26], $0x80, v3, vm0, $0xb8;
	[tilespmem:$0x1C300] =	vst v63  }
0x4d5: {  	v3 =	vld [tilespmem:$0x2C0];
	_ =	sdelay $0x4  }
0x4d6: {  	v4 =	vshll.u32 v3, $0x1  }
0x4d7: {  	v3 =	vand.u32 $0x7, v3;
	v4 =	vand.u32 $0xFFFFFFF0, v4  }
0x4d8: {  	v3 =	vor.u32 v3, v4  }
0x4d9: {  	v4 =	vperm.xlane v3, v0;
	_ =	sdelay $0x1  }
0x4da: {  	v3 =	vperm.xlane v3, v2;
	v4 =	vadd.s32 v1, v4;
	_ =	sdelay $0x1  }
0x4db: {  	v3 =	vadd.s32 v1, v3;
	_ =	sdelay $0x1  }
0x4dc: {  	s2 =	simm.s32 $0x8300  }
0x4dd: {  	[tilespmem:s2], [sflag:$0x2] =	stream.indirect_vreg.gather [hbm4b:s1+s26], $0x80, v4, vm0, $0xb8;
	[tilespmem:$0x1C300] =	vst v63  }
0x4de: {  	_ = 	snop  }
0x4df: {  	[tilespmem:s9], [sflag:$0x2] =	stream.indirect_vreg.gather [hbm4b:s1+s26], $0x80, v3, vm0, $0xb8;
	[tilespmem:$0x1C300] =	vst v63  }
0x4e0: {  	v3 =	vld [tilespmem:$0x2D0];
	_ =	sdelay $0x4  }
0x4e1: {  	v4 =	vshll.u32 v3, $0x1  }
0x4e2: {  	v3 =	vand.u32 $0x7, v3;
	v4 =	vand.u32 $0xFFFFFFF0, v4  }
0x4e3: {  	v3 =	vor.u32 v3, v4  }
0x4e4: {  	v4 =	vperm.xlane v3, v0;
	_ =	sdelay $0x1  }
0x4e5: {  	v3 =	vperm.xlane v3, v2;
	v4 =	vadd.s32 v1, v4;
	_ =	sdelay $0x1  }
0x4e6: {  	v3 =	vadd.s32 v1, v3;
	_ =	sdelay $0x2  }
0x4e7: {  	[tilespmem:s10], [sflag:$0x2] =	stream.indirect_vreg.gather [hbm4b:s1+s26], $0x80, v4, vm0, $0xb8;
	[tilespmem:$0x1C300] =	vst v63  }
0x4e8: {  	_ = 	snop  }
0x4e9: {  	[tilespmem:s11], [sflag:$0x2] =	stream.indirect_vreg.gather [hbm4b:s1+s26], $0x80, v3, vm0, $0xb8;
	[tilespmem:$0x1C300] =	vst v63  }
0x4ea: {  	v3 =	vld [tilespmem:$0x2E0];
	_ =	sdelay $0x4  }
0x4eb: {  	v4 =	vshll.u32 v3, $0x1  }
0x4ec: {  	v3 =	vand.u32 $0x7, v3;
	v4 =	vand.u32 $0xFFFFFFF0, v4  }
0x4ed: {  	v3 =	vor.u32 v3, v4  }
0x4ee: {  	v4 =	vperm.xlane v3, v0;
	_ =	sdelay $0x1  }
0x4ef: {  	v3 =	vperm.xlane v3, v2;
	v4 =	vadd.s32 v1, v4;
	_ =	sdelay $0x1  }
0x4f0: {  	v3 =	vadd.s32 v1, v3;
	_ =	sdelay $0x2  }
0x4f1: {  	[tilespmem:s12], [sflag:$0x2] =	stream.indirect_vreg.gather [hbm4b:s1+s26], $0x80, v4, vm0, $0xb8;
	[tilespmem:$0x1C300] =	vst v63  }
0x4f2: {  	_ = 	snop  }
0x4f3: {  	[tilespmem:s13], [sflag:$0x2] =	stream.indirect_vreg.gather [hbm4b:s1+s26], $0x80, v3, vm0, $0xb8;
	[tilespmem:$0x1C300] =	vst v63  }
0x4f4: {  	v3 =	vld [tilespmem:$0x2F0];
	_ =	sdelay $0x4  }
0x4f5: {  	v4 =	vshll.u32 v3, $0x1  }
0x4f6: {  	v3 =	vand.u32 $0x7, v3;
	v4 =	vand.u32 $0xFFFFFFF0, v4  }
0x4f7: {  	v3 =	vor.u32 v3, v4  }
0x4f8: {  	v4 =	vperm.xlane v3, v0;
	_ =	sdelay $0x1  }
0x4f9: {  	v3 =	vperm.xlane v3, v2;
	v4 =	vadd.s32 v1, v4;
	_ =	sdelay $0x1  }
0x4fa: {  	v3 =	vadd.s32 v1, v3;
	_ =	sdelay $0x2  }
0x4fb: {  	[tilespmem:s14], [sflag:$0x2] =	stream.indirect_vreg.gather [hbm4b:s1+s26], $0x80, v4, vm0, $0xb8;
	[tilespmem:$0x1C300] =	vst v63  }
0x4fc: {  	_ = 	snop  }
0x4fd: {  	[tilespmem:s5], [sflag:$0x2] =	stream.indirect_vreg.gather [hbm4b:s1+s26], $0x80, v3, vm0, $0xb8;
	[tilespmem:$0x1C300] =	vst v63  }
0x4fe: {  	_ =	swait.ge [sflag:s24], $0x6000  }
0x4ff: {  	[sflag:s24] =	ssyncset.done $0x0  }
0x500: {  	s6 =	simm.s32 $0x200;
	[sflag:s24] =	ssyncadd.s32 $0xFFFFA000  }
0x501: {  	s0 =	sand.u32 $0xF800, s6;
	s2 =	simm.s32 $0x100;
	_ =	swait.ge [sflag:s22], $0x5000  }
0x502: {  	s8 =	sand.u32 $0x7800, s26;
	s7 =	sand.u32 $0x380, s2;
	[sflag:s22] =	ssyncset.done $0x0  }
0x503: {  	s28 =	sor.u32 s7, s0;
	s7 =	sand.u32 $0x380, s26;
	[sflag:s22] =	ssyncadd.s32 $0xFFFFB000  }
0x504: {  	s29 =	sor.u32 s7, s8;
	v5 =	vld [tilespmem:s28+$0xC310]  }
0x505: {  	v6 =	vld [tilespmem:s29+$0xC330]  }
0x506: {  	v3 =	vld [tilespmem:s29+$0xC310]  }
0x507: {  	s6 =	simm.s32 $0x80;
	v7 =	vld [tilespmem:s29+$0xC320]  }
0x508: {  	s2 =	sand.u32 $0xF800, s2;
	s0 =	sand.u32 $0x380, s6;
	v45 =	vld [tilespmem:s29+$0xC300]  }
0x509: {  	s6 =	sor.u32 s0, s2;
	v46 =	vld [tilespmem:s29+$0xC340]  }
0x50a: {  	v47 =	vld [tilespmem:s6+$0xC350]  }
0x50b: {  	v48 =	vld [tilespmem:s28+$0xC340]  }
0x50c: {  	v49 =	vld [tilespmem:s29+$0xC350]  }
0x50d: {  	v50 =	vld [tilespmem:s6+$0xC360]  }
0x50e: {  	v51 =	vld [tilespmem:s29+$0xC360]  }
0x50f: {  	v52 =	vld [tilespmem:s6+$0xC340]  }
0x510: {  	v53 =	vld [tilespmem:s6+$0xC310]  }
0x511: {  	v54 =	vld [tilespmem:s6+$0xC320]  }
0x512: {  	v55 =	vld [tilespmem:s6+$0xC300]  }
0x513: {  	v56 =	vld [tilespmem:s28+$0xC350]  }
0x514: {  	v57 =	vld [tilespmem:s28+$0xC300]  }
0x515: {  	s8 =	simm.s32 $0x0;
	v58 =	vld [tilespmem:s6+$0xC330];
	v9 =	vadd.f32 v52, v46  }
0x516: {  	s0 =	smul.u32 $0x5000, s8;
	v59 =	vld [tilespmem:s28+$0xC320];
	v10 =	vadd.f32 v47, v49  }
0x517: {  	v60 =	vld [tilespmem:s28+$0xC330];
	v8 =	vadd.f32 v55, v45;
	v9 =	vadd.f32 v48, v9  }
0x518: {  	s0 =	sshra.s32 s0, $0x2;
	v4 =	vld [tilespmem:s28+$0xC360];
	v16 =	vadd.f32 v53, v3;
	v10 =	vadd.f32 v56, v10  }
0x519: {  	s31 =	sor.u32 s7, s0;
	v61 =	vld [tilespmem:s29+$0xC370];
	v7 =	vadd.f32 v54, v7;
	v8 =	vadd.f32 v57, v8;
	v9 =	vmul.f32 $3.333333430e-01, v9  }
0x51a: {  	s8 =	sadd.s32 $0x17300, s31;
	v62 =	vld [tilespmem:s6+$0xC370];
	v6 =	vadd.f32 v58, v6;
	v5 =	vadd.f32 v5, v16;
	v10 =	vmul.f32 $3.333333430e-01, v10  }
0x51b: {  	v3 =	vld [tilespmem:s28+$0xC370];
	v63 =	vadd.f32 v50, v51;
	v7 =	vadd.f32 v59, v7;
	v8 =	vmul.f32 $3.333333430e-01, v8;
	[tilespmem:s8+$0x40] =	vst v9  }
0x51c: {  	v6 =	vadd.f32 v60, v6;
	v5 =	vmul.f32 $3.333333430e-01, v5;
	[tilespmem:s8+$0x50] =	vst v10  }
0x51d: {  	v4 =	vadd.f32 v4, v63;
	v7 =	vmul.f32 $3.333333430e-01, v7;
	[tilespmem:s31+$0x17300] =	vst v8  }
0x51e: {  	v6 =	vmul.f32 $3.333333430e-01, v6;
	[tilespmem:s8+$0x10] =	vst v5  }
0x51f: {  	v4 =	vmul.f32 $3.333333430e-01, v4;
	[tilespmem:s8+$0x20] =	vst v7;
	v5 =	vadd.f32 v62, v61  }
0x520: {  	s30 =	simm.s32 $0x1;
	s2 =	simm.s32 $0x0;
	s0 =	simm.s32 $0x0;
	[tilespmem:s8+$0x30] =	vst v6  }
.LBB2_12:
0x521: {  	[tilespmem:s8+$0x60] =	vst v4;
	v3 =	vadd.f32 v3, v5;
	s26 =	sadd.s32 $0x80, s26;
	s0 =	sadd.s32 $0x180, s0;
	s2 =	sadd.s32 $0x300, s2  }
0x522: {  	p0 =	sne.s32 s30, $0x1F;
	s7 =	smov.u32 s30;
	s30 =	sadd.s32 $0x1, s30  }
0x523: {  	v3 =	vmul.f32 $3.333333430e-01, v3;
	_ =	sdelay $0x1  }
0x524: {  	[tilespmem:s8+$0x70] =	vst v3  }
0x525: {  	v3 =	vld [tilespmem:s28+$0xC710]  }
0x526: {  	v4 =	vld [tilespmem:s6+$0xC700]  }
0x527: {  	v5 =	vld [tilespmem:s6+$0xC720]  }
0x528: {  	v6 =	vld [tilespmem:s28+$0xC760]  }
0x529: {  	v7 =	vld [tilespmem:s6+$0xC740]  }
0x52a: {  	v8 =	vld [tilespmem:s6+$0xC750]  }
0x52b: {  	v9 =	vld [tilespmem:s28+$0xC730]  }
0x52c: {  	v10 =	vld [tilespmem:s6+$0xC760]  }
0x52d: {  	v11 =	vld [tilespmem:s6+$0xC710]  }
0x52e: {  	v12 =	vld [tilespmem:s6+$0xC730]  }
0x52f: {  	v13 =	vld [tilespmem:s28+$0xC700]  }
0x530: {  	v14 =	vld [tilespmem:s29+$0xC710]  }
0x531: {  	v15 =	vld [tilespmem:s28+$0xC770]  }
0x532: {  	v16 =	vld [tilespmem:s29+$0xC730]  }
0x533: {  	v17 =	vld [tilespmem:s6+$0xC770]  }
0x534: {  	v18 =	vld [tilespmem:s29+$0xC760]  }
0x535: {  	v19 =	vld [tilespmem:s29+$0xC740];
	v11 =	vadd.f32 v11, v14  }
0x536: {  	v14 =	vld [tilespmem:s28+$0xC740]  }
0x537: {  	v20 =	vld [tilespmem:s29+$0xC770];
	v3 =	vadd.f32 v3, v11  }
0x538: {  	v12 =	vadd.f32 v12, v16;
	v11 =	vld [tilespmem:s29+$0xC750]  }
0x539: {  	v16 =	vld [tilespmem:s29+$0xC700];
	v10 =	vadd.f32 v10, v18  }
0x53a: {  	v3 =	vmul.f32 $3.333333430e-01, v3;
	v9 =	vadd.f32 v9, v12;
	v18 =	vld [tilespmem:s29+$0xC720];
	v7 =	vadd.f32 v7, v19  }
0x53b: {  	v12 =	vld [tilespmem:s28+$0xC750];
	v6 =	vadd.f32 v6, v10  }
0x53c: {  	v10 =	vld [tilespmem:s28+$0xC720];
	v17 =	vadd.f32 v17, v20  }
0x53d: {  	v7 =	vadd.f32 v14, v7;
	v6 =	vmul.f32 $3.333333430e-01, v6  }
0x53e: {  	s6 =	sadd.s32 $0x17700, s31;
	v8 =	vadd.f32 v8, v11;
	v11 =	vadd.f32 v15, v17  }
0x53f: {  	v4 =	vadd.f32 v4, v16;
	v7 =	vmul.f32 $3.333333430e-01, v7;
	v5 =	vadd.f32 v5, v18;
	[tilespmem:s6+$0x60] =	vst v6  }
0x540: {  	v6 =	vadd.f32 v12, v8;
	v8 =	vmul.f32 $3.333333430e-01, v11  }
0x541: {  	v4 =	vadd.f32 v13, v4;
	v5 =	vadd.f32 v10, v5;
	[tilespmem:s6+$0x40] =	vst v7  }
0x542: {  	v6 =	vmul.f32 $3.333333430e-01, v6;
	[tilespmem:s6+$0x70] =	vst v8  }
0x543: {  	v4 =	vmul.f32 $3.333333430e-01, v4;
	v5 =	vmul.f32 $3.333333430e-01, v5  }
0x544: {  	v7 =	vmul.f32 $3.333333430e-01, v9;
	[tilespmem:s6+$0x50] =	vst v6  }
0x545: {  	[tilespmem:s31+$0x17700] =	vst v4  }
0x546: {  	s8 =	sadd.s32 $0x200, s2;
	s28 =	sadd.s32 $0x100, s0;
	[tilespmem:s6+$0x30] =	vst v7  }
0x547: {  	s8 =	sand.u32 $0xF800, s8;
	s28 =	sand.u32 $0x380, s28;
	[tilespmem:s6+$0x10] =	vst v3  }
0x548: {  	s28 =	sor.u32 s28, s8;
	[tilespmem:s6+$0x20] =	vst v5  }
0x549: {  	s8 =	sand.u32 $0x380, s0;
	s6 =	sand.u32 $0x7800, s2;
	v4 =	vld [tilespmem:s28+$0xC360]  }
0x54a: {  	s29 =	sor.u32 s8, s6;
	v3 =	vld [tilespmem:s28+$0xC310]  }
0x54b: {  	s6 =	sadd.s32 $0x100, s2;
	s8 =	sadd.s32 $0x80, s0;
	v5 =	vld [tilespmem:s29+$0xC330]  }
0x54c: {  	s6 =	sand.u32 $0xF800, s6;
	s8 =	sand.u32 $0x380, s8;
	v6 =	vld [tilespmem:s29+$0xC310]  }
0x54d: {  	s6 =	sor.u32 s8, s6;
	v7 =	vld [tilespmem:s29+$0xC320]  }
0x54e: {  	v8 =	vld [tilespmem:s29+$0xC300]  }
0x54f: {  	v9 =	vld [tilespmem:s29+$0xC340]  }
0x550: {  	v10 =	vld [tilespmem:s6+$0xC350]  }
0x551: {  	v11 =	vld [tilespmem:s28+$0xC340]  }
0x552: {  	v12 =	vld [tilespmem:s29+$0xC350]  }
0x553: {  	v13 =	vld [tilespmem:s6+$0xC360]  }
0x554: {  	v14 =	vld [tilespmem:s29+$0xC360]  }
0x555: {  	v15 =	vld [tilespmem:s6+$0xC340]  }
0x556: {  	v16 =	vld [tilespmem:s6+$0xC310]  }
0x557: {  	v17 =	vld [tilespmem:s6+$0xC320]  }
0x558: {  	v18 =	vld [tilespmem:s6+$0xC300]  }
0x559: {  	v19 =	vld [tilespmem:s28+$0xC350];
	v13 =	vadd.f32 v13, v14  }
0x55a: {  	v14 =	vld [tilespmem:s28+$0xC300];
	v9 =	vadd.f32 v15, v9  }
0x55b: {  	s7 =	sshrl.u32 s7, $0x3;
	v15 =	vld [tilespmem:s6+$0xC330];
	v6 =	vadd.f32 v16, v6  }
0x55c: {  	s7 =	smul.u32 $0x5000, s7;
	v10 =	vadd.f32 v10, v12;
	v16 =	vld [tilespmem:s28+$0xC320];
	v9 =	vadd.f32 v11, v9  }
0x55d: {  	v11 =	vld [tilespmem:s28+$0xC330];
	v8 =	vadd.f32 v18, v8;
	v6 =	vadd.f32 v3, v6  }
0x55e: {  	s7 =	sshra.s32 s7, $0x2;
	s8 =	sand.u32 $0x380, s26;
	v4 =	vadd.f32 v4, v13;
	v3 =	vld [tilespmem:s28+$0xC370];
	v9 =	vmul.f32 $3.333333430e-01, v9;
	v10 =	vadd.f32 v19, v10  }
0x55f: {  	s31 =	sor.u32 s8, s7;
	v7 =	vadd.f32 v17, v7;
	v12 =	vld [tilespmem:s29+$0xC370];
	v8 =	vadd.f32 v14, v8;
	v6 =	vmul.f32 $3.333333430e-01, v6  }
0x560: {  	s8 =	sadd.s32 $0x17300, s31;
	v4 =	vmul.f32 $3.333333430e-01, v4;
	v13 =	vld [tilespmem:s6+$0xC370];
	v5 =	vadd.f32 v15, v5;
	v10 =	vmul.f32 $3.333333430e-01, v10  }
0x561: {  	v8 =	vmul.f32 $3.333333430e-01, v8;
	v7 =	vadd.f32 v16, v7;
	[tilespmem:s8+$0x40] =	vst v9  }
.Ltmp5:
0x562: {  	v5 =	vadd.f32 v11, v5;
	[tilespmem:s8+$0x50] =	vst v10;
	(pc) =	sbr.rel @p0 .LBB2_12-.Ltmp5, $4  }
0x563: {  	[tilespmem:s31+$0x17300] =	vst v8;
	v7 =	vmul.f32 $3.333333430e-01, v7  }
0x564: {  	[tilespmem:s8+$0x10] =	vst v6;
	v6 =	vmul.f32 $3.333333430e-01, v5  }
0x565: {  	[tilespmem:s8+$0x20] =	vst v7;
	v5 =	vadd.f32 v13, v12  }
0x566: {  	[tilespmem:s8+$0x30] =	vst v6  }
0x567: {  	v3 =	vadd.f32 v3, v5;
	_ =	sdelay $0x1  }
0x568: {  	v3 =	vmul.f32 $3.333333430e-01, v3  }
0x569: {  	[tilespmem:s8+$0x60] =	vst v4  }
0x56a: {  	[tilespmem:s8+$0x70] =	vst v3  }
0x56b: {  	v3 =	vld [tilespmem:s6+$0xC700]  }
0x56c: {  	v4 =	vld [tilespmem:s6+$0xC720]  }
0x56d: {  	v5 =	vld [tilespmem:s28+$0xC760]  }
0x56e: {  	v6 =	vld [tilespmem:s6+$0xC740]  }
0x56f: {  	v7 =	vld [tilespmem:s6+$0xC750]  }
0x570: {  	v9 =	vld [tilespmem:s6+$0xC760]  }
0x571: {  	v10 =	vld [tilespmem:s6+$0xC710]  }
0x572: {  	v11 =	vld [tilespmem:s6+$0xC730]  }
0x573: {  	v12 =	vld [tilespmem:s28+$0xC700]  }
0x574: {  	v13 =	vld [tilespmem:s28+$0xC770]  }
0x575: {  	v14 =	vld [tilespmem:s29+$0xC730]  }
0x576: {  	v15 =	vld [tilespmem:s6+$0xC770]  }
0x577: {  	v16 =	vld [tilespmem:s29+$0xC760]  }
0x578: {  	v17 =	vld [tilespmem:s29+$0xC740]  }
0x579: {  	v18 =	vld [tilespmem:s28+$0xC740]  }
0x57a: {  	v19 =	vld [tilespmem:s29+$0xC770]  }
0x57b: {  	v21 =	vld [tilespmem:s29+$0xC700]  }
0x57c: {  	v20 =	vld [tilespmem:s29+$0xC750]  }
0x57d: {  	v39 =	vld [tilespmem:s28+$0xC750]  }
0x57e: {  	v42 =	vld [tilespmem:s29+$0xC720];
	v9 =	vadd.f32 v9, v16  }
0x57f: {  	v40 =	vld [tilespmem:s29+$0xC710];
	v6 =	vadd.f32 v6, v17  }
0x580: {  	v44 =	vld [tilespmem:s28+$0xC720];
	v3 =	vadd.f32 v3, v21;
	v5 =	vadd.f32 v5, v9  }
0x581: {  	v8 =	vld [tilespmem:s28+$0xC730];
	v41 =	vadd.f32 v15, v19;
	v6 =	vadd.f32 v18, v6  }
0x582: {  	v43 =	vld [tilespmem:s28+$0xC710];
	v7 =	vadd.f32 v7, v20;
	v3 =	vadd.f32 v12, v3;
	v5 =	vmul.f32 $3.333333430e-01, v5  }
0x583: {  	s0 =	sadd.s32 $0x17700, s31;
	v4 =	vadd.f32 v4, v42;
	v9 =	vadd.f32 v13, v41;
	v6 =	vmul.f32 $3.333333430e-01, v6  }
0x584: {  	v11 =	vadd.f32 v11, v14;
	v7 =	vadd.f32 v39, v7;
	v3 =	vmul.f32 $3.333333430e-01, v3;
	[tilespmem:s0+$0x60] =	vst v5  }
0x585: {  	v10 =	vadd.f32 v10, v40;
	v4 =	vadd.f32 v44, v4;
	v5 =	vmul.f32 $3.333333430e-01, v9;
	[tilespmem:s0+$0x40] =	vst v6  }
0x586: {  	v8 =	vadd.f32 v8, v11;
	v6 =	vmul.f32 $3.333333430e-01, v7;
	[tilespmem:s31+$0x17700] =	vst v3  }
0x587: {  	v7 =	vadd.f32 v43, v10;
	v3 =	vmul.f32 $3.333333430e-01, v4;
	[tilespmem:s0+$0x70] =	vst v5  }
0x588: {  	v5 =	vmul.f32 $3.333333430e-01, v8;
	[tilespmem:s0+$0x50] =	vst v6  }
0x589: {  	v6 =	vmul.f32 $3.333333430e-01, v7;
	[tilespmem:s0+$0x20] =	vst v3  }
0x58a: {  	[tilespmem:s0+$0x30] =	vst v5  }
0x58b: {  	s26 =	simm.s32 $0x0;
	s2 =	rddreg [dreg:$0xa];
	[tilespmem:s0+$0x10] =	vst v6  }
0x58c: {  	[hbm4b:s2+s26] =	stream.linear.scatter [tilespmem:s23], [sflag:$0x5], $0x5000, $0x38;
	[tilespmem:$0x1C300] =	vst v63  }
0x58d: {  	_ =	swait.ge [sflag:s18], $0x6000  }
0x58e: {  	[sflag:s18] =	ssyncset.done $0x0  }
0x58f: {  	s8 =	sand.u32 $0x7800, s26;
	[sflag:s18] =	ssyncadd.s32 $0xFFFFA000  }
0x590: {  	s6 =	simm.s32 $0x200;
	s2 =	simm.s32 $0x100;
	_ =	swait.ge [sflag:s19], $0x5000  }
0x591: {  	s0 =	sand.u32 $0xF800, s6;
	s7 =	sand.u32 $0x380, s2;
	[sflag:s19] =	ssyncset.done $0x0  }
0x592: {  	s28 =	sor.u32 s7, s0;
	s7 =	sand.u32 $0x380, s26;
	[sflag:s19] =	ssyncadd.s32 $0xFFFFB000  }
0x593: {  	s29 =	sor.u32 s7, s8;
	v5 =	vld [tilespmem:s28+$0x310]  }
0x594: {  	v6 =	vld [tilespmem:s29+$0x330]  }
0x595: {  	v3 =	vld [tilespmem:s29+$0x310]  }
0x596: {  	s6 =	simm.s32 $0x80;
	v7 =	vld [tilespmem:s29+$0x320]  }
0x597: {  	s2 =	sand.u32 $0xF800, s2;
	s0 =	sand.u32 $0x380, s6;
	v45 =	vld [tilespmem:s29+$0x300]  }
0x598: {  	s6 =	sor.u32 s0, s2;
	v46 =	vld [tilespmem:s29+$0x340]  }
0x599: {  	v47 =	vld [tilespmem:s6+$0x350]  }
0x59a: {  	v48 =	vld [tilespmem:s28+$0x340]  }
0x59b: {  	v49 =	vld [tilespmem:s29+$0x350]  }
0x59c: {  	v50 =	vld [tilespmem:s6+$0x360]  }
0x59d: {  	v51 =	vld [tilespmem:s29+$0x360]  }
0x59e: {  	v52 =	vld [tilespmem:s6+$0x340]  }
0x59f: {  	v53 =	vld [tilespmem:s6+$0x310]  }
0x5a0: {  	v54 =	vld [tilespmem:s6+$0x320]  }
0x5a1: {  	v55 =	vld [tilespmem:s6+$0x300]  }
0x5a2: {  	v56 =	vld [tilespmem:s28+$0x350]  }
0x5a3: {  	v57 =	vld [tilespmem:s28+$0x300]  }
0x5a4: {  	s8 =	simm.s32 $0x0;
	v58 =	vld [tilespmem:s6+$0x330];
	v9 =	vadd.f32 v52, v46  }
0x5a5: {  	s0 =	smul.u32 $0x5000, s8;
	v59 =	vld [tilespmem:s28+$0x320];
	v10 =	vadd.f32 v47, v49  }
0x5a6: {  	v60 =	vld [tilespmem:s28+$0x330];
	v8 =	vadd.f32 v55, v45;
	v9 =	vadd.f32 v48, v9  }
0x5a7: {  	s0 =	sshra.s32 s0, $0x2;
	v4 =	vld [tilespmem:s28+$0x360];
	v16 =	vadd.f32 v53, v3;
	v10 =	vadd.f32 v56, v10  }
0x5a8: {  	v61 =	vld [tilespmem:s29+$0x370];
	s31 =	sor.u32 s7, s0;
	v7 =	vadd.f32 v54, v7;
	v8 =	vadd.f32 v57, v8;
	v9 =	vmul.f32 $3.333333430e-01, v9  }
0x5a9: {  	v62 =	vld [tilespmem:s6+$0x370];
	s8 =	sadd.s32 $0x12300, s31;
	v6 =	vadd.f32 v58, v6;
	v5 =	vadd.f32 v5, v16;
	v10 =	vmul.f32 $3.333333430e-01, v10  }
0x5aa: {  	v3 =	vld [tilespmem:s28+$0x370];
	v63 =	vadd.f32 v50, v51;
	v7 =	vadd.f32 v59, v7;
	v8 =	vmul.f32 $3.333333430e-01, v8;
	[tilespmem:s8+$0x40] =	vst v9  }
0x5ab: {  	v6 =	vadd.f32 v60, v6;
	v5 =	vmul.f32 $3.333333430e-01, v5;
	[tilespmem:s8+$0x50] =	vst v10  }
0x5ac: {  	v4 =	vadd.f32 v4, v63;
	v7 =	vmul.f32 $3.333333430e-01, v7;
	[tilespmem:s31+$0x12300] =	vst v8  }
0x5ad: {  	v6 =	vmul.f32 $3.333333430e-01, v6;
	[tilespmem:s8+$0x10] =	vst v5  }
0x5ae: {  	v4 =	vmul.f32 $3.333333430e-01, v4;
	[tilespmem:s8+$0x20] =	vst v7;
	v5 =	vadd.f32 v62, v61  }
0x5af: {  	s30 =	simm.s32 $0x1;
	s2 =	simm.s32 $0x0;
	s0 =	simm.s32 $0x0;
	[tilespmem:s8+$0x30] =	vst v6  }
.LBB2_14:
0x5b0: {  	[tilespmem:s8+$0x60] =	vst v4;
	v3 =	vadd.f32 v3, v5;
	s26 =	sadd.s32 $0x80, s26;
	s0 =	sadd.s32 $0x180, s0;
	s2 =	sadd.s32 $0x300, s2  }
0x5b1: {  	p0 =	sne.s32 s30, $0x1F;
	s7 =	smov.u32 s30;
	s30 =	sadd.s32 $0x1, s30  }
0x5b2: {  	v3 =	vmul.f32 $3.333333430e-01, v3;
	_ =	sdelay $0x1  }
0x5b3: {  	[tilespmem:s8+$0x70] =	vst v3  }
0x5b4: {  	v3 =	vld [tilespmem:s28+$0x710]  }
0x5b5: {  	v4 =	vld [tilespmem:s6+$0x700]  }
0x5b6: {  	v5 =	vld [tilespmem:s6+$0x720]  }
0x5b7: {  	v6 =	vld [tilespmem:s28+$0x760]  }
0x5b8: {  	v7 =	vld [tilespmem:s6+$0x740]  }
0x5b9: {  	v8 =	vld [tilespmem:s6+$0x750]  }
0x5ba: {  	v9 =	vld [tilespmem:s28+$0x730]  }
0x5bb: {  	v10 =	vld [tilespmem:s6+$0x760]  }
0x5bc: {  	v11 =	vld [tilespmem:s6+$0x710]  }
0x5bd: {  	v12 =	vld [tilespmem:s6+$0x730]  }
0x5be: {  	v13 =	vld [tilespmem:s28+$0x700]  }
0x5bf: {  	v14 =	vld [tilespmem:s29+$0x710]  }
0x5c0: {  	v15 =	vld [tilespmem:s28+$0x770]  }
0x5c1: {  	v16 =	vld [tilespmem:s29+$0x730]  }
0x5c2: {  	v17 =	vld [tilespmem:s6+$0x770]  }
0x5c3: {  	v18 =	vld [tilespmem:s29+$0x760]  }
0x5c4: {  	v19 =	vld [tilespmem:s29+$0x740];
	v11 =	vadd.f32 v11, v14  }
0x5c5: {  	v14 =	vld [tilespmem:s28+$0x740]  }
0x5c6: {  	v20 =	vld [tilespmem:s29+$0x770];
	v3 =	vadd.f32 v3, v11  }
0x5c7: {  	v12 =	vadd.f32 v12, v16;
	v11 =	vld [tilespmem:s29+$0x750]  }
0x5c8: {  	v16 =	vld [tilespmem:s29+$0x700];
	v10 =	vadd.f32 v10, v18  }
0x5c9: {  	v3 =	vmul.f32 $3.333333430e-01, v3;
	v9 =	vadd.f32 v9, v12;
	v18 =	vld [tilespmem:s29+$0x720];
	v7 =	vadd.f32 v7, v19  }
0x5ca: {  	v12 =	vld [tilespmem:s28+$0x750];
	v6 =	vadd.f32 v6, v10  }
0x5cb: {  	v10 =	vld [tilespmem:s28+$0x720];
	v17 =	vadd.f32 v17, v20  }
0x5cc: {  	v7 =	vadd.f32 v14, v7;
	v6 =	vmul.f32 $3.333333430e-01, v6  }
0x5cd: {  	s6 =	sadd.s32 $0x12700, s31;
	v8 =	vadd.f32 v8, v11;
	v11 =	vadd.f32 v15, v17  }
0x5ce: {  	v4 =	vadd.f32 v4, v16;
	v7 =	vmul.f32 $3.333333430e-01, v7;
	v5 =	vadd.f32 v5, v18;
	[tilespmem:s6+$0x60] =	vst v6  }
0x5cf: {  	v6 =	vadd.f32 v12, v8;
	v8 =	vmul.f32 $3.333333430e-01, v11  }
0x5d0: {  	v4 =	vadd.f32 v13, v4;
	v5 =	vadd.f32 v10, v5;
	[tilespmem:s6+$0x40] =	vst v7  }
0x5d1: {  	v6 =	vmul.f32 $3.333333430e-01, v6;
	[tilespmem:s6+$0x70] =	vst v8  }
0x5d2: {  	v4 =	vmul.f32 $3.333333430e-01, v4;
	v5 =	vmul.f32 $3.333333430e-01, v5  }
0x5d3: {  	v7 =	vmul.f32 $3.333333430e-01, v9;
	[tilespmem:s6+$0x50] =	vst v6  }
0x5d4: {  	[tilespmem:s31+$0x12700] =	vst v4  }
0x5d5: {  	s8 =	sadd.s32 $0x200, s2;
	s28 =	sadd.s32 $0x100, s0;
	[tilespmem:s6+$0x30] =	vst v7  }
0x5d6: {  	s8 =	sand.u32 $0xF800, s8;
	s28 =	sand.u32 $0x380, s28;
	[tilespmem:s6+$0x10] =	vst v3  }
0x5d7: {  	s28 =	sor.u32 s28, s8;
	[tilespmem:s6+$0x20] =	vst v5  }
0x5d8: {  	s8 =	sand.u32 $0x380, s0;
	s6 =	sand.u32 $0x7800, s2;
	v4 =	vld [tilespmem:s28+$0x360]  }
0x5d9: {  	s29 =	sor.u32 s8, s6;
	v3 =	vld [tilespmem:s28+$0x310]  }
0x5da: {  	s6 =	sadd.s32 $0x100, s2;
	s8 =	sadd.s32 $0x80, s0;
	v5 =	vld [tilespmem:s29+$0x330]  }
0x5db: {  	s6 =	sand.u32 $0xF800, s6;
	s8 =	sand.u32 $0x380, s8;
	v6 =	vld [tilespmem:s29+$0x310]  }
0x5dc: {  	s6 =	sor.u32 s8, s6;
	v7 =	vld [tilespmem:s29+$0x320]  }
0x5dd: {  	v8 =	vld [tilespmem:s29+$0x300]  }
0x5de: {  	v9 =	vld [tilespmem:s29+$0x340]  }
0x5df: {  	v10 =	vld [tilespmem:s6+$0x350]  }
0x5e0: {  	v11 =	vld [tilespmem:s28+$0x340]  }
0x5e1: {  	v12 =	vld [tilespmem:s29+$0x350]  }
0x5e2: {  	v13 =	vld [tilespmem:s6+$0x360]  }
0x5e3: {  	v14 =	vld [tilespmem:s29+$0x360]  }
0x5e4: {  	v15 =	vld [tilespmem:s6+$0x340]  }
0x5e5: {  	v16 =	vld [tilespmem:s6+$0x310]  }
0x5e6: {  	v17 =	vld [tilespmem:s6+$0x320]  }
0x5e7: {  	v18 =	vld [tilespmem:s6+$0x300]  }
0x5e8: {  	v19 =	vld [tilespmem:s28+$0x350];
	v13 =	vadd.f32 v13, v14  }
0x5e9: {  	v14 =	vld [tilespmem:s28+$0x300];
	v9 =	vadd.f32 v15, v9  }
0x5ea: {  	s7 =	sshrl.u32 s7, $0x3;
	v15 =	vld [tilespmem:s6+$0x330];
	v6 =	vadd.f32 v16, v6  }
0x5eb: {  	s7 =	smul.u32 $0x5000, s7;
	v10 =	vadd.f32 v10, v12;
	v16 =	vld [tilespmem:s28+$0x320];
	v9 =	vadd.f32 v11, v9  }
0x5ec: {  	v11 =	vld [tilespmem:s28+$0x330];
	v8 =	vadd.f32 v18, v8;
	v6 =	vadd.f32 v3, v6  }
0x5ed: {  	s7 =	sshra.s32 s7, $0x2;
	s8 =	sand.u32 $0x380, s26;
	v4 =	vadd.f32 v4, v13;
	v3 =	vld [tilespmem:s28+$0x370];
	v9 =	vmul.f32 $3.333333430e-01, v9;
	v10 =	vadd.f32 v19, v10  }
0x5ee: {  	s31 =	sor.u32 s8, s7;
	v7 =	vadd.f32 v17, v7;
	v12 =	vld [tilespmem:s29+$0x370];
	v8 =	vadd.f32 v14, v8;
	v6 =	vmul.f32 $3.333333430e-01, v6  }
0x5ef: {  	s8 =	sadd.s32 $0x12300, s31;
	v4 =	vmul.f32 $3.333333430e-01, v4;
	v13 =	vld [tilespmem:s6+$0x370];
	v5 =	vadd.f32 v15, v5;
	v10 =	vmul.f32 $3.333333430e-01, v10  }
0x5f0: {  	v8 =	vmul.f32 $3.333333430e-01, v8;
	v7 =	vadd.f32 v16, v7;
	[tilespmem:s8+$0x40] =	vst v9  }
.Ltmp6:
0x5f1: {  	v5 =	vadd.f32 v11, v5;
	[tilespmem:s8+$0x50] =	vst v10;
	(pc) =	sbr.rel @p0 .LBB2_14-.Ltmp6, $4  }
0x5f2: {  	[tilespmem:s31+$0x12300] =	vst v8;
	v7 =	vmul.f32 $3.333333430e-01, v7  }
0x5f3: {  	[tilespmem:s8+$0x10] =	vst v6;
	v6 =	vmul.f32 $3.333333430e-01, v5  }
0x5f4: {  	[tilespmem:s8+$0x20] =	vst v7;
	v5 =	vadd.f32 v13, v12  }
0x5f5: {  	[tilespmem:s8+$0x30] =	vst v6  }
0x5f6: {  	v3 =	vadd.f32 v3, v5;
	_ =	sdelay $0x1  }
0x5f7: {  	v3 =	vmul.f32 $3.333333430e-01, v3  }
0x5f8: {  	[tilespmem:s8+$0x60] =	vst v4  }
0x5f9: {  	[tilespmem:s8+$0x70] =	vst v3  }
0x5fa: {  	v3 =	vld [tilespmem:s6+$0x700]  }
0x5fb: {  	v4 =	vld [tilespmem:s6+$0x720]  }
0x5fc: {  	v5 =	vld [tilespmem:s28+$0x760]  }
0x5fd: {  	v6 =	vld [tilespmem:s6+$0x740]  }
0x5fe: {  	v7 =	vld [tilespmem:s6+$0x750]  }
0x5ff: {  	v9 =	vld [tilespmem:s6+$0x760]  }
0x600: {  	v10 =	vld [tilespmem:s6+$0x710]  }
0x601: {  	v11 =	vld [tilespmem:s6+$0x730]  }
0x602: {  	v12 =	vld [tilespmem:s28+$0x700]  }
0x603: {  	v13 =	vld [tilespmem:s28+$0x770]  }
0x604: {  	v14 =	vld [tilespmem:s29+$0x730]  }
0x605: {  	v15 =	vld [tilespmem:s6+$0x770]  }
0x606: {  	v16 =	vld [tilespmem:s29+$0x760]  }
0x607: {  	v17 =	vld [tilespmem:s29+$0x740]  }
0x608: {  	v18 =	vld [tilespmem:s28+$0x740]  }
0x609: {  	v19 =	vld [tilespmem:s29+$0x770]  }
0x60a: {  	v21 =	vld [tilespmem:s29+$0x700]  }
0x60b: {  	v20 =	vld [tilespmem:s29+$0x750]  }
0x60c: {  	v39 =	vld [tilespmem:s28+$0x750]  }
0x60d: {  	v42 =	vld [tilespmem:s29+$0x720];
	v9 =	vadd.f32 v9, v16  }
0x60e: {  	v40 =	vld [tilespmem:s29+$0x710];
	v6 =	vadd.f32 v6, v17  }
0x60f: {  	v44 =	vld [tilespmem:s28+$0x720];
	v3 =	vadd.f32 v3, v21;
	v5 =	vadd.f32 v5, v9  }
0x610: {  	v8 =	vld [tilespmem:s28+$0x730];
	v41 =	vadd.f32 v15, v19;
	v6 =	vadd.f32 v18, v6  }
0x611: {  	v43 =	vld [tilespmem:s28+$0x710];
	v7 =	vadd.f32 v7, v20;
	v3 =	vadd.f32 v12, v3;
	v5 =	vmul.f32 $3.333333430e-01, v5  }
0x612: {  	s0 =	sadd.s32 $0x12700, s31;
	v4 =	vadd.f32 v4, v42;
	v9 =	vadd.f32 v13, v41;
	v6 =	vmul.f32 $3.333333430e-01, v6  }
0x613: {  	v11 =	vadd.f32 v11, v14;
	v7 =	vadd.f32 v39, v7;
	v3 =	vmul.f32 $3.333333430e-01, v3;
	[tilespmem:s0+$0x60] =	vst v5  }
0x614: {  	v10 =	vadd.f32 v10, v40;
	v4 =	vadd.f32 v44, v4;
	v5 =	vmul.f32 $3.333333430e-01, v9;
	[tilespmem:s0+$0x40] =	vst v6  }
0x615: {  	v8 =	vadd.f32 v8, v11;
	v6 =	vmul.f32 $3.333333430e-01, v7;
	[tilespmem:s31+$0x12700] =	vst v3  }
0x616: {  	v7 =	vadd.f32 v43, v10;
	v3 =	vmul.f32 $3.333333430e-01, v4;
	[tilespmem:s0+$0x70] =	vst v5  }
0x617: {  	v5 =	vmul.f32 $3.333333430e-01, v8;
	[tilespmem:s0+$0x50] =	vst v6  }
0x618: {  	v6 =	vmul.f32 $3.333333430e-01, v7;
	[tilespmem:s0+$0x20] =	vst v3  }
0x619: {  	[tilespmem:s0+$0x30] =	vst v5  }
0x61a: {  	s26 =	simm.s32 $0x0;
	s2 =	rddreg [dreg:$0xb];
	[tilespmem:s0+$0x10] =	vst v6  }
0x61b: {  	[hbm4b:s2+s26] =	stream.linear.scatter [tilespmem:s20], [sflag:$0x4], $0x5000, $0x38;
	[tilespmem:$0x1C300] =	vst v63  }
0x61c: {  	_ =	swait.ge [sflag:s21], $0x6000  }
0x61d: {  	[sflag:s21] =	ssyncset.done $0x0  }
0x61e: {  	s8 =	sand.u32 $0x7800, s26;
	[sflag:s21] =	ssyncadd.s32 $0xFFFFA000  }
0x61f: {  	s6 =	simm.s32 $0x200;
	s2 =	simm.s32 $0x100;
	_ =	swait.ge [sflag:s22], $0x5000  }
0x620: {  	s0 =	sand.u32 $0xF800, s6;
	s7 =	sand.u32 $0x380, s2;
	[sflag:s22] =	ssyncset.done $0x0  }
0x621: {  	s28 =	sor.u32 s7, s0;
	s7 =	sand.u32 $0x380, s26;
	[sflag:s22] =	ssyncadd.s32 $0xFFFFB000  }
0x622: {  	s29 =	sor.u32 s7, s8;
	v5 =	vld [tilespmem:s28+$0x6310]  }
0x623: {  	v6 =	vld [tilespmem:s29+$0x6330]  }
0x624: {  	v3 =	vld [tilespmem:s29+$0x6310]  }
0x625: {  	s6 =	simm.s32 $0x80;
	v7 =	vld [tilespmem:s29+$0x6320]  }
0x626: {  	s2 =	sand.u32 $0xF800, s2;
	s0 =	sand.u32 $0x380, s6;
	v45 =	vld [tilespmem:s29+$0x6300]  }
0x627: {  	s6 =	sor.u32 s0, s2;
	v46 =	vld [tilespmem:s29+$0x6340]  }
0x628: {  	v47 =	vld [tilespmem:s6+$0x6350]  }
0x629: {  	v48 =	vld [tilespmem:s28+$0x6340]  }
0x62a: {  	v49 =	vld [tilespmem:s29+$0x6350]  }
0x62b: {  	v50 =	vld [tilespmem:s6+$0x6360]  }
0x62c: {  	v51 =	vld [tilespmem:s29+$0x6360]  }
0x62d: {  	v52 =	vld [tilespmem:s6+$0x6340]  }
0x62e: {  	v53 =	vld [tilespmem:s6+$0x6310]  }
0x62f: {  	v54 =	vld [tilespmem:s6+$0x6320]  }
0x630: {  	v55 =	vld [tilespmem:s6+$0x6300]  }
0x631: {  	v56 =	vld [tilespmem:s28+$0x6350]  }
0x632: {  	v57 =	vld [tilespmem:s28+$0x6300]  }
0x633: {  	s8 =	simm.s32 $0x0;
	v58 =	vld [tilespmem:s6+$0x6330];
	v9 =	vadd.f32 v52, v46  }
0x634: {  	s0 =	smul.u32 $0x5000, s8;
	v59 =	vld [tilespmem:s28+$0x6320];
	v10 =	vadd.f32 v47, v49  }
0x635: {  	v60 =	vld [tilespmem:s28+$0x6330];
	v8 =	vadd.f32 v55, v45;
	v9 =	vadd.f32 v48, v9  }
0x636: {  	s0 =	sshra.s32 s0, $0x2;
	v4 =	vld [tilespmem:s28+$0x6360];
	v16 =	vadd.f32 v53, v3;
	v10 =	vadd.f32 v56, v10  }
0x637: {  	v61 =	vld [tilespmem:s29+$0x6370];
	s31 =	sor.u32 s7, s0;
	v7 =	vadd.f32 v54, v7;
	v8 =	vadd.f32 v57, v8;
	v9 =	vmul.f32 $3.333333430e-01, v9  }
0x638: {  	v62 =	vld [tilespmem:s6+$0x6370];
	s8 =	sadd.s32 $0x17300, s31;
	v6 =	vadd.f32 v58, v6;
	v5 =	vadd.f32 v5, v16;
	v10 =	vmul.f32 $3.333333430e-01, v10  }
0x639: {  	v3 =	vld [tilespmem:s28+$0x6370];
	v63 =	vadd.f32 v50, v51;
	v7 =	vadd.f32 v59, v7;
	v8 =	vmul.f32 $3.333333430e-01, v8;
	[tilespmem:s8+$0x40] =	vst v9  }
0x63a: {  	v6 =	vadd.f32 v60, v6;
	v5 =	vmul.f32 $3.333333430e-01, v5;
	[tilespmem:s8+$0x50] =	vst v10  }
0x63b: {  	v4 =	vadd.f32 v4, v63;
	v7 =	vmul.f32 $3.333333430e-01, v7;
	[tilespmem:s31+$0x17300] =	vst v8  }
0x63c: {  	v6 =	vmul.f32 $3.333333430e-01, v6;
	[tilespmem:s8+$0x10] =	vst v5  }
0x63d: {  	v4 =	vmul.f32 $3.333333430e-01, v4;
	[tilespmem:s8+$0x20] =	vst v7;
	v5 =	vadd.f32 v62, v61  }
0x63e: {  	s30 =	simm.s32 $0x1;
	s2 =	simm.s32 $0x0;
	s0 =	simm.s32 $0x0;
	[tilespmem:s8+$0x30] =	vst v6  }
.LBB2_16:
0x63f: {  	[tilespmem:s8+$0x60] =	vst v4;
	v3 =	vadd.f32 v3, v5;
	s26 =	sadd.s32 $0x80, s26;
	s0 =	sadd.s32 $0x180, s0;
	s2 =	sadd.s32 $0x300, s2  }
0x640: {  	p0 =	sne.s32 s30, $0x1F;
	s7 =	smov.u32 s30;
	s30 =	sadd.s32 $0x1, s30  }
0x641: {  	v3 =	vmul.f32 $3.333333430e-01, v3;
	_ =	sdelay $0x1  }
0x642: {  	[tilespmem:s8+$0x70] =	vst v3  }
0x643: {  	v3 =	vld [tilespmem:s28+$0x6710]  }
0x644: {  	v4 =	vld [tilespmem:s6+$0x6700]  }
0x645: {  	v5 =	vld [tilespmem:s6+$0x6720]  }
0x646: {  	v6 =	vld [tilespmem:s28+$0x6760]  }
0x647: {  	v7 =	vld [tilespmem:s6+$0x6740]  }
0x648: {  	v8 =	vld [tilespmem:s6+$0x6750]  }
0x649: {  	v9 =	vld [tilespmem:s28+$0x6730]  }
0x64a: {  	v10 =	vld [tilespmem:s6+$0x6760]  }
0x64b: {  	v11 =	vld [tilespmem:s6+$0x6710]  }
0x64c: {  	v12 =	vld [tilespmem:s6+$0x6730]  }
0x64d: {  	v13 =	vld [tilespmem:s28+$0x6700]  }
0x64e: {  	v14 =	vld [tilespmem:s29+$0x6710]  }
0x64f: {  	v15 =	vld [tilespmem:s28+$0x6770]  }
0x650: {  	v16 =	vld [tilespmem:s29+$0x6730]  }
0x651: {  	v17 =	vld [tilespmem:s6+$0x6770]  }
0x652: {  	v18 =	vld [tilespmem:s29+$0x6760]  }
0x653: {  	v19 =	vld [tilespmem:s29+$0x6740];
	v11 =	vadd.f32 v11, v14  }
0x654: {  	v14 =	vld [tilespmem:s28+$0x6740]  }
0x655: {  	v20 =	vld [tilespmem:s29+$0x6770];
	v3 =	vadd.f32 v3, v11  }
0x656: {  	v12 =	vadd.f32 v12, v16;
	v11 =	vld [tilespmem:s29+$0x6750]  }
0x657: {  	v16 =	vld [tilespmem:s29+$0x6700];
	v10 =	vadd.f32 v10, v18  }
0x658: {  	v3 =	vmul.f32 $3.333333430e-01, v3;
	v9 =	vadd.f32 v9, v12;
	v18 =	vld [tilespmem:s29+$0x6720];
	v7 =	vadd.f32 v7, v19  }
0x659: {  	v12 =	vld [tilespmem:s28+$0x6750];
	v6 =	vadd.f32 v6, v10  }
0x65a: {  	v10 =	vld [tilespmem:s28+$0x6720];
	v17 =	vadd.f32 v17, v20  }
0x65b: {  	v7 =	vadd.f32 v14, v7;
	v6 =	vmul.f32 $3.333333430e-01, v6  }
0x65c: {  	s6 =	sadd.s32 $0x17700, s31;
	v8 =	vadd.f32 v8, v11;
	v11 =	vadd.f32 v15, v17  }
0x65d: {  	v4 =	vadd.f32 v4, v16;
	v7 =	vmul.f32 $3.333333430e-01, v7;
	v5 =	vadd.f32 v5, v18;
	[tilespmem:s6+$0x60] =	vst v6  }
0x65e: {  	v6 =	vadd.f32 v12, v8;
	v8 =	vmul.f32 $3.333333430e-01, v11  }
0x65f: {  	v4 =	vadd.f32 v13, v4;
	v5 =	vadd.f32 v10, v5;
	[tilespmem:s6+$0x40] =	vst v7  }
0x660: {  	v6 =	vmul.f32 $3.333333430e-01, v6;
	[tilespmem:s6+$0x70] =	vst v8  }
0x661: {  	v4 =	vmul.f32 $3.333333430e-01, v4;
	v5 =	vmul.f32 $3.333333430e-01, v5  }
0x662: {  	v7 =	vmul.f32 $3.333333430e-01, v9;
	[tilespmem:s6+$0x50] =	vst v6  }
0x663: {  	[tilespmem:s31+$0x17700] =	vst v4  }
0x664: {  	s8 =	sadd.s32 $0x200, s2;
	s28 =	sadd.s32 $0x100, s0;
	[tilespmem:s6+$0x30] =	vst v7  }
0x665: {  	s8 =	sand.u32 $0xF800, s8;
	s28 =	sand.u32 $0x380, s28;
	[tilespmem:s6+$0x10] =	vst v3  }
0x666: {  	s28 =	sor.u32 s28, s8;
	[tilespmem:s6+$0x20] =	vst v5  }
0x667: {  	s8 =	sand.u32 $0x380, s0;
	s6 =	sand.u32 $0x7800, s2;
	v4 =	vld [tilespmem:s28+$0x6360]  }
0x668: {  	s29 =	sor.u32 s8, s6;
	v3 =	vld [tilespmem:s28+$0x6310]  }
0x669: {  	s6 =	sadd.s32 $0x100, s2;
	s8 =	sadd.s32 $0x80, s0;
	v5 =	vld [tilespmem:s29+$0x6330]  }
0x66a: {  	s6 =	sand.u32 $0xF800, s6;
	s8 =	sand.u32 $0x380, s8;
	v6 =	vld [tilespmem:s29+$0x6310]  }
0x66b: {  	s6 =	sor.u32 s8, s6;
	v7 =	vld [tilespmem:s29+$0x6320]  }
0x66c: {  	v8 =	vld [tilespmem:s29+$0x6300]  }
0x66d: {  	v9 =	vld [tilespmem:s29+$0x6340]  }
0x66e: {  	v10 =	vld [tilespmem:s6+$0x6350]  }
0x66f: {  	v11 =	vld [tilespmem:s28+$0x6340]  }
0x670: {  	v12 =	vld [tilespmem:s29+$0x6350]  }
0x671: {  	v13 =	vld [tilespmem:s6+$0x6360]  }
0x672: {  	v14 =	vld [tilespmem:s29+$0x6360]  }
0x673: {  	v15 =	vld [tilespmem:s6+$0x6340]  }
0x674: {  	v16 =	vld [tilespmem:s6+$0x6310]  }
0x675: {  	v17 =	vld [tilespmem:s6+$0x6320]  }
0x676: {  	v18 =	vld [tilespmem:s6+$0x6300]  }
0x677: {  	v19 =	vld [tilespmem:s28+$0x6350];
	v13 =	vadd.f32 v13, v14  }
0x678: {  	v14 =	vld [tilespmem:s28+$0x6300];
	v9 =	vadd.f32 v15, v9  }
0x679: {  	s7 =	sshrl.u32 s7, $0x3;
	v15 =	vld [tilespmem:s6+$0x6330];
	v6 =	vadd.f32 v16, v6  }
0x67a: {  	s7 =	smul.u32 $0x5000, s7;
	v10 =	vadd.f32 v10, v12;
	v16 =	vld [tilespmem:s28+$0x6320];
	v9 =	vadd.f32 v11, v9  }
0x67b: {  	v11 =	vld [tilespmem:s28+$0x6330];
	v8 =	vadd.f32 v18, v8;
	v6 =	vadd.f32 v3, v6  }
0x67c: {  	s7 =	sshra.s32 s7, $0x2;
	s8 =	sand.u32 $0x380, s26;
	v4 =	vadd.f32 v4, v13;
	v3 =	vld [tilespmem:s28+$0x6370];
	v9 =	vmul.f32 $3.333333430e-01, v9;
	v10 =	vadd.f32 v19, v10  }
0x67d: {  	s31 =	sor.u32 s8, s7;
	v7 =	vadd.f32 v17, v7;
	v12 =	vld [tilespmem:s29+$0x6370];
	v8 =	vadd.f32 v14, v8;
	v6 =	vmul.f32 $3.333333430e-01, v6  }
0x67e: {  	s8 =	sadd.s32 $0x17300, s31;
	v4 =	vmul.f32 $3.333333430e-01, v4;
	v13 =	vld [tilespmem:s6+$0x6370];
	v5 =	vadd.f32 v15, v5;
	v10 =	vmul.f32 $3.333333430e-01, v10  }
0x67f: {  	v8 =	vmul.f32 $3.333333430e-01, v8;
	v7 =	vadd.f32 v16, v7;
	[tilespmem:s8+$0x40] =	vst v9  }
.Ltmp7:
0x680: {  	v5 =	vadd.f32 v11, v5;
	[tilespmem:s8+$0x50] =	vst v10;
	(pc) =	sbr.rel @p0 .LBB2_16-.Ltmp7, $4  }
0x681: {  	[tilespmem:s31+$0x17300] =	vst v8;
	v7 =	vmul.f32 $3.333333430e-01, v7  }
0x682: {  	[tilespmem:s8+$0x10] =	vst v6;
	v6 =	vmul.f32 $3.333333430e-01, v5  }
0x683: {  	[tilespmem:s8+$0x20] =	vst v7;
	v5 =	vadd.f32 v13, v12  }
0x684: {  	[tilespmem:s8+$0x30] =	vst v6  }
0x685: {  	v3 =	vadd.f32 v3, v5;
	_ =	sdelay $0x1  }
0x686: {  	v3 =	vmul.f32 $3.333333430e-01, v3  }
0x687: {  	[tilespmem:s8+$0x60] =	vst v4  }
0x688: {  	[tilespmem:s8+$0x70] =	vst v3  }
0x689: {  	v3 =	vld [tilespmem:s6+$0x6700]  }
0x68a: {  	v4 =	vld [tilespmem:s6+$0x6720]  }
0x68b: {  	v52 =	vld [tilespmem:s28+$0x6760]  }
0x68c: {  	v6 =	vld [tilespmem:s6+$0x6740]  }
0x68d: {  	v7 =	vld [tilespmem:s6+$0x6750]  }
0x68e: {  	v8 =	vld [tilespmem:s28+$0x6730]  }
0x68f: {  	v9 =	vld [tilespmem:s6+$0x6760]  }
0x690: {  	v10 =	vld [tilespmem:s6+$0x6710]  }
0x691: {  	v11 =	vld [tilespmem:s6+$0x6730]  }
0x692: {  	v12 =	vld [tilespmem:s28+$0x6700]  }
0x693: {  	v13 =	vld [tilespmem:s28+$0x6770]  }
0x694: {  	v14 =	vld [tilespmem:s29+$0x6730]  }
0x695: {  	v15 =	vld [tilespmem:s6+$0x6770]  }
0x696: {  	v16 =	vld [tilespmem:s29+$0x6760]  }
0x697: {  	v17 =	vld [tilespmem:s29+$0x6740]  }
0x698: {  	v18 =	vld [tilespmem:s28+$0x6740]  }
0x699: {  	v19 =	vld [tilespmem:s29+$0x6770]  }
0x69a: {  	v20 =	vld [tilespmem:s29+$0x6750]  }
0x69b: {  	v21 =	vld [tilespmem:s29+$0x6700]  }
0x69c: {  	v53 =	vld [tilespmem:s28+$0x6750];
	v9 =	vadd.f32 v9, v16  }
0x69d: {  	v54 =	vld [tilespmem:s29+$0x6710];
	v6 =	vadd.f32 v6, v17  }
0x69e: {  	v56 =	vld [tilespmem:s29+$0x6720];
	v55 =	vadd.f32 v15, v19;
	v5 =	vadd.f32 v52, v9  }
0x69f: {  	v57 =	vld [tilespmem:s28+$0x6710];
	v7 =	vadd.f32 v7, v20;
	v6 =	vadd.f32 v18, v6  }
0x6a0: {  	v58 =	vld [tilespmem:s28+$0x6720];
	v3 =	vadd.f32 v3, v21;
	v9 =	vadd.f32 v13, v55;
	v5 =	vmul.f32 $3.333333430e-01, v5  }
0x6a1: {  	s0 =	sadd.s32 $0x17700, s31;
	v11 =	vadd.f32 v11, v14;
	v7 =	vadd.f32 v53, v7;
	v6 =	vmul.f32 $3.333333430e-01, v6  }
0x6a2: {  	v10 =	vadd.f32 v10, v54;
	v3 =	vadd.f32 v12, v3;
	v59 =	vmul.f32 $3.333333430e-01, v9;
	[tilespmem:s0+$0x60] =	vst v5  }
0x6a3: {  	v4 =	vadd.f32 v4, v56;
	v8 =	vadd.f32 v8, v11;
	v60 =	vmul.f32 $3.333333430e-01, v7;
	[tilespmem:s0+$0x40] =	vst v6  }
0x6a4: {  	v61 =	vadd.f32 v57, v10;
	v3 =	vmul.f32 $3.333333430e-01, v3;
	[tilespmem:s0+$0x70] =	vst v59  }
0x6a5: {  	v4 =	vadd.f32 v58, v4;
	v62 =	vmul.f32 $3.333333430e-01, v8;
	[tilespmem:s0+$0x50] =	vst v60  }
0x6a6: {  	v63 =	vmul.f32 $3.333333430e-01, v61;
	[tilespmem:s31+$0x17700] =	vst v3  }
0x6a7: {  	v3 =	vmul.f32 $3.333333430e-01, v4;
	[tilespmem:s0+$0x30] =	vst v62  }
0x6a8: {  	[tilespmem:s0+$0x10] =	vst v63  }
0x6a9: {  	s30 =	rddreg [dreg:$0xc];
	[tilespmem:s0+$0x20] =	vst v3  }
0x6aa: {  	[hbm4b:s30+s3] =	stream.linear.scatter [tilespmem:s23], [sflag:$0x5], $0x5000, $0x38;
	[tilespmem:$0x1C300] =	vst v63  }
0x6ab: {  	_ =	swait.ge [sflag:s19], $0x5000  }
0x6ac: {  	[sflag:s19] =	ssyncset.done $0x0  }
0x6ad: {  	[sflag:s19] =	ssyncadd.s32 $0xFFFFB000  }
0x6ae: {  	_ =	swait.ge [sflag:s22], $0x5000  }
0x6af: {  	s25 =	sadd.s32 $0x1, s25;
	s31 =	rddreg [dreg:$0xd]  }
0x6b0: {  	p0 =	sne.s32 s25, s31  }
.Ltmp8:
0x6b1: {  	_ = 	snop;
	(pc) =	sbr.rel @p0 .LBB2_1-.Ltmp8, $3  }
0x6b2: {  	_ =	sdelay $0x1  }
0x6b3: {  	[sflag:s22] =	ssyncset.done $0x0  }
0x6b4: {  	[sflag:s22] =	ssyncadd.s32 $0xFFFFB000  }
0x6b5: {  	_ =	sfence.sel $0x180000  }
0x6b6: {  	[bflag:$0x0] =	sbarrier.arrive $0xFFFF  }
0x6b7: {  	_ =	strace $0x90000047  }
0x6b8: {  	s0 =	stileid.u32;
	[bflag:$0x2] =	sbarrier.arrive $0xFFFF  }
0x6b9: {  	p0 =	sne.s32 s0, $0x0;
	s0 =	rddreg [dreg:$0x3]  }
0x6ba: {  	s0 =	sadd.s32 @!p0 $0x100000, s0  }
0x6bb: {  	[sflag:s0] =	ssyncadd.tile.s32 @!p0 $0x1;
	_ =	shalt  }
.Lfunc_end2:
_tile_overlayer_lowered:
.L_overlay_start_2:
0x6bc: {  	(tag) =	ssettag $0x2  }
0x6bd: {  	s0 =	rddreg [dreg:$0x0];
	s2 =	stileid.u32  }
0x6be: {  	s1 =	rddreg [dreg:$0x1];
	p0 =	sne.s32 s2, $0x0  }
0x6bf: {  	s3 =	rddreg [dreg:$0x2];
	[bflag:$0x3] =	sbarrier.arrive $0xFFFF;
	s2 =	simm.s32 @!p0 $0x1C06  }
0x6c0: {  	[timem:s3], [sflag:s2] =	dma.local @!p0 [hbm:s0], s1  }
0x6c1: {  	s0 =	simm.s32 @!p0 $0x6  }
0x6c2: {  	_ =	swait.ge @!p0 [sflag:s0], s1  }
0x6c3: {  	s1 =	ssub.s32 @!p0 $0x0, s1;
	[sflag:s0] =	ssyncset.done @!p0 $0x0  }
0x6c4: {  	[sflag:s0] =	ssyncadd.s32 @!p0 s1  }
0x6c5: {  	[bflag:$0x3] =	sbarrier.arrive $0xFFFF  }
0x6c6: {  	_ =	shalt  }

</sc_bundles>
